<compile_context>
chip_gen: v7x
topology: tpu7x:2x2x1
jax: 0.10.2.dev20260603
libtpu: 0.0.44.dev20260713+nightly
codegen_flags: <defaults>
</compile_context>

<pallas_src>
import functools

import jax
import jax.numpy as jnp
from jax import lax
from jax.experimental import pallas as pl
from jax.experimental.pallas import tpu as pltpu
from jax.experimental.pallas import tpu_sc as plsc

L = 2048
D = 768
E = 8
H = 3072

BLK = 512
NBLK = (K_TOTAL := 2 * L) // BLK + E
NROWS = NBLK * BLK

NC = 2
NS = 16
NW = NC * NS
TB = L // NW


def _router_body(x_ref, rw_ref, pos1_ref, pos2_ref, w1_ref, w2_ref,
                 be_ref, used_ref, aux_ref):
    x = x_ref[...]
    logits = jnp.dot(x, rw_ref[...], preferred_element_type=jnp.float32)
    m = jnp.max(logits, axis=-1, keepdims=True)
    ex = jnp.exp(logits - m)
    probs = ex / jnp.sum(ex, axis=-1, keepdims=True)

    lane = jax.lax.broadcasted_iota(jnp.int32, (L, E), 1)
    m1 = jnp.max(probs, axis=-1, keepdims=True)
    i1 = jnp.min(jnp.where(probs == m1, lane, E), axis=-1, keepdims=True)
    masked = jnp.where(lane == i1, -jnp.inf, probs)
    m2 = jnp.max(masked, axis=-1, keepdims=True)
    i2 = jnp.min(jnp.where(masked == m2, lane, E), axis=-1, keepdims=True)

    s = m1 + m2 + 1e-9
    ones16 = jnp.ones((1, 16), jnp.float32)
    w1_ref[...] = (m1 / s) * ones16
    w2_ref[...] = (m2 / s) * ones16

    importance = jnp.mean(probs, axis=0)
    load = jnp.sum(jnp.where(lane == i1, 1.0, 0.0), axis=0) / float(L)
    aux_ref[...] = jnp.reshape(jnp.sum(importance * load) * float(E), (1, 1))

    A1 = jnp.where(lane == i1, 1.0, 0.0)
    A2 = jnp.where(lane == i2, 1.0, 0.0)
    CH = 256
    r_i = jax.lax.broadcasted_iota(jnp.int32, (CH, CH), 0)
    c_i = jax.lax.broadcasted_iota(jnp.int32, (CH, CH), 1)
    T = jnp.where(r_i >= c_i, 1.0, 0.0)
    A12 = jnp.concatenate([A1, A2], axis=1)
    off = jnp.zeros((1, 2 * E), jnp.float32)
    chunks = []
    for c in range(L // CH):
        inc = jnp.dot(T, A12[c * CH:(c + 1) * CH, :],
                      preferred_element_type=jnp.float32) + off
        chunks.append(inc)
        off = inc[CH - 1:CH, :]
    C12 = jnp.concatenate(chunks, axis=0)
    C1 = C12[:, :E]
    C2 = C12[:, E:]
    count1 = C1[L - 1:L, :]
    count2 = C2[L - 1:L, :]
    counts = count1 + count2
    nb = jnp.floor((counts + float(BLK - 1)) / float(BLK))
    tri = jax.lax.broadcasted_iota(jnp.int32, (E, E), 0) <= \
        jax.lax.broadcasted_iota(jnp.int32, (E, E), 1)
    cum_nb = jnp.dot(nb, jnp.where(tri, 1.0, 0.0),
                     preferred_element_type=jnp.float32)
    excl_nb = cum_nb - nb
    astart = excl_nb * float(BLK)

    pos1 = jnp.sum(A1 * (astart + C1 - 1.0), axis=-1, keepdims=True)
    pos2 = jnp.sum(A2 * (astart + count1 + C2 - 1.0), axis=-1, keepdims=True)
    pos1_ref[...] = pos1.astype(jnp.int32)
    pos2_ref[...] = pos2.astype(jnp.int32)

    ends = astart + nb * float(BLK)
    bi = jax.lax.broadcasted_iota(jnp.int32, (NBLK, E), 0).astype(jnp.float32)
    be = jnp.sum(jnp.where(bi * float(BLK) >= ends, 1.0, 0.0), axis=-1,
                 keepdims=True)
    be_ref[...] = jnp.minimum(be, float(E - 1)).astype(jnp.int32)
    total_blocks = jnp.sum(nb)
    b_col = jax.lax.broadcasted_iota(jnp.int32, (NBLK, 1), 0).astype(jnp.float32)
    used_ref[...] = jnp.where(b_col < total_blocks, 1, 0).astype(jnp.int32)


def _router(x2d, router_w):
    outs = pl.pallas_call(
        _router_body,
        out_shape=(
            jax.ShapeDtypeStruct((L, 1), jnp.int32),
            jax.ShapeDtypeStruct((L, 1), jnp.int32),
            jax.ShapeDtypeStruct((L, 16), jnp.float32),
            jax.ShapeDtypeStruct((L, 16), jnp.float32),
            jax.ShapeDtypeStruct((NBLK, 1), jnp.int32),
            jax.ShapeDtypeStruct((NBLK, 1), jnp.int32),
            jax.ShapeDtypeStruct((1, 1), jnp.float32),
        ),
    )(x2d, router_w)
    return outs


def _make_dispatch():
    mesh = plsc.VectorSubcoreMesh(core_axis_name="c", subcore_axis_name="s")

    @functools.partial(
        pl.kernel, mesh=mesh,
        out_type=jax.ShapeDtypeStruct((NROWS, D), jnp.float32),
        scratch_types=[
            pltpu.VMEM((TB,), jnp.int32),
            pltpu.VMEM((TB,), jnp.int32),
            pltpu.VMEM((TB, D), jnp.float32),
            pltpu.SemaphoreType.DMA,
        ],
    )
    def disp(x_hbm, p1_hbm, p2_hbm, xg_hbm, idx1_v, idx2_v, rows_v, sem):
        wid = lax.axis_index("s") * NC + lax.axis_index("c")
        base = wid * TB
        pltpu.sync_copy(p1_hbm.at[pl.ds(base, TB)], idx1_v)
        pltpu.sync_copy(p2_hbm.at[pl.ds(base, TB)], idx2_v)
        pltpu.sync_copy(x_hbm.at[pl.ds(base, TB)], rows_v)
        c1 = pltpu.async_copy(rows_v, xg_hbm.at[idx1_v], sem)
        c2 = pltpu.async_copy(rows_v, xg_hbm.at[idx2_v], sem)
        c1.wait()
        c2.wait()

    return disp


def _expert_body(be_ref, used_ref, xg_ref, W1_ref, b1_ref, W2_ref, b2_ref,
                 og_ref):
    b = pl.program_id(0)

    @pl.when(used_ref[b, 0] == 1)
    def _():
        h = jnp.dot(xg_ref[...], W1_ref[0], preferred_element_type=jnp.float32)
        h = jax.nn.silu(h + b1_ref[0])
        o = jnp.dot(h, W2_ref[0], preferred_element_type=jnp.float32)
        og_ref[...] = o + b2_ref[0]


def _experts(be, used, xg, W1, b1, W2, b2):
    grid_spec = pltpu.PrefetchScalarGridSpec(
        num_scalar_prefetch=2,
        grid=(NBLK,),
        in_specs=[
            pl.BlockSpec((BLK, D),
                         lambda b, be, u: (jnp.where(u[b, 0] == 1, b, NBLK - 1), 0)),
            pl.BlockSpec((1, D, H), lambda b, be, u: (be[b, 0], 0, 0)),
            pl.BlockSpec((1, 1, H), lambda b, be, u: (be[b, 0], 0, 0)),
            pl.BlockSpec((1, H, D), lambda b, be, u: (be[b, 0], 0, 0)),
            pl.BlockSpec((1, 1, D), lambda b, be, u: (be[b, 0], 0, 0)),
        ],
        out_specs=pl.BlockSpec(
            (BLK, D), lambda b, be, u: (jnp.where(u[b, 0] == 1, b, NBLK - 1), 0)),
    )
    return pl.pallas_call(
        _expert_body,
        grid_spec=grid_spec,
        out_shape=jax.ShapeDtypeStruct((NROWS, D), jnp.float32),
        compiler_params=pltpu.CompilerParams(
            dimension_semantics=("arbitrary",),
            vmem_limit_bytes=110 * 1024 * 1024,
        ),
    )(be, used, xg, W1, b1.reshape(E, 1, H), W2, b2.reshape(E, 1, D))


def _make_combine():
    mesh = plsc.VectorSubcoreMesh(core_axis_name="c", subcore_axis_name="s")

    @functools.partial(
        pl.kernel, mesh=mesh,
        out_type=jax.ShapeDtypeStruct((L, D), jnp.float32),
        scratch_types=[
            pltpu.VMEM((TB,), jnp.int32),
            pltpu.VMEM((TB,), jnp.int32),
            pltpu.VMEM((TB, 16), jnp.float32),
            pltpu.VMEM((TB, 16), jnp.float32),
            pltpu.VMEM((TB, D), jnp.float32),
            pltpu.VMEM((TB, D), jnp.float32),
            pltpu.SemaphoreType.DMA,
            pltpu.SemaphoreType.DMA,
        ],
    )
    def comb(og_hbm, p1_hbm, p2_hbm, w1_hbm, w2_hbm, y_hbm,
             idx1_v, idx2_v, wv1, wv2, r1, r2, sem0, sem1):
        wid = lax.axis_index("s") * NC + lax.axis_index("c")
        base = wid * TB
        HB = TB // 2
        pltpu.sync_copy(p1_hbm.at[pl.ds(base, TB)], idx1_v)
        pltpu.sync_copy(p2_hbm.at[pl.ds(base, TB)], idx2_v)
        pltpu.sync_copy(w1_hbm.at[pl.ds(base, TB)], wv1)
        pltpu.sync_copy(w2_hbm.at[pl.ds(base, TB)], wv2)
        h0 = pl.ds(0, HB)
        h1 = pl.ds(HB, HB)
        c10 = pltpu.async_copy(og_hbm.at[idx1_v.at[h0]], r1.at[h0], sem0)
        c20 = pltpu.async_copy(og_hbm.at[idx2_v.at[h0]], r2.at[h0], sem0)
        c11 = pltpu.async_copy(og_hbm.at[idx1_v.at[h1]], r1.at[h1], sem1)
        c21 = pltpu.async_copy(og_hbm.at[idx2_v.at[h1]], r2.at[h1], sem1)

        def body(k, carry):
            a = wv1[k, :]
            b = wv2[k, :]
            for j in range(D // 16):
                sl = pl.ds(j * 16, 16)
                r1[k, sl] = a * r1[k, sl] + b * r2[k, sl]
            return carry

        c10.wait()
        c20.wait()
        lax.fori_loop(0, HB, body, 0)
        c11.wait()
        c21.wait()
        lax.fori_loop(HB, TB, body, 0)
        pltpu.sync_copy(r1, y_hbm.at[pl.ds(base, TB)])

    return comb


def kernel(x, router_w, W1, b1, W2, b2):
    x2d = x.reshape(L, D)
    pos1m, pos2m, w1v, w2v, be, used, aux = _router(x2d, router_w)
    pos1 = pos1m.reshape(L)
    pos2 = pos2m.reshape(L)
    xg = _make_dispatch()(x2d, pos1, pos2)
    og = _experts(be, used, xg, W1, b1, W2, b2)
    y2d = _make_combine()(og, pos1, pos2, w1v, w2v)
    return y2d.reshape(x.shape), aux[0, 0]

# --- scband reference (transcript-rebuilt; emitter-appended) ---
"""Pipeline reference for scband-mo-efeed-forward-39281770889616 (READ-ONLY COPY).

The authoritative reference and input builder live on the scoring server;
editing this copy changes nothing except your own understanding.
"""

import jax, jax.numpy as jnp
import numpy as np

B = 1
L = 2048
D_MODEL = 768
N_EXPERTS = 8
TOP_K = 2
D_HIDDEN = 3072  # int(round(4.0 * 768))


def setup_inputs(seed: int = 0) -> dict:
    key = jax.random.key(seed)
    ks = jax.random.split(key, 5)
    x = jax.random.normal(ks[0], (B, L, D_MODEL), dtype=jnp.float32)
    router_w = jax.random.normal(ks[1], (D_MODEL, N_EXPERTS), dtype=jnp.float32) * (1.0 / np.sqrt(D_MODEL))
    W1 = jax.random.normal(ks[2], (N_EXPERTS, D_MODEL, D_HIDDEN), dtype=jnp.float32) * (1.0 / np.sqrt(D_MODEL))
    b1 = jnp.zeros((N_EXPERTS, D_HIDDEN), dtype=jnp.float32)
    W2 = jax.random.normal(ks[3], (N_EXPERTS, D_HIDDEN, D_MODEL), dtype=jnp.float32) * (1.0 / np.sqrt(D_HIDDEN))
    b2 = jnp.zeros((N_EXPERTS, D_MODEL), dtype=jnp.float32)
    return {"x": x, "router_w": router_w, "W1": W1, "b1": b1, "W2": W2, "b2": b2}


def _moe_forward(x, router_w, W1, b1, W2, b2):
    Bq, Lq, D = x.shape
    E = router_w.shape[1]
    xf = x.reshape(Bq * Lq, D)
    N = Bq * Lq
    # Router (no attn_mask -> all tokens valid)
    logits = xf @ router_w                               # [N, E]
    probs = jax.nn.softmax(logits, axis=-1)              # [N, E]
    topk_scores, topk_idx = jax.lax.top_k(probs, TOP_K)  # [N, K]
    topk_w = topk_scores / (jnp.sum(topk_scores, axis=-1, keepdims=True) + 1e-9)
    # Switch-style load-balancing aux loss
    importance = probs.mean(axis=0)                      # [E]
    load = jnp.zeros((E,), dtype=probs.dtype).at[topk_idx[:, 0]].add(1.0)
    load = load / max(1.0, float(N))
    aux = jnp.sum(importance * load) * float(E)
    # Combine weights per (token, expert): zero if expert not selected.
    w = jnp.zeros((N, E), dtype=xf.dtype)
    for j in range(TOP_K):
        w = w + jax.nn.one_hot(topk_idx[:, j], E, dtype=xf.dtype) * topk_w[:, j:j+1]
    # Expert MLPs (SiLU, 2 layers). Dense compute scaled by combine weight is
    # mathematically identical to the masked gather/scatter in the torch code.
    y = jnp.zeros_like(xf)
    for e in range(N_EXPERTS):
        h = jax.nn.silu(xf @ W1[e] + b1[e])
        o = h @ W2[e] + b2[e]
        y = y + w[:, e:e+1] * o
    return y.reshape(Bq, Lq, D), aux


def reference(x, router_w, W1, b1, W2, b2):
    return _moe_forward(x, router_w, W1, b1, W2, b2)

if __name__ == "__main__":
    import jax
    _d = setup_inputs()
    print(jax.jit(kernel)(*tuple(_d.values())))

</pallas_src>

<mosaic_0001>
#map = affine_map<(d0, d1) -> (0, 0)>
#map1 = affine_map<(d0, d1) -> (0)>
module attributes {stable_mosaic.version = 14 : i64} {
  func.func @comb(%arg0: i32, %arg1: i32, %arg2: memref<8192x768xf32, #tpu.memory_space<hbm>>, %arg3: memref<2048xi32, #tpu.memory_space<hbm>>, %arg4: memref<2048xi32, #tpu.memory_space<hbm>>, %arg5: memref<2048x16xf32, #tpu.memory_space<hbm>>, %arg6: memref<2048x16xf32, #tpu.memory_space<hbm>>, %arg7: memref<2048x768xf32, #tpu.memory_space<hbm>>, %arg8: memref<64xi32, #tpu.memory_space<vmem>>, %arg9: memref<64xi32, #tpu.memory_space<vmem>>, %arg10: memref<64x16xf32, #tpu.memory_space<vmem>>, %arg11: memref<64x16xf32, #tpu.memory_space<vmem>>, %arg12: memref<64x768xf32, #tpu.memory_space<vmem>>, %arg13: memref<64x768xf32, #tpu.memory_space<vmem>>, %arg14: memref<!tpu.dma_semaphore, #tpu.memory_space<semaphore_mem>>, %arg15: memref<!tpu.dma_semaphore, #tpu.memory_space<semaphore_mem>>) attributes {dimension_semantics = [#tpu.dimension_semantics<core_parallel>, #tpu.dimension_semantics<subcore_parallel>], iteration_bounds = array<i64: 2, 16>, scalar_prefetch = 0 : i64, scratch_operands = 8 : i64, tpu.core_type = #tpu.core_type<sc_vector_subcore>, window_params = [{transform_indices = #map}, {transform_indices = #map1}, {transform_indices = #map1}, {transform_indices = #map}, {transform_indices = #map}, {transform_indices = #map}]} {
    %mul3A = arith.constant 2 : i32
    %mul3A_0 = arith.muli %arg1, %mul3A : i32
    %add3A = arith.addi %mul3A_0, %arg0 : i32
    %mul3A_1 = arith.constant 64 : i32
    %mul3A_2 = arith.muli %add3A, %mul3A_1 : i32
    "tpu.region"() ({
      %run_scoped3A = tpu.sem_alloc : memref<!tpu.dma_semaphore, #tpu.memory_space<semaphore_mem>>
      %dma_start3A_76 = tpu.memref_slice %arg3[%mul3A_2] : memref<2048xi32, #tpu.memory_space<hbm>> -> memref<64xi32, #tpu.memory_space<hbm>>
      %dma_start3A_77 = tpu.memref_slice %arg3[%mul3A_2] : memref<2048xi32, #tpu.memory_space<hbm>> -> memref<64xi32, #tpu.memory_space<hbm>>
      tpu.enqueue_dma source(%dma_start3A_77 : memref<64xi32, #tpu.memory_space<hbm>>) target(%arg8 : memref<64xi32, #tpu.memory_space<vmem>>) target_semaphore(%run_scoped3A : memref<!tpu.dma_semaphore, #tpu.memory_space<semaphore_mem>>)
      %dma_wait3A_78 = tpu.memref_slice %arg3[%mul3A_2] : memref<2048xi32, #tpu.memory_space<hbm>> -> memref<64xi32, #tpu.memory_space<hbm>>
      %dma_wait3A_79 = tpu.memref_slice %arg3[%mul3A_2] : memref<2048xi32, #tpu.memory_space<hbm>> -> memref<64xi32, #tpu.memory_space<hbm>>
      tpu.wait_dma2 semaphore(%run_scoped3A : memref<!tpu.dma_semaphore, #tpu.memory_space<semaphore_mem>>) src(%dma_wait3A_79 : memref<64xi32, #tpu.memory_space<hbm>>) dst(%arg8 : memref<64xi32, #tpu.memory_space<vmem>>)
      tpu.yield
    }) : () -> ()
    "tpu.region"() ({
      %run_scoped3A = tpu.sem_alloc : memref<!tpu.dma_semaphore, #tpu.memory_space<semaphore_mem>>
      %dma_start3A_76 = tpu.memref_slice %arg4[%mul3A_2] : memref<2048xi32, #tpu.memory_space<hbm>> -> memref<64xi32, #tpu.memory_space<hbm>>
      %dma_start3A_77 = tpu.memref_slice %arg4[%mul3A_2] : memref<2048xi32, #tpu.memory_space<hbm>> -> memref<64xi32, #tpu.memory_space<hbm>>
      tpu.enqueue_dma source(%dma_start3A_77 : memref<64xi32, #tpu.memory_space<hbm>>) target(%arg9 : memref<64xi32, #tpu.memory_space<vmem>>) target_semaphore(%run_scoped3A : memref<!tpu.dma_semaphore, #tpu.memory_space<semaphore_mem>>)
      %dma_wait3A_78 = tpu.memref_slice %arg4[%mul3A_2] : memref<2048xi32, #tpu.memory_space<hbm>> -> memref<64xi32, #tpu.memory_space<hbm>>
      %dma_wait3A_79 = tpu.memref_slice %arg4[%mul3A_2] : memref<2048xi32, #tpu.memory_space<hbm>> -> memref<64xi32, #tpu.memory_space<hbm>>
      tpu.wait_dma2 semaphore(%run_scoped3A : memref<!tpu.dma_semaphore, #tpu.memory_space<semaphore_mem>>) src(%dma_wait3A_79 : memref<64xi32, #tpu.memory_space<hbm>>) dst(%arg9 : memref<64xi32, #tpu.memory_space<vmem>>)
      tpu.yield
    }) : () -> ()
    "tpu.region"() ({
      %run_scoped3A = tpu.sem_alloc : memref<!tpu.dma_semaphore, #tpu.memory_space<semaphore_mem>>
      %dma_start3A_76 = arith.constant 0 : i32
      %dma_start3A_77 = tpu.memref_slice %arg5[%mul3A_2, %dma_start3A_76] : memref<2048x16xf32, #tpu.memory_space<hbm>> -> memref<64x16xf32, #tpu.memory_space<hbm>>
      %dma_start3A_78 = arith.constant 0 : i32
      %dma_start3A_79 = tpu.memref_slice %arg5[%mul3A_2, %dma_start3A_78] : memref<2048x16xf32, #tpu.memory_space<hbm>> -> memref<64x16xf32, #tpu.memory_space<hbm>>
      tpu.enqueue_dma source(%dma_start3A_79 : memref<64x16xf32, #tpu.memory_space<hbm>>) target(%arg10 : memref<64x16xf32, #tpu.memory_space<vmem>>) target_semaphore(%run_scoped3A : memref<!tpu.dma_semaphore, #tpu.memory_space<semaphore_mem>>)
      %dma_wait3A_80 = arith.constant 0 : i32
      %dma_wait3A_81 = tpu.memref_slice %arg5[%mul3A_2, %dma_wait3A_80] : memref<2048x16xf32, #tpu.memory_space<hbm>> -> memref<64x16xf32, #tpu.memory_space<hbm>>
      %dma_wait3A_82 = arith.constant 0 : i32
      %dma_wait3A_83 = tpu.memref_slice %arg5[%mul3A_2, %dma_wait3A_82] : memref<2048x16xf32, #tpu.memory_space<hbm>> -> memref<64x16xf32, #tpu.memory_space<hbm>>
      tpu.wait_dma2 semaphore(%run_scoped3A : memref<!tpu.dma_semaphore, #tpu.memory_space<semaphore_mem>>) src(%dma_wait3A_83 : memref<64x16xf32, #tpu.memory_space<hbm>>) dst(%arg10 : memref<64x16xf32, #tpu.memory_space<vmem>>)
      tpu.yield
    }) : () -> ()
    "tpu.region"() ({
      %run_scoped3A = tpu.sem_alloc : memref<!tpu.dma_semaphore, #tpu.memory_space<semaphore_mem>>
      %dma_start3A_76 = arith.constant 0 : i32
      %dma_start3A_77 = tpu.memref_slice %arg6[%mul3A_2, %dma_start3A_76] : memref<2048x16xf32, #tpu.memory_space<hbm>> -> memref<64x16xf32, #tpu.memory_space<hbm>>
      %dma_start3A_78 = arith.constant 0 : i32
      %dma_start3A_79 = tpu.memref_slice %arg6[%mul3A_2, %dma_start3A_78] : memref<2048x16xf32, #tpu.memory_space<hbm>> -> memref<64x16xf32, #tpu.memory_space<hbm>>
      tpu.enqueue_dma source(%dma_start3A_79 : memref<64x16xf32, #tpu.memory_space<hbm>>) target(%arg11 : memref<64x16xf32, #tpu.memory_space<vmem>>) target_semaphore(%run_scoped3A : memref<!tpu.dma_semaphore, #tpu.memory_space<semaphore_mem>>)
      %dma_wait3A_80 = arith.constant 0 : i32
      %dma_wait3A_81 = tpu.memref_slice %arg6[%mul3A_2, %dma_wait3A_80] : memref<2048x16xf32, #tpu.memory_space<hbm>> -> memref<64x16xf32, #tpu.memory_space<hbm>>
      %dma_wait3A_82 = arith.constant 0 : i32
      %dma_wait3A_83 = tpu.memref_slice %arg6[%mul3A_2, %dma_wait3A_82] : memref<2048x16xf32, #tpu.memory_space<hbm>> -> memref<64x16xf32, #tpu.memory_space<hbm>>
      tpu.wait_dma2 semaphore(%run_scoped3A : memref<!tpu.dma_semaphore, #tpu.memory_space<semaphore_mem>>) src(%dma_wait3A_83 : memref<64x16xf32, #tpu.memory_space<hbm>>) dst(%arg11 : memref<64x16xf32, #tpu.memory_space<vmem>>)
      tpu.yield
    }) : () -> ()
    %dma_start3A = arith.constant 0 : i32
    %dma_start3A_3 = arith.constant 0 : i32
    %dma_start3A_4 = tpu.memref_slice %arg12[%dma_start3A, %dma_start3A_3] : memref<64x768xf32, #tpu.memory_space<vmem>> -> memref<32x768xf32, #tpu.memory_space<vmem>>
    %dma_start3A_5 = arith.constant 0 : i32
    %dma_start3A_6 = tpu.memref_slice %arg8[%dma_start3A_5] : memref<64xi32, #tpu.memory_space<vmem>> -> memref<32xi32, #tpu.memory_space<vmem>>
    %dma_start3A_7 = arith.constant 0 : i32
    %dma_start3A_8 = arith.constant 0 : i32
    %dma_start3A_9 = tpu.memref_slice %arg2[%dma_start3A_7, %dma_start3A_8] : memref<8192x768xf32, #tpu.memory_space<hbm>> -> memref<8192x768xf32, #tpu.memory_space<hbm>>
    tpu.enqueue_indirect_dma source(%dma_start3A_9 : memref<8192x768xf32, #tpu.memory_space<hbm>>) target(%dma_start3A_4 : memref<32x768xf32, #tpu.memory_space<vmem>>) offsets(%dma_start3A_6 : memref<32xi32, #tpu.memory_space<vmem>>) semaphore(%arg14 : memref<!tpu.dma_semaphore, #tpu.memory_space<semaphore_mem>>)
    %dma_start3A_10 = arith.constant 0 : i32
    %dma_start3A_11 = arith.constant 0 : i32
    %dma_start3A_12 = tpu.memref_slice %arg13[%dma_start3A_10, %dma_start3A_11] : memref<64x768xf32, #tpu.memory_space<vmem>> -> memref<32x768xf32, #tpu.memory_space<vmem>>
    %dma_start3A_13 = arith.constant 0 : i32
    %dma_start3A_14 = tpu.memref_slice %arg9[%dma_start3A_13] : memref<64xi32, #tpu.memory_space<vmem>> -> memref<32xi32, #tpu.memory_space<vmem>>
    %dma_start3A_15 = arith.constant 0 : i32
    %dma_start3A_16 = arith.constant 0 : i32
    %dma_start3A_17 = tpu.memref_slice %arg2[%dma_start3A_15, %dma_start3A_16] : memref<8192x768xf32, #tpu.memory_space<hbm>> -> memref<8192x768xf32, #tpu.memory_space<hbm>>
    tpu.enqueue_indirect_dma source(%dma_start3A_17 : memref<8192x768xf32, #tpu.memory_space<hbm>>) target(%dma_start3A_12 : memref<32x768xf32, #tpu.memory_space<vmem>>) offsets(%dma_start3A_14 : memref<32xi32, #tpu.memory_space<vmem>>) semaphore(%arg14 : memref<!tpu.dma_semaphore, #tpu.memory_space<semaphore_mem>>)
    %dma_start3A_18 = arith.constant 32 : i32
    %dma_start3A_19 = arith.constant 0 : i32
    %dma_start3A_20 = tpu.memref_slice %arg12[%dma_start3A_18, %dma_start3A_19] : memref<64x768xf32, #tpu.memory_space<vmem>> -> memref<32x768xf32, #tpu.memory_space<vmem>>
    %dma_start3A_21 = arith.constant 32 : i32
    %dma_start3A_22 = tpu.memref_slice %arg8[%dma_start3A_21] : memref<64xi32, #tpu.memory_space<vmem>> -> memref<32xi32, #tpu.memory_space<vmem>>
    %dma_start3A_23 = arith.constant 0 : i32
    %dma_start3A_24 = arith.constant 0 : i32
    %dma_start3A_25 = tpu.memref_slice %arg2[%dma_start3A_23, %dma_start3A_24] : memref<8192x768xf32, #tpu.memory_space<hbm>> -> memref<8192x768xf32, #tpu.memory_space<hbm>>
    tpu.enqueue_indirect_dma source(%dma_start3A_25 : memref<8192x768xf32, #tpu.memory_space<hbm>>) target(%dma_start3A_20 : memref<32x768xf32, #tpu.memory_space<vmem>>) offsets(%dma_start3A_22 : memref<32xi32, #tpu.memory_space<vmem>>) semaphore(%arg15 : memref<!tpu.dma_semaphore, #tpu.memory_space<semaphore_mem>>)
    %dma_start3A_26 = arith.constant 32 : i32
    %dma_start3A_27 = arith.constant 0 : i32
    %dma_start3A_28 = tpu.memref_slice %arg13[%dma_start3A_26, %dma_start3A_27] : memref<64x768xf32, #tpu.memory_space<vmem>> -> memref<32x768xf32, #tpu.memory_space<vmem>>
    %dma_start3A_29 = arith.constant 32 : i32
    %dma_start3A_30 = tpu.memref_slice %arg9[%dma_start3A_29] : memref<64xi32, #tpu.memory_space<vmem>> -> memref<32xi32, #tpu.memory_space<vmem>>
    %dma_start3A_31 = arith.constant 0 : i32
    %dma_start3A_32 = arith.constant 0 : i32
    %dma_start3A_33 = tpu.memref_slice %arg2[%dma_start3A_31, %dma_start3A_32] : memref<8192x768xf32, #tpu.memory_space<hbm>> -> memref<8192x768xf32, #tpu.memory_space<hbm>>
    tpu.enqueue_indirect_dma source(%dma_start3A_33 : memref<8192x768xf32, #tpu.memory_space<hbm>>) target(%dma_start3A_28 : memref<32x768xf32, #tpu.memory_space<vmem>>) offsets(%dma_start3A_30 : memref<32xi32, #tpu.memory_space<vmem>>) semaphore(%arg15 : memref<!tpu.dma_semaphore, #tpu.memory_space<semaphore_mem>>)
    %dma_wait3A = arith.constant 0 : i32
    %dma_wait3A_34 = arith.constant 0 : i32
    %dma_wait3A_35 = tpu.memref_slice %arg12[%dma_wait3A, %dma_wait3A_34] : memref<64x768xf32, #tpu.memory_space<vmem>> -> memref<32x768xf32, #tpu.memory_space<vmem>>
    %dma_wait3A_36 = arith.constant 0 : i32
    %dma_wait3A_37 = tpu.memref_slice %arg8[%dma_wait3A_36] : memref<64xi32, #tpu.memory_space<vmem>> -> memref<32xi32, #tpu.memory_space<vmem>>
    %dma_wait3A_38 = arith.constant 0 : i32
    %dma_wait3A_39 = arith.constant 0 : i32
    %dma_wait3A_40 = tpu.memref_slice %arg2[%dma_wait3A_38, %dma_wait3A_39] : memref<8192x768xf32, #tpu.memory_space<hbm>> -> memref<8192x768xf32, #tpu.memory_space<hbm>>
    tpu.wait_indirect_dma semaphore(%arg14 : memref<!tpu.dma_semaphore, #tpu.memory_space<semaphore_mem>>) src(%dma_wait3A_40 : memref<8192x768xf32, #tpu.memory_space<hbm>>) dst(%dma_wait3A_35 : memref<32x768xf32, #tpu.memory_space<vmem>>)
    %dma_wait3A_41 = arith.constant 0 : i32
    %dma_wait3A_42 = arith.constant 0 : i32
    %dma_wait3A_43 = tpu.memref_slice %arg13[%dma_wait3A_41, %dma_wait3A_42] : memref<64x768xf32, #tpu.memory_space<vmem>> -> memref<32x768xf32, #tpu.memory_space<vmem>>
    %dma_wait3A_44 = arith.constant 0 : i32
    %dma_wait3A_45 = tpu.memref_slice %arg9[%dma_wait3A_44] : memref<64xi32, #tpu.memory_space<vmem>> -> memref<32xi32, #tpu.memory_space<vmem>>
    %dma_wait3A_46 = arith.constant 0 : i32
    %dma_wait3A_47 = arith.constant 0 : i32
    %dma_wait3A_48 = tpu.memref_slice %arg2[%dma_wait3A_46, %dma_wait3A_47] : memref<8192x768xf32, #tpu.memory_space<hbm>> -> memref<8192x768xf32, #tpu.memory_space<hbm>>
    tpu.wait_indirect_dma semaphore(%arg14 : memref<!tpu.dma_semaphore, #tpu.memory_space<semaphore_mem>>) src(%dma_wait3A_48 : memref<8192x768xf32, #tpu.memory_space<hbm>>) dst(%dma_wait3A_43 : memref<32x768xf32, #tpu.memory_space<vmem>>)
    %scan3A = arith.constant 0 : i32
    %scan3A_49 = arith.constant 0 : i32
    %scan3A_50 = arith.constant 32 : i32
    %scan3A_51 = arith.addi %scan3A_49, %scan3A_50 : i32
    %scan3A_52 = arith.constant 1 : i32
    scf.for %scan3A_76 = %scan3A_49 to %scan3A_51 step %scan3A_52  : i32 {
      %get3A = arith.index_cast %scan3A_76 : i32 to index
      %get3A_77 = arith.constant 0 : index
      %get3A_78 = tpu.vector_load %arg10[%get3A, %get3A_77] {strides = array<i32>} : memref<64x16xf32, #tpu.memory_space<vmem>>, vector<1x16xf32>,
      %get3A_79 = vector.shape_cast %get3A_78 : vector<1x16xf32> to vector<16xf32>
      %get3A_80 = arith.index_cast %scan3A_76 : i32 to index
      %get3A_81 = arith.constant 0 : index
      %get3A_82 = tpu.vector_load %arg11[%get3A_80, %get3A_81] {strides = array<i32>} : memref<64x16xf32, #tpu.memory_space<vmem>>, vector<1x16xf32>,
      %get3A_83 = vector.shape_cast %get3A_82 : vector<1x16xf32> to vector<16xf32>
      %get3A_84 = arith.index_cast %scan3A_76 : i32 to index
      %get3A_85 = arith.constant 0 : index
      %get3A_86 = tpu.vector_load %arg12[%get3A_84, %get3A_85] {strides = array<i32>} : memref<64x768xf32, #tpu.memory_space<vmem>>, vector<1x16xf32>,
      %get3A_87 = vector.shape_cast %get3A_86 : vector<1x16xf32> to vector<16xf32>
      %mul3A_88 = arith.mulf %get3A_79, %get3A_87 : vector<16xf32>
      %get3A_89 = arith.index_cast %scan3A_76 : i32 to index
      %get3A_90 = arith.constant 0 : index
      %get3A_91 = tpu.vector_load %arg13[%get3A_89, %get3A_90] {strides = array<i32>} : memref<64x768xf32, #tpu.memory_space<vmem>>, vector<1x16xf32>,
      %get3A_92 = vector.shape_cast %get3A_91 : vector<1x16xf32> to vector<16xf32>
      %mul3A_93 = arith.mulf %get3A_83, %get3A_92 : vector<16xf32>
      %add3A_94 = arith.addf %mul3A_88, %mul3A_93 : vector<16xf32>
      %swap3A = arith.index_cast %scan3A_76 : i32 to index
      %swap3A_95 = arith.constant 0 : index
      %swap3A_96 = tpu.vector_load %arg12[%swap3A, %swap3A_95] {strides = array<i32>} : memref<64x768xf32, #tpu.memory_space<vmem>>, vector<1x16xf32>,
      %swap3A_97 = vector.shape_cast %swap3A_96 : vector<1x16xf32> to vector<16xf32>
      %swap3A_98 = vector.shape_cast %add3A_94 : vector<16xf32> to vector<1x16xf32>
      tpu.vector_store %arg12[%swap3A, %swap3A_95], %swap3A_98 {strides = array<i32>} : memref<64x768xf32, #tpu.memory_space<vmem>>, vector<1x16xf32>,
      %get3A_99 = arith.index_cast %scan3A_76 : i32 to index
      %get3A_100 = arith.constant 16 : index
      %get3A_101 = tpu.vector_load %arg12[%get3A_99, %get3A_100] {strides = array<i32>} : memref<64x768xf32, #tpu.memory_space<vmem>>, vector<1x16xf32>,
      %get3A_102 = vector.shape_cast %get3A_101 : vector<1x16xf32> to vector<16xf32>
      %mul3A_103 = arith.mulf %get3A_79, %get3A_102 : vector<16xf32>
      %get3A_104 = arith.index_cast %scan3A_76 : i32 to index
      %get3A_105 = arith.constant 16 : index
      %get3A_106 = tpu.vector_load %arg13[%get3A_104, %get3A_105] {strides = array<i32>} : memref<64x768xf32, #tpu.memory_space<vmem>>, vector<1x16xf32>,
      %get3A_107 = vector.shape_cast %get3A_106 : vector<1x16xf32> to vector<16xf32>
      %mul3A_108 = arith.mulf %get3A_83, %get3A_107 : vector<16xf32>
      %add3A_109 = arith.addf %mul3A_103, %mul3A_108 : vector<16xf32>
      %swap3A_110 = arith.index_cast %scan3A_76 : i32 to index
      %swap3A_111 = arith.constant 16 : index
      %swap3A_112 = tpu.vector_load %arg12[%swap3A_110, %swap3A_111] {strides = array<i32>} : memref<64x768xf32, #tpu.memory_space<vmem>>, vector<1x16xf32>,
      %swap3A_113 = vector.shape_cast %swap3A_112 : vector<1x16xf32> to vector<16xf32>
      %swap3A_114 = vector.shape_cast %add3A_109 : vector<16xf32> to vector<1x16xf32>
      tpu.vector_store %arg12[%swap3A_110, %swap3A_111], %swap3A_114 {strides = array<i32>} : memref<64x768xf32, #tpu.memory_space<vmem>>, vector<1x16xf32>,
      %get3A_115 = arith.index_cast %scan3A_76 : i32 to index
      %get3A_116 = arith.constant 32 : index
      %get3A_117 = tpu.vector_load %arg12[%get3A_115, %get3A_116] {strides = array<i32>} : memref<64x768xf32, #tpu.memory_space<vmem>>, vector<1x16xf32>,
      %get3A_118 = vector.shape_cast %get3A_117 : vector<1x16xf32> to vector<16xf32>
      %mul3A_119 = arith.mulf %get3A_79, %get3A_118 : vector<16xf32>
      %get3A_120 = arith.index_cast %scan3A_76 : i32 to index
      %get3A_121 = arith.constant 32 : index
      %get3A_122 = tpu.vector_load %arg13[%get3A_120, %get3A_121] {strides = array<i32>} : memref<64x768xf32, #tpu.memory_space<vmem>>, vector<1x16xf32>,
      %get3A_123 = vector.shape_cast %get3A_122 : vector<1x16xf32> to vector<16xf32>
      %mul3A_124 = arith.mulf %get3A_83, %get3A_123 : vector<16xf32>
      %add3A_125 = arith.addf %mul3A_119, %mul3A_124 : vector<16xf32>
      %swap3A_126 = arith.index_cast %scan3A_76 : i32 to index
      %swap3A_127 = arith.constant 32 : index
      %swap3A_128 = tpu.vector_load %arg12[%swap3A_126, %swap3A_127] {strides = array<i32>} : memref<64x768xf32, #tpu.memory_space<vmem>>, vector<1x16xf32>,
      %swap3A_129 = vector.shape_cast %swap3A_128 : vector<1x16xf32> to vector<16xf32>
      %swap3A_130 = vector.shape_cast %add3A_125 : vector<16xf32> to vector<1x16xf32>
      tpu.vector_store %arg12[%swap3A_126, %swap3A_127], %swap3A_130 {strides = array<i32>} : memref<64x768xf32, #tpu.memory_space<vmem>>, vector<1x16xf32>,
      %get3A_131 = arith.index_cast %scan3A_76 : i32 to index
      %get3A_132 = arith.constant 48 : index
      %get3A_133 = tpu.vector_load %arg12[%get3A_131, %get3A_132] {strides = array<i32>} : memref<64x768xf32, #tpu.memory_space<vmem>>, vector<1x16xf32>,
      %get3A_134 = vector.shape_cast %get3A_133 : vector<1x16xf32> to vector<16xf32>
      %mul3A_135 = arith.mulf %get3A_79, %get3A_134 : vector<16xf32>
      %get3A_136 = arith.index_cast %scan3A_76 : i32 to index
      %get3A_137 = arith.constant 48 : index
      %get3A_138 = tpu.vector_load %arg13[%get3A_136, %get3A_137] {strides = array<i32>} : memref<64x768xf32, #tpu.memory_space<vmem>>, vector<1x16xf32>,
      %get3A_139 = vector.shape_cast %get3A_138 : vector<1x16xf32> to vector<16xf32>
      %mul3A_140 = arith.mulf %get3A_83, %get3A_139 : vector<16xf32>
      %add3A_141 = arith.addf %mul3A_135, %mul3A_140 : vector<16xf32>
      %swap3A_142 = arith.index_cast %scan3A_76 : i32 to index
      %swap3A_143 = arith.constant 48 : index
      %swap3A_144 = tpu.vector_load %arg12[%swap3A_142, %swap3A_143] {strides = array<i32>} : memref<64x768xf32, #tpu.memory_space<vmem>>, vector<1x16xf32>,
      %swap3A_145 = vector.shape_cast %swap3A_144 : vector<1x16xf32> to vector<16xf32>
      %swap3A_146 = vector.shape_cast %add3A_141 : vector<16xf32> to vector<1x16xf32>
      tpu.vector_store %arg12[%swap3A_142, %swap3A_143], %swap3A_146 {strides = array<i32>} : memref<64x768xf32, #tpu.memory_space<vmem>>, vector<1x16xf32>,
      %get3A_147 = arith.index_cast %scan3A_76 : i32 to index
      %get3A_148 = arith.constant 64 : index
      %get3A_149 = tpu.vector_load %arg12[%get3A_147, %get3A_148] {strides = array<i32>} : memref<64x768xf32, #tpu.memory_space<vmem>>, vector<1x16xf32>,
      %get3A_150 = vector.shape_cast %get3A_149 : vector<1x16xf32> to vector<16xf32>
      %mul3A_151 = arith.mulf %get3A_79, %get3A_150 : vector<16xf32>
      %get3A_152 = arith.index_cast %scan3A_76 : i32 to index
      %get3A_153 = arith.constant 64 : index
      %get3A_154 = tpu.vector_load %arg13[%get3A_152, %get3A_153] {strides = array<i32>} : memref<64x768xf32, #tpu.memory_space<vmem>>, vector<1x16xf32>,
      %get3A_155 = vector.shape_cast %get3A_154 : vector<1x16xf32> to vector<16xf32>
      %mul3A_156 = arith.mulf %get3A_83, %get3A_155 : vector<16xf32>
      %add3A_157 = arith.addf %mul3A_151, %mul3A_156 : vector<16xf32>
      %swap3A_158 = arith.index_cast %scan3A_76 : i32 to index
      %swap3A_159 = arith.constant 64 : index
      %swap3A_160 = tpu.vector_load %arg12[%swap3A_158, %swap3A_159] {strides = array<i32>} : memref<64x768xf32, #tpu.memory_space<vmem>>, vector<1x16xf32>,
      %swap3A_161 = vector.shape_cast %swap3A_160 : vector<1x16xf32> to vector<16xf32>
      %swap3A_162 = vector.shape_cast %add3A_157 : vector<16xf32> to vector<1x16xf32>
      tpu.vector_store %arg12[%swap3A_158, %swap3A_159], %swap3A_162 {strides = array<i32>} : memref<64x768xf32, #tpu.memory_space<vmem>>, vector<1x16xf32>,
      %get3A_163 = arith.index_cast %scan3A_76 : i32 to index
      %get3A_164 = arith.constant 80 : index
      %get3A_165 = tpu.vector_load %arg12[%get3A_163, %get3A_164] {strides = array<i32>} : memref<64x768xf32, #tpu.memory_space<vmem>>, vector<1x16xf32>,
      %get3A_166 = vector.shape_cast %get3A_165 : vector<1x16xf32> to vector<16xf32>
      %mul3A_167 = arith.mulf %get3A_79, %get3A_166 : vector<16xf32>
      %get3A_168 = arith.index_cast %scan3A_76 : i32 to index
      %get3A_169 = arith.constant 80 : index
      %get3A_170 = tpu.vector_load %arg13[%get3A_168, %get3A_169] {strides = array<i32>} : memref<64x768xf32, #tpu.memory_space<vmem>>, vector<1x16xf32>,
      %get3A_171 = vector.shape_cast %get3A_170 : vector<1x16xf32> to vector<16xf32>
      %mul3A_172 = arith.mulf %get3A_83, %get3A_171 : vector<16xf32>
      %add3A_173 = arith.addf %mul3A_167, %mul3A_172 : vector<16xf32>
      %swap3A_174 = arith.index_cast %scan3A_76 : i32 to index
      %swap3A_175 = arith.constant 80 : index
      %swap3A_176 = tpu.vector_load %arg12[%swap3A_174, %swap3A_175] {strides = array<i32>} : memref<64x768xf32, #tpu.memory_space<vmem>>, vector<1x16xf32>,
      %swap3A_177 = vector.shape_cast %swap3A_176 : vector<1x16xf32> to vector<16xf32>
      %swap3A_178 = vector.shape_cast %add3A_173 : vector<16xf32> to vector<1x16xf32>
      tpu.vector_store %arg12[%swap3A_174, %swap3A_175], %swap3A_178 {strides = array<i32>} : memref<64x768xf32, #tpu.memory_space<vmem>>, vector<1x16xf32>,
      %get3A_179 = arith.index_cast %scan3A_76 : i32 to index
      %get3A_180 = arith.constant 96 : index
      %get3A_181 = tpu.vector_load %arg12[%get3A_179, %get3A_180] {strides = array<i32>} : memref<64x768xf32, #tpu.memory_space<vmem>>, vector<1x16xf32>,
      %get3A_182 = vector.shape_cast %get3A_181 : vector<1x16xf32> to vector<16xf32>
      %mul3A_183 = arith.mulf %get3A_79, %get3A_182 : vector<16xf32>
      %get3A_184 = arith.index_cast %scan3A_76 : i32 to index
      %get3A_185 = arith.constant 96 : index
      %get3A_186 = tpu.vector_load %arg13[%get3A_184, %get3A_185] {strides = array<i32>} : memref<64x768xf32, #tpu.memory_space<vmem>>, vector<1x16xf32>,
      %get3A_187 = vector.shape_cast %get3A_186 : vector<1x16xf32> to vector<16xf32>
      %mul3A_188 = arith.mulf %get3A_83, %get3A_187 : vector<16xf32>
      %add3A_189 = arith.addf %mul3A_183, %mul3A_188 : vector<16xf32>
      %swap3A_190 = arith.index_cast %scan3A_76 : i32 to index
      %swap3A_191 = arith.constant 96 : index
      %swap3A_192 = tpu.vector_load %arg12[%swap3A_190, %swap3A_191] {strides = array<i32>} : memref<64x768xf32, #tpu.memory_space<vmem>>, vector<1x16xf32>,
      %swap3A_193 = vector.shape_cast %swap3A_192 : vector<1x16xf32> to vector<16xf32>
      %swap3A_194 = vector.shape_cast %add3A_189 : vector<16xf32> to vector<1x16xf32>
      tpu.vector_store %arg12[%swap3A_190, %swap3A_191], %swap3A_194 {strides = array<i32>} : memref<64x768xf32, #tpu.memory_space<vmem>>, vector<1x16xf32>,
      %get3A_195 = arith.index_cast %scan3A_76 : i32 to index
      %get3A_196 = arith.constant 112 : index
      %get3A_197 = tpu.vector_load %arg12[%get3A_195, %get3A_196] {strides = array<i32>} : memref<64x768xf32, #tpu.memory_space<vmem>>, vector<1x16xf32>,
      %get3A_198 = vector.shape_cast %get3A_197 : vector<1x16xf32> to vector<16xf32>
      %mul3A_199 = arith.mulf %get3A_79, %get3A_198 : vector<16xf32>
      %get3A_200 = arith.index_cast %scan3A_76 : i32 to index
      %get3A_201 = arith.constant 112 : index
      %get3A_202 = tpu.vector_load %arg13[%get3A_200, %get3A_201] {strides = array<i32>} : memref<64x768xf32, #tpu.memory_space<vmem>>, vector<1x16xf32>,
      %get3A_203 = vector.shape_cast %get3A_202 : vector<1x16xf32> to vector<16xf32>
      %mul3A_204 = arith.mulf %get3A_83, %get3A_203 : vector<16xf32>
      %add3A_205 = arith.addf %mul3A_199, %mul3A_204 : vector<16xf32>
      %swap3A_206 = arith.index_cast %scan3A_76 : i32 to index
      %swap3A_207 = arith.constant 112 : index
      %swap3A_208 = tpu.vector_load %arg12[%swap3A_206, %swap3A_207] {strides = array<i32>} : memref<64x768xf32, #tpu.memory_space<vmem>>, vector<1x16xf32>,
      %swap3A_209 = vector.shape_cast %swap3A_208 : vector<1x16xf32> to vector<16xf32>
      %swap3A_210 = vector.shape_cast %add3A_205 : vector<16xf32> to vector<1x16xf32>
      tpu.vector_store %arg12[%swap3A_206, %swap3A_207], %swap3A_210 {strides = array<i32>} : memref<64x768xf32, #tpu.memory_space<vmem>>, vector<1x16xf32>,
      %get3A_211 = arith.index_cast %scan3A_76 : i32 to index
      %get3A_212 = arith.constant 128 : index
      %get3A_213 = tpu.vector_load %arg12[%get3A_211, %get3A_212] {strides = array<i32>} : memref<64x768xf32, #tpu.memory_space<vmem>>, vector<1x16xf32>,
      %get3A_214 = vector.shape_cast %get3A_213 : vector<1x16xf32> to vector<16xf32>
      %mul3A_215 = arith.mulf %get3A_79, %get3A_214 : vector<16xf32>
      %get3A_216 = arith.index_cast %scan3A_76 : i32 to index
      %get3A_217 = arith.constant 128 : index
      %get3A_218 = tpu.vector_load %arg13[%get3A_216, %get3A_217] {strides = array<i32>} : memref<64x768xf32, #tpu.memory_space<vmem>>, vector<1x16xf32>,
      %get3A_219 = vector.shape_cast %get3A_218 : vector<1x16xf32> to vector<16xf32>
      %mul3A_220 = arith.mulf %get3A_83, %get3A_219 : vector<16xf32>
      %add3A_221 = arith.addf %mul3A_215, %mul3A_220 : vector<16xf32>
      %swap3A_222 = arith.index_cast %scan3A_76 : i32 to index
      %swap3A_223 = arith.constant 128 : index
      %swap3A_224 = tpu.vector_load %arg12[%swap3A_222, %swap3A_223] {strides = array<i32>} : memref<64x768xf32, #tpu.memory_space<vmem>>, vector<1x16xf32>,
      %swap3A_225 = vector.shape_cast %swap3A_224 : vector<1x16xf32> to vector<16xf32>
      %swap3A_226 = vector.shape_cast %add3A_221 : vector<16xf32> to vector<1x16xf32>
      tpu.vector_store %arg12[%swap3A_222, %swap3A_223], %swap3A_226 {strides = array<i32>} : memref<64x768xf32, #tpu.memory_space<vmem>>, vector<1x16xf32>,
      %get3A_227 = arith.index_cast %scan3A_76 : i32 to index
      %get3A_228 = arith.constant 144 : index
      %get3A_229 = tpu.vector_load %arg12[%get3A_227, %get3A_228] {strides = array<i32>} : memref<64x768xf32, #tpu.memory_space<vmem>>, vector<1x16xf32>,
      %get3A_230 = vector.shape_cast %get3A_229 : vector<1x16xf32> to vector<16xf32>
      %mul3A_231 = arith.mulf %get3A_79, %get3A_230 : vector<16xf32>
      %get3A_232 = arith.index_cast %scan3A_76 : i32 to index
      %get3A_233 = arith.constant 144 : index
      %get3A_234 = tpu.vector_load %arg13[%get3A_232, %get3A_233] {strides = array<i32>} : memref<64x768xf32, #tpu.memory_space<vmem>>, vector<1x16xf32>,
      %get3A_235 = vector.shape_cast %get3A_234 : vector<1x16xf32> to vector<16xf32>
      %mul3A_236 = arith.mulf %get3A_83, %get3A_235 : vector<16xf32>
      %add3A_237 = arith.addf %mul3A_231, %mul3A_236 : vector<16xf32>
      %swap3A_238 = arith.index_cast %scan3A_76 : i32 to index
      %swap3A_239 = arith.constant 144 : index
      %swap3A_240 = tpu.vector_load %arg12[%swap3A_238, %swap3A_239] {strides = array<i32>} : memref<64x768xf32, #tpu.memory_space<vmem>>, vector<1x16xf32>,
      %swap3A_241 = vector.shape_cast %swap3A_240 : vector<1x16xf32> to vector<16xf32>
      %swap3A_242 = vector.shape_cast %add3A_237 : vector<16xf32> to vector<1x16xf32>
      tpu.vector_store %arg12[%swap3A_238, %swap3A_239], %swap3A_242 {strides = array<i32>} : memref<64x768xf32, #tpu.memory_space<vmem>>, vector<1x16xf32>,
      %get3A_243 = arith.index_cast %scan3A_76 : i32 to index
      %get3A_244 = arith.constant 160 : index
      %get3A_245 = tpu.vector_load %arg12[%get3A_243, %get3A_244] {strides = array<i32>} : memref<64x768xf32, #tpu.memory_space<vmem>>, vector<1x16xf32>,
      %get3A_246 = vector.shape_cast %get3A_245 : vector<1x16xf32> to vector<16xf32>
      %mul3A_247 = arith.mulf %get3A_79, %get3A_246 : vector<16xf32>
      %get3A_248 = arith.index_cast %scan3A_76 : i32 to index
      %get3A_249 = arith.constant 160 : index
      %get3A_250 = tpu.vector_load %arg13[%get3A_248, %get3A_249] {strides = array<i32>} : memref<64x768xf32, #tpu.memory_space<vmem>>, vector<1x16xf32>,
      %get3A_251 = vector.shape_cast %get3A_250 : vector<1x16xf32> to vector<16xf32>
      %mul3A_252 = arith.mulf %get3A_83, %get3A_251 : vector<16xf32>
      %add3A_253 = arith.addf %mul3A_247, %mul3A_252 : vector<16xf32>
      %swap3A_254 = arith.index_cast %scan3A_76 : i32 to index
      %swap3A_255 = arith.constant 160 : index
      %swap3A_256 = tpu.vector_load %arg12[%swap3A_254, %swap3A_255] {strides = array<i32>} : memref<64x768xf32, #tpu.memory_space<vmem>>, vector<1x16xf32>,
      %swap3A_257 = vector.shape_cast %swap3A_256 : vector<1x16xf32> to vector<16xf32>
      %swap3A_258 = vector.shape_cast %add3A_253 : vector<16xf32> to vector<1x16xf32>
      tpu.vector_store %arg12[%swap3A_254, %swap3A_255], %swap3A_258 {strides = array<i32>} : memref<64x768xf32, #tpu.memory_space<vmem>>, vector<1x16xf32>,
      %get3A_259 = arith.index_cast %scan3A_76 : i32 to index
      %get3A_260 = arith.constant 176 : index
      %get3A_261 = tpu.vector_load %arg12[%get3A_259, %get3A_260] {strides = array<i32>} : memref<64x768xf32, #tpu.memory_space<vmem>>, vector<1x16xf32>,
      %get3A_262 = vector.shape_cast %get3A_261 : vector<1x16xf32> to vector<16xf32>
      %mul3A_263 = arith.mulf %get3A_79, %get3A_262 : vector<16xf32>
      %get3A_264 = arith.index_cast %scan3A_76 : i32 to index
      %get3A_265 = arith.constant 176 : index
      %get3A_266 = tpu.vector_load %arg13[%get3A_264, %get3A_265] {strides = array<i32>} : memref<64x768xf32, #tpu.memory_space<vmem>>, vector<1x16xf32>,
      %get3A_267 = vector.shape_cast %get3A_266 : vector<1x16xf32> to vector<16xf32>
      %mul3A_268 = arith.mulf %get3A_83, %get3A_267 : vector<16xf32>
      %add3A_269 = arith.addf %mul3A_263, %mul3A_268 : vector<16xf32>
      %swap3A_270 = arith.index_cast %scan3A_76 : i32 to index
      %swap3A_271 = arith.constant 176 : index
      %swap3A_272 = tpu.vector_load %arg12[%swap3A_270, %swap3A_271] {strides = array<i32>} : memref<64x768xf32, #tpu.memory_space<vmem>>, vector<1x16xf32>,
      %swap3A_273 = vector.shape_cast %swap3A_272 : vector<1x16xf32> to vector<16xf32>
      %swap3A_274 = vector.shape_cast %add3A_269 : vector<16xf32> to vector<1x16xf32>
      tpu.vector_store %arg12[%swap3A_270, %swap3A_271], %swap3A_274 {strides = array<i32>} : memref<64x768xf32, #tpu.memory_space<vmem>>, vector<1x16xf32>,
      %get3A_275 = arith.index_cast %scan3A_76 : i32 to index
      %get3A_276 = arith.constant 192 : index
      %get3A_277 = tpu.vector_load %arg12[%get3A_275, %get3A_276] {strides = array<i32>} : memref<64x768xf32, #tpu.memory_space<vmem>>, vector<1x16xf32>,
      %get3A_278 = vector.shape_cast %get3A_277 : vector<1x16xf32> to vector<16xf32>
      %mul3A_279 = arith.mulf %get3A_79, %get3A_278 : vector<16xf32>
      %get3A_280 = arith.index_cast %scan3A_76 : i32 to index
      %get3A_281 = arith.constant 192 : index
      %get3A_282 = tpu.vector_load %arg13[%get3A_280, %get3A_281] {strides = array<i32>} : memref<64x768xf32, #tpu.memory_space<vmem>>, vector<1x16xf32>,
      %get3A_283 = vector.shape_cast %get3A_282 : vector<1x16xf32> to vector<16xf32>
      %mul3A_284 = arith.mulf %get3A_83, %get3A_283 : vector<16xf32>
      %add3A_285 = arith.addf %mul3A_279, %mul3A_284 : vector<16xf32>
      %swap3A_286 = arith.index_cast %scan3A_76 : i32 to index
      %swap3A_287 = arith.constant 192 : index
      %swap3A_288 = tpu.vector_load %arg12[%swap3A_286, %swap3A_287] {strides = array<i32>} : memref<64x768xf32, #tpu.memory_space<vmem>>, vector<1x16xf32>,
      %swap3A_289 = vector.shape_cast %swap3A_288 : vector<1x16xf32> to vector<16xf32>
      %swap3A_290 = vector.shape_cast %add3A_285 : vector<16xf32> to vector<1x16xf32>
      tpu.vector_store %arg12[%swap3A_286, %swap3A_287], %swap3A_290 {strides = array<i32>} : memref<64x768xf32, #tpu.memory_space<vmem>>, vector<1x16xf32>,
      %get3A_291 = arith.index_cast %scan3A_76 : i32 to index
      %get3A_292 = arith.constant 208 : index
      %get3A_293 = tpu.vector_load %arg12[%get3A_291, %get3A_292] {strides = array<i32>} : memref<64x768xf32, #tpu.memory_space<vmem>>, vector<1x16xf32>,
      %get3A_294 = vector.shape_cast %get3A_293 : vector<1x16xf32> to vector<16xf32>
      %mul3A_295 = arith.mulf %get3A_79, %get3A_294 : vector<16xf32>
      %get3A_296 = arith.index_cast %scan3A_76 : i32 to index
      %get3A_297 = arith.constant 208 : index
      %get3A_298 = tpu.vector_load %arg13[%get3A_296, %get3A_297] {strides = array<i32>} : memref<64x768xf32, #tpu.memory_space<vmem>>, vector<1x16xf32>,
      %get3A_299 = vector.shape_cast %get3A_298 : vector<1x16xf32> to vector<16xf32>
      %mul3A_300 = arith.mulf %get3A_83, %get3A_299 : vector<16xf32>
      %add3A_301 = arith.addf %mul3A_295, %mul3A_300 : vector<16xf32>
      %swap3A_302 = arith.index_cast %scan3A_76 : i32 to index
      %swap3A_303 = arith.constant 208 : index
      %swap3A_304 = tpu.vector_load %arg12[%swap3A_302, %swap3A_303] {strides = array<i32>} : memref<64x768xf32, #tpu.memory_space<vmem>>, vector<1x16xf32>,
      %swap3A_305 = vector.shape_cast %swap3A_304 : vector<1x16xf32> to vector<16xf32>
      %swap3A_306 = vector.shape_cast %add3A_301 : vector<16xf32> to vector<1x16xf32>
      tpu.vector_store %arg12[%swap3A_302, %swap3A_303], %swap3A_306 {strides = array<i32>} : memref<64x768xf32, #tpu.memory_space<vmem>>, vector<1x16xf32>,
      %get3A_307 = arith.index_cast %scan3A_76 : i32 to index
      %get3A_308 = arith.constant 224 : index
      %get3A_309 = tpu.vector_load %arg12[%get3A_307, %get3A_308] {strides = array<i32>} : memref<64x768xf32, #tpu.memory_space<vmem>>, vector<1x16xf32>,
      %get3A_310 = vector.shape_cast %get3A_309 : vector<1x16xf32> to vector<16xf32>
      %mul3A_311 = arith.mulf %get3A_79, %get3A_310 : vector<16xf32>
      %get3A_312 = arith.index_cast %scan3A_76 : i32 to index
      %get3A_313 = arith.constant 224 : index
      %get3A_314 = tpu.vector_load %arg13[%get3A_312, %get3A_313] {strides = array<i32>} : memref<64x768xf32, #tpu.memory_space<vmem>>, vector<1x16xf32>,
      %get3A_315 = vector.shape_cast %get3A_314 : vector<1x16xf32> to vector<16xf32>
      %mul3A_316 = arith.mulf %get3A_83, %get3A_315 : vector<16xf32>
      %add3A_317 = arith.addf %mul3A_311, %mul3A_316 : vector<16xf32>
      %swap3A_318 = arith.index_cast %scan3A_76 : i32 to index
      %swap3A_319 = arith.constant 224 : index
      %swap3A_320 = tpu.vector_load %arg12[%swap3A_318, %swap3A_319] {strides = array<i32>} : memref<64x768xf32, #tpu.memory_space<vmem>>, vector<1x16xf32>,
      %swap3A_321 = vector.shape_cast %swap3A_320 : vector<1x16xf32> to vector<16xf32>
      %swap3A_322 = vector.shape_cast %add3A_317 : vector<16xf32> to vector<1x16xf32>
      tpu.vector_store %arg12[%swap3A_318, %swap3A_319], %swap3A_322 {strides = array<i32>} : memref<64x768xf32, #tpu.memory_space<vmem>>, vector<1x16xf32>,
      %get3A_323 = arith.index_cast %scan3A_76 : i32 to index
      %get3A_324 = arith.constant 240 : index
      %get3A_325 = tpu.vector_load %arg12[%get3A_323, %get3A_324] {strides = array<i32>} : memref<64x768xf32, #tpu.memory_space<vmem>>, vector<1x16xf32>,
      %get3A_326 = vector.shape_cast %get3A_325 : vector<1x16xf32> to vector<16xf32>
      %mul3A_327 = arith.mulf %get3A_79, %get3A_326 : vector<16xf32>
      %get3A_328 = arith.index_cast %scan3A_76 : i32 to index
      %get3A_329 = arith.constant 240 : index
      %get3A_330 = tpu.vector_load %arg13[%get3A_328, %get3A_329] {strides = array<i32>} : memref<64x768xf32, #tpu.memory_space<vmem>>, vector<1x16xf32>,
      %get3A_331 = vector.shape_cast %get3A_330 : vector<1x16xf32> to vector<16xf32>
      %mul3A_332 = arith.mulf %get3A_83, %get3A_331 : vector<16xf32>
      %add3A_333 = arith.addf %mul3A_327, %mul3A_332 : vector<16xf32>
      %swap3A_334 = arith.index_cast %scan3A_76 : i32 to index
      %swap3A_335 = arith.constant 240 : index
      %swap3A_336 = tpu.vector_load %arg12[%swap3A_334, %swap3A_335] {strides = array<i32>} : memref<64x768xf32, #tpu.memory_space<vmem>>, vector<1x16xf32>,
      %swap3A_337 = vector.shape_cast %swap3A_336 : vector<1x16xf32> to vector<16xf32>
      %swap3A_338 = vector.shape_cast %add3A_333 : vector<16xf32> to vector<1x16xf32>
      tpu.vector_store %arg12[%swap3A_334, %swap3A_335], %swap3A_338 {strides = array<i32>} : memref<64x768xf32, #tpu.memory_space<vmem>>, vector<1x16xf32>,
      %get3A_339 = arith.index_cast %scan3A_76 : i32 to index
      %get3A_340 = arith.constant 256 : index
      %get3A_341 = tpu.vector_load %arg12[%get3A_339, %get3A_340] {strides = array<i32>} : memref<64x768xf32, #tpu.memory_space<vmem>>, vector<1x16xf32>,
      %get3A_342 = vector.shape_cast %get3A_341 : vector<1x16xf32> to vector<16xf32>
      %mul3A_343 = arith.mulf %get3A_79, %get3A_342 : vector<16xf32>
      %get3A_344 = arith.index_cast %scan3A_76 : i32 to index
      %get3A_345 = arith.constant 256 : index
      %get3A_346 = tpu.vector_load %arg13[%get3A_344, %get3A_345] {strides = array<i32>} : memref<64x768xf32, #tpu.memory_space<vmem>>, vector<1x16xf32>,
      %get3A_347 = vector.shape_cast %get3A_346 : vector<1x16xf32> to vector<16xf32>
      %mul3A_348 = arith.mulf %get3A_83, %get3A_347 : vector<16xf32>
      %add3A_349 = arith.addf %mul3A_343, %mul3A_348 : vector<16xf32>
      %swap3A_350 = arith.index_cast %scan3A_76 : i32 to index
      %swap3A_351 = arith.constant 256 : index
      %swap3A_352 = tpu.vector_load %arg12[%swap3A_350, %swap3A_351] {strides = array<i32>} : memref<64x768xf32, #tpu.memory_space<vmem>>, vector<1x16xf32>,
      %swap3A_353 = vector.shape_cast %swap3A_352 : vector<1x16xf32> to vector<16xf32>
      %swap3A_354 = vector.shape_cast %add3A_349 : vector<16xf32> to vector<1x16xf32>
      tpu.vector_store %arg12[%swap3A_350, %swap3A_351], %swap3A_354 {strides = array<i32>} : memref<64x768xf32, #tpu.memory_space<vmem>>, vector<1x16xf32>,
      %get3A_355 = arith.index_cast %scan3A_76 : i32 to index
      %get3A_356 = arith.constant 272 : index
      %get3A_357 = tpu.vector_load %arg12[%get3A_355, %get3A_356] {strides = array<i32>} : memref<64x768xf32, #tpu.memory_space<vmem>>, vector<1x16xf32>,
      %get3A_358 = vector.shape_cast %get3A_357 : vector<1x16xf32> to vector<16xf32>
      %mul3A_359 = arith.mulf %get3A_79, %get3A_358 : vector<16xf32>
      %get3A_360 = arith.index_cast %scan3A_76 : i32 to index
      %get3A_361 = arith.constant 272 : index
      %get3A_362 = tpu.vector_load %arg13[%get3A_360, %get3A_361] {strides = array<i32>} : memref<64x768xf32, #tpu.memory_space<vmem>>, vector<1x16xf32>,
      %get3A_363 = vector.shape_cast %get3A_362 : vector<1x16xf32> to vector<16xf32>
      %mul3A_364 = arith.mulf %get3A_83, %get3A_363 : vector<16xf32>
      %add3A_365 = arith.addf %mul3A_359, %mul3A_364 : vector<16xf32>
      %swap3A_366 = arith.index_cast %scan3A_76 : i32 to index
      %swap3A_367 = arith.constant 272 : index
      %swap3A_368 = tpu.vector_load %arg12[%swap3A_366, %swap3A_367] {strides = array<i32>} : memref<64x768xf32, #tpu.memory_space<vmem>>, vector<1x16xf32>,
      %swap3A_369 = vector.shape_cast %swap3A_368 : vector<1x16xf32> to vector<16xf32>
      %swap3A_370 = vector.shape_cast %add3A_365 : vector<16xf32> to vector<1x16xf32>
      tpu.vector_store %arg12[%swap3A_366, %swap3A_367], %swap3A_370 {strides = array<i32>} : memref<64x768xf32, #tpu.memory_space<vmem>>, vector<1x16xf32>,
      %get3A_371 = arith.index_cast %scan3A_76 : i32 to index
      %get3A_372 = arith.constant 288 : index
      %get3A_373 = tpu.vector_load %arg12[%get3A_371, %get3A_372] {strides = array<i32>} : memref<64x768xf32, #tpu.memory_space<vmem>>, vector<1x16xf32>,
      %get3A_374 = vector.shape_cast %get3A_373 : vector<1x16xf32> to vector<16xf32>
      %mul3A_375 = arith.mulf %get3A_79, %get3A_374 : vector<16xf32>
      %get3A_376 = arith.index_cast %scan3A_76 : i32 to index
      %get3A_377 = arith.constant 288 : index
      %get3A_378 = tpu.vector_load %arg13[%get3A_376, %get3A_377] {strides = array<i32>} : memref<64x768xf32, #tpu.memory_space<vmem>>, vector<1x16xf32>,
      %get3A_379 = vector.shape_cast %get3A_378 : vector<1x16xf32> to vector<16xf32>
      %mul3A_380 = arith.mulf %get3A_83, %get3A_379 : vector<16xf32>
      %add3A_381 = arith.addf %mul3A_375, %mul3A_380 : vector<16xf32>
      %swap3A_382 = arith.index_cast %scan3A_76 : i32 to index
      %swap3A_383 = arith.constant 288 : index
      %swap3A_384 = tpu.vector_load %arg12[%swap3A_382, %swap3A_383] {strides = array<i32>} : memref<64x768xf32, #tpu.memory_space<vmem>>, vector<1x16xf32>,
      %swap3A_385 = vector.shape_cast %swap3A_384 : vector<1x16xf32> to vector<16xf32>
      %swap3A_386 = vector.shape_cast %add3A_381 : vector<16xf32> to vector<1x16xf32>
      tpu.vector_store %arg12[%swap3A_382, %swap3A_383], %swap3A_386 {strides = array<i32>} : memref<64x768xf32, #tpu.memory_space<vmem>>, vector<1x16xf32>,
      %get3A_387 = arith.index_cast %scan3A_76 : i32 to index
      %get3A_388 = arith.constant 304 : index
      %get3A_389 = tpu.vector_load %arg12[%get3A_387, %get3A_388] {strides = array<i32>} : memref<64x768xf32, #tpu.memory_space<vmem>>, vector<1x16xf32>,
      %get3A_390 = vector.shape_cast %get3A_389 : vector<1x16xf32> to vector<16xf32>
      %mul3A_391 = arith.mulf %get3A_79, %get3A_390 : vector<16xf32>
      %get3A_392 = arith.index_cast %scan3A_76 : i32 to index
      %get3A_393 = arith.constant 304 : index
      %get3A_394 = tpu.vector_load %arg13[%get3A_392, %get3A_393] {strides = array<i32>} : memref<64x768xf32, #tpu.memory_space<vmem>>, vector<1x16xf32>,
      %get3A_395 = vector.shape_cast %get3A_394 : vector<1x16xf32> to vector<16xf32>
      %mul3A_396 = arith.mulf %get3A_83, %get3A_395 : vector<16xf32>
      %add3A_397 = arith.addf %mul3A_391, %mul3A_396 : vector<16xf32>
      %swap3A_398 = arith.index_cast %scan3A_76 : i32 to index
      %swap3A_399 = arith.constant 304 : index
      %swap3A_400 = tpu.vector_load %arg12[%swap3A_398, %swap3A_399] {strides = array<i32>} : memref<64x768xf32, #tpu.memory_space<vmem>>, vector<1x16xf32>,
      %swap3A_401 = vector.shape_cast %swap3A_400 : vector<1x16xf32> to vector<16xf32>
      %swap3A_402 = vector.shape_cast %add3A_397 : vector<16xf32> to vector<1x16xf32>
      tpu.vector_store %arg12[%swap3A_398, %swap3A_399], %swap3A_402 {strides = array<i32>} : memref<64x768xf32, #tpu.memory_space<vmem>>, vector<1x16xf32>,
      %get3A_403 = arith.index_cast %scan3A_76 : i32 to index
      %get3A_404 = arith.constant 320 : index
      %get3A_405 = tpu.vector_load %arg12[%get3A_403, %get3A_404] {strides = array<i32>} : memref<64x768xf32, #tpu.memory_space<vmem>>, vector<1x16xf32>,
      %get3A_406 = vector.shape_cast %get3A_405 : vector<1x16xf32> to vector<16xf32>
      %mul3A_407 = arith.mulf %get3A_79, %get3A_406 : vector<16xf32>
      %get3A_408 = arith.index_cast %scan3A_76 : i32 to index
      %get3A_409 = arith.constant 320 : index
      %get3A_410 = tpu.vector_load %arg13[%get3A_408, %get3A_409] {strides = array<i32>} : memref<64x768xf32, #tpu.memory_space<vmem>>, vector<1x16xf32>,
      %get3A_411 = vector.shape_cast %get3A_410 : vector<1x16xf32> to vector<16xf32>
      %mul3A_412 = arith.mulf %get3A_83, %get3A_411 : vector<16xf32>
      %add3A_413 = arith.addf %mul3A_407, %mul3A_412 : vector<16xf32>
      %swap3A_414 = arith.index_cast %scan3A_76 : i32 to index
      %swap3A_415 = arith.constant 320 : index
      %swap3A_416 = tpu.vector_load %arg12[%swap3A_414, %swap3A_415] {strides = array<i32>} : memref<64x768xf32, #tpu.memory_space<vmem>>, vector<1x16xf32>,
      %swap3A_417 = vector.shape_cast %swap3A_416 : vector<1x16xf32> to vector<16xf32>
      %swap3A_418 = vector.shape_cast %add3A_413 : vector<16xf32> to vector<1x16xf32>
      tpu.vector_store %arg12[%swap3A_414, %swap3A_415], %swap3A_418 {strides = array<i32>} : memref<64x768xf32, #tpu.memory_space<vmem>>, vector<1x16xf32>,
      %get3A_419 = arith.index_cast %scan3A_76 : i32 to index
      %get3A_420 = arith.constant 336 : index
      %get3A_421 = tpu.vector_load %arg12[%get3A_419, %get3A_420] {strides = array<i32>} : memref<64x768xf32, #tpu.memory_space<vmem>>, vector<1x16xf32>,
      %get3A_422 = vector.shape_cast %get3A_421 : vector<1x16xf32> to vector<16xf32>
      %mul3A_423 = arith.mulf %get3A_79, %get3A_422 : vector<16xf32>
      %get3A_424 = arith.index_cast %scan3A_76 : i32 to index
      %get3A_425 = arith.constant 336 : index
      %get3A_426 = tpu.vector_load %arg13[%get3A_424, %get3A_425] {strides = array<i32>} : memref<64x768xf32, #tpu.memory_space<vmem>>, vector<1x16xf32>,
      %get3A_427 = vector.shape_cast %get3A_426 : vector<1x16xf32> to vector<16xf32>
      %mul3A_428 = arith.mulf %get3A_83, %get3A_427 : vector<16xf32>
      %add3A_429 = arith.addf %mul3A_423, %mul3A_428 : vector<16xf32>
      %swap3A_430 = arith.index_cast %scan3A_76 : i32 to index
      %swap3A_431 = arith.constant 336 : index
      %swap3A_432 = tpu.vector_load %arg12[%swap3A_430, %swap3A_431] {strides = array<i32>} : memref<64x768xf32, #tpu.memory_space<vmem>>, vector<1x16xf32>,
      %swap3A_433 = vector.shape_cast %swap3A_432 : vector<1x16xf32> to vector<16xf32>
      %swap3A_434 = vector.shape_cast %add3A_429 : vector<16xf32> to vector<1x16xf32>
      tpu.vector_store %arg12[%swap3A_430, %swap3A_431], %swap3A_434 {strides = array<i32>} : memref<64x768xf32, #tpu.memory_space<vmem>>, vector<1x16xf32>,
      %get3A_435 = arith.index_cast %scan3A_76 : i32 to index
      %get3A_436 = arith.constant 352 : index
      %get3A_437 = tpu.vector_load %arg12[%get3A_435, %get3A_436] {strides = array<i32>} : memref<64x768xf32, #tpu.memory_space<vmem>>, vector<1x16xf32>,
      %get3A_438 = vector.shape_cast %get3A_437 : vector<1x16xf32> to vector<16xf32>
      %mul3A_439 = arith.mulf %get3A_79, %get3A_438 : vector<16xf32>
      %get3A_440 = arith.index_cast %scan3A_76 : i32 to index
      %get3A_441 = arith.constant 352 : index
      %get3A_442 = tpu.vector_load %arg13[%get3A_440, %get3A_441] {strides = array<i32>} : memref<64x768xf32, #tpu.memory_space<vmem>>, vector<1x16xf32>,
      %get3A_443 = vector.shape_cast %get3A_442 : vector<1x16xf32> to vector<16xf32>
      %mul3A_444 = arith.mulf %get3A_83, %get3A_443 : vector<16xf32>
      %add3A_445 = arith.addf %mul3A_439, %mul3A_444 : vector<16xf32>
      %swap3A_446 = arith.index_cast %scan3A_76 : i32 to index
      %swap3A_447 = arith.constant 352 : index
      %swap3A_448 = tpu.vector_load %arg12[%swap3A_446, %swap3A_447] {strides = array<i32>} : memref<64x768xf32, #tpu.memory_space<vmem>>, vector<1x16xf32>,
      %swap3A_449 = vector.shape_cast %swap3A_448 : vector<1x16xf32> to vector<16xf32>
      %swap3A_450 = vector.shape_cast %add3A_445 : vector<16xf32> to vector<1x16xf32>
      tpu.vector_store %arg12[%swap3A_446, %swap3A_447], %swap3A_450 {strides = array<i32>} : memref<64x768xf32, #tpu.memory_space<vmem>>, vector<1x16xf32>,
      %get3A_451 = arith.index_cast %scan3A_76 : i32 to index
      %get3A_452 = arith.constant 368 : index
      %get3A_453 = tpu.vector_load %arg12[%get3A_451, %get3A_452] {strides = array<i32>} : memref<64x768xf32, #tpu.memory_space<vmem>>, vector<1x16xf32>,
      %get3A_454 = vector.shape_cast %get3A_453 : vector<1x16xf32> to vector<16xf32>
      %mul3A_455 = arith.mulf %get3A_79, %get3A_454 : vector<16xf32>
      %get3A_456 = arith.index_cast %scan3A_76 : i32 to index
      %get3A_457 = arith.constant 368 : index
      %get3A_458 = tpu.vector_load %arg13[%get3A_456, %get3A_457] {strides = array<i32>} : memref<64x768xf32, #tpu.memory_space<vmem>>, vector<1x16xf32>,
      %get3A_459 = vector.shape_cast %get3A_458 : vector<1x16xf32> to vector<16xf32>
      %mul3A_460 = arith.mulf %get3A_83, %get3A_459 : vector<16xf32>
      %add3A_461 = arith.addf %mul3A_455, %mul3A_460 : vector<16xf32>
      %swap3A_462 = arith.index_cast %scan3A_76 : i32 to index
      %swap3A_463 = arith.constant 368 : index
      %swap3A_464 = tpu.vector_load %arg12[%swap3A_462, %swap3A_463] {strides = array<i32>} : memref<64x768xf32, #tpu.memory_space<vmem>>, vector<1x16xf32>,
      %swap3A_465 = vector.shape_cast %swap3A_464 : vector<1x16xf32> to vector<16xf32>
      %swap3A_466 = vector.shape_cast %add3A_461 : vector<16xf32> to vector<1x16xf32>
      tpu.vector_store %arg12[%swap3A_462, %swap3A_463], %swap3A_466 {strides = array<i32>} : memref<64x768xf32, #tpu.memory_space<vmem>>, vector<1x16xf32>,
      %get3A_467 = arith.index_cast %scan3A_76 : i32 to index
      %get3A_468 = arith.constant 384 : index
      %get3A_469 = tpu.vector_load %arg12[%get3A_467, %get3A_468] {strides = array<i32>} : memref<64x768xf32, #tpu.memory_space<vmem>>, vector<1x16xf32>,
      %get3A_470 = vector.shape_cast %get3A_469 : vector<1x16xf32> to vector<16xf32>
      %mul3A_471 = arith.mulf %get3A_79, %get3A_470 : vector<16xf32>
      %get3A_472 = arith.index_cast %scan3A_76 : i32 to index
      %get3A_473 = arith.constant 384 : index
      %get3A_474 = tpu.vector_load %arg13[%get3A_472, %get3A_473] {strides = array<i32>} : memref<64x768xf32, #tpu.memory_space<vmem>>, vector<1x16xf32>,
      %get3A_475 = vector.shape_cast %get3A_474 : vector<1x16xf32> to vector<16xf32>
      %mul3A_476 = arith.mulf %get3A_83, %get3A_475 : vector<16xf32>
      %add3A_477 = arith.addf %mul3A_471, %mul3A_476 : vector<16xf32>
      %swap3A_478 = arith.index_cast %scan3A_76 : i32 to index
      %swap3A_479 = arith.constant 384 : index
      %swap3A_480 = tpu.vector_load %arg12[%swap3A_478, %swap3A_479] {strides = array<i32>} : memref<64x768xf32, #tpu.memory_space<vmem>>, vector<1x16xf32>,
      %swap3A_481 = vector.shape_cast %swap3A_480 : vector<1x16xf32> to vector<16xf32>
      %swap3A_482 = vector.shape_cast %add3A_477 : vector<16xf32> to vector<1x16xf32>
      tpu.vector_store %arg12[%swap3A_478, %swap3A_479], %swap3A_482 {strides = array<i32>} : memref<64x768xf32, #tpu.memory_space<vmem>>, vector<1x16xf32>,
      %get3A_483 = arith.index_cast %scan3A_76 : i32 to index
      %get3A_484 = arith.constant 400 : index
      %get3A_485 = tpu.vector_load %arg12[%get3A_483, %get3A_484] {strides = array<i32>} : memref<64x768xf32, #tpu.memory_space<vmem>>, vector<1x16xf32>,
      %get3A_486 = vector.shape_cast %get3A_485 : vector<1x16xf32> to vector<16xf32>
      %mul3A_487 = arith.mulf %get3A_79, %get3A_486 : vector<16xf32>
      %get3A_488 = arith.index_cast %scan3A_76 : i32 to index
      %get3A_489 = arith.constant 400 : index
      %get3A_490 = tpu.vector_load %arg13[%get3A_488, %get3A_489] {strides = array<i32>} : memref<64x768xf32, #tpu.memory_space<vmem>>, vector<1x16xf32>,
      %get3A_491 = vector.shape_cast %get3A_490 : vector<1x16xf32> to vector<16xf32>
      %mul3A_492 = arith.mulf %get3A_83, %get3A_491 : vector<16xf32>
      %add3A_493 = arith.addf %mul3A_487, %mul3A_492 : vector<16xf32>
      %swap3A_494 = arith.index_cast %scan3A_76 : i32 to index
      %swap3A_495 = arith.constant 400 : index
      %swap3A_496 = tpu.vector_load %arg12[%swap3A_494, %swap3A_495] {strides = array<i32>} : memref<64x768xf32, #tpu.memory_space<vmem>>, vector<1x16xf32>,
      %swap3A_497 = vector.shape_cast %swap3A_496 : vector<1x16xf32> to vector<16xf32>
      %swap3A_498 = vector.shape_cast %add3A_493 : vector<16xf32> to vector<1x16xf32>
      tpu.vector_store %arg12[%swap3A_494, %swap3A_495], %swap3A_498 {strides = array<i32>} : memref<64x768xf32, #tpu.memory_space<vmem>>, vector<1x16xf32>,
      %get3A_499 = arith.index_cast %scan3A_76 : i32 to index
      %get3A_500 = arith.constant 416 : index
      %get3A_501 = tpu.vector_load %arg12[%get3A_499, %get3A_500] {strides = array<i32>} : memref<64x768xf32, #tpu.memory_space<vmem>>, vector<1x16xf32>,
      %get3A_502 = vector.shape_cast %get3A_501 : vector<1x16xf32> to vector<16xf32>
      %mul3A_503 = arith.mulf %get3A_79, %get3A_502 : vector<16xf32>
      %get3A_504 = arith.index_cast %scan3A_76 : i32 to index
      %get3A_505 = arith.constant 416 : index
      %get3A_506 = tpu.vector_load %arg13[%get3A_504, %get3A_505] {strides = array<i32>} : memref<64x768xf32, #tpu.memory_space<vmem>>, vector<1x16xf32>,
      %get3A_507 = vector.shape_cast %get3A_506 : vector<1x16xf32> to vector<16xf32>
      %mul3A_508 = arith.mulf %get3A_83, %get3A_507 : vector<16xf32>
      %add3A_509 = arith.addf %mul3A_503, %mul3A_508 : vector<16xf32>
      %swap3A_510 = arith.index_cast %scan3A_76 : i32 to index
      %swap3A_511 = arith.constant 416 : index
      %swap3A_512 = tpu.vector_load %arg12[%swap3A_510, %swap3A_511] {strides = array<i32>} : memref<64x768xf32, #tpu.memory_space<vmem>>, vector<1x16xf32>,
      %swap3A_513 = vector.shape_cast %swap3A_512 : vector<1x16xf32> to vector<16xf32>
      %swap3A_514 = vector.shape_cast %add3A_509 : vector<16xf32> to vector<1x16xf32>
      tpu.vector_store %arg12[%swap3A_510, %swap3A_511], %swap3A_514 {strides = array<i32>} : memref<64x768xf32, #tpu.memory_space<vmem>>, vector<1x16xf32>,
      %get3A_515 = arith.index_cast %scan3A_76 : i32 to index
      %get3A_516 = arith.constant 432 : index
      %get3A_517 = tpu.vector_load %arg12[%get3A_515, %get3A_516] {strides = array<i32>} : memref<64x768xf32, #tpu.memory_space<vmem>>, vector<1x16xf32>,
      %get3A_518 = vector.shape_cast %get3A_517 : vector<1x16xf32> to vector<16xf32>
      %mul3A_519 = arith.mulf %get3A_79, %get3A_518 : vector<16xf32>
      %get3A_520 = arith.index_cast %scan3A_76 : i32 to index
      %get3A_521 = arith.constant 432 : index
      %get3A_522 = tpu.vector_load %arg13[%get3A_520, %get3A_521] {strides = array<i32>} : memref<64x768xf32, #tpu.memory_space<vmem>>, vector<1x16xf32>,
      %get3A_523 = vector.shape_cast %get3A_522 : vector<1x16xf32> to vector<16xf32>
      %mul3A_524 = arith.mulf %get3A_83, %get3A_523 : vector<16xf32>
      %add3A_525 = arith.addf %mul3A_519, %mul3A_524 : vector<16xf32>
      %swap3A_526 = arith.index_cast %scan3A_76 : i32 to index
      %swap3A_527 = arith.constant 432 : index
      %swap3A_528 = tpu.vector_load %arg12[%swap3A_526, %swap3A_527] {strides = array<i32>} : memref<64x768xf32, #tpu.memory_space<vmem>>, vector<1x16xf32>,
      %swap3A_529 = vector.shape_cast %swap3A_528 : vector<1x16xf32> to vector<16xf32>
      %swap3A_530 = vector.shape_cast %add3A_525 : vector<16xf32> to vector<1x16xf32>
      tpu.vector_store %arg12[%swap3A_526, %swap3A_527], %swap3A_530 {strides = array<i32>} : memref<64x768xf32, #tpu.memory_space<vmem>>, vector<1x16xf32>,
      %get3A_531 = arith.index_cast %scan3A_76 : i32 to index
      %get3A_532 = arith.constant 448 : index
      %get3A_533 = tpu.vector_load %arg12[%get3A_531, %get3A_532] {strides = array<i32>} : memref<64x768xf32, #tpu.memory_space<vmem>>, vector<1x16xf32>,
      %get3A_534 = vector.shape_cast %get3A_533 : vector<1x16xf32> to vector<16xf32>
      %mul3A_535 = arith.mulf %get3A_79, %get3A_534 : vector<16xf32>
      %get3A_536 = arith.index_cast %scan3A_76 : i32 to index
      %get3A_537 = arith.constant 448 : index
      %get3A_538 = tpu.vector_load %arg13[%get3A_536, %get3A_537] {strides = array<i32>} : memref<64x768xf32, #tpu.memory_space<vmem>>, vector<1x16xf32>,
      %get3A_539 = vector.shape_cast %get3A_538 : vector<1x16xf32> to vector<16xf32>
      %mul3A_540 = arith.mulf %get3A_83, %get3A_539 : vector<16xf32>
      %add3A_541 = arith.addf %mul3A_535, %mul3A_540 : vector<16xf32>
      %swap3A_542 = arith.index_cast %scan3A_76 : i32 to index
      %swap3A_543 = arith.constant 448 : index
      %swap3A_544 = tpu.vector_load %arg12[%swap3A_542, %swap3A_543] {strides = array<i32>} : memref<64x768xf32, #tpu.memory_space<vmem>>, vector<1x16xf32>,
      %swap3A_545 = vector.shape_cast %swap3A_544 : vector<1x16xf32> to vector<16xf32>
      %swap3A_546 = vector.shape_cast %add3A_541 : vector<16xf32> to vector<1x16xf32>
      tpu.vector_store %arg12[%swap3A_542, %swap3A_543], %swap3A_546 {strides = array<i32>} : memref<64x768xf32, #tpu.memory_space<vmem>>, vector<1x16xf32>,
      %get3A_547 = arith.index_cast %scan3A_76 : i32 to index
      %get3A_548 = arith.constant 464 : index
      %get3A_549 = tpu.vector_load %arg12[%get3A_547, %get3A_548] {strides = array<i32>} : memref<64x768xf32, #tpu.memory_space<vmem>>, vector<1x16xf32>,
      %get3A_550 = vector.shape_cast %get3A_549 : vector<1x16xf32> to vector<16xf32>
      %mul3A_551 = arith.mulf %get3A_79, %get3A_550 : vector<16xf32>
      %get3A_552 = arith.index_cast %scan3A_76 : i32 to index
      %get3A_553 = arith.constant 464 : index
      %get3A_554 = tpu.vector_load %arg13[%get3A_552, %get3A_553] {strides = array<i32>} : memref<64x768xf32, #tpu.memory_space<vmem>>, vector<1x16xf32>,
      %get3A_555 = vector.shape_cast %get3A_554 : vector<1x16xf32> to vector<16xf32>
      %mul3A_556 = arith.mulf %get3A_83, %get3A_555 : vector<16xf32>
      %add3A_557 = arith.addf %mul3A_551, %mul3A_556 : vector<16xf32>
      %swap3A_558 = arith.index_cast %scan3A_76 : i32 to index
      %swap3A_559 = arith.constant 464 : index
      %swap3A_560 = tpu.vector_load %arg12[%swap3A_558, %swap3A_559] {strides = array<i32>} : memref<64x768xf32, #tpu.memory_space<vmem>>, vector<1x16xf32>,
      %swap3A_561 = vector.shape_cast %swap3A_560 : vector<1x16xf32> to vector<16xf32>
      %swap3A_562 = vector.shape_cast %add3A_557 : vector<16xf32> to vector<1x16xf32>
      tpu.vector_store %arg12[%swap3A_558, %swap3A_559], %swap3A_562 {strides = array<i32>} : memref<64x768xf32, #tpu.memory_space<vmem>>, vector<1x16xf32>,
      %get3A_563 = arith.index_cast %scan3A_76 : i32 to index
      %get3A_564 = arith.constant 480 : index
      %get3A_565 = tpu.vector_load %arg12[%get3A_563, %get3A_564] {strides = array<i32>} : memref<64x768xf32, #tpu.memory_space<vmem>>, vector<1x16xf32>,
      %get3A_566 = vector.shape_cast %get3A_565 : vector<1x16xf32> to vector<16xf32>
      %mul3A_567 = arith.mulf %get3A_79, %get3A_566 : vector<16xf32>
      %get3A_568 = arith.index_cast %scan3A_76 : i32 to index
      %get3A_569 = arith.constant 480 : index
      %get3A_570 = tpu.vector_load %arg13[%get3A_568, %get3A_569] {strides = array<i32>} : memref<64x768xf32, #tpu.memory_space<vmem>>, vector<1x16xf32>,
      %get3A_571 = vector.shape_cast %get3A_570 : vector<1x16xf32> to vector<16xf32>
      %mul3A_572 = arith.mulf %get3A_83, %get3A_571 : vector<16xf32>
      %add3A_573 = arith.addf %mul3A_567, %mul3A_572 : vector<16xf32>
      %swap3A_574 = arith.index_cast %scan3A_76 : i32 to index
      %swap3A_575 = arith.constant 480 : index
      %swap3A_576 = tpu.vector_load %arg12[%swap3A_574, %swap3A_575] {strides = array<i32>} : memref<64x768xf32, #tpu.memory_space<vmem>>, vector<1x16xf32>,
      %swap3A_577 = vector.shape_cast %swap3A_576 : vector<1x16xf32> to vector<16xf32>
      %swap3A_578 = vector.shape_cast %add3A_573 : vector<16xf32> to vector<1x16xf32>
      tpu.vector_store %arg12[%swap3A_574, %swap3A_575], %swap3A_578 {strides = array<i32>} : memref<64x768xf32, #tpu.memory_space<vmem>>, vector<1x16xf32>,
      %get3A_579 = arith.index_cast %scan3A_76 : i32 to index
      %get3A_580 = arith.constant 496 : index
      %get3A_581 = tpu.vector_load %arg12[%get3A_579, %get3A_580] {strides = array<i32>} : memref<64x768xf32, #tpu.memory_space<vmem>>, vector<1x16xf32>,
      %get3A_582 = vector.shape_cast %get3A_581 : vector<1x16xf32> to vector<16xf32>
      %mul3A_583 = arith.mulf %get3A_79, %get3A_582 : vector<16xf32>
      %get3A_584 = arith.index_cast %scan3A_76 : i32 to index
      %get3A_585 = arith.constant 496 : index
      %get3A_586 = tpu.vector_load %arg13[%get3A_584, %get3A_585] {strides = array<i32>} : memref<64x768xf32, #tpu.memory_space<vmem>>, vector<1x16xf32>,
      %get3A_587 = vector.shape_cast %get3A_586 : vector<1x16xf32> to vector<16xf32>
      %mul3A_588 = arith.mulf %get3A_83, %get3A_587 : vector<16xf32>
      %add3A_589 = arith.addf %mul3A_583, %mul3A_588 : vector<16xf32>
      %swap3A_590 = arith.index_cast %scan3A_76 : i32 to index
      %swap3A_591 = arith.constant 496 : index
      %swap3A_592 = tpu.vector_load %arg12[%swap3A_590, %swap3A_591] {strides = array<i32>} : memref<64x768xf32, #tpu.memory_space<vmem>>, vector<1x16xf32>,
      %swap3A_593 = vector.shape_cast %swap3A_592 : vector<1x16xf32> to vector<16xf32>
      %swap3A_594 = vector.shape_cast %add3A_589 : vector<16xf32> to vector<1x16xf32>
      tpu.vector_store %arg12[%swap3A_590, %swap3A_591], %swap3A_594 {strides = array<i32>} : memref<64x768xf32, #tpu.memory_space<vmem>>, vector<1x16xf32>,
      %get3A_595 = arith.index_cast %scan3A_76 : i32 to index
      %get3A_596 = arith.constant 512 : index
      %get3A_597 = tpu.vector_load %arg12[%get3A_595, %get3A_596] {strides = array<i32>} : memref<64x768xf32, #tpu.memory_space<vmem>>, vector<1x16xf32>,
      %get3A_598 = vector.shape_cast %get3A_597 : vector<1x16xf32> to vector<16xf32>
      %mul3A_599 = arith.mulf %get3A_79, %get3A_598 : vector<16xf32>
      %get3A_600 = arith.index_cast %scan3A_76 : i32 to index
      %get3A_601 = arith.constant 512 : index
      %get3A_602 = tpu.vector_load %arg13[%get3A_600, %get3A_601] {strides = array<i32>} : memref<64x768xf32, #tpu.memory_space<vmem>>, vector<1x16xf32>,
      %get3A_603 = vector.shape_cast %get3A_602 : vector<1x16xf32> to vector<16xf32>
      %mul3A_604 = arith.mulf %get3A_83, %get3A_603 : vector<16xf32>
      %add3A_605 = arith.addf %mul3A_599, %mul3A_604 : vector<16xf32>
      %swap3A_606 = arith.index_cast %scan3A_76 : i32 to index
      %swap3A_607 = arith.constant 512 : index
      %swap3A_608 = tpu.vector_load %arg12[%swap3A_606, %swap3A_607] {strides = array<i32>} : memref<64x768xf32, #tpu.memory_space<vmem>>, vector<1x16xf32>,
      %swap3A_609 = vector.shape_cast %swap3A_608 : vector<1x16xf32> to vector<16xf32>
      %swap3A_610 = vector.shape_cast %add3A_605 : vector<16xf32> to vector<1x16xf32>
      tpu.vector_store %arg12[%swap3A_606, %swap3A_607], %swap3A_610 {strides = array<i32>} : memref<64x768xf32, #tpu.memory_space<vmem>>, vector<1x16xf32>,
      %get3A_611 = arith.index_cast %scan3A_76 : i32 to index
      %get3A_612 = arith.constant 528 : index
      %get3A_613 = tpu.vector_load %arg12[%get3A_611, %get3A_612] {strides = array<i32>} : memref<64x768xf32, #tpu.memory_space<vmem>>, vector<1x16xf32>,
      %get3A_614 = vector.shape_cast %get3A_613 : vector<1x16xf32> to vector<16xf32>
      %mul3A_615 = arith.mulf %get3A_79, %get3A_614 : vector<16xf32>
      %get3A_616 = arith.index_cast %scan3A_76 : i32 to index
      %get3A_617 = arith.constant 528 : index
      %get3A_618 = tpu.vector_load %arg13[%get3A_616, %get3A_617] {strides = array<i32>} : memref<64x768xf32, #tpu.memory_space<vmem>>, vector<1x16xf32>,
      %get3A_619 = vector.shape_cast %get3A_618 : vector<1x16xf32> to vector<16xf32>
      %mul3A_620 = arith.mulf %get3A_83, %get3A_619 : vector<16xf32>
      %add3A_621 = arith.addf %mul3A_615, %mul3A_620 : vector<16xf32>
      %swap3A_622 = arith.index_cast %scan3A_76 : i32 to index
      %swap3A_623 = arith.constant 528 : index
      %swap3A_624 = tpu.vector_load %arg12[%swap3A_622, %swap3A_623] {strides = array<i32>} : memref<64x768xf32, #tpu.memory_space<vmem>>, vector<1x16xf32>,
      %swap3A_625 = vector.shape_cast %swap3A_624 : vector<1x16xf32> to vector<16xf32>
      %swap3A_626 = vector.shape_cast %add3A_621 : vector<16xf32> to vector<1x16xf32>
      tpu.vector_store %arg12[%swap3A_622, %swap3A_623], %swap3A_626 {strides = array<i32>} : memref<64x768xf32, #tpu.memory_space<vmem>>, vector<1x16xf32>,
      %get3A_627 = arith.index_cast %scan3A_76 : i32 to index
      %get3A_628 = arith.constant 544 : index
      %get3A_629 = tpu.vector_load %arg12[%get3A_627, %get3A_628] {strides = array<i32>} : memref<64x768xf32, #tpu.memory_space<vmem>>, vector<1x16xf32>,
      %get3A_630 = vector.shape_cast %get3A_629 : vector<1x16xf32> to vector<16xf32>
      %mul3A_631 = arith.mulf %get3A_79, %get3A_630 : vector<16xf32>
      %get3A_632 = arith.index_cast %scan3A_76 : i32 to index
      %get3A_633 = arith.constant 544 : index
      %get3A_634 = tpu.vector_load %arg13[%get3A_632, %get3A_633] {strides = array<i32>} : memref<64x768xf32, #tpu.memory_space<vmem>>, vector<1x16xf32>,
      %get3A_635 = vector.shape_cast %get3A_634 : vector<1x16xf32> to vector<16xf32>
      %mul3A_636 = arith.mulf %get3A_83, %get3A_635 : vector<16xf32>
      %add3A_637 = arith.addf %mul3A_631, %mul3A_636 : vector<16xf32>
      %swap3A_638 = arith.index_cast %scan3A_76 : i32 to index
      %swap3A_639 = arith.constant 544 : index
      %swap3A_640 = tpu.vector_load %arg12[%swap3A_638, %swap3A_639] {strides = array<i32>} : memref<64x768xf32, #tpu.memory_space<vmem>>, vector<1x16xf32>,
      %swap3A_641 = vector.shape_cast %swap3A_640 : vector<1x16xf32> to vector<16xf32>
      %swap3A_642 = vector.shape_cast %add3A_637 : vector<16xf32> to vector<1x16xf32>
      tpu.vector_store %arg12[%swap3A_638, %swap3A_639], %swap3A_642 {strides = array<i32>} : memref<64x768xf32, #tpu.memory_space<vmem>>, vector<1x16xf32>,
      %get3A_643 = arith.index_cast %scan3A_76 : i32 to index
      %get3A_644 = arith.constant 560 : index
      %get3A_645 = tpu.vector_load %arg12[%get3A_643, %get3A_644] {strides = array<i32>} : memref<64x768xf32, #tpu.memory_space<vmem>>, vector<1x16xf32>,
      %get3A_646 = vector.shape_cast %get3A_645 : vector<1x16xf32> to vector<16xf32>
      %mul3A_647 = arith.mulf %get3A_79, %get3A_646 : vector<16xf32>
      %get3A_648 = arith.index_cast %scan3A_76 : i32 to index
      %get3A_649 = arith.constant 560 : index
      %get3A_650 = tpu.vector_load %arg13[%get3A_648, %get3A_649] {strides = array<i32>} : memref<64x768xf32, #tpu.memory_space<vmem>>, vector<1x16xf32>,
      %get3A_651 = vector.shape_cast %get3A_650 : vector<1x16xf32> to vector<16xf32>
      %mul3A_652 = arith.mulf %get3A_83, %get3A_651 : vector<16xf32>
      %add3A_653 = arith.addf %mul3A_647, %mul3A_652 : vector<16xf32>
      %swap3A_654 = arith.index_cast %scan3A_76 : i32 to index
      %swap3A_655 = arith.constant 560 : index
      %swap3A_656 = tpu.vector_load %arg12[%swap3A_654, %swap3A_655] {strides = array<i32>} : memref<64x768xf32, #tpu.memory_space<vmem>>, vector<1x16xf32>,
      %swap3A_657 = vector.shape_cast %swap3A_656 : vector<1x16xf32> to vector<16xf32>
      %swap3A_658 = vector.shape_cast %add3A_653 : vector<16xf32> to vector<1x16xf32>
      tpu.vector_store %arg12[%swap3A_654, %swap3A_655], %swap3A_658 {strides = array<i32>} : memref<64x768xf32, #tpu.memory_space<vmem>>, vector<1x16xf32>,
      %get3A_659 = arith.index_cast %scan3A_76 : i32 to index
      %get3A_660 = arith.constant 576 : index
      %get3A_661 = tpu.vector_load %arg12[%get3A_659, %get3A_660] {strides = array<i32>} : memref<64x768xf32, #tpu.memory_space<vmem>>, vector<1x16xf32>,
      %get3A_662 = vector.shape_cast %get3A_661 : vector<1x16xf32> to vector<16xf32>
      %mul3A_663 = arith.mulf %get3A_79, %get3A_662 : vector<16xf32>
      %get3A_664 = arith.index_cast %scan3A_76 : i32 to index
      %get3A_665 = arith.constant 576 : index
      %get3A_666 = tpu.vector_load %arg13[%get3A_664, %get3A_665] {strides = array<i32>} : memref<64x768xf32, #tpu.memory_space<vmem>>, vector<1x16xf32>,
      %get3A_667 = vector.shape_cast %get3A_666 : vector<1x16xf32> to vector<16xf32>
      %mul3A_668 = arith.mulf %get3A_83, %get3A_667 : vector<16xf32>
      %add3A_669 = arith.addf %mul3A_663, %mul3A_668 : vector<16xf32>
      %swap3A_670 = arith.index_cast %scan3A_76 : i32 to index
      %swap3A_671 = arith.constant 576 : index
      %swap3A_672 = tpu.vector_load %arg12[%swap3A_670, %swap3A_671] {strides = array<i32>} : memref<64x768xf32, #tpu.memory_space<vmem>>, vector<1x16xf32>,
      %swap3A_673 = vector.shape_cast %swap3A_672 : vector<1x16xf32> to vector<16xf32>
      %swap3A_674 = vector.shape_cast %add3A_669 : vector<16xf32> to vector<1x16xf32>
      tpu.vector_store %arg12[%swap3A_670, %swap3A_671], %swap3A_674 {strides = array<i32>} : memref<64x768xf32, #tpu.memory_space<vmem>>, vector<1x16xf32>,
      %get3A_675 = arith.index_cast %scan3A_76 : i32 to index
      %get3A_676 = arith.constant 592 : index
      %get3A_677 = tpu.vector_load %arg12[%get3A_675, %get3A_676] {strides = array<i32>} : memref<64x768xf32, #tpu.memory_space<vmem>>, vector<1x16xf32>,
      %get3A_678 = vector.shape_cast %get3A_677 : vector<1x16xf32> to vector<16xf32>
      %mul3A_679 = arith.mulf %get3A_79, %get3A_678 : vector<16xf32>
      %get3A_680 = arith.index_cast %scan3A_76 : i32 to index
      %get3A_681 = arith.constant 592 : index
      %get3A_682 = tpu.vector_load %arg13[%get3A_680, %get3A_681] {strides = array<i32>} : memref<64x768xf32, #tpu.memory_space<vmem>>, vector<1x16xf32>,
      %get3A_683 = vector.shape_cast %get3A_682 : vector<1x16xf32> to vector<16xf32>
      %mul3A_684 = arith.mulf %get3A_83, %get3A_683 : vector<16xf32>
      %add3A_685 = arith.addf %mul3A_679, %mul3A_684 : vector<16xf32>
      %swap3A_686 = arith.index_cast %scan3A_76 : i32 to index
      %swap3A_687 = arith.constant 592 : index
      %swap3A_688 = tpu.vector_load %arg12[%swap3A_686, %swap3A_687] {strides = array<i32>} : memref<64x768xf32, #tpu.memory_space<vmem>>, vector<1x16xf32>,
      %swap3A_689 = vector.shape_cast %swap3A_688 : vector<1x16xf32> to vector<16xf32>
      %swap3A_690 = vector.shape_cast %add3A_685 : vector<16xf32> to vector<1x16xf32>
      tpu.vector_store %arg12[%swap3A_686, %swap3A_687], %swap3A_690 {strides = array<i32>} : memref<64x768xf32, #tpu.memory_space<vmem>>, vector<1x16xf32>,
      %get3A_691 = arith.index_cast %scan3A_76 : i32 to index
      %get3A_692 = arith.constant 608 : index
      %get3A_693 = tpu.vector_load %arg12[%get3A_691, %get3A_692] {strides = array<i32>} : memref<64x768xf32, #tpu.memory_space<vmem>>, vector<1x16xf32>,
      %get3A_694 = vector.shape_cast %get3A_693 : vector<1x16xf32> to vector<16xf32>
      %mul3A_695 = arith.mulf %get3A_79, %get3A_694 : vector<16xf32>
      %get3A_696 = arith.index_cast %scan3A_76 : i32 to index
      %get3A_697 = arith.constant 608 : index
      %get3A_698 = tpu.vector_load %arg13[%get3A_696, %get3A_697] {strides = array<i32>} : memref<64x768xf32, #tpu.memory_space<vmem>>, vector<1x16xf32>,
      %get3A_699 = vector.shape_cast %get3A_698 : vector<1x16xf32> to vector<16xf32>
      %mul3A_700 = arith.mulf %get3A_83, %get3A_699 : vector<16xf32>
      %add3A_701 = arith.addf %mul3A_695, %mul3A_700 : vector<16xf32>
      %swap3A_702 = arith.index_cast %scan3A_76 : i32 to index
      %swap3A_703 = arith.constant 608 : index
      %swap3A_704 = tpu.vector_load %arg12[%swap3A_702, %swap3A_703] {strides = array<i32>} : memref<64x768xf32, #tpu.memory_space<vmem>>, vector<1x16xf32>,
      %swap3A_705 = vector.shape_cast %swap3A_704 : vector<1x16xf32> to vector<16xf32>
      %swap3A_706 = vector.shape_cast %add3A_701 : vector<16xf32> to vector<1x16xf32>
      tpu.vector_store %arg12[%swap3A_702, %swap3A_703], %swap3A_706 {strides = array<i32>} : memref<64x768xf32, #tpu.memory_space<vmem>>, vector<1x16xf32>,
      %get3A_707 = arith.index_cast %scan3A_76 : i32 to index
      %get3A_708 = arith.constant 624 : index
      %get3A_709 = tpu.vector_load %arg12[%get3A_707, %get3A_708] {strides = array<i32>} : memref<64x768xf32, #tpu.memory_space<vmem>>, vector<1x16xf32>,
      %get3A_710 = vector.shape_cast %get3A_709 : vector<1x16xf32> to vector<16xf32>
      %mul3A_711 = arith.mulf %get3A_79, %get3A_710 : vector<16xf32>
      %get3A_712 = arith.index_cast %scan3A_76 : i32 to index
      %get3A_713 = arith.constant 624 : index
      %get3A_714 = tpu.vector_load %arg13[%get3A_712, %get3A_713] {strides = array<i32>} : memref<64x768xf32, #tpu.memory_space<vmem>>, vector<1x16xf32>,
      %get3A_715 = vector.shape_cast %get3A_714 : vector<1x16xf32> to vector<16xf32>
      %mul3A_716 = arith.mulf %get3A_83, %get3A_715 : vector<16xf32>
      %add3A_717 = arith.addf %mul3A_711, %mul3A_716 : vector<16xf32>
      %swap3A_718 = arith.index_cast %scan3A_76 : i32 to index
      %swap3A_719 = arith.constant 624 : index
      %swap3A_720 = tpu.vector_load %arg12[%swap3A_718, %swap3A_719] {strides = array<i32>} : memref<64x768xf32, #tpu.memory_space<vmem>>, vector<1x16xf32>,
      %swap3A_721 = vector.shape_cast %swap3A_720 : vector<1x16xf32> to vector<16xf32>
      %swap3A_722 = vector.shape_cast %add3A_717 : vector<16xf32> to vector<1x16xf32>
      tpu.vector_store %arg12[%swap3A_718, %swap3A_719], %swap3A_722 {strides = array<i32>} : memref<64x768xf32, #tpu.memory_space<vmem>>, vector<1x16xf32>,
      %get3A_723 = arith.index_cast %scan3A_76 : i32 to index
      %get3A_724 = arith.constant 640 : index
      %get3A_725 = tpu.vector_load %arg12[%get3A_723, %get3A_724] {strides = array<i32>} : memref<64x768xf32, #tpu.memory_space<vmem>>, vector<1x16xf32>,
      %get3A_726 = vector.shape_cast %get3A_725 : vector<1x16xf32> to vector<16xf32>
      %mul3A_727 = arith.mulf %get3A_79, %get3A_726 : vector<16xf32>
      %get3A_728 = arith.index_cast %scan3A_76 : i32 to index
      %get3A_729 = arith.constant 640 : index
      %get3A_730 = tpu.vector_load %arg13[%get3A_728, %get3A_729] {strides = array<i32>} : memref<64x768xf32, #tpu.memory_space<vmem>>, vector<1x16xf32>,
      %get3A_731 = vector.shape_cast %get3A_730 : vector<1x16xf32> to vector<16xf32>
      %mul3A_732 = arith.mulf %get3A_83, %get3A_731 : vector<16xf32>
      %add3A_733 = arith.addf %mul3A_727, %mul3A_732 : vector<16xf32>
      %swap3A_734 = arith.index_cast %scan3A_76 : i32 to index
      %swap3A_735 = arith.constant 640 : index
      %swap3A_736 = tpu.vector_load %arg12[%swap3A_734, %swap3A_735] {strides = array<i32>} : memref<64x768xf32, #tpu.memory_space<vmem>>, vector<1x16xf32>,
      %swap3A_737 = vector.shape_cast %swap3A_736 : vector<1x16xf32> to vector<16xf32>
      %swap3A_738 = vector.shape_cast %add3A_733 : vector<16xf32> to vector<1x16xf32>
      tpu.vector_store %arg12[%swap3A_734, %swap3A_735], %swap3A_738 {strides = array<i32>} : memref<64x768xf32, #tpu.memory_space<vmem>>, vector<1x16xf32>,
      %get3A_739 = arith.index_cast %scan3A_76 : i32 to index
      %get3A_740 = arith.constant 656 : index
      %get3A_741 = tpu.vector_load %arg12[%get3A_739, %get3A_740] {strides = array<i32>} : memref<64x768xf32, #tpu.memory_space<vmem>>, vector<1x16xf32>,
      %get3A_742 = vector.shape_cast %get3A_741 : vector<1x16xf32> to vector<16xf32>
      %mul3A_743 = arith.mulf %get3A_79, %get3A_742 : vector<16xf32>
      %get3A_744 = arith.index_cast %scan3A_76 : i32 to index
      %get3A_745 = arith.constant 656 : index
      %get3A_746 = tpu.vector_load %arg13[%get3A_744, %get3A_745] {strides = array<i32>} : memref<64x768xf32, #tpu.memory_space<vmem>>, vector<1x16xf32>,
      %get3A_747 = vector.shape_cast %get3A_746 : vector<1x16xf32> to vector<16xf32>
      %mul3A_748 = arith.mulf %get3A_83, %get3A_747 : vector<16xf32>
      %add3A_749 = arith.addf %mul3A_743, %mul3A_748 : vector<16xf32>
      %swap3A_750 = arith.index_cast %scan3A_76 : i32 to index
      %swap3A_751 = arith.constant 656 : index
      %swap3A_752 = tpu.vector_load %arg12[%swap3A_750, %swap3A_751] {strides = array<i32>} : memref<64x768xf32, #tpu.memory_space<vmem>>, vector<1x16xf32>,
      %swap3A_753 = vector.shape_cast %swap3A_752 : vector<1x16xf32> to vector<16xf32>
      %swap3A_754 = vector.shape_cast %add3A_749 : vector<16xf32> to vector<1x16xf32>
      tpu.vector_store %arg12[%swap3A_750, %swap3A_751], %swap3A_754 {strides = array<i32>} : memref<64x768xf32, #tpu.memory_space<vmem>>, vector<1x16xf32>,
      %get3A_755 = arith.index_cast %scan3A_76 : i32 to index
      %get3A_756 = arith.constant 672 : index
      %get3A_757 = tpu.vector_load %arg12[%get3A_755, %get3A_756] {strides = array<i32>} : memref<64x768xf32, #tpu.memory_space<vmem>>, vector<1x16xf32>,
      %get3A_758 = vector.shape_cast %get3A_757 : vector<1x16xf32> to vector<16xf32>
      %mul3A_759 = arith.mulf %get3A_79, %get3A_758 : vector<16xf32>
      %get3A_760 = arith.index_cast %scan3A_76 : i32 to index
      %get3A_761 = arith.constant 672 : index
      %get3A_762 = tpu.vector_load %arg13[%get3A_760, %get3A_761] {strides = array<i32>} : memref<64x768xf32, #tpu.memory_space<vmem>>, vector<1x16xf32>,
      %get3A_763 = vector.shape_cast %get3A_762 : vector<1x16xf32> to vector<16xf32>
      %mul3A_764 = arith.mulf %get3A_83, %get3A_763 : vector<16xf32>
      %add3A_765 = arith.addf %mul3A_759, %mul3A_764 : vector<16xf32>
      %swap3A_766 = arith.index_cast %scan3A_76 : i32 to index
      %swap3A_767 = arith.constant 672 : index
      %swap3A_768 = tpu.vector_load %arg12[%swap3A_766, %swap3A_767] {strides = array<i32>} : memref<64x768xf32, #tpu.memory_space<vmem>>, vector<1x16xf32>,
      %swap3A_769 = vector.shape_cast %swap3A_768 : vector<1x16xf32> to vector<16xf32>
      %swap3A_770 = vector.shape_cast %add3A_765 : vector<16xf32> to vector<1x16xf32>
      tpu.vector_store %arg12[%swap3A_766, %swap3A_767], %swap3A_770 {strides = array<i32>} : memref<64x768xf32, #tpu.memory_space<vmem>>, vector<1x16xf32>,
      %get3A_771 = arith.index_cast %scan3A_76 : i32 to index
      %get3A_772 = arith.constant 688 : index
      %get3A_773 = tpu.vector_load %arg12[%get3A_771, %get3A_772] {strides = array<i32>} : memref<64x768xf32, #tpu.memory_space<vmem>>, vector<1x16xf32>,
      %get3A_774 = vector.shape_cast %get3A_773 : vector<1x16xf32> to vector<16xf32>
      %mul3A_775 = arith.mulf %get3A_79, %get3A_774 : vector<16xf32>
      %get3A_776 = arith.index_cast %scan3A_76 : i32 to index
      %get3A_777 = arith.constant 688 : index
      %get3A_778 = tpu.vector_load %arg13[%get3A_776, %get3A_777] {strides = array<i32>} : memref<64x768xf32, #tpu.memory_space<vmem>>, vector<1x16xf32>,
      %get3A_779 = vector.shape_cast %get3A_778 : vector<1x16xf32> to vector<16xf32>
      %mul3A_780 = arith.mulf %get3A_83, %get3A_779 : vector<16xf32>
      %add3A_781 = arith.addf %mul3A_775, %mul3A_780 : vector<16xf32>
      %swap3A_782 = arith.index_cast %scan3A_76 : i32 to index
      %swap3A_783 = arith.constant 688 : index
      %swap3A_784 = tpu.vector_load %arg12[%swap3A_782, %swap3A_783] {strides = array<i32>} : memref<64x768xf32, #tpu.memory_space<vmem>>, vector<1x16xf32>,
      %swap3A_785 = vector.shape_cast %swap3A_784 : vector<1x16xf32> to vector<16xf32>
      %swap3A_786 = vector.shape_cast %add3A_781 : vector<16xf32> to vector<1x16xf32>
      tpu.vector_store %arg12[%swap3A_782, %swap3A_783], %swap3A_786 {strides = array<i32>} : memref<64x768xf32, #tpu.memory_space<vmem>>, vector<1x16xf32>,
      %get3A_787 = arith.index_cast %scan3A_76 : i32 to index
      %get3A_788 = arith.constant 704 : index
      %get3A_789 = tpu.vector_load %arg12[%get3A_787, %get3A_788] {strides = array<i32>} : memref<64x768xf32, #tpu.memory_space<vmem>>, vector<1x16xf32>,
      %get3A_790 = vector.shape_cast %get3A_789 : vector<1x16xf32> to vector<16xf32>
      %mul3A_791 = arith.mulf %get3A_79, %get3A_790 : vector<16xf32>
      %get3A_792 = arith.index_cast %scan3A_76 : i32 to index
      %get3A_793 = arith.constant 704 : index
      %get3A_794 = tpu.vector_load %arg13[%get3A_792, %get3A_793] {strides = array<i32>} : memref<64x768xf32, #tpu.memory_space<vmem>>, vector<1x16xf32>,
      %get3A_795 = vector.shape_cast %get3A_794 : vector<1x16xf32> to vector<16xf32>
      %mul3A_796 = arith.mulf %get3A_83, %get3A_795 : vector<16xf32>
      %add3A_797 = arith.addf %mul3A_791, %mul3A_796 : vector<16xf32>
      %swap3A_798 = arith.index_cast %scan3A_76 : i32 to index
      %swap3A_799 = arith.constant 704 : index
      %swap3A_800 = tpu.vector_load %arg12[%swap3A_798, %swap3A_799] {strides = array<i32>} : memref<64x768xf32, #tpu.memory_space<vmem>>, vector<1x16xf32>,
      %swap3A_801 = vector.shape_cast %swap3A_800 : vector<1x16xf32> to vector<16xf32>
      %swap3A_802 = vector.shape_cast %add3A_797 : vector<16xf32> to vector<1x16xf32>
      tpu.vector_store %arg12[%swap3A_798, %swap3A_799], %swap3A_802 {strides = array<i32>} : memref<64x768xf32, #tpu.memory_space<vmem>>, vector<1x16xf32>,
      %get3A_803 = arith.index_cast %scan3A_76 : i32 to index
      %get3A_804 = arith.constant 720 : index
      %get3A_805 = tpu.vector_load %arg12[%get3A_803, %get3A_804] {strides = array<i32>} : memref<64x768xf32, #tpu.memory_space<vmem>>, vector<1x16xf32>,
      %get3A_806 = vector.shape_cast %get3A_805 : vector<1x16xf32> to vector<16xf32>
      %mul3A_807 = arith.mulf %get3A_79, %get3A_806 : vector<16xf32>
      %get3A_808 = arith.index_cast %scan3A_76 : i32 to index
      %get3A_809 = arith.constant 720 : index
      %get3A_810 = tpu.vector_load %arg13[%get3A_808, %get3A_809] {strides = array<i32>} : memref<64x768xf32, #tpu.memory_space<vmem>>, vector<1x16xf32>,
      %get3A_811 = vector.shape_cast %get3A_810 : vector<1x16xf32> to vector<16xf32>
      %mul3A_812 = arith.mulf %get3A_83, %get3A_811 : vector<16xf32>
      %add3A_813 = arith.addf %mul3A_807, %mul3A_812 : vector<16xf32>
      %swap3A_814 = arith.index_cast %scan3A_76 : i32 to index
      %swap3A_815 = arith.constant 720 : index
      %swap3A_816 = tpu.vector_load %arg12[%swap3A_814, %swap3A_815] {strides = array<i32>} : memref<64x768xf32, #tpu.memory_space<vmem>>, vector<1x16xf32>,
      %swap3A_817 = vector.shape_cast %swap3A_816 : vector<1x16xf32> to vector<16xf32>
      %swap3A_818 = vector.shape_cast %add3A_813 : vector<16xf32> to vector<1x16xf32>
      tpu.vector_store %arg12[%swap3A_814, %swap3A_815], %swap3A_818 {strides = array<i32>} : memref<64x768xf32, #tpu.memory_space<vmem>>, vector<1x16xf32>,
      %get3A_819 = arith.index_cast %scan3A_76 : i32 to index
      %get3A_820 = arith.constant 736 : index
      %get3A_821 = tpu.vector_load %arg12[%get3A_819, %get3A_820] {strides = array<i32>} : memref<64x768xf32, #tpu.memory_space<vmem>>, vector<1x16xf32>,
      %get3A_822 = vector.shape_cast %get3A_821 : vector<1x16xf32> to vector<16xf32>
      %mul3A_823 = arith.mulf %get3A_79, %get3A_822 : vector<16xf32>
      %get3A_824 = arith.index_cast %scan3A_76 : i32 to index
      %get3A_825 = arith.constant 736 : index
      %get3A_826 = tpu.vector_load %arg13[%get3A_824, %get3A_825] {strides = array<i32>} : memref<64x768xf32, #tpu.memory_space<vmem>>, vector<1x16xf32>,
      %get3A_827 = vector.shape_cast %get3A_826 : vector<1x16xf32> to vector<16xf32>
      %mul3A_828 = arith.mulf %get3A_83, %get3A_827 : vector<16xf32>
      %add3A_829 = arith.addf %mul3A_823, %mul3A_828 : vector<16xf32>
      %swap3A_830 = arith.index_cast %scan3A_76 : i32 to index
      %swap3A_831 = arith.constant 736 : index
      %swap3A_832 = tpu.vector_load %arg12[%swap3A_830, %swap3A_831] {strides = array<i32>} : memref<64x768xf32, #tpu.memory_space<vmem>>, vector<1x16xf32>,
      %swap3A_833 = vector.shape_cast %swap3A_832 : vector<1x16xf32> to vector<16xf32>
      %swap3A_834 = vector.shape_cast %add3A_829 : vector<16xf32> to vector<1x16xf32>
      tpu.vector_store %arg12[%swap3A_830, %swap3A_831], %swap3A_834 {strides = array<i32>} : memref<64x768xf32, #tpu.memory_space<vmem>>, vector<1x16xf32>,
      %get3A_835 = arith.index_cast %scan3A_76 : i32 to index
      %get3A_836 = arith.constant 752 : index
      %get3A_837 = tpu.vector_load %arg12[%get3A_835, %get3A_836] {strides = array<i32>} : memref<64x768xf32, #tpu.memory_space<vmem>>, vector<1x16xf32>,
      %get3A_838 = vector.shape_cast %get3A_837 : vector<1x16xf32> to vector<16xf32>
      %mul3A_839 = arith.mulf %get3A_79, %get3A_838 : vector<16xf32>
      %get3A_840 = arith.index_cast %scan3A_76 : i32 to index
      %get3A_841 = arith.constant 752 : index
      %get3A_842 = tpu.vector_load %arg13[%get3A_840, %get3A_841] {strides = array<i32>} : memref<64x768xf32, #tpu.memory_space<vmem>>, vector<1x16xf32>,
      %get3A_843 = vector.shape_cast %get3A_842 : vector<1x16xf32> to vector<16xf32>
      %mul3A_844 = arith.mulf %get3A_83, %get3A_843 : vector<16xf32>
      %add3A_845 = arith.addf %mul3A_839, %mul3A_844 : vector<16xf32>
      %swap3A_846 = arith.index_cast %scan3A_76 : i32 to index
      %swap3A_847 = arith.constant 752 : index
      %swap3A_848 = tpu.vector_load %arg12[%swap3A_846, %swap3A_847] {strides = array<i32>} : memref<64x768xf32, #tpu.memory_space<vmem>>, vector<1x16xf32>,
      %swap3A_849 = vector.shape_cast %swap3A_848 : vector<1x16xf32> to vector<16xf32>
      %swap3A_850 = vector.shape_cast %add3A_845 : vector<16xf32> to vector<1x16xf32>
      tpu.vector_store %arg12[%swap3A_846, %swap3A_847], %swap3A_850 {strides = array<i32>} : memref<64x768xf32, #tpu.memory_space<vmem>>, vector<1x16xf32>,
    }
    %scan3A_53 = arith.constant 32 : i32
    %dma_wait3A_54 = arith.constant 32 : i32
    %dma_wait3A_55 = arith.constant 0 : i32
    %dma_wait3A_56 = tpu.memref_slice %arg12[%dma_wait3A_54, %dma_wait3A_55] : memref<64x768xf32, #tpu.memory_space<vmem>> -> memref<32x768xf32, #tpu.memory_space<vmem>>
    %dma_wait3A_57 = arith.constant 32 : i32
    %dma_wait3A_58 = tpu.memref_slice %arg8[%dma_wait3A_57] : memref<64xi32, #tpu.memory_space<vmem>> -> memref<32xi32, #tpu.memory_space<vmem>>
    %dma_wait3A_59 = arith.constant 0 : i32
    %dma_wait3A_60 = arith.constant 0 : i32
    %dma_wait3A_61 = tpu.memref_slice %arg2[%dma_wait3A_59, %dma_wait3A_60] : memref<8192x768xf32, #tpu.memory_space<hbm>> -> memref<8192x768xf32, #tpu.memory_space<hbm>>
    tpu.wait_indirect_dma semaphore(%arg15 : memref<!tpu.dma_semaphore, #tpu.memory_space<semaphore_mem>>) src(%dma_wait3A_61 : memref<8192x768xf32, #tpu.memory_space<hbm>>) dst(%dma_wait3A_56 : memref<32x768xf32, #tpu.memory_space<vmem>>)
    %dma_wait3A_62 = arith.constant 32 : i32
    %dma_wait3A_63 = arith.constant 0 : i32
    %dma_wait3A_64 = tpu.memref_slice %arg13[%dma_wait3A_62, %dma_wait3A_63] : memref<64x768xf32, #tpu.memory_space<vmem>> -> memref<32x768xf32, #tpu.memory_space<vmem>>
    %dma_wait3A_65 = arith.constant 32 : i32
    %dma_wait3A_66 = tpu.memref_slice %arg9[%dma_wait3A_65] : memref<64xi32, #tpu.memory_space<vmem>> -> memref<32xi32, #tpu.memory_space<vmem>>
    %dma_wait3A_67 = arith.constant 0 : i32
    %dma_wait3A_68 = arith.constant 0 : i32
    %dma_wait3A_69 = tpu.memref_slice %arg2[%dma_wait3A_67, %dma_wait3A_68] : memref<8192x768xf32, #tpu.memory_space<hbm>> -> memref<8192x768xf32, #tpu.memory_space<hbm>>
    tpu.wait_indirect_dma semaphore(%arg15 : memref<!tpu.dma_semaphore, #tpu.memory_space<semaphore_mem>>) src(%dma_wait3A_69 : memref<8192x768xf32, #tpu.memory_space<hbm>>) dst(%dma_wait3A_64 : memref<32x768xf32, #tpu.memory_space<vmem>>)
    %scan3A_70 = arith.constant 0 : i32
    %scan3A_71 = arith.constant 32 : i32
    %scan3A_72 = arith.constant 32 : i32
    %scan3A_73 = arith.addi %scan3A_71, %scan3A_72 : i32
    %scan3A_74 = arith.constant 1 : i32
    scf.for %scan3A_76 = %scan3A_71 to %scan3A_73 step %scan3A_74  : i32 {
      %get3A = arith.index_cast %scan3A_76 : i32 to index
      %get3A_77 = arith.constant 0 : index
      %get3A_78 = tpu.vector_load %arg10[%get3A, %get3A_77] {strides = array<i32>} : memref<64x16xf32, #tpu.memory_space<vmem>>, vector<1x16xf32>,
      %get3A_79 = vector.shape_cast %get3A_78 : vector<1x16xf32> to vector<16xf32>
      %get3A_80 = arith.index_cast %scan3A_76 : i32 to index
      %get3A_81 = arith.constant 0 : index
      %get3A_82 = tpu.vector_load %arg11[%get3A_80, %get3A_81] {strides = array<i32>} : memref<64x16xf32, #tpu.memory_space<vmem>>, vector<1x16xf32>,
      %get3A_83 = vector.shape_cast %get3A_82 : vector<1x16xf32> to vector<16xf32>
      %get3A_84 = arith.index_cast %scan3A_76 : i32 to index
      %get3A_85 = arith.constant 0 : index
      %get3A_86 = tpu.vector_load %arg12[%get3A_84, %get3A_85] {strides = array<i32>} : memref<64x768xf32, #tpu.memory_space<vmem>>, vector<1x16xf32>,
      %get3A_87 = vector.shape_cast %get3A_86 : vector<1x16xf32> to vector<16xf32>
      %mul3A_88 = arith.mulf %get3A_79, %get3A_87 : vector<16xf32>
      %get3A_89 = arith.index_cast %scan3A_76 : i32 to index
      %get3A_90 = arith.constant 0 : index
      %get3A_91 = tpu.vector_load %arg13[%get3A_89, %get3A_90] {strides = array<i32>} : memref<64x768xf32, #tpu.memory_space<vmem>>, vector<1x16xf32>,
      %get3A_92 = vector.shape_cast %get3A_91 : vector<1x16xf32> to vector<16xf32>
      %mul3A_93 = arith.mulf %get3A_83, %get3A_92 : vector<16xf32>
      %add3A_94 = arith.addf %mul3A_88, %mul3A_93 : vector<16xf32>
      %swap3A = arith.index_cast %scan3A_76 : i32 to index
      %swap3A_95 = arith.constant 0 : index
      %swap3A_96 = tpu.vector_load %arg12[%swap3A, %swap3A_95] {strides = array<i32>} : memref<64x768xf32, #tpu.memory_space<vmem>>, vector<1x16xf32>,
      %swap3A_97 = vector.shape_cast %swap3A_96 : vector<1x16xf32> to vector<16xf32>
      %swap3A_98 = vector.shape_cast %add3A_94 : vector<16xf32> to vector<1x16xf32>
      tpu.vector_store %arg12[%swap3A, %swap3A_95], %swap3A_98 {strides = array<i32>} : memref<64x768xf32, #tpu.memory_space<vmem>>, vector<1x16xf32>,
      %get3A_99 = arith.index_cast %scan3A_76 : i32 to index
      %get3A_100 = arith.constant 16 : index
      %get3A_101 = tpu.vector_load %arg12[%get3A_99, %get3A_100] {strides = array<i32>} : memref<64x768xf32, #tpu.memory_space<vmem>>, vector<1x16xf32>,
      %get3A_102 = vector.shape_cast %get3A_101 : vector<1x16xf32> to vector<16xf32>
      %mul3A_103 = arith.mulf %get3A_79, %get3A_102 : vector<16xf32>
      %get3A_104 = arith.index_cast %scan3A_76 : i32 to index
      %get3A_105 = arith.constant 16 : index
      %get3A_106 = tpu.vector_load %arg13[%get3A_104, %get3A_105] {strides = array<i32>} : memref<64x768xf32, #tpu.memory_space<vmem>>, vector<1x16xf32>,
      %get3A_107 = vector.shape_cast %get3A_106 : vector<1x16xf32> to vector<16xf32>
      %mul3A_108 = arith.mulf %get3A_83, %get3A_107 : vector<16xf32>
      %add3A_109 = arith.addf %mul3A_103, %mul3A_108 : vector<16xf32>
      %swap3A_110 = arith.index_cast %scan3A_76 : i32 to index
      %swap3A_111 = arith.constant 16 : index
      %swap3A_112 = tpu.vector_load %arg12[%swap3A_110, %swap3A_111] {strides = array<i32>} : memref<64x768xf32, #tpu.memory_space<vmem>>, vector<1x16xf32>,
      %swap3A_113 = vector.shape_cast %swap3A_112 : vector<1x16xf32> to vector<16xf32>
      %swap3A_114 = vector.shape_cast %add3A_109 : vector<16xf32> to vector<1x16xf32>
      tpu.vector_store %arg12[%swap3A_110, %swap3A_111], %swap3A_114 {strides = array<i32>} : memref<64x768xf32, #tpu.memory_space<vmem>>, vector<1x16xf32>,
      %get3A_115 = arith.index_cast %scan3A_76 : i32 to index
      %get3A_116 = arith.constant 32 : index
      %get3A_117 = tpu.vector_load %arg12[%get3A_115, %get3A_116] {strides = array<i32>} : memref<64x768xf32, #tpu.memory_space<vmem>>, vector<1x16xf32>,
      %get3A_118 = vector.shape_cast %get3A_117 : vector<1x16xf32> to vector<16xf32>
      %mul3A_119 = arith.mulf %get3A_79, %get3A_118 : vector<16xf32>
      %get3A_120 = arith.index_cast %scan3A_76 : i32 to index
      %get3A_121 = arith.constant 32 : index
      %get3A_122 = tpu.vector_load %arg13[%get3A_120, %get3A_121] {strides = array<i32>} : memref<64x768xf32, #tpu.memory_space<vmem>>, vector<1x16xf32>,
      %get3A_123 = vector.shape_cast %get3A_122 : vector<1x16xf32> to vector<16xf32>
      %mul3A_124 = arith.mulf %get3A_83, %get3A_123 : vector<16xf32>
      %add3A_125 = arith.addf %mul3A_119, %mul3A_124 : vector<16xf32>
      %swap3A_126 = arith.index_cast %scan3A_76 : i32 to index
      %swap3A_127 = arith.constant 32 : index
      %swap3A_128 = tpu.vector_load %arg12[%swap3A_126, %swap3A_127] {strides = array<i32>} : memref<64x768xf32, #tpu.memory_space<vmem>>, vector<1x16xf32>,
      %swap3A_129 = vector.shape_cast %swap3A_128 : vector<1x16xf32> to vector<16xf32>
      %swap3A_130 = vector.shape_cast %add3A_125 : vector<16xf32> to vector<1x16xf32>
      tpu.vector_store %arg12[%swap3A_126, %swap3A_127], %swap3A_130 {strides = array<i32>} : memref<64x768xf32, #tpu.memory_space<vmem>>, vector<1x16xf32>,
      %get3A_131 = arith.index_cast %scan3A_76 : i32 to index
      %get3A_132 = arith.constant 48 : index
      %get3A_133 = tpu.vector_load %arg12[%get3A_131, %get3A_132] {strides = array<i32>} : memref<64x768xf32, #tpu.memory_space<vmem>>, vector<1x16xf32>,
      %get3A_134 = vector.shape_cast %get3A_133 : vector<1x16xf32> to vector<16xf32>
      %mul3A_135 = arith.mulf %get3A_79, %get3A_134 : vector<16xf32>
      %get3A_136 = arith.index_cast %scan3A_76 : i32 to index
      %get3A_137 = arith.constant 48 : index
      %get3A_138 = tpu.vector_load %arg13[%get3A_136, %get3A_137] {strides = array<i32>} : memref<64x768xf32, #tpu.memory_space<vmem>>, vector<1x16xf32>,
      %get3A_139 = vector.shape_cast %get3A_138 : vector<1x16xf32> to vector<16xf32>
      %mul3A_140 = arith.mulf %get3A_83, %get3A_139 : vector<16xf32>
      %add3A_141 = arith.addf %mul3A_135, %mul3A_140 : vector<16xf32>
      %swap3A_142 = arith.index_cast %scan3A_76 : i32 to index
      %swap3A_143 = arith.constant 48 : index
      %swap3A_144 = tpu.vector_load %arg12[%swap3A_142, %swap3A_143] {strides = array<i32>} : memref<64x768xf32, #tpu.memory_space<vmem>>, vector<1x16xf32>,
      %swap3A_145 = vector.shape_cast %swap3A_144 : vector<1x16xf32> to vector<16xf32>
      %swap3A_146 = vector.shape_cast %add3A_141 : vector<16xf32> to vector<1x16xf32>
      tpu.vector_store %arg12[%swap3A_142, %swap3A_143], %swap3A_146 {strides = array<i32>} : memref<64x768xf32, #tpu.memory_space<vmem>>, vector<1x16xf32>,
      %get3A_147 = arith.index_cast %scan3A_76 : i32 to index
      %get3A_148 = arith.constant 64 : index
      %get3A_149 = tpu.vector_load %arg12[%get3A_147, %get3A_148] {strides = array<i32>} : memref<64x768xf32, #tpu.memory_space<vmem>>, vector<1x16xf32>,
      %get3A_150 = vector.shape_cast %get3A_149 : vector<1x16xf32> to vector<16xf32>
      %mul3A_151 = arith.mulf %get3A_79, %get3A_150 : vector<16xf32>
      %get3A_152 = arith.index_cast %scan3A_76 : i32 to index
      %get3A_153 = arith.constant 64 : index
      %get3A_154 = tpu.vector_load %arg13[%get3A_152, %get3A_153] {strides = array<i32>} : memref<64x768xf32, #tpu.memory_space<vmem>>, vector<1x16xf32>,
      %get3A_155 = vector.shape_cast %get3A_154 : vector<1x16xf32> to vector<16xf32>
      %mul3A_156 = arith.mulf %get3A_83, %get3A_155 : vector<16xf32>
      %add3A_157 = arith.addf %mul3A_151, %mul3A_156 : vector<16xf32>
      %swap3A_158 = arith.index_cast %scan3A_76 : i32 to index
      %swap3A_159 = arith.constant 64 : index
      %swap3A_160 = tpu.vector_load %arg12[%swap3A_158, %swap3A_159] {strides = array<i32>} : memref<64x768xf32, #tpu.memory_space<vmem>>, vector<1x16xf32>,
      %swap3A_161 = vector.shape_cast %swap3A_160 : vector<1x16xf32> to vector<16xf32>
      %swap3A_162 = vector.shape_cast %add3A_157 : vector<16xf32> to vector<1x16xf32>
      tpu.vector_store %arg12[%swap3A_158, %swap3A_159], %swap3A_162 {strides = array<i32>} : memref<64x768xf32, #tpu.memory_space<vmem>>, vector<1x16xf32>,
      %get3A_163 = arith.index_cast %scan3A_76 : i32 to index
      %get3A_164 = arith.constant 80 : index
      %get3A_165 = tpu.vector_load %arg12[%get3A_163, %get3A_164] {strides = array<i32>} : memref<64x768xf32, #tpu.memory_space<vmem>>, vector<1x16xf32>,
      %get3A_166 = vector.shape_cast %get3A_165 : vector<1x16xf32> to vector<16xf32>
      %mul3A_167 = arith.mulf %get3A_79, %get3A_166 : vector<16xf32>
      %get3A_168 = arith.index_cast %scan3A_76 : i32 to index
      %get3A_169 = arith.constant 80 : index
      %get3A_170 = tpu.vector_load %arg13[%get3A_168, %get3A_169] {strides = array<i32>} : memref<64x768xf32, #tpu.memory_space<vmem>>, vector<1x16xf32>,
      %get3A_171 = vector.shape_cast %get3A_170 : vector<1x16xf32> to vector<16xf32>
      %mul3A_172 = arith.mulf %get3A_83, %get3A_171 : vector<16xf32>
      %add3A_173 = arith.addf %mul3A_167, %mul3A_172 : vector<16xf32>
      %swap3A_174 = arith.index_cast %scan3A_76 : i32 to index
      %swap3A_175 = arith.constant 80 : index
      %swap3A_176 = tpu.vector_load %arg12[%swap3A_174, %swap3A_175] {strides = array<i32>} : memref<64x768xf32, #tpu.memory_space<vmem>>, vector<1x16xf32>,
      %swap3A_177 = vector.shape_cast %swap3A_176 : vector<1x16xf32> to vector<16xf32>
      %swap3A_178 = vector.shape_cast %add3A_173 : vector<16xf32> to vector<1x16xf32>
      tpu.vector_store %arg12[%swap3A_174, %swap3A_175], %swap3A_178 {strides = array<i32>} : memref<64x768xf32, #tpu.memory_space<vmem>>, vector<1x16xf32>,
      %get3A_179 = arith.index_cast %scan3A_76 : i32 to index
      %get3A_180 = arith.constant 96 : index
      %get3A_181 = tpu.vector_load %arg12[%get3A_179, %get3A_180] {strides = array<i32>} : memref<64x768xf32, #tpu.memory_space<vmem>>, vector<1x16xf32>,
      %get3A_182 = vector.shape_cast %get3A_181 : vector<1x16xf32> to vector<16xf32>
      %mul3A_183 = arith.mulf %get3A_79, %get3A_182 : vector<16xf32>
      %get3A_184 = arith.index_cast %scan3A_76 : i32 to index
      %get3A_185 = arith.constant 96 : index
      %get3A_186 = tpu.vector_load %arg13[%get3A_184, %get3A_185] {strides = array<i32>} : memref<64x768xf32, #tpu.memory_space<vmem>>, vector<1x16xf32>,
      %get3A_187 = vector.shape_cast %get3A_186 : vector<1x16xf32> to vector<16xf32>
      %mul3A_188 = arith.mulf %get3A_83, %get3A_187 : vector<16xf32>
      %add3A_189 = arith.addf %mul3A_183, %mul3A_188 : vector<16xf32>
      %swap3A_190 = arith.index_cast %scan3A_76 : i32 to index
      %swap3A_191 = arith.constant 96 : index
      %swap3A_192 = tpu.vector_load %arg12[%swap3A_190, %swap3A_191] {strides = array<i32>} : memref<64x768xf32, #tpu.memory_space<vmem>>, vector<1x16xf32>,
      %swap3A_193 = vector.shape_cast %swap3A_192 : vector<1x16xf32> to vector<16xf32>
      %swap3A_194 = vector.shape_cast %add3A_189 : vector<16xf32> to vector<1x16xf32>
      tpu.vector_store %arg12[%swap3A_190, %swap3A_191], %swap3A_194 {strides = array<i32>} : memref<64x768xf32, #tpu.memory_space<vmem>>, vector<1x16xf32>,
      %get3A_195 = arith.index_cast %scan3A_76 : i32 to index
      %get3A_196 = arith.constant 112 : index
      %get3A_197 = tpu.vector_load %arg12[%get3A_195, %get3A_196] {strides = array<i32>} : memref<64x768xf32, #tpu.memory_space<vmem>>, vector<1x16xf32>,
      %get3A_198 = vector.shape_cast %get3A_197 : vector<1x16xf32> to vector<16xf32>
      %mul3A_199 = arith.mulf %get3A_79, %get3A_198 : vector<16xf32>
      %get3A_200 = arith.index_cast %scan3A_76 : i32 to index
      %get3A_201 = arith.constant 112 : index
      %get3A_202 = tpu.vector_load %arg13[%get3A_200, %get3A_201] {strides = array<i32>} : memref<64x768xf32, #tpu.memory_space<vmem>>, vector<1x16xf32>,
      %get3A_203 = vector.shape_cast %get3A_202 : vector<1x16xf32> to vector<16xf32>
      %mul3A_204 = arith.mulf %get3A_83, %get3A_203 : vector<16xf32>
      %add3A_205 = arith.addf %mul3A_199, %mul3A_204 : vector<16xf32>
      %swap3A_206 = arith.index_cast %scan3A_76 : i32 to index
      %swap3A_207 = arith.constant 112 : index
      %swap3A_208 = tpu.vector_load %arg12[%swap3A_206, %swap3A_207] {strides = array<i32>} : memref<64x768xf32, #tpu.memory_space<vmem>>, vector<1x16xf32>,
      %swap3A_209 = vector.shape_cast %swap3A_208 : vector<1x16xf32> to vector<16xf32>
      %swap3A_210 = vector.shape_cast %add3A_205 : vector<16xf32> to vector<1x16xf32>
      tpu.vector_store %arg12[%swap3A_206, %swap3A_207], %swap3A_210 {strides = array<i32>} : memref<64x768xf32, #tpu.memory_space<vmem>>, vector<1x16xf32>,
      %get3A_211 = arith.index_cast %scan3A_76 : i32 to index
      %get3A_212 = arith.constant 128 : index
      %get3A_213 = tpu.vector_load %arg12[%get3A_211, %get3A_212] {strides = array<i32>} : memref<64x768xf32, #tpu.memory_space<vmem>>, vector<1x16xf32>,
      %get3A_214 = vector.shape_cast %get3A_213 : vector<1x16xf32> to vector<16xf32>
      %mul3A_215 = arith.mulf %get3A_79, %get3A_214 : vector<16xf32>
      %get3A_216 = arith.index_cast %scan3A_76 : i32 to index
      %get3A_217 = arith.constant 128 : index
      %get3A_218 = tpu.vector_load %arg13[%get3A_216, %get3A_217] {strides = array<i32>} : memref<64x768xf32, #tpu.memory_space<vmem>>, vector<1x16xf32>,
      %get3A_219 = vector.shape_cast %get3A_218 : vector<1x16xf32> to vector<16xf32>
      %mul3A_220 = arith.mulf %get3A_83, %get3A_219 : vector<16xf32>
      %add3A_221 = arith.addf %mul3A_215, %mul3A_220 : vector<16xf32>
      %swap3A_222 = arith.index_cast %scan3A_76 : i32 to index
      %swap3A_223 = arith.constant 128 : index
      %swap3A_224 = tpu.vector_load %arg12[%swap3A_222, %swap3A_223] {strides = array<i32>} : memref<64x768xf32, #tpu.memory_space<vmem>>, vector<1x16xf32>,
      %swap3A_225 = vector.shape_cast %swap3A_224 : vector<1x16xf32> to vector<16xf32>
      %swap3A_226 = vector.shape_cast %add3A_221 : vector<16xf32> to vector<1x16xf32>
      tpu.vector_store %arg12[%swap3A_222, %swap3A_223], %swap3A_226 {strides = array<i32>} : memref<64x768xf32, #tpu.memory_space<vmem>>, vector<1x16xf32>,
      %get3A_227 = arith.index_cast %scan3A_76 : i32 to index
      %get3A_228 = arith.constant 144 : index
      %get3A_229 = tpu.vector_load %arg12[%get3A_227, %get3A_228] {strides = array<i32>} : memref<64x768xf32, #tpu.memory_space<vmem>>, vector<1x16xf32>,
      %get3A_230 = vector.shape_cast %get3A_229 : vector<1x16xf32> to vector<16xf32>
      %mul3A_231 = arith.mulf %get3A_79, %get3A_230 : vector<16xf32>
      %get3A_232 = arith.index_cast %scan3A_76 : i32 to index
      %get3A_233 = arith.constant 144 : index
      %get3A_234 = tpu.vector_load %arg13[%get3A_232, %get3A_233] {strides = array<i32>} : memref<64x768xf32, #tpu.memory_space<vmem>>, vector<1x16xf32>,
      %get3A_235 = vector.shape_cast %get3A_234 : vector<1x16xf32> to vector<16xf32>
      %mul3A_236 = arith.mulf %get3A_83, %get3A_235 : vector<16xf32>
      %add3A_237 = arith.addf %mul3A_231, %mul3A_236 : vector<16xf32>
      %swap3A_238 = arith.index_cast %scan3A_76 : i32 to index
      %swap3A_239 = arith.constant 144 : index
      %swap3A_240 = tpu.vector_load %arg12[%swap3A_238, %swap3A_239] {strides = array<i32>} : memref<64x768xf32, #tpu.memory_space<vmem>>, vector<1x16xf32>,
      %swap3A_241 = vector.shape_cast %swap3A_240 : vector<1x16xf32> to vector<16xf32>
      %swap3A_242 = vector.shape_cast %add3A_237 : vector<16xf32> to vector<1x16xf32>
      tpu.vector_store %arg12[%swap3A_238, %swap3A_239], %swap3A_242 {strides = array<i32>} : memref<64x768xf32, #tpu.memory_space<vmem>>, vector<1x16xf32>,
      %get3A_243 = arith.index_cast %scan3A_76 : i32 to index
      %get3A_244 = arith.constant 160 : index
      %get3A_245 = tpu.vector_load %arg12[%get3A_243, %get3A_244] {strides = array<i32>} : memref<64x768xf32, #tpu.memory_space<vmem>>, vector<1x16xf32>,
      %get3A_246 = vector.shape_cast %get3A_245 : vector<1x16xf32> to vector<16xf32>
      %mul3A_247 = arith.mulf %get3A_79, %get3A_246 : vector<16xf32>
      %get3A_248 = arith.index_cast %scan3A_76 : i32 to index
      %get3A_249 = arith.constant 160 : index
      %get3A_250 = tpu.vector_load %arg13[%get3A_248, %get3A_249] {strides = array<i32>} : memref<64x768xf32, #tpu.memory_space<vmem>>, vector<1x16xf32>,
      %get3A_251 = vector.shape_cast %get3A_250 : vector<1x16xf32> to vector<16xf32>
      %mul3A_252 = arith.mulf %get3A_83, %get3A_251 : vector<16xf32>
      %add3A_253 = arith.addf %mul3A_247, %mul3A_252 : vector<16xf32>
      %swap3A_254 = arith.index_cast %scan3A_76 : i32 to index
      %swap3A_255 = arith.constant 160 : index
      %swap3A_256 = tpu.vector_load %arg12[%swap3A_254, %swap3A_255] {strides = array<i32>} : memref<64x768xf32, #tpu.memory_space<vmem>>, vector<1x16xf32>,
      %swap3A_257 = vector.shape_cast %swap3A_256 : vector<1x16xf32> to vector<16xf32>
      %swap3A_258 = vector.shape_cast %add3A_253 : vector<16xf32> to vector<1x16xf32>
      tpu.vector_store %arg12[%swap3A_254, %swap3A_255], %swap3A_258 {strides = array<i32>} : memref<64x768xf32, #tpu.memory_space<vmem>>, vector<1x16xf32>,
      %get3A_259 = arith.index_cast %scan3A_76 : i32 to index
      %get3A_260 = arith.constant 176 : index
      %get3A_261 = tpu.vector_load %arg12[%get3A_259, %get3A_260] {strides = array<i32>} : memref<64x768xf32, #tpu.memory_space<vmem>>, vector<1x16xf32>,
      %get3A_262 = vector.shape_cast %get3A_261 : vector<1x16xf32> to vector<16xf32>
      %mul3A_263 = arith.mulf %get3A_79, %get3A_262 : vector<16xf32>
      %get3A_264 = arith.index_cast %scan3A_76 : i32 to index
      %get3A_265 = arith.constant 176 : index
      %get3A_266 = tpu.vector_load %arg13[%get3A_264, %get3A_265] {strides = array<i32>} : memref<64x768xf32, #tpu.memory_space<vmem>>, vector<1x16xf32>,
      %get3A_267 = vector.shape_cast %get3A_266 : vector<1x16xf32> to vector<16xf32>
      %mul3A_268 = arith.mulf %get3A_83, %get3A_267 : vector<16xf32>
      %add3A_269 = arith.addf %mul3A_263, %mul3A_268 : vector<16xf32>
      %swap3A_270 = arith.index_cast %scan3A_76 : i32 to index
      %swap3A_271 = arith.constant 176 : index
      %swap3A_272 = tpu.vector_load %arg12[%swap3A_270, %swap3A_271] {strides = array<i32>} : memref<64x768xf32, #tpu.memory_space<vmem>>, vector<1x16xf32>,
      %swap3A_273 = vector.shape_cast %swap3A_272 : vector<1x16xf32> to vector<16xf32>
      %swap3A_274 = vector.shape_cast %add3A_269 : vector<16xf32> to vector<1x16xf32>
      tpu.vector_store %arg12[%swap3A_270, %swap3A_271], %swap3A_274 {strides = array<i32>} : memref<64x768xf32, #tpu.memory_space<vmem>>, vector<1x16xf32>,
      %get3A_275 = arith.index_cast %scan3A_76 : i32 to index
      %get3A_276 = arith.constant 192 : index
      %get3A_277 = tpu.vector_load %arg12[%get3A_275, %get3A_276] {strides = array<i32>} : memref<64x768xf32, #tpu.memory_space<vmem>>, vector<1x16xf32>,
      %get3A_278 = vector.shape_cast %get3A_277 : vector<1x16xf32> to vector<16xf32>
      %mul3A_279 = arith.mulf %get3A_79, %get3A_278 : vector<16xf32>
      %get3A_280 = arith.index_cast %scan3A_76 : i32 to index
      %get3A_281 = arith.constant 192 : index
      %get3A_282 = tpu.vector_load %arg13[%get3A_280, %get3A_281] {strides = array<i32>} : memref<64x768xf32, #tpu.memory_space<vmem>>, vector<1x16xf32>,
      %get3A_283 = vector.shape_cast %get3A_282 : vector<1x16xf32> to vector<16xf32>
      %mul3A_284 = arith.mulf %get3A_83, %get3A_283 : vector<16xf32>
      %add3A_285 = arith.addf %mul3A_279, %mul3A_284 : vector<16xf32>
      %swap3A_286 = arith.index_cast %scan3A_76 : i32 to index
      %swap3A_287 = arith.constant 192 : index
      %swap3A_288 = tpu.vector_load %arg12[%swap3A_286, %swap3A_287] {strides = array<i32>} : memref<64x768xf32, #tpu.memory_space<vmem>>, vector<1x16xf32>,
      %swap3A_289 = vector.shape_cast %swap3A_288 : vector<1x16xf32> to vector<16xf32>
      %swap3A_290 = vector.shape_cast %add3A_285 : vector<16xf32> to vector<1x16xf32>
      tpu.vector_store %arg12[%swap3A_286, %swap3A_287], %swap3A_290 {strides = array<i32>} : memref<64x768xf32, #tpu.memory_space<vmem>>, vector<1x16xf32>,
      %get3A_291 = arith.index_cast %scan3A_76 : i32 to index
      %get3A_292 = arith.constant 208 : index
      %get3A_293 = tpu.vector_load %arg12[%get3A_291, %get3A_292] {strides = array<i32>} : memref<64x768xf32, #tpu.memory_space<vmem>>, vector<1x16xf32>,
      %get3A_294 = vector.shape_cast %get3A_293 : vector<1x16xf32> to vector<16xf32>
      %mul3A_295 = arith.mulf %get3A_79, %get3A_294 : vector<16xf32>
      %get3A_296 = arith.index_cast %scan3A_76 : i32 to index
      %get3A_297 = arith.constant 208 : index
      %get3A_298 = tpu.vector_load %arg13[%get3A_296, %get3A_297] {strides = array<i32>} : memref<64x768xf32, #tpu.memory_space<vmem>>, vector<1x16xf32>,
      %get3A_299 = vector.shape_cast %get3A_298 : vector<1x16xf32> to vector<16xf32>
      %mul3A_300 = arith.mulf %get3A_83, %get3A_299 : vector<16xf32>
      %add3A_301 = arith.addf %mul3A_295, %mul3A_300 : vector<16xf32>
      %swap3A_302 = arith.index_cast %scan3A_76 : i32 to index
      %swap3A_303 = arith.constant 208 : index
      %swap3A_304 = tpu.vector_load %arg12[%swap3A_302, %swap3A_303] {strides = array<i32>} : memref<64x768xf32, #tpu.memory_space<vmem>>, vector<1x16xf32>,
      %swap3A_305 = vector.shape_cast %swap3A_304 : vector<1x16xf32> to vector<16xf32>
      %swap3A_306 = vector.shape_cast %add3A_301 : vector<16xf32> to vector<1x16xf32>
      tpu.vector_store %arg12[%swap3A_302, %swap3A_303], %swap3A_306 {strides = array<i32>} : memref<64x768xf32, #tpu.memory_space<vmem>>, vector<1x16xf32>,
      %get3A_307 = arith.index_cast %scan3A_76 : i32 to index
      %get3A_308 = arith.constant 224 : index
      %get3A_309 = tpu.vector_load %arg12[%get3A_307, %get3A_308] {strides = array<i32>} : memref<64x768xf32, #tpu.memory_space<vmem>>, vector<1x16xf32>,
      %get3A_310 = vector.shape_cast %get3A_309 : vector<1x16xf32> to vector<16xf32>
      %mul3A_311 = arith.mulf %get3A_79, %get3A_310 : vector<16xf32>
      %get3A_312 = arith.index_cast %scan3A_76 : i32 to index
      %get3A_313 = arith.constant 224 : index
      %get3A_314 = tpu.vector_load %arg13[%get3A_312, %get3A_313] {strides = array<i32>} : memref<64x768xf32, #tpu.memory_space<vmem>>, vector<1x16xf32>,
      %get3A_315 = vector.shape_cast %get3A_314 : vector<1x16xf32> to vector<16xf32>
      %mul3A_316 = arith.mulf %get3A_83, %get3A_315 : vector<16xf32>
      %add3A_317 = arith.addf %mul3A_311, %mul3A_316 : vector<16xf32>
      %swap3A_318 = arith.index_cast %scan3A_76 : i32 to index
      %swap3A_319 = arith.constant 224 : index
      %swap3A_320 = tpu.vector_load %arg12[%swap3A_318, %swap3A_319] {strides = array<i32>} : memref<64x768xf32, #tpu.memory_space<vmem>>, vector<1x16xf32>,
      %swap3A_321 = vector.shape_cast %swap3A_320 : vector<1x16xf32> to vector<16xf32>
      %swap3A_322 = vector.shape_cast %add3A_317 : vector<16xf32> to vector<1x16xf32>
      tpu.vector_store %arg12[%swap3A_318, %swap3A_319], %swap3A_322 {strides = array<i32>} : memref<64x768xf32, #tpu.memory_space<vmem>>, vector<1x16xf32>,
      %get3A_323 = arith.index_cast %scan3A_76 : i32 to index
      %get3A_324 = arith.constant 240 : index
      %get3A_325 = tpu.vector_load %arg12[%get3A_323, %get3A_324] {strides = array<i32>} : memref<64x768xf32, #tpu.memory_space<vmem>>, vector<1x16xf32>,
      %get3A_326 = vector.shape_cast %get3A_325 : vector<1x16xf32> to vector<16xf32>
      %mul3A_327 = arith.mulf %get3A_79, %get3A_326 : vector<16xf32>
      %get3A_328 = arith.index_cast %scan3A_76 : i32 to index
      %get3A_329 = arith.constant 240 : index
      %get3A_330 = tpu.vector_load %arg13[%get3A_328, %get3A_329] {strides = array<i32>} : memref<64x768xf32, #tpu.memory_space<vmem>>, vector<1x16xf32>,
      %get3A_331 = vector.shape_cast %get3A_330 : vector<1x16xf32> to vector<16xf32>
      %mul3A_332 = arith.mulf %get3A_83, %get3A_331 : vector<16xf32>
      %add3A_333 = arith.addf %mul3A_327, %mul3A_332 : vector<16xf32>
      %swap3A_334 = arith.index_cast %scan3A_76 : i32 to index
      %swap3A_335 = arith.constant 240 : index
      %swap3A_336 = tpu.vector_load %arg12[%swap3A_334, %swap3A_335] {strides = array<i32>} : memref<64x768xf32, #tpu.memory_space<vmem>>, vector<1x16xf32>,
      %swap3A_337 = vector.shape_cast %swap3A_336 : vector<1x16xf32> to vector<16xf32>
      %swap3A_338 = vector.shape_cast %add3A_333 : vector<16xf32> to vector<1x16xf32>
      tpu.vector_store %arg12[%swap3A_334, %swap3A_335], %swap3A_338 {strides = array<i32>} : memref<64x768xf32, #tpu.memory_space<vmem>>, vector<1x16xf32>,
      %get3A_339 = arith.index_cast %scan3A_76 : i32 to index
      %get3A_340 = arith.constant 256 : index
      %get3A_341 = tpu.vector_load %arg12[%get3A_339, %get3A_340] {strides = array<i32>} : memref<64x768xf32, #tpu.memory_space<vmem>>, vector<1x16xf32>,
      %get3A_342 = vector.shape_cast %get3A_341 : vector<1x16xf32> to vector<16xf32>
      %mul3A_343 = arith.mulf %get3A_79, %get3A_342 : vector<16xf32>
      %get3A_344 = arith.index_cast %scan3A_76 : i32 to index
      %get3A_345 = arith.constant 256 : index
      %get3A_346 = tpu.vector_load %arg13[%get3A_344, %get3A_345] {strides = array<i32>} : memref<64x768xf32, #tpu.memory_space<vmem>>, vector<1x16xf32>,
      %get3A_347 = vector.shape_cast %get3A_346 : vector<1x16xf32> to vector<16xf32>
      %mul3A_348 = arith.mulf %get3A_83, %get3A_347 : vector<16xf32>
      %add3A_349 = arith.addf %mul3A_343, %mul3A_348 : vector<16xf32>
      %swap3A_350 = arith.index_cast %scan3A_76 : i32 to index
      %swap3A_351 = arith.constant 256 : index
      %swap3A_352 = tpu.vector_load %arg12[%swap3A_350, %swap3A_351] {strides = array<i32>} : memref<64x768xf32, #tpu.memory_space<vmem>>, vector<1x16xf32>,
      %swap3A_353 = vector.shape_cast %swap3A_352 : vector<1x16xf32> to vector<16xf32>
      %swap3A_354 = vector.shape_cast %add3A_349 : vector<16xf32> to vector<1x16xf32>
      tpu.vector_store %arg12[%swap3A_350, %swap3A_351], %swap3A_354 {strides = array<i32>} : memref<64x768xf32, #tpu.memory_space<vmem>>, vector<1x16xf32>,
      %get3A_355 = arith.index_cast %scan3A_76 : i32 to index
      %get3A_356 = arith.constant 272 : index
      %get3A_357 = tpu.vector_load %arg12[%get3A_355, %get3A_356] {strides = array<i32>} : memref<64x768xf32, #tpu.memory_space<vmem>>, vector<1x16xf32>,
      %get3A_358 = vector.shape_cast %get3A_357 : vector<1x16xf32> to vector<16xf32>
      %mul3A_359 = arith.mulf %get3A_79, %get3A_358 : vector<16xf32>
      %get3A_360 = arith.index_cast %scan3A_76 : i32 to index
      %get3A_361 = arith.constant 272 : index
      %get3A_362 = tpu.vector_load %arg13[%get3A_360, %get3A_361] {strides = array<i32>} : memref<64x768xf32, #tpu.memory_space<vmem>>, vector<1x16xf32>,
      %get3A_363 = vector.shape_cast %get3A_362 : vector<1x16xf32> to vector<16xf32>
      %mul3A_364 = arith.mulf %get3A_83, %get3A_363 : vector<16xf32>
      %add3A_365 = arith.addf %mul3A_359, %mul3A_364 : vector<16xf32>
      %swap3A_366 = arith.index_cast %scan3A_76 : i32 to index
      %swap3A_367 = arith.constant 272 : index
      %swap3A_368 = tpu.vector_load %arg12[%swap3A_366, %swap3A_367] {strides = array<i32>} : memref<64x768xf32, #tpu.memory_space<vmem>>, vector<1x16xf32>,
      %swap3A_369 = vector.shape_cast %swap3A_368 : vector<1x16xf32> to vector<16xf32>
      %swap3A_370 = vector.shape_cast %add3A_365 : vector<16xf32> to vector<1x16xf32>
      tpu.vector_store %arg12[%swap3A_366, %swap3A_367], %swap3A_370 {strides = array<i32>} : memref<64x768xf32, #tpu.memory_space<vmem>>, vector<1x16xf32>,
      %get3A_371 = arith.index_cast %scan3A_76 : i32 to index
      %get3A_372 = arith.constant 288 : index
      %get3A_373 = tpu.vector_load %arg12[%get3A_371, %get3A_372] {strides = array<i32>} : memref<64x768xf32, #tpu.memory_space<vmem>>, vector<1x16xf32>,
      %get3A_374 = vector.shape_cast %get3A_373 : vector<1x16xf32> to vector<16xf32>
      %mul3A_375 = arith.mulf %get3A_79, %get3A_374 : vector<16xf32>
      %get3A_376 = arith.index_cast %scan3A_76 : i32 to index
      %get3A_377 = arith.constant 288 : index
      %get3A_378 = tpu.vector_load %arg13[%get3A_376, %get3A_377] {strides = array<i32>} : memref<64x768xf32, #tpu.memory_space<vmem>>, vector<1x16xf32>,
      %get3A_379 = vector.shape_cast %get3A_378 : vector<1x16xf32> to vector<16xf32>
      %mul3A_380 = arith.mulf %get3A_83, %get3A_379 : vector<16xf32>
      %add3A_381 = arith.addf %mul3A_375, %mul3A_380 : vector<16xf32>
      %swap3A_382 = arith.index_cast %scan3A_76 : i32 to index
      %swap3A_383 = arith.constant 288 : index
      %swap3A_384 = tpu.vector_load %arg12[%swap3A_382, %swap3A_383] {strides = array<i32>} : memref<64x768xf32, #tpu.memory_space<vmem>>, vector<1x16xf32>,
      %swap3A_385 = vector.shape_cast %swap3A_384 : vector<1x16xf32> to vector<16xf32>
      %swap3A_386 = vector.shape_cast %add3A_381 : vector<16xf32> to vector<1x16xf32>
      tpu.vector_store %arg12[%swap3A_382, %swap3A_383], %swap3A_386 {strides = array<i32>} : memref<64x768xf32, #tpu.memory_space<vmem>>, vector<1x16xf32>,
      %get3A_387 = arith.index_cast %scan3A_76 : i32 to index
      %get3A_388 = arith.constant 304 : index
      %get3A_389 = tpu.vector_load %arg12[%get3A_387, %get3A_388] {strides = array<i32>} : memref<64x768xf32, #tpu.memory_space<vmem>>, vector<1x16xf32>,
      %get3A_390 = vector.shape_cast %get3A_389 : vector<1x16xf32> to vector<16xf32>
      %mul3A_391 = arith.mulf %get3A_79, %get3A_390 : vector<16xf32>
      %get3A_392 = arith.index_cast %scan3A_76 : i32 to index
      %get3A_393 = arith.constant 304 : index
      %get3A_394 = tpu.vector_load %arg13[%get3A_392, %get3A_393] {strides = array<i32>} : memref<64x768xf32, #tpu.memory_space<vmem>>, vector<1x16xf32>,
      %get3A_395 = vector.shape_cast %get3A_394 : vector<1x16xf32> to vector<16xf32>
      %mul3A_396 = arith.mulf %get3A_83, %get3A_395 : vector<16xf32>
      %add3A_397 = arith.addf %mul3A_391, %mul3A_396 : vector<16xf32>
      %swap3A_398 = arith.index_cast %scan3A_76 : i32 to index
      %swap3A_399 = arith.constant 304 : index
      %swap3A_400 = tpu.vector_load %arg12[%swap3A_398, %swap3A_399] {strides = array<i32>} : memref<64x768xf32, #tpu.memory_space<vmem>>, vector<1x16xf32>,
      %swap3A_401 = vector.shape_cast %swap3A_400 : vector<1x16xf32> to vector<16xf32>
      %swap3A_402 = vector.shape_cast %add3A_397 : vector<16xf32> to vector<1x16xf32>
      tpu.vector_store %arg12[%swap3A_398, %swap3A_399], %swap3A_402 {strides = array<i32>} : memref<64x768xf32, #tpu.memory_space<vmem>>, vector<1x16xf32>,
      %get3A_403 = arith.index_cast %scan3A_76 : i32 to index
      %get3A_404 = arith.constant 320 : index
      %get3A_405 = tpu.vector_load %arg12[%get3A_403, %get3A_404] {strides = array<i32>} : memref<64x768xf32, #tpu.memory_space<vmem>>, vector<1x16xf32>,
      %get3A_406 = vector.shape_cast %get3A_405 : vector<1x16xf32> to vector<16xf32>
      %mul3A_407 = arith.mulf %get3A_79, %get3A_406 : vector<16xf32>
      %get3A_408 = arith.index_cast %scan3A_76 : i32 to index
      %get3A_409 = arith.constant 320 : index
      %get3A_410 = tpu.vector_load %arg13[%get3A_408, %get3A_409] {strides = array<i32>} : memref<64x768xf32, #tpu.memory_space<vmem>>, vector<1x16xf32>,
      %get3A_411 = vector.shape_cast %get3A_410 : vector<1x16xf32> to vector<16xf32>
      %mul3A_412 = arith.mulf %get3A_83, %get3A_411 : vector<16xf32>
      %add3A_413 = arith.addf %mul3A_407, %mul3A_412 : vector<16xf32>
      %swap3A_414 = arith.index_cast %scan3A_76 : i32 to index
      %swap3A_415 = arith.constant 320 : index
      %swap3A_416 = tpu.vector_load %arg12[%swap3A_414, %swap3A_415] {strides = array<i32>} : memref<64x768xf32, #tpu.memory_space<vmem>>, vector<1x16xf32>,
      %swap3A_417 = vector.shape_cast %swap3A_416 : vector<1x16xf32> to vector<16xf32>
      %swap3A_418 = vector.shape_cast %add3A_413 : vector<16xf32> to vector<1x16xf32>
      tpu.vector_store %arg12[%swap3A_414, %swap3A_415], %swap3A_418 {strides = array<i32>} : memref<64x768xf32, #tpu.memory_space<vmem>>, vector<1x16xf32>,
      %get3A_419 = arith.index_cast %scan3A_76 : i32 to index
      %get3A_420 = arith.constant 336 : index
      %get3A_421 = tpu.vector_load %arg12[%get3A_419, %get3A_420] {strides = array<i32>} : memref<64x768xf32, #tpu.memory_space<vmem>>, vector<1x16xf32>,
      %get3A_422 = vector.shape_cast %get3A_421 : vector<1x16xf32> to vector<16xf32>
      %mul3A_423 = arith.mulf %get3A_79, %get3A_422 : vector<16xf32>
      %get3A_424 = arith.index_cast %scan3A_76 : i32 to index
      %get3A_425 = arith.constant 336 : index
      %get3A_426 = tpu.vector_load %arg13[%get3A_424, %get3A_425] {strides = array<i32>} : memref<64x768xf32, #tpu.memory_space<vmem>>, vector<1x16xf32>,
      %get3A_427 = vector.shape_cast %get3A_426 : vector<1x16xf32> to vector<16xf32>
      %mul3A_428 = arith.mulf %get3A_83, %get3A_427 : vector<16xf32>
      %add3A_429 = arith.addf %mul3A_423, %mul3A_428 : vector<16xf32>
      %swap3A_430 = arith.index_cast %scan3A_76 : i32 to index
      %swap3A_431 = arith.constant 336 : index
      %swap3A_432 = tpu.vector_load %arg12[%swap3A_430, %swap3A_431] {strides = array<i32>} : memref<64x768xf32, #tpu.memory_space<vmem>>, vector<1x16xf32>,
      %swap3A_433 = vector.shape_cast %swap3A_432 : vector<1x16xf32> to vector<16xf32>
      %swap3A_434 = vector.shape_cast %add3A_429 : vector<16xf32> to vector<1x16xf32>
      tpu.vector_store %arg12[%swap3A_430, %swap3A_431], %swap3A_434 {strides = array<i32>} : memref<64x768xf32, #tpu.memory_space<vmem>>, vector<1x16xf32>,
      %get3A_435 = arith.index_cast %scan3A_76 : i32 to index
      %get3A_436 = arith.constant 352 : index
      %get3A_437 = tpu.vector_load %arg12[%get3A_435, %get3A_436] {strides = array<i32>} : memref<64x768xf32, #tpu.memory_space<vmem>>, vector<1x16xf32>,
      %get3A_438 = vector.shape_cast %get3A_437 : vector<1x16xf32> to vector<16xf32>
      %mul3A_439 = arith.mulf %get3A_79, %get3A_438 : vector<16xf32>
      %get3A_440 = arith.index_cast %scan3A_76 : i32 to index
      %get3A_441 = arith.constant 352 : index
      %get3A_442 = tpu.vector_load %arg13[%get3A_440, %get3A_441] {strides = array<i32>} : memref<64x768xf32, #tpu.memory_space<vmem>>, vector<1x16xf32>,
      %get3A_443 = vector.shape_cast %get3A_442 : vector<1x16xf32> to vector<16xf32>
      %mul3A_444 = arith.mulf %get3A_83, %get3A_443 : vector<16xf32>
      %add3A_445 = arith.addf %mul3A_439, %mul3A_444 : vector<16xf32>
      %swap3A_446 = arith.index_cast %scan3A_76 : i32 to index
      %swap3A_447 = arith.constant 352 : index
      %swap3A_448 = tpu.vector_load %arg12[%swap3A_446, %swap3A_447] {strides = array<i32>} : memref<64x768xf32, #tpu.memory_space<vmem>>, vector<1x16xf32>,
      %swap3A_449 = vector.shape_cast %swap3A_448 : vector<1x16xf32> to vector<16xf32>
      %swap3A_450 = vector.shape_cast %add3A_445 : vector<16xf32> to vector<1x16xf32>
      tpu.vector_store %arg12[%swap3A_446, %swap3A_447], %swap3A_450 {strides = array<i32>} : memref<64x768xf32, #tpu.memory_space<vmem>>, vector<1x16xf32>,
      %get3A_451 = arith.index_cast %scan3A_76 : i32 to index
      %get3A_452 = arith.constant 368 : index
      %get3A_453 = tpu.vector_load %arg12[%get3A_451, %get3A_452] {strides = array<i32>} : memref<64x768xf32, #tpu.memory_space<vmem>>, vector<1x16xf32>,
      %get3A_454 = vector.shape_cast %get3A_453 : vector<1x16xf32> to vector<16xf32>
      %mul3A_455 = arith.mulf %get3A_79, %get3A_454 : vector<16xf32>
      %get3A_456 = arith.index_cast %scan3A_76 : i32 to index
      %get3A_457 = arith.constant 368 : index
      %get3A_458 = tpu.vector_load %arg13[%get3A_456, %get3A_457] {strides = array<i32>} : memref<64x768xf32, #tpu.memory_space<vmem>>, vector<1x16xf32>,
      %get3A_459 = vector.shape_cast %get3A_458 : vector<1x16xf32> to vector<16xf32>
      %mul3A_460 = arith.mulf %get3A_83, %get3A_459 : vector<16xf32>
      %add3A_461 = arith.addf %mul3A_455, %mul3A_460 : vector<16xf32>
      %swap3A_462 = arith.index_cast %scan3A_76 : i32 to index
      %swap3A_463 = arith.constant 368 : index
      %swap3A_464 = tpu.vector_load %arg12[%swap3A_462, %swap3A_463] {strides = array<i32>} : memref<64x768xf32, #tpu.memory_space<vmem>>, vector<1x16xf32>,
      %swap3A_465 = vector.shape_cast %swap3A_464 : vector<1x16xf32> to vector<16xf32>
      %swap3A_466 = vector.shape_cast %add3A_461 : vector<16xf32> to vector<1x16xf32>
      tpu.vector_store %arg12[%swap3A_462, %swap3A_463], %swap3A_466 {strides = array<i32>} : memref<64x768xf32, #tpu.memory_space<vmem>>, vector<1x16xf32>,
      %get3A_467 = arith.index_cast %scan3A_76 : i32 to index
      %get3A_468 = arith.constant 384 : index
      %get3A_469 = tpu.vector_load %arg12[%get3A_467, %get3A_468] {strides = array<i32>} : memref<64x768xf32, #tpu.memory_space<vmem>>, vector<1x16xf32>,
      %get3A_470 = vector.shape_cast %get3A_469 : vector<1x16xf32> to vector<16xf32>
      %mul3A_471 = arith.mulf %get3A_79, %get3A_470 : vector<16xf32>
      %get3A_472 = arith.index_cast %scan3A_76 : i32 to index
      %get3A_473 = arith.constant 384 : index
      %get3A_474 = tpu.vector_load %arg13[%get3A_472, %get3A_473] {strides = array<i32>} : memref<64x768xf32, #tpu.memory_space<vmem>>, vector<1x16xf32>,
      %get3A_475 = vector.shape_cast %get3A_474 : vector<1x16xf32> to vector<16xf32>
      %mul3A_476 = arith.mulf %get3A_83, %get3A_475 : vector<16xf32>
      %add3A_477 = arith.addf %mul3A_471, %mul3A_476 : vector<16xf32>
      %swap3A_478 = arith.index_cast %scan3A_76 : i32 to index
      %swap3A_479 = arith.constant 384 : index
      %swap3A_480 = tpu.vector_load %arg12[%swap3A_478, %swap3A_479] {strides = array<i32>} : memref<64x768xf32, #tpu.memory_space<vmem>>, vector<1x16xf32>,
      %swap3A_481 = vector.shape_cast %swap3A_480 : vector<1x16xf32> to vector<16xf32>
      %swap3A_482 = vector.shape_cast %add3A_477 : vector<16xf32> to vector<1x16xf32>
      tpu.vector_store %arg12[%swap3A_478, %swap3A_479], %swap3A_482 {strides = array<i32>} : memref<64x768xf32, #tpu.memory_space<vmem>>, vector<1x16xf32>,
      %get3A_483 = arith.index_cast %scan3A_76 : i32 to index
      %get3A_484 = arith.constant 400 : index
      %get3A_485 = tpu.vector_load %arg12[%get3A_483, %get3A_484] {strides = array<i32>} : memref<64x768xf32, #tpu.memory_space<vmem>>, vector<1x16xf32>,
      %get3A_486 = vector.shape_cast %get3A_485 : vector<1x16xf32> to vector<16xf32>
      %mul3A_487 = arith.mulf %get3A_79, %get3A_486 : vector<16xf32>
      %get3A_488 = arith.index_cast %scan3A_76 : i32 to index
      %get3A_489 = arith.constant 400 : index
      %get3A_490 = tpu.vector_load %arg13[%get3A_488, %get3A_489] {strides = array<i32>} : memref<64x768xf32, #tpu.memory_space<vmem>>, vector<1x16xf32>,
      %get3A_491 = vector.shape_cast %get3A_490 : vector<1x16xf32> to vector<16xf32>
      %mul3A_492 = arith.mulf %get3A_83, %get3A_491 : vector<16xf32>
      %add3A_493 = arith.addf %mul3A_487, %mul3A_492 : vector<16xf32>
      %swap3A_494 = arith.index_cast %scan3A_76 : i32 to index
      %swap3A_495 = arith.constant 400 : index
      %swap3A_496 = tpu.vector_load %arg12[%swap3A_494, %swap3A_495] {strides = array<i32>} : memref<64x768xf32, #tpu.memory_space<vmem>>, vector<1x16xf32>,
      %swap3A_497 = vector.shape_cast %swap3A_496 : vector<1x16xf32> to vector<16xf32>
      %swap3A_498 = vector.shape_cast %add3A_493 : vector<16xf32> to vector<1x16xf32>
      tpu.vector_store %arg12[%swap3A_494, %swap3A_495], %swap3A_498 {strides = array<i32>} : memref<64x768xf32, #tpu.memory_space<vmem>>, vector<1x16xf32>,
      %get3A_499 = arith.index_cast %scan3A_76 : i32 to index
      %get3A_500 = arith.constant 416 : index
      %get3A_501 = tpu.vector_load %arg12[%get3A_499, %get3A_500] {strides = array<i32>} : memref<64x768xf32, #tpu.memory_space<vmem>>, vector<1x16xf32>,
      %get3A_502 = vector.shape_cast %get3A_501 : vector<1x16xf32> to vector<16xf32>
      %mul3A_503 = arith.mulf %get3A_79, %get3A_502 : vector<16xf32>
      %get3A_504 = arith.index_cast %scan3A_76 : i32 to index
      %get3A_505 = arith.constant 416 : index
      %get3A_506 = tpu.vector_load %arg13[%get3A_504, %get3A_505] {strides = array<i32>} : memref<64x768xf32, #tpu.memory_space<vmem>>, vector<1x16xf32>,
      %get3A_507 = vector.shape_cast %get3A_506 : vector<1x16xf32> to vector<16xf32>
      %mul3A_508 = arith.mulf %get3A_83, %get3A_507 : vector<16xf32>
      %add3A_509 = arith.addf %mul3A_503, %mul3A_508 : vector<16xf32>
      %swap3A_510 = arith.index_cast %scan3A_76 : i32 to index
      %swap3A_511 = arith.constant 416 : index
      %swap3A_512 = tpu.vector_load %arg12[%swap3A_510, %swap3A_511] {strides = array<i32>} : memref<64x768xf32, #tpu.memory_space<vmem>>, vector<1x16xf32>,
      %swap3A_513 = vector.shape_cast %swap3A_512 : vector<1x16xf32> to vector<16xf32>
      %swap3A_514 = vector.shape_cast %add3A_509 : vector<16xf32> to vector<1x16xf32>
      tpu.vector_store %arg12[%swap3A_510, %swap3A_511], %swap3A_514 {strides = array<i32>} : memref<64x768xf32, #tpu.memory_space<vmem>>, vector<1x16xf32>,
      %get3A_515 = arith.index_cast %scan3A_76 : i32 to index
      %get3A_516 = arith.constant 432 : index
      %get3A_517 = tpu.vector_load %arg12[%get3A_515, %get3A_516] {strides = array<i32>} : memref<64x768xf32, #tpu.memory_space<vmem>>, vector<1x16xf32>,
      %get3A_518 = vector.shape_cast %get3A_517 : vector<1x16xf32> to vector<16xf32>
      %mul3A_519 = arith.mulf %get3A_79, %get3A_518 : vector<16xf32>
      %get3A_520 = arith.index_cast %scan3A_76 : i32 to index
      %get3A_521 = arith.constant 432 : index
      %get3A_522 = tpu.vector_load %arg13[%get3A_520, %get3A_521] {strides = array<i32>} : memref<64x768xf32, #tpu.memory_space<vmem>>, vector<1x16xf32>,
      %get3A_523 = vector.shape_cast %get3A_522 : vector<1x16xf32> to vector<16xf32>
      %mul3A_524 = arith.mulf %get3A_83, %get3A_523 : vector<16xf32>
      %add3A_525 = arith.addf %mul3A_519, %mul3A_524 : vector<16xf32>
      %swap3A_526 = arith.index_cast %scan3A_76 : i32 to index
      %swap3A_527 = arith.constant 432 : index
      %swap3A_528 = tpu.vector_load %arg12[%swap3A_526, %swap3A_527] {strides = array<i32>} : memref<64x768xf32, #tpu.memory_space<vmem>>, vector<1x16xf32>,
      %swap3A_529 = vector.shape_cast %swap3A_528 : vector<1x16xf32> to vector<16xf32>
      %swap3A_530 = vector.shape_cast %add3A_525 : vector<16xf32> to vector<1x16xf32>
      tpu.vector_store %arg12[%swap3A_526, %swap3A_527], %swap3A_530 {strides = array<i32>} : memref<64x768xf32, #tpu.memory_space<vmem>>, vector<1x16xf32>,
      %get3A_531 = arith.index_cast %scan3A_76 : i32 to index
      %get3A_532 = arith.constant 448 : index
      %get3A_533 = tpu.vector_load %arg12[%get3A_531, %get3A_532] {strides = array<i32>} : memref<64x768xf32, #tpu.memory_space<vmem>>, vector<1x16xf32>,
      %get3A_534 = vector.shape_cast %get3A_533 : vector<1x16xf32> to vector<16xf32>
      %mul3A_535 = arith.mulf %get3A_79, %get3A_534 : vector<16xf32>
      %get3A_536 = arith.index_cast %scan3A_76 : i32 to index
      %get3A_537 = arith.constant 448 : index
      %get3A_538 = tpu.vector_load %arg13[%get3A_536, %get3A_537] {strides = array<i32>} : memref<64x768xf32, #tpu.memory_space<vmem>>, vector<1x16xf32>,
      %get3A_539 = vector.shape_cast %get3A_538 : vector<1x16xf32> to vector<16xf32>
      %mul3A_540 = arith.mulf %get3A_83, %get3A_539 : vector<16xf32>
      %add3A_541 = arith.addf %mul3A_535, %mul3A_540 : vector<16xf32>
      %swap3A_542 = arith.index_cast %scan3A_76 : i32 to index
      %swap3A_543 = arith.constant 448 : index
      %swap3A_544 = tpu.vector_load %arg12[%swap3A_542, %swap3A_543] {strides = array<i32>} : memref<64x768xf32, #tpu.memory_space<vmem>>, vector<1x16xf32>,
      %swap3A_545 = vector.shape_cast %swap3A_544 : vector<1x16xf32> to vector<16xf32>
      %swap3A_546 = vector.shape_cast %add3A_541 : vector<16xf32> to vector<1x16xf32>
      tpu.vector_store %arg12[%swap3A_542, %swap3A_543], %swap3A_546 {strides = array<i32>} : memref<64x768xf32, #tpu.memory_space<vmem>>, vector<1x16xf32>,
      %get3A_547 = arith.index_cast %scan3A_76 : i32 to index
      %get3A_548 = arith.constant 464 : index
      %get3A_549 = tpu.vector_load %arg12[%get3A_547, %get3A_548] {strides = array<i32>} : memref<64x768xf32, #tpu.memory_space<vmem>>, vector<1x16xf32>,
      %get3A_550 = vector.shape_cast %get3A_549 : vector<1x16xf32> to vector<16xf32>
      %mul3A_551 = arith.mulf %get3A_79, %get3A_550 : vector<16xf32>
      %get3A_552 = arith.index_cast %scan3A_76 : i32 to index
      %get3A_553 = arith.constant 464 : index
      %get3A_554 = tpu.vector_load %arg13[%get3A_552, %get3A_553] {strides = array<i32>} : memref<64x768xf32, #tpu.memory_space<vmem>>, vector<1x16xf32>,
      %get3A_555 = vector.shape_cast %get3A_554 : vector<1x16xf32> to vector<16xf32>
      %mul3A_556 = arith.mulf %get3A_83, %get3A_555 : vector<16xf32>
      %add3A_557 = arith.addf %mul3A_551, %mul3A_556 : vector<16xf32>
      %swap3A_558 = arith.index_cast %scan3A_76 : i32 to index
      %swap3A_559 = arith.constant 464 : index
      %swap3A_560 = tpu.vector_load %arg12[%swap3A_558, %swap3A_559] {strides = array<i32>} : memref<64x768xf32, #tpu.memory_space<vmem>>, vector<1x16xf32>,
      %swap3A_561 = vector.shape_cast %swap3A_560 : vector<1x16xf32> to vector<16xf32>
      %swap3A_562 = vector.shape_cast %add3A_557 : vector<16xf32> to vector<1x16xf32>
      tpu.vector_store %arg12[%swap3A_558, %swap3A_559], %swap3A_562 {strides = array<i32>} : memref<64x768xf32, #tpu.memory_space<vmem>>, vector<1x16xf32>,
      %get3A_563 = arith.index_cast %scan3A_76 : i32 to index
      %get3A_564 = arith.constant 480 : index
      %get3A_565 = tpu.vector_load %arg12[%get3A_563, %get3A_564] {strides = array<i32>} : memref<64x768xf32, #tpu.memory_space<vmem>>, vector<1x16xf32>,
      %get3A_566 = vector.shape_cast %get3A_565 : vector<1x16xf32> to vector<16xf32>
      %mul3A_567 = arith.mulf %get3A_79, %get3A_566 : vector<16xf32>
      %get3A_568 = arith.index_cast %scan3A_76 : i32 to index
      %get3A_569 = arith.constant 480 : index
      %get3A_570 = tpu.vector_load %arg13[%get3A_568, %get3A_569] {strides = array<i32>} : memref<64x768xf32, #tpu.memory_space<vmem>>, vector<1x16xf32>,
      %get3A_571 = vector.shape_cast %get3A_570 : vector<1x16xf32> to vector<16xf32>
      %mul3A_572 = arith.mulf %get3A_83, %get3A_571 : vector<16xf32>
      %add3A_573 = arith.addf %mul3A_567, %mul3A_572 : vector<16xf32>
      %swap3A_574 = arith.index_cast %scan3A_76 : i32 to index
      %swap3A_575 = arith.constant 480 : index
      %swap3A_576 = tpu.vector_load %arg12[%swap3A_574, %swap3A_575] {strides = array<i32>} : memref<64x768xf32, #tpu.memory_space<vmem>>, vector<1x16xf32>,
      %swap3A_577 = vector.shape_cast %swap3A_576 : vector<1x16xf32> to vector<16xf32>
      %swap3A_578 = vector.shape_cast %add3A_573 : vector<16xf32> to vector<1x16xf32>
      tpu.vector_store %arg12[%swap3A_574, %swap3A_575], %swap3A_578 {strides = array<i32>} : memref<64x768xf32, #tpu.memory_space<vmem>>, vector<1x16xf32>,
      %get3A_579 = arith.index_cast %scan3A_76 : i32 to index
      %get3A_580 = arith.constant 496 : index
      %get3A_581 = tpu.vector_load %arg12[%get3A_579, %get3A_580] {strides = array<i32>} : memref<64x768xf32, #tpu.memory_space<vmem>>, vector<1x16xf32>,
      %get3A_582 = vector.shape_cast %get3A_581 : vector<1x16xf32> to vector<16xf32>
      %mul3A_583 = arith.mulf %get3A_79, %get3A_582 : vector<16xf32>
      %get3A_584 = arith.index_cast %scan3A_76 : i32 to index
      %get3A_585 = arith.constant 496 : index
      %get3A_586 = tpu.vector_load %arg13[%get3A_584, %get3A_585] {strides = array<i32>} : memref<64x768xf32, #tpu.memory_space<vmem>>, vector<1x16xf32>,
      %get3A_587 = vector.shape_cast %get3A_586 : vector<1x16xf32> to vector<16xf32>
      %mul3A_588 = arith.mulf %get3A_83, %get3A_587 : vector<16xf32>
      %add3A_589 = arith.addf %mul3A_583, %mul3A_588 : vector<16xf32>
      %swap3A_590 = arith.index_cast %scan3A_76 : i32 to index
      %swap3A_591 = arith.constant 496 : index
      %swap3A_592 = tpu.vector_load %arg12[%swap3A_590, %swap3A_591] {strides = array<i32>} : memref<64x768xf32, #tpu.memory_space<vmem>>, vector<1x16xf32>,
      %swap3A_593 = vector.shape_cast %swap3A_592 : vector<1x16xf32> to vector<16xf32>
      %swap3A_594 = vector.shape_cast %add3A_589 : vector<16xf32> to vector<1x16xf32>
      tpu.vector_store %arg12[%swap3A_590, %swap3A_591], %swap3A_594 {strides = array<i32>} : memref<64x768xf32, #tpu.memory_space<vmem>>, vector<1x16xf32>,
      %get3A_595 = arith.index_cast %scan3A_76 : i32 to index
      %get3A_596 = arith.constant 512 : index
      %get3A_597 = tpu.vector_load %arg12[%get3A_595, %get3A_596] {strides = array<i32>} : memref<64x768xf32, #tpu.memory_space<vmem>>, vector<1x16xf32>,
      %get3A_598 = vector.shape_cast %get3A_597 : vector<1x16xf32> to vector<16xf32>
      %mul3A_599 = arith.mulf %get3A_79, %get3A_598 : vector<16xf32>
      %get3A_600 = arith.index_cast %scan3A_76 : i32 to index
      %get3A_601 = arith.constant 512 : index
      %get3A_602 = tpu.vector_load %arg13[%get3A_600, %get3A_601] {strides = array<i32>} : memref<64x768xf32, #tpu.memory_space<vmem>>, vector<1x16xf32>,
      %get3A_603 = vector.shape_cast %get3A_602 : vector<1x16xf32> to vector<16xf32>
      %mul3A_604 = arith.mulf %get3A_83, %get3A_603 : vector<16xf32>
      %add3A_605 = arith.addf %mul3A_599, %mul3A_604 : vector<16xf32>
      %swap3A_606 = arith.index_cast %scan3A_76 : i32 to index
      %swap3A_607 = arith.constant 512 : index
      %swap3A_608 = tpu.vector_load %arg12[%swap3A_606, %swap3A_607] {strides = array<i32>} : memref<64x768xf32, #tpu.memory_space<vmem>>, vector<1x16xf32>,
      %swap3A_609 = vector.shape_cast %swap3A_608 : vector<1x16xf32> to vector<16xf32>
      %swap3A_610 = vector.shape_cast %add3A_605 : vector<16xf32> to vector<1x16xf32>
      tpu.vector_store %arg12[%swap3A_606, %swap3A_607], %swap3A_610 {strides = array<i32>} : memref<64x768xf32, #tpu.memory_space<vmem>>, vector<1x16xf32>,
      %get3A_611 = arith.index_cast %scan3A_76 : i32 to index
      %get3A_612 = arith.constant 528 : index
      %get3A_613 = tpu.vector_load %arg12[%get3A_611, %get3A_612] {strides = array<i32>} : memref<64x768xf32, #tpu.memory_space<vmem>>, vector<1x16xf32>,
      %get3A_614 = vector.shape_cast %get3A_613 : vector<1x16xf32> to vector<16xf32>
      %mul3A_615 = arith.mulf %get3A_79, %get3A_614 : vector<16xf32>
      %get3A_616 = arith.index_cast %scan3A_76 : i32 to index
      %get3A_617 = arith.constant 528 : index
      %get3A_618 = tpu.vector_load %arg13[%get3A_616, %get3A_617] {strides = array<i32>} : memref<64x768xf32, #tpu.memory_space<vmem>>, vector<1x16xf32>,
      %get3A_619 = vector.shape_cast %get3A_618 : vector<1x16xf32> to vector<16xf32>
      %mul3A_620 = arith.mulf %get3A_83, %get3A_619 : vector<16xf32>
      %add3A_621 = arith.addf %mul3A_615, %mul3A_620 : vector<16xf32>
      %swap3A_622 = arith.index_cast %scan3A_76 : i32 to index
      %swap3A_623 = arith.constant 528 : index
      %swap3A_624 = tpu.vector_load %arg12[%swap3A_622, %swap3A_623] {strides = array<i32>} : memref<64x768xf32, #tpu.memory_space<vmem>>, vector<1x16xf32>,
      %swap3A_625 = vector.shape_cast %swap3A_624 : vector<1x16xf32> to vector<16xf32>
      %swap3A_626 = vector.shape_cast %add3A_621 : vector<16xf32> to vector<1x16xf32>
      tpu.vector_store %arg12[%swap3A_622, %swap3A_623], %swap3A_626 {strides = array<i32>} : memref<64x768xf32, #tpu.memory_space<vmem>>, vector<1x16xf32>,
      %get3A_627 = arith.index_cast %scan3A_76 : i32 to index
      %get3A_628 = arith.constant 544 : index
      %get3A_629 = tpu.vector_load %arg12[%get3A_627, %get3A_628] {strides = array<i32>} : memref<64x768xf32, #tpu.memory_space<vmem>>, vector<1x16xf32>,
      %get3A_630 = vector.shape_cast %get3A_629 : vector<1x16xf32> to vector<16xf32>
      %mul3A_631 = arith.mulf %get3A_79, %get3A_630 : vector<16xf32>
      %get3A_632 = arith.index_cast %scan3A_76 : i32 to index
      %get3A_633 = arith.constant 544 : index
      %get3A_634 = tpu.vector_load %arg13[%get3A_632, %get3A_633] {strides = array<i32>} : memref<64x768xf32, #tpu.memory_space<vmem>>, vector<1x16xf32>,
      %get3A_635 = vector.shape_cast %get3A_634 : vector<1x16xf32> to vector<16xf32>
      %mul3A_636 = arith.mulf %get3A_83, %get3A_635 : vector<16xf32>
      %add3A_637 = arith.addf %mul3A_631, %mul3A_636 : vector<16xf32>
      %swap3A_638 = arith.index_cast %scan3A_76 : i32 to index
      %swap3A_639 = arith.constant 544 : index
      %swap3A_640 = tpu.vector_load %arg12[%swap3A_638, %swap3A_639] {strides = array<i32>} : memref<64x768xf32, #tpu.memory_space<vmem>>, vector<1x16xf32>,
      %swap3A_641 = vector.shape_cast %swap3A_640 : vector<1x16xf32> to vector<16xf32>
      %swap3A_642 = vector.shape_cast %add3A_637 : vector<16xf32> to vector<1x16xf32>
      tpu.vector_store %arg12[%swap3A_638, %swap3A_639], %swap3A_642 {strides = array<i32>} : memref<64x768xf32, #tpu.memory_space<vmem>>, vector<1x16xf32>,
      %get3A_643 = arith.index_cast %scan3A_76 : i32 to index
      %get3A_644 = arith.constant 560 : index
      %get3A_645 = tpu.vector_load %arg12[%get3A_643, %get3A_644] {strides = array<i32>} : memref<64x768xf32, #tpu.memory_space<vmem>>, vector<1x16xf32>,
      %get3A_646 = vector.shape_cast %get3A_645 : vector<1x16xf32> to vector<16xf32>
      %mul3A_647 = arith.mulf %get3A_79, %get3A_646 : vector<16xf32>
      %get3A_648 = arith.index_cast %scan3A_76 : i32 to index
      %get3A_649 = arith.constant 560 : index
      %get3A_650 = tpu.vector_load %arg13[%get3A_648, %get3A_649] {strides = array<i32>} : memref<64x768xf32, #tpu.memory_space<vmem>>, vector<1x16xf32>,
      %get3A_651 = vector.shape_cast %get3A_650 : vector<1x16xf32> to vector<16xf32>
      %mul3A_652 = arith.mulf %get3A_83, %get3A_651 : vector<16xf32>
      %add3A_653 = arith.addf %mul3A_647, %mul3A_652 : vector<16xf32>
      %swap3A_654 = arith.index_cast %scan3A_76 : i32 to index
      %swap3A_655 = arith.constant 560 : index
      %swap3A_656 = tpu.vector_load %arg12[%swap3A_654, %swap3A_655] {strides = array<i32>} : memref<64x768xf32, #tpu.memory_space<vmem>>, vector<1x16xf32>,
      %swap3A_657 = vector.shape_cast %swap3A_656 : vector<1x16xf32> to vector<16xf32>
      %swap3A_658 = vector.shape_cast %add3A_653 : vector<16xf32> to vector<1x16xf32>
      tpu.vector_store %arg12[%swap3A_654, %swap3A_655], %swap3A_658 {strides = array<i32>} : memref<64x768xf32, #tpu.memory_space<vmem>>, vector<1x16xf32>,
      %get3A_659 = arith.index_cast %scan3A_76 : i32 to index
      %get3A_660 = arith.constant 576 : index
      %get3A_661 = tpu.vector_load %arg12[%get3A_659, %get3A_660] {strides = array<i32>} : memref<64x768xf32, #tpu.memory_space<vmem>>, vector<1x16xf32>,
      %get3A_662 = vector.shape_cast %get3A_661 : vector<1x16xf32> to vector<16xf32>
      %mul3A_663 = arith.mulf %get3A_79, %get3A_662 : vector<16xf32>
      %get3A_664 = arith.index_cast %scan3A_76 : i32 to index
      %get3A_665 = arith.constant 576 : index
      %get3A_666 = tpu.vector_load %arg13[%get3A_664, %get3A_665] {strides = array<i32>} : memref<64x768xf32, #tpu.memory_space<vmem>>, vector<1x16xf32>,
      %get3A_667 = vector.shape_cast %get3A_666 : vector<1x16xf32> to vector<16xf32>
      %mul3A_668 = arith.mulf %get3A_83, %get3A_667 : vector<16xf32>
      %add3A_669 = arith.addf %mul3A_663, %mul3A_668 : vector<16xf32>
      %swap3A_670 = arith.index_cast %scan3A_76 : i32 to index
      %swap3A_671 = arith.constant 576 : index
      %swap3A_672 = tpu.vector_load %arg12[%swap3A_670, %swap3A_671] {strides = array<i32>} : memref<64x768xf32, #tpu.memory_space<vmem>>, vector<1x16xf32>,
      %swap3A_673 = vector.shape_cast %swap3A_672 : vector<1x16xf32> to vector<16xf32>
      %swap3A_674 = vector.shape_cast %add3A_669 : vector<16xf32> to vector<1x16xf32>
      tpu.vector_store %arg12[%swap3A_670, %swap3A_671], %swap3A_674 {strides = array<i32>} : memref<64x768xf32, #tpu.memory_space<vmem>>, vector<1x16xf32>,
      %get3A_675 = arith.index_cast %scan3A_76 : i32 to index
      %get3A_676 = arith.constant 592 : index
      %get3A_677 = tpu.vector_load %arg12[%get3A_675, %get3A_676] {strides = array<i32>} : memref<64x768xf32, #tpu.memory_space<vmem>>, vector<1x16xf32>,
      %get3A_678 = vector.shape_cast %get3A_677 : vector<1x16xf32> to vector<16xf32>
      %mul3A_679 = arith.mulf %get3A_79, %get3A_678 : vector<16xf32>
      %get3A_680 = arith.index_cast %scan3A_76 : i32 to index
      %get3A_681 = arith.constant 592 : index
      %get3A_682 = tpu.vector_load %arg13[%get3A_680, %get3A_681] {strides = array<i32>} : memref<64x768xf32, #tpu.memory_space<vmem>>, vector<1x16xf32>,
      %get3A_683 = vector.shape_cast %get3A_682 : vector<1x16xf32> to vector<16xf32>
      %mul3A_684 = arith.mulf %get3A_83, %get3A_683 : vector<16xf32>
      %add3A_685 = arith.addf %mul3A_679, %mul3A_684 : vector<16xf32>
      %swap3A_686 = arith.index_cast %scan3A_76 : i32 to index
      %swap3A_687 = arith.constant 592 : index
      %swap3A_688 = tpu.vector_load %arg12[%swap3A_686, %swap3A_687] {strides = array<i32>} : memref<64x768xf32, #tpu.memory_space<vmem>>, vector<1x16xf32>,
      %swap3A_689 = vector.shape_cast %swap3A_688 : vector<1x16xf32> to vector<16xf32>
      %swap3A_690 = vector.shape_cast %add3A_685 : vector<16xf32> to vector<1x16xf32>
      tpu.vector_store %arg12[%swap3A_686, %swap3A_687], %swap3A_690 {strides = array<i32>} : memref<64x768xf32, #tpu.memory_space<vmem>>, vector<1x16xf32>,
      %get3A_691 = arith.index_cast %scan3A_76 : i32 to index
      %get3A_692 = arith.constant 608 : index
      %get3A_693 = tpu.vector_load %arg12[%get3A_691, %get3A_692] {strides = array<i32>} : memref<64x768xf32, #tpu.memory_space<vmem>>, vector<1x16xf32>,
      %get3A_694 = vector.shape_cast %get3A_693 : vector<1x16xf32> to vector<16xf32>
      %mul3A_695 = arith.mulf %get3A_79, %get3A_694 : vector<16xf32>
      %get3A_696 = arith.index_cast %scan3A_76 : i32 to index
      %get3A_697 = arith.constant 608 : index
      %get3A_698 = tpu.vector_load %arg13[%get3A_696, %get3A_697] {strides = array<i32>} : memref<64x768xf32, #tpu.memory_space<vmem>>, vector<1x16xf32>,
      %get3A_699 = vector.shape_cast %get3A_698 : vector<1x16xf32> to vector<16xf32>
      %mul3A_700 = arith.mulf %get3A_83, %get3A_699 : vector<16xf32>
      %add3A_701 = arith.addf %mul3A_695, %mul3A_700 : vector<16xf32>
      %swap3A_702 = arith.index_cast %scan3A_76 : i32 to index
      %swap3A_703 = arith.constant 608 : index
      %swap3A_704 = tpu.vector_load %arg12[%swap3A_702, %swap3A_703] {strides = array<i32>} : memref<64x768xf32, #tpu.memory_space<vmem>>, vector<1x16xf32>,
      %swap3A_705 = vector.shape_cast %swap3A_704 : vector<1x16xf32> to vector<16xf32>
      %swap3A_706 = vector.shape_cast %add3A_701 : vector<16xf32> to vector<1x16xf32>
      tpu.vector_store %arg12[%swap3A_702, %swap3A_703], %swap3A_706 {strides = array<i32>} : memref<64x768xf32, #tpu.memory_space<vmem>>, vector<1x16xf32>,
      %get3A_707 = arith.index_cast %scan3A_76 : i32 to index
      %get3A_708 = arith.constant 624 : index
      %get3A_709 = tpu.vector_load %arg12[%get3A_707, %get3A_708] {strides = array<i32>} : memref<64x768xf32, #tpu.memory_space<vmem>>, vector<1x16xf32>,
      %get3A_710 = vector.shape_cast %get3A_709 : vector<1x16xf32> to vector<16xf32>
      %mul3A_711 = arith.mulf %get3A_79, %get3A_710 : vector<16xf32>
      %get3A_712 = arith.index_cast %scan3A_76 : i32 to index
      %get3A_713 = arith.constant 624 : index
      %get3A_714 = tpu.vector_load %arg13[%get3A_712, %get3A_713] {strides = array<i32>} : memref<64x768xf32, #tpu.memory_space<vmem>>, vector<1x16xf32>,
      %get3A_715 = vector.shape_cast %get3A_714 : vector<1x16xf32> to vector<16xf32>
      %mul3A_716 = arith.mulf %get3A_83, %get3A_715 : vector<16xf32>
      %add3A_717 = arith.addf %mul3A_711, %mul3A_716 : vector<16xf32>
      %swap3A_718 = arith.index_cast %scan3A_76 : i32 to index
      %swap3A_719 = arith.constant 624 : index
      %swap3A_720 = tpu.vector_load %arg12[%swap3A_718, %swap3A_719] {strides = array<i32>} : memref<64x768xf32, #tpu.memory_space<vmem>>, vector<1x16xf32>,
      %swap3A_721 = vector.shape_cast %swap3A_720 : vector<1x16xf32> to vector<16xf32>
      %swap3A_722 = vector.shape_cast %add3A_717 : vector<16xf32> to vector<1x16xf32>
      tpu.vector_store %arg12[%swap3A_718, %swap3A_719], %swap3A_722 {strides = array<i32>} : memref<64x768xf32, #tpu.memory_space<vmem>>, vector<1x16xf32>,
      %get3A_723 = arith.index_cast %scan3A_76 : i32 to index
      %get3A_724 = arith.constant 640 : index
      %get3A_725 = tpu.vector_load %arg12[%get3A_723, %get3A_724] {strides = array<i32>} : memref<64x768xf32, #tpu.memory_space<vmem>>, vector<1x16xf32>,
      %get3A_726 = vector.shape_cast %get3A_725 : vector<1x16xf32> to vector<16xf32>
      %mul3A_727 = arith.mulf %get3A_79, %get3A_726 : vector<16xf32>
      %get3A_728 = arith.index_cast %scan3A_76 : i32 to index
      %get3A_729 = arith.constant 640 : index
      %get3A_730 = tpu.vector_load %arg13[%get3A_728, %get3A_729] {strides = array<i32>} : memref<64x768xf32, #tpu.memory_space<vmem>>, vector<1x16xf32>,
      %get3A_731 = vector.shape_cast %get3A_730 : vector<1x16xf32> to vector<16xf32>
      %mul3A_732 = arith.mulf %get3A_83, %get3A_731 : vector<16xf32>
      %add3A_733 = arith.addf %mul3A_727, %mul3A_732 : vector<16xf32>
      %swap3A_734 = arith.index_cast %scan3A_76 : i32 to index
      %swap3A_735 = arith.constant 640 : index
      %swap3A_736 = tpu.vector_load %arg12[%swap3A_734, %swap3A_735] {strides = array<i32>} : memref<64x768xf32, #tpu.memory_space<vmem>>, vector<1x16xf32>,
      %swap3A_737 = vector.shape_cast %swap3A_736 : vector<1x16xf32> to vector<16xf32>
      %swap3A_738 = vector.shape_cast %add3A_733 : vector<16xf32> to vector<1x16xf32>
      tpu.vector_store %arg12[%swap3A_734, %swap3A_735], %swap3A_738 {strides = array<i32>} : memref<64x768xf32, #tpu.memory_space<vmem>>, vector<1x16xf32>,
      %get3A_739 = arith.index_cast %scan3A_76 : i32 to index
      %get3A_740 = arith.constant 656 : index
      %get3A_741 = tpu.vector_load %arg12[%get3A_739, %get3A_740] {strides = array<i32>} : memref<64x768xf32, #tpu.memory_space<vmem>>, vector<1x16xf32>,
      %get3A_742 = vector.shape_cast %get3A_741 : vector<1x16xf32> to vector<16xf32>
      %mul3A_743 = arith.mulf %get3A_79, %get3A_742 : vector<16xf32>
      %get3A_744 = arith.index_cast %scan3A_76 : i32 to index
      %get3A_745 = arith.constant 656 : index
      %get3A_746 = tpu.vector_load %arg13[%get3A_744, %get3A_745] {strides = array<i32>} : memref<64x768xf32, #tpu.memory_space<vmem>>, vector<1x16xf32>,
      %get3A_747 = vector.shape_cast %get3A_746 : vector<1x16xf32> to vector<16xf32>
      %mul3A_748 = arith.mulf %get3A_83, %get3A_747 : vector<16xf32>
      %add3A_749 = arith.addf %mul3A_743, %mul3A_748 : vector<16xf32>
      %swap3A_750 = arith.index_cast %scan3A_76 : i32 to index
      %swap3A_751 = arith.constant 656 : index
      %swap3A_752 = tpu.vector_load %arg12[%swap3A_750, %swap3A_751] {strides = array<i32>} : memref<64x768xf32, #tpu.memory_space<vmem>>, vector<1x16xf32>,
      %swap3A_753 = vector.shape_cast %swap3A_752 : vector<1x16xf32> to vector<16xf32>
      %swap3A_754 = vector.shape_cast %add3A_749 : vector<16xf32> to vector<1x16xf32>
      tpu.vector_store %arg12[%swap3A_750, %swap3A_751], %swap3A_754 {strides = array<i32>} : memref<64x768xf32, #tpu.memory_space<vmem>>, vector<1x16xf32>,
      %get3A_755 = arith.index_cast %scan3A_76 : i32 to index
      %get3A_756 = arith.constant 672 : index
      %get3A_757 = tpu.vector_load %arg12[%get3A_755, %get3A_756] {strides = array<i32>} : memref<64x768xf32, #tpu.memory_space<vmem>>, vector<1x16xf32>,
      %get3A_758 = vector.shape_cast %get3A_757 : vector<1x16xf32> to vector<16xf32>
      %mul3A_759 = arith.mulf %get3A_79, %get3A_758 : vector<16xf32>
      %get3A_760 = arith.index_cast %scan3A_76 : i32 to index
      %get3A_761 = arith.constant 672 : index
      %get3A_762 = tpu.vector_load %arg13[%get3A_760, %get3A_761] {strides = array<i32>} : memref<64x768xf32, #tpu.memory_space<vmem>>, vector<1x16xf32>,
      %get3A_763 = vector.shape_cast %get3A_762 : vector<1x16xf32> to vector<16xf32>
      %mul3A_764 = arith.mulf %get3A_83, %get3A_763 : vector<16xf32>
      %add3A_765 = arith.addf %mul3A_759, %mul3A_764 : vector<16xf32>
      %swap3A_766 = arith.index_cast %scan3A_76 : i32 to index
      %swap3A_767 = arith.constant 672 : index
      %swap3A_768 = tpu.vector_load %arg12[%swap3A_766, %swap3A_767] {strides = array<i32>} : memref<64x768xf32, #tpu.memory_space<vmem>>, vector<1x16xf32>,
      %swap3A_769 = vector.shape_cast %swap3A_768 : vector<1x16xf32> to vector<16xf32>
      %swap3A_770 = vector.shape_cast %add3A_765 : vector<16xf32> to vector<1x16xf32>
      tpu.vector_store %arg12[%swap3A_766, %swap3A_767], %swap3A_770 {strides = array<i32>} : memref<64x768xf32, #tpu.memory_space<vmem>>, vector<1x16xf32>,
      %get3A_771 = arith.index_cast %scan3A_76 : i32 to index
      %get3A_772 = arith.constant 688 : index
      %get3A_773 = tpu.vector_load %arg12[%get3A_771, %get3A_772] {strides = array<i32>} : memref<64x768xf32, #tpu.memory_space<vmem>>, vector<1x16xf32>,
      %get3A_774 = vector.shape_cast %get3A_773 : vector<1x16xf32> to vector<16xf32>
      %mul3A_775 = arith.mulf %get3A_79, %get3A_774 : vector<16xf32>
      %get3A_776 = arith.index_cast %scan3A_76 : i32 to index
      %get3A_777 = arith.constant 688 : index
      %get3A_778 = tpu.vector_load %arg13[%get3A_776, %get3A_777] {strides = array<i32>} : memref<64x768xf32, #tpu.memory_space<vmem>>, vector<1x16xf32>,
      %get3A_779 = vector.shape_cast %get3A_778 : vector<1x16xf32> to vector<16xf32>
      %mul3A_780 = arith.mulf %get3A_83, %get3A_779 : vector<16xf32>
      %add3A_781 = arith.addf %mul3A_775, %mul3A_780 : vector<16xf32>
      %swap3A_782 = arith.index_cast %scan3A_76 : i32 to index
      %swap3A_783 = arith.constant 688 : index
      %swap3A_784 = tpu.vector_load %arg12[%swap3A_782, %swap3A_783] {strides = array<i32>} : memref<64x768xf32, #tpu.memory_space<vmem>>, vector<1x16xf32>,
      %swap3A_785 = vector.shape_cast %swap3A_784 : vector<1x16xf32> to vector<16xf32>
      %swap3A_786 = vector.shape_cast %add3A_781 : vector<16xf32> to vector<1x16xf32>
      tpu.vector_store %arg12[%swap3A_782, %swap3A_783], %swap3A_786 {strides = array<i32>} : memref<64x768xf32, #tpu.memory_space<vmem>>, vector<1x16xf32>,
      %get3A_787 = arith.index_cast %scan3A_76 : i32 to index
      %get3A_788 = arith.constant 704 : index
      %get3A_789 = tpu.vector_load %arg12[%get3A_787, %get3A_788] {strides = array<i32>} : memref<64x768xf32, #tpu.memory_space<vmem>>, vector<1x16xf32>,
      %get3A_790 = vector.shape_cast %get3A_789 : vector<1x16xf32> to vector<16xf32>
      %mul3A_791 = arith.mulf %get3A_79, %get3A_790 : vector<16xf32>
      %get3A_792 = arith.index_cast %scan3A_76 : i32 to index
      %get3A_793 = arith.constant 704 : index
      %get3A_794 = tpu.vector_load %arg13[%get3A_792, %get3A_793] {strides = array<i32>} : memref<64x768xf32, #tpu.memory_space<vmem>>, vector<1x16xf32>,
      %get3A_795 = vector.shape_cast %get3A_794 : vector<1x16xf32> to vector<16xf32>
      %mul3A_796 = arith.mulf %get3A_83, %get3A_795 : vector<16xf32>
      %add3A_797 = arith.addf %mul3A_791, %mul3A_796 : vector<16xf32>
      %swap3A_798 = arith.index_cast %scan3A_76 : i32 to index
      %swap3A_799 = arith.constant 704 : index
      %swap3A_800 = tpu.vector_load %arg12[%swap3A_798, %swap3A_799] {strides = array<i32>} : memref<64x768xf32, #tpu.memory_space<vmem>>, vector<1x16xf32>,
      %swap3A_801 = vector.shape_cast %swap3A_800 : vector<1x16xf32> to vector<16xf32>
      %swap3A_802 = vector.shape_cast %add3A_797 : vector<16xf32> to vector<1x16xf32>
      tpu.vector_store %arg12[%swap3A_798, %swap3A_799], %swap3A_802 {strides = array<i32>} : memref<64x768xf32, #tpu.memory_space<vmem>>, vector<1x16xf32>,
      %get3A_803 = arith.index_cast %scan3A_76 : i32 to index
      %get3A_804 = arith.constant 720 : index
      %get3A_805 = tpu.vector_load %arg12[%get3A_803, %get3A_804] {strides = array<i32>} : memref<64x768xf32, #tpu.memory_space<vmem>>, vector<1x16xf32>,
      %get3A_806 = vector.shape_cast %get3A_805 : vector<1x16xf32> to vector<16xf32>
      %mul3A_807 = arith.mulf %get3A_79, %get3A_806 : vector<16xf32>
      %get3A_808 = arith.index_cast %scan3A_76 : i32 to index
      %get3A_809 = arith.constant 720 : index
      %get3A_810 = tpu.vector_load %arg13[%get3A_808, %get3A_809] {strides = array<i32>} : memref<64x768xf32, #tpu.memory_space<vmem>>, vector<1x16xf32>,
      %get3A_811 = vector.shape_cast %get3A_810 : vector<1x16xf32> to vector<16xf32>
      %mul3A_812 = arith.mulf %get3A_83, %get3A_811 : vector<16xf32>
      %add3A_813 = arith.addf %mul3A_807, %mul3A_812 : vector<16xf32>
      %swap3A_814 = arith.index_cast %scan3A_76 : i32 to index
      %swap3A_815 = arith.constant 720 : index
      %swap3A_816 = tpu.vector_load %arg12[%swap3A_814, %swap3A_815] {strides = array<i32>} : memref<64x768xf32, #tpu.memory_space<vmem>>, vector<1x16xf32>,
      %swap3A_817 = vector.shape_cast %swap3A_816 : vector<1x16xf32> to vector<16xf32>
      %swap3A_818 = vector.shape_cast %add3A_813 : vector<16xf32> to vector<1x16xf32>
      tpu.vector_store %arg12[%swap3A_814, %swap3A_815], %swap3A_818 {strides = array<i32>} : memref<64x768xf32, #tpu.memory_space<vmem>>, vector<1x16xf32>,
      %get3A_819 = arith.index_cast %scan3A_76 : i32 to index
      %get3A_820 = arith.constant 736 : index
      %get3A_821 = tpu.vector_load %arg12[%get3A_819, %get3A_820] {strides = array<i32>} : memref<64x768xf32, #tpu.memory_space<vmem>>, vector<1x16xf32>,
      %get3A_822 = vector.shape_cast %get3A_821 : vector<1x16xf32> to vector<16xf32>
      %mul3A_823 = arith.mulf %get3A_79, %get3A_822 : vector<16xf32>
      %get3A_824 = arith.index_cast %scan3A_76 : i32 to index
      %get3A_825 = arith.constant 736 : index
      %get3A_826 = tpu.vector_load %arg13[%get3A_824, %get3A_825] {strides = array<i32>} : memref<64x768xf32, #tpu.memory_space<vmem>>, vector<1x16xf32>,
      %get3A_827 = vector.shape_cast %get3A_826 : vector<1x16xf32> to vector<16xf32>
      %mul3A_828 = arith.mulf %get3A_83, %get3A_827 : vector<16xf32>
      %add3A_829 = arith.addf %mul3A_823, %mul3A_828 : vector<16xf32>
      %swap3A_830 = arith.index_cast %scan3A_76 : i32 to index
      %swap3A_831 = arith.constant 736 : index
      %swap3A_832 = tpu.vector_load %arg12[%swap3A_830, %swap3A_831] {strides = array<i32>} : memref<64x768xf32, #tpu.memory_space<vmem>>, vector<1x16xf32>,
      %swap3A_833 = vector.shape_cast %swap3A_832 : vector<1x16xf32> to vector<16xf32>
      %swap3A_834 = vector.shape_cast %add3A_829 : vector<16xf32> to vector<1x16xf32>
      tpu.vector_store %arg12[%swap3A_830, %swap3A_831], %swap3A_834 {strides = array<i32>} : memref<64x768xf32, #tpu.memory_space<vmem>>, vector<1x16xf32>,
      %get3A_835 = arith.index_cast %scan3A_76 : i32 to index
      %get3A_836 = arith.constant 752 : index
      %get3A_837 = tpu.vector_load %arg12[%get3A_835, %get3A_836] {strides = array<i32>} : memref<64x768xf32, #tpu.memory_space<vmem>>, vector<1x16xf32>,
      %get3A_838 = vector.shape_cast %get3A_837 : vector<1x16xf32> to vector<16xf32>
      %mul3A_839 = arith.mulf %get3A_79, %get3A_838 : vector<16xf32>
      %get3A_840 = arith.index_cast %scan3A_76 : i32 to index
      %get3A_841 = arith.constant 752 : index
      %get3A_842 = tpu.vector_load %arg13[%get3A_840, %get3A_841] {strides = array<i32>} : memref<64x768xf32, #tpu.memory_space<vmem>>, vector<1x16xf32>,
      %get3A_843 = vector.shape_cast %get3A_842 : vector<1x16xf32> to vector<16xf32>
      %mul3A_844 = arith.mulf %get3A_83, %get3A_843 : vector<16xf32>
      %add3A_845 = arith.addf %mul3A_839, %mul3A_844 : vector<16xf32>
      %swap3A_846 = arith.index_cast %scan3A_76 : i32 to index
      %swap3A_847 = arith.constant 752 : index
      %swap3A_848 = tpu.vector_load %arg12[%swap3A_846, %swap3A_847] {strides = array<i32>} : memref<64x768xf32, #tpu.memory_space<vmem>>, vector<1x16xf32>,
      %swap3A_849 = vector.shape_cast %swap3A_848 : vector<1x16xf32> to vector<16xf32>
      %swap3A_850 = vector.shape_cast %add3A_845 : vector<16xf32> to vector<1x16xf32>
      tpu.vector_store %arg12[%swap3A_846, %swap3A_847], %swap3A_850 {strides = array<i32>} : memref<64x768xf32, #tpu.memory_space<vmem>>, vector<1x16xf32>,
    }
    %scan3A_75 = arith.constant 32 : i32
    "tpu.region"() ({
      %run_scoped3A = tpu.sem_alloc : memref<!tpu.dma_semaphore, #tpu.memory_space<semaphore_mem>>
      %dma_start3A_76 = arith.constant 0 : i32
      %dma_start3A_77 = tpu.memref_slice %arg7[%mul3A_2, %dma_start3A_76] : memref<2048x768xf32, #tpu.memory_space<hbm>> -> memref<64x768xf32, #tpu.memory_space<hbm>>
      %dma_start3A_78 = arith.constant 0 : i32
      %dma_start3A_79 = tpu.memref_slice %arg7[%mul3A_2, %dma_start3A_78] : memref<2048x768xf32, #tpu.memory_space<hbm>> -> memref<64x768xf32, #tpu.memory_space<hbm>>
      tpu.enqueue_dma source(%arg12 : memref<64x768xf32, #tpu.memory_space<vmem>>) target(%dma_start3A_79 : memref<64x768xf32, #tpu.memory_space<hbm>>) target_semaphore(%run_scoped3A : memref<!tpu.dma_semaphore, #tpu.memory_space<semaphore_mem>>)
      %dma_wait3A_80 = arith.constant 0 : i32
      %dma_wait3A_81 = tpu.memref_slice %arg7[%mul3A_2, %dma_wait3A_80] : memref<2048x768xf32, #tpu.memory_space<hbm>> -> memref<64x768xf32, #tpu.memory_space<hbm>>
      %dma_wait3A_82 = arith.constant 0 : i32
      %dma_wait3A_83 = tpu.memref_slice %arg7[%mul3A_2, %dma_wait3A_82] : memref<2048x768xf32, #tpu.memory_space<hbm>> -> memref<64x768xf32, #tpu.memory_space<hbm>>
      tpu.wait_dma2 semaphore(%run_scoped3A : memref<!tpu.dma_semaphore, #tpu.memory_space<semaphore_mem>>) src(%arg12 : memref<64x768xf32, #tpu.memory_space<vmem>>) dst(%dma_wait3A_83 : memref<64x768xf32, #tpu.memory_space<hbm>>)
      tpu.yield
    }) : () -> ()
    return
  }
}

#map = affine_map<(d0, d1) -> (0, 0)>
#map1 = affine_map<(d0, d1) -> (0)>
module attributes {stable_mosaic.version = 14 : i64} {
  func.func @disp(%arg0: i32, %arg1: i32, %arg2: memref<2048x768xf32, #tpu.memory_space<hbm>>, %arg3: memref<2048xi32, #tpu.memory_space<hbm>>, %arg4: memref<2048xi32, #tpu.memory_space<hbm>>, %arg5: memref<8192x768xf32, #tpu.memory_space<hbm>>, %arg6: memref<64xi32, #tpu.memory_space<vmem>>, %arg7: memref<64xi32, #tpu.memory_space<vmem>>, %arg8: memref<64x768xf32, #tpu.memory_space<vmem>>, %arg9: memref<!tpu.dma_semaphore, #tpu.memory_space<semaphore_mem>>) attributes {dimension_semantics = [#tpu.dimension_semantics<core_parallel>, #tpu.dimension_semantics<subcore_parallel>], iteration_bounds = array<i64: 2, 16>, scalar_prefetch = 0 : i64, scratch_operands = 4 : i64, tpu.core_type = #tpu.core_type<sc_vector_subcore>, window_params = [{transform_indices = #map}, {transform_indices = #map1}, {transform_indices = #map1}, {transform_indices = #map}]} {
    %mul3A = arith.constant 2 : i32
    %mul3A_0 = arith.muli %arg1, %mul3A : i32
    %add3A = arith.addi %mul3A_0, %arg0 : i32
    %mul3A_1 = arith.constant 64 : i32
    %mul3A_2 = arith.muli %add3A, %mul3A_1 : i32
    "tpu.region"() ({
      %run_scoped3A = tpu.sem_alloc : memref<!tpu.dma_semaphore, #tpu.memory_space<semaphore_mem>>
      %dma_start3A_13 = tpu.memref_slice %arg3[%mul3A_2] : memref<2048xi32, #tpu.memory_space<hbm>> -> memref<64xi32, #tpu.memory_space<hbm>>
      %dma_start3A_14 = tpu.memref_slice %arg3[%mul3A_2] : memref<2048xi32, #tpu.memory_space<hbm>> -> memref<64xi32, #tpu.memory_space<hbm>>
      tpu.enqueue_dma source(%dma_start3A_14 : memref<64xi32, #tpu.memory_space<hbm>>) target(%arg6 : memref<64xi32, #tpu.memory_space<vmem>>) target_semaphore(%run_scoped3A : memref<!tpu.dma_semaphore, #tpu.memory_space<semaphore_mem>>)
      %dma_wait3A_15 = tpu.memref_slice %arg3[%mul3A_2] : memref<2048xi32, #tpu.memory_space<hbm>> -> memref<64xi32, #tpu.memory_space<hbm>>
      %dma_wait3A_16 = tpu.memref_slice %arg3[%mul3A_2] : memref<2048xi32, #tpu.memory_space<hbm>> -> memref<64xi32, #tpu.memory_space<hbm>>
      tpu.wait_dma2 semaphore(%run_scoped3A : memref<!tpu.dma_semaphore, #tpu.memory_space<semaphore_mem>>) src(%dma_wait3A_16 : memref<64xi32, #tpu.memory_space<hbm>>) dst(%arg6 : memref<64xi32, #tpu.memory_space<vmem>>)
      tpu.yield
    }) : () -> ()
    "tpu.region"() ({
      %run_scoped3A = tpu.sem_alloc : memref<!tpu.dma_semaphore, #tpu.memory_space<semaphore_mem>>
      %dma_start3A_13 = tpu.memref_slice %arg4[%mul3A_2] : memref<2048xi32, #tpu.memory_space<hbm>> -> memref<64xi32, #tpu.memory_space<hbm>>
      %dma_start3A_14 = tpu.memref_slice %arg4[%mul3A_2] : memref<2048xi32, #tpu.memory_space<hbm>> -> memref<64xi32, #tpu.memory_space<hbm>>
      tpu.enqueue_dma source(%dma_start3A_14 : memref<64xi32, #tpu.memory_space<hbm>>) target(%arg7 : memref<64xi32, #tpu.memory_space<vmem>>) target_semaphore(%run_scoped3A : memref<!tpu.dma_semaphore, #tpu.memory_space<semaphore_mem>>)
      %dma_wait3A_15 = tpu.memref_slice %arg4[%mul3A_2] : memref<2048xi32, #tpu.memory_space<hbm>> -> memref<64xi32, #tpu.memory_space<hbm>>
      %dma_wait3A_16 = tpu.memref_slice %arg4[%mul3A_2] : memref<2048xi32, #tpu.memory_space<hbm>> -> memref<64xi32, #tpu.memory_space<hbm>>
      tpu.wait_dma2 semaphore(%run_scoped3A : memref<!tpu.dma_semaphore, #tpu.memory_space<semaphore_mem>>) src(%dma_wait3A_16 : memref<64xi32, #tpu.memory_space<hbm>>) dst(%arg7 : memref<64xi32, #tpu.memory_space<vmem>>)
      tpu.yield
    }) : () -> ()
    "tpu.region"() ({
      %run_scoped3A = tpu.sem_alloc : memref<!tpu.dma_semaphore, #tpu.memory_space<semaphore_mem>>
      %dma_start3A_13 = arith.constant 0 : i32
      %dma_start3A_14 = tpu.memref_slice %arg2[%mul3A_2, %dma_start3A_13] : memref<2048x768xf32, #tpu.memory_space<hbm>> -> memref<64x768xf32, #tpu.memory_space<hbm>>
      %dma_start3A_15 = arith.constant 0 : i32
      %dma_start3A_16 = tpu.memref_slice %arg2[%mul3A_2, %dma_start3A_15] : memref<2048x768xf32, #tpu.memory_space<hbm>> -> memref<64x768xf32, #tpu.memory_space<hbm>>
      tpu.enqueue_dma source(%dma_start3A_16 : memref<64x768xf32, #tpu.memory_space<hbm>>) target(%arg8 : memref<64x768xf32, #tpu.memory_space<vmem>>) target_semaphore(%run_scoped3A : memref<!tpu.dma_semaphore, #tpu.memory_space<semaphore_mem>>)
      %dma_wait3A_17 = arith.constant 0 : i32
      %dma_wait3A_18 = tpu.memref_slice %arg2[%mul3A_2, %dma_wait3A_17] : memref<2048x768xf32, #tpu.memory_space<hbm>> -> memref<64x768xf32, #tpu.memory_space<hbm>>
      %dma_wait3A_19 = arith.constant 0 : i32
      %dma_wait3A_20 = tpu.memref_slice %arg2[%mul3A_2, %dma_wait3A_19] : memref<2048x768xf32, #tpu.memory_space<hbm>> -> memref<64x768xf32, #tpu.memory_space<hbm>>
      tpu.wait_dma2 semaphore(%run_scoped3A : memref<!tpu.dma_semaphore, #tpu.memory_space<semaphore_mem>>) src(%dma_wait3A_20 : memref<64x768xf32, #tpu.memory_space<hbm>>) dst(%arg8 : memref<64x768xf32, #tpu.memory_space<vmem>>)
      tpu.yield
    }) : () -> ()
    %dma_start3A = arith.constant 0 : i32
    %dma_start3A_3 = arith.constant 0 : i32
    %dma_start3A_4 = tpu.memref_slice %arg5[%dma_start3A, %dma_start3A_3] : memref<8192x768xf32, #tpu.memory_space<hbm>> -> memref<8192x768xf32, #tpu.memory_space<hbm>>
    tpu.enqueue_indirect_dma source(%arg8 : memref<64x768xf32, #tpu.memory_space<vmem>>) target(%dma_start3A_4 : memref<8192x768xf32, #tpu.memory_space<hbm>>) offsets(%arg6 : memref<64xi32, #tpu.memory_space<vmem>>) semaphore(%arg9 : memref<!tpu.dma_semaphore, #tpu.memory_space<semaphore_mem>>)
    %dma_start3A_5 = arith.constant 0 : i32
    %dma_start3A_6 = arith.constant 0 : i32
    %dma_start3A_7 = tpu.memref_slice %arg5[%dma_start3A_5, %dma_start3A_6] : memref<8192x768xf32, #tpu.memory_space<hbm>> -> memref<8192x768xf32, #tpu.memory_space<hbm>>
    tpu.enqueue_indirect_dma source(%arg8 : memref<64x768xf32, #tpu.memory_space<vmem>>) target(%dma_start3A_7 : memref<8192x768xf32, #tpu.memory_space<hbm>>) offsets(%arg7 : memref<64xi32, #tpu.memory_space<vmem>>) semaphore(%arg9 : memref<!tpu.dma_semaphore, #tpu.memory_space<semaphore_mem>>)
    %dma_wait3A = arith.constant 0 : i32
    %dma_wait3A_8 = arith.constant 0 : i32
    %dma_wait3A_9 = tpu.memref_slice %arg5[%dma_wait3A, %dma_wait3A_8] : memref<8192x768xf32, #tpu.memory_space<hbm>> -> memref<8192x768xf32, #tpu.memory_space<hbm>>
    tpu.wait_indirect_dma semaphore(%arg9 : memref<!tpu.dma_semaphore, #tpu.memory_space<semaphore_mem>>) src(%arg8 : memref<64x768xf32, #tpu.memory_space<vmem>>) dst(%dma_wait3A_9 : memref<8192x768xf32, #tpu.memory_space<hbm>>)
    %dma_wait3A_10 = arith.constant 0 : i32
    %dma_wait3A_11 = arith.constant 0 : i32
    %dma_wait3A_12 = tpu.memref_slice %arg5[%dma_wait3A_10, %dma_wait3A_11] : memref<8192x768xf32, #tpu.memory_space<hbm>> -> memref<8192x768xf32, #tpu.memory_space<hbm>>
    tpu.wait_indirect_dma semaphore(%arg9 : memref<!tpu.dma_semaphore, #tpu.memory_space<semaphore_mem>>) src(%arg8 : memref<64x768xf32, #tpu.memory_space<vmem>>) dst(%dma_wait3A_12 : memref<8192x768xf32, #tpu.memory_space<hbm>>)
    return
  }
}

module attributes {stable_mosaic.version = 14 : i64} {
  func.func @_expert_body(%arg0: i32, %arg1: memref<16x1xi32, #tpu.memory_space<smem>>, %arg2: memref<16x1xi32, #tpu.memory_space<smem>>, %arg3: memref<512x768xf32, #tpu.memory_space<vmem>>, %arg4: memref<1x768x3072xf32, #tpu.memory_space<vmem>>, %arg5: memref<1x1x3072xf32, #tpu.memory_space<vmem>>, %arg6: memref<1x3072x768xf32, #tpu.memory_space<vmem>>, %arg7: memref<1x1x768xf32, #tpu.memory_space<vmem>>, %arg8: memref<512x768xf32, #tpu.memory_space<vmem>>) attributes {dimension_semantics = [#tpu.dimension_semantics<arbitrary>], iteration_bounds = array<i64: 16>, scalar_prefetch = 2 : i64, scratch_operands = 0 : i64, tpu.core_type = #tpu.core_type<tc>, window_params = [{transform_indices = @transform_0, window_bounds = array<i64: 512, 768>}, {transform_indices = @transform_1, window_bounds = array<i64: 1, 768, 3072>}, {transform_indices = @transform_2, window_bounds = array<i64: 1, 1, 3072>}, {transform_indices = @transform_3, window_bounds = array<i64: 1, 3072, 768>}, {transform_indices = @transform_4, window_bounds = array<i64: 1, 1, 768>}, {transform_indices = @transform_5, window_bounds = array<i64: 512, 768>}]} {
    %get3A = arith.index_cast %arg0 : i32 to index
    %get3A_0 = arith.constant 0 : index
    %get3A_1 = memref.load %arg2[%get3A, %get3A_0] : memref<16x1xi32, #tpu.memory_space<smem>>
    %eq3A = arith.constant 1 : i32
    %eq3A_2 = arith.cmpi eq, %get3A_1, %eq3A : i32
    %convert_element_type3A = arith.extui %eq3A_2 : i1 to i32
    %cond3A = arith.constant 0 : i32
    %cond3A_3 = arith.cmpi ne, %convert_element_type3A, %cond3A : i32
    scf.if %cond3A_3 {
      %get3A_4 = arith.constant 0 : index
      %get3A_5 = arith.constant 0 : index
      %get3A_6 = vector.load %arg3[%get3A_4, %get3A_5] : memref<512x768xf32, #tpu.memory_space<vmem>>, vector<512x768xf32>
      %get3A_7 = arith.constant 0 : index
      %get3A_8 = arith.constant 0 : index
      %get3A_9 = arith.constant 0 : index
      %get3A_10 = vector.load %arg4[%get3A_7, %get3A_8, %get3A_9] : memref<1x768x3072xf32, #tpu.memory_space<vmem>>, vector<1x768x3072xf32>
      %get3A_11 = vector.shape_cast %get3A_10 : vector<1x768x3072xf32> to vector<768x3072xf32>
      %dot_general3A = arith.constant dense<0.000000e+00> : vector<512x3072xf32>
      %dot_general3A_12 = tpu.matmul %get3A_6, %get3A_11, %dot_general3A {dimension_numbers = #tpu.dot_dimension_numbers<[1], [0], [0], [1], [0, 0, 1, 1], [], []>, transpose_lhs_hint = false} : vector<512x768xf32>, vector<768x3072xf32>, vector<512x3072xf32> -> vector<512x3072xf32>
      %get3A_13 = arith.constant 0 : index
      %get3A_14 = arith.constant 0 : index
      %get3A_15 = arith.constant 0 : index
      %get3A_16 = vector.load %arg5[%get3A_13, %get3A_14, %get3A_15] : memref<1x1x3072xf32, #tpu.memory_space<vmem>>, vector<1x1x3072xf32>
      %get3A_17 = vector.shape_cast %get3A_16 : vector<1x1x3072xf32> to vector<1x3072xf32>
      %add3A = vector.broadcast %get3A_17 : vector<1x3072xf32> to vector<512x3072xf32>
      %add3A_18 = arith.addf %dot_general3A_12, %add3A : vector<512x3072xf32>
      %logistic3A = arith.negf %add3A_18 : vector<512x3072xf32>
      %logistic3A_19 = math.exp %logistic3A : vector<512x3072xf32>
      %logistic3A_20 = arith.constant 1.000000e+00 : f32
      %logistic3A_21 = vector.broadcast %logistic3A_20 : f32 to vector<512x3072xf32>
      %logistic3A_22 = arith.addf %logistic3A_21, %logistic3A_19 : vector<512x3072xf32>
      %logistic3A_23 = arith.divf %logistic3A_21, %logistic3A_22 : vector<512x3072xf32>
      %mul3A = arith.mulf %add3A_18, %logistic3A_23 : vector<512x3072xf32>
      %get3A_24 = arith.constant 0 : index
      %get3A_25 = arith.constant 0 : index
      %get3A_26 = arith.constant 0 : index
      %get3A_27 = vector.load %arg6[%get3A_24, %get3A_25, %get3A_26] : memref<1x3072x768xf32, #tpu.memory_space<vmem>>, vector<1x3072x768xf32>
      %get3A_28 = vector.shape_cast %get3A_27 : vector<1x3072x768xf32> to vector<3072x768xf32>
      %dot_general3A_29 = arith.constant dense<0.000000e+00> : vector<512x768xf32>
      %dot_general3A_30 = tpu.matmul %mul3A, %get3A_28, %dot_general3A_29 {dimension_numbers = #tpu.dot_dimension_numbers<[1], [0], [0], [1], [0, 0, 1, 1], [], []>, transpose_lhs_hint = false} : vector<512x3072xf32>, vector<3072x768xf32>, vector<512x768xf32> -> vector<512x768xf32>
      %get3A_31 = arith.constant 0 : index
      %get3A_32 = arith.constant 0 : index
      %get3A_33 = arith.constant 0 : index
      %get3A_34 = vector.load %arg7[%get3A_31, %get3A_32, %get3A_33] : memref<1x1x768xf32, #tpu.memory_space<vmem>>, vector<1x1x768xf32>
      %get3A_35 = vector.shape_cast %get3A_34 : vector<1x1x768xf32> to vector<1x768xf32>
      %add3A_36 = vector.broadcast %get3A_35 : vector<1x768xf32> to vector<512x768xf32>
      %add3A_37 = arith.addf %dot_general3A_30, %add3A_36 : vector<512x768xf32>
      %swap3A = arith.constant 0 : index
      %swap3A_38 = arith.constant 0 : index
      %swap3A_39 = vector.load %arg8[%swap3A, %swap3A_38] : memref<512x768xf32, #tpu.memory_space<vmem>>, vector<512x768xf32>
      tpu.vector_store %arg8[%swap3A, %swap3A_38], %add3A_37 {strides = array<i32>} : memref<512x768xf32, #tpu.memory_space<vmem>>, vector<512x768xf32>,
    } else {
    }
    return
  }
  func.func @transform_0(%arg0: i32, %arg1: memref<16x1xi32, #tpu.memory_space<smem>>, %arg2: memref<16x1xi32, #tpu.memory_space<smem>>) -> (i32, i32) {
    %get3A = arith.index_cast %arg0 : i32 to index
    %get3A_0 = arith.constant 0 : index
    %get3A_1 = memref.load %arg2[%get3A, %get3A_0] : memref<16x1xi32, #tpu.memory_space<smem>>
    %eq3A = arith.constant 1 : i32
    %eq3A_2 = arith.cmpi eq, %get3A_1, %eq3A : i32
    %jit3A = arith.constant 15 : i32
    %select_n3A = arith.select %eq3A_2, %arg0, %jit3A : i32
    %c0_i32 = arith.constant 0 : i32
    %c0_i32_3 = arith.constant 0 : i32
    return %select_n3A, %c0_i32 : i32, i32
  }
  func.func @transform_1(%arg0: i32, %arg1: memref<16x1xi32, #tpu.memory_space<smem>>, %arg2: memref<16x1xi32, #tpu.memory_space<smem>>) -> (i32, i32, i32) {
    %get3A = arith.index_cast %arg0 : i32 to index
    %get3A_0 = arith.constant 0 : index
    %get3A_1 = memref.load %arg1[%get3A, %get3A_0] : memref<16x1xi32, #tpu.memory_space<smem>>
    %c0_i32 = arith.constant 0 : i32
    %c0_i32_2 = arith.constant 0 : i32
    %c0_i32_3 = arith.constant 0 : i32
    return %get3A_1, %c0_i32, %c0_i32_2 : i32, i32, i32
  }
  func.func @transform_2(%arg0: i32, %arg1: memref<16x1xi32, #tpu.memory_space<smem>>, %arg2: memref<16x1xi32, #tpu.memory_space<smem>>) -> (i32, i32, i32) {
    %get3A = arith.index_cast %arg0 : i32 to index
    %get3A_0 = arith.constant 0 : index
    %get3A_1 = memref.load %arg1[%get3A, %get3A_0] : memref<16x1xi32, #tpu.memory_space<smem>>
    %c0_i32 = arith.constant 0 : i32
    %c0_i32_2 = arith.constant 0 : i32
    %c0_i32_3 = arith.constant 0 : i32
    return %get3A_1, %c0_i32, %c0_i32_2 : i32, i32, i32
  }
  func.func @transform_3(%arg0: i32, %arg1: memref<16x1xi32, #tpu.memory_space<smem>>, %arg2: memref<16x1xi32, #tpu.memory_space<smem>>) -> (i32, i32, i32) {
    %get3A = arith.index_cast %arg0 : i32 to index
    %get3A_0 = arith.constant 0 : index
    %get3A_1 = memref.load %arg1[%get3A, %get3A_0] : memref<16x1xi32, #tpu.memory_space<smem>>
    %c0_i32 = arith.constant 0 : i32
    %c0_i32_2 = arith.constant 0 : i32
    %c0_i32_3 = arith.constant 0 : i32
    return %get3A_1, %c0_i32, %c0_i32_2 : i32, i32, i32
  }
  func.func @transform_4(%arg0: i32, %arg1: memref<16x1xi32, #tpu.memory_space<smem>>, %arg2: memref<16x1xi32, #tpu.memory_space<smem>>) -> (i32, i32, i32) {
    %get3A = arith.index_cast %arg0 : i32 to index
    %get3A_0 = arith.constant 0 : index
    %get3A_1 = memref.load %arg1[%get3A, %get3A_0] : memref<16x1xi32, #tpu.memory_space<smem>>
    %c0_i32 = arith.constant 0 : i32
    %c0_i32_2 = arith.constant 0 : i32
    %c0_i32_3 = arith.constant 0 : i32
    return %get3A_1, %c0_i32, %c0_i32_2 : i32, i32, i32
  }
  func.func @transform_5(%arg0: i32, %arg1: memref<16x1xi32, #tpu.memory_space<smem>>, %arg2: memref<16x1xi32, #tpu.memory_space<smem>>) -> (i32, i32) {
    %get3A = arith.index_cast %arg0 : i32 to index
    %get3A_0 = arith.constant 0 : index
    %get3A_1 = memref.load %arg2[%get3A, %get3A_0] : memref<16x1xi32, #tpu.memory_space<smem>>
    %eq3A = arith.constant 1 : i32
    %eq3A_2 = arith.cmpi eq, %get3A_1, %eq3A : i32
    %jit3A = arith.constant 15 : i32
    %select_n3A = arith.select %eq3A_2, %arg0, %jit3A : i32
    %c0_i32 = arith.constant 0 : i32
    %c0_i32_3 = arith.constant 0 : i32
    return %select_n3A, %c0_i32 : i32, i32
  }
}

module attributes {stable_mosaic.version = 14 : i64} {
  func.func @_router_body(%arg0: memref<2048x768xf32, #tpu.memory_space<vmem>>, %arg1: memref<768x8xf32, #tpu.memory_space<vmem>>, %arg2: memref<2048x1xi32, #tpu.memory_space<vmem>>, %arg3: memref<2048x1xi32, #tpu.memory_space<vmem>>, %arg4: memref<2048x16xf32, #tpu.memory_space<vmem>>, %arg5: memref<2048x16xf32, #tpu.memory_space<vmem>>, %arg6: memref<16x1xi32, #tpu.memory_space<vmem>>, %arg7: memref<16x1xi32, #tpu.memory_space<vmem>>, %arg8: memref<1x1xf32, #tpu.memory_space<vmem>>) attributes {dimension_semantics = [], scalar_prefetch = 0 : i64, scratch_operands = 0 : i64, tpu.core_type = #tpu.core_type<tc>} {
    %get3A = arith.constant 0 : index
    %get3A_0 = arith.constant 0 : index
    %get3A_1 = vector.load %arg0[%get3A, %get3A_0] : memref<2048x768xf32, #tpu.memory_space<vmem>>, vector<2048x768xf32>
    %get3A_2 = arith.constant 0 : index
    %get3A_3 = arith.constant 0 : index
    %get3A_4 = vector.load %arg1[%get3A_2, %get3A_3] : memref<768x8xf32, #tpu.memory_space<vmem>>, vector<768x8xf32>
    %dot_general3A = arith.constant dense<0.000000e+00> : vector<2048x8xf32>
    %dot_general3A_5 = tpu.matmul %get3A_1, %get3A_4, %dot_general3A {dimension_numbers = #tpu.dot_dimension_numbers<[1], [0], [0], [1], [0, 0, 1, 1], [], []>, transpose_lhs_hint = false} : vector<2048x768xf32>, vector<768x8xf32>, vector<2048x8xf32> -> vector<2048x8xf32>
    %reduce_max3A = arith.constant dense<0xFF800000> : vector<2048xf32>
    %reduce_max3A_6 = vector.multi_reduction <maximumf>, %dot_general3A_5, %reduce_max3A [1] : vector<2048x8xf32> to vector<2048xf32>
    %broadcast_in_dim3A = vector.shape_cast %reduce_max3A_6 : vector<2048xf32> to vector<2048x1xf32>
    %sub3A = vector.broadcast %broadcast_in_dim3A : vector<2048x1xf32> to vector<2048x8xf32>
    %sub3A_7 = arith.subf %dot_general3A_5, %sub3A : vector<2048x8xf32>
    %exp3A = math.exp %sub3A_7 : vector<2048x8xf32>
    %reduce_sum3A = arith.constant dense<0.000000e+00> : vector<2048xf32>
    %reduce_sum3A_8 = vector.multi_reduction <add>, %exp3A, %reduce_sum3A [1] : vector<2048x8xf32> to vector<2048xf32>
    %broadcast_in_dim3A_9 = vector.shape_cast %reduce_sum3A_8 : vector<2048xf32> to vector<2048x1xf32>
    %div3A = vector.broadcast %broadcast_in_dim3A_9 : vector<2048x1xf32> to vector<2048x8xf32>
    %div3A_10 = arith.divf %exp3A, %div3A : vector<2048x8xf32>
    %iota3A = tpu.iota {dimensions = array<i32: 1>} : vector<2048x8xi32>
    %reduce_max3A_11 = arith.constant dense<0xFF800000> : vector<2048xf32>
    %reduce_max3A_12 = vector.multi_reduction <maximumf>, %div3A_10, %reduce_max3A_11 [1] : vector<2048x8xf32> to vector<2048xf32>
    %broadcast_in_dim3A_13 = vector.shape_cast %reduce_max3A_12 : vector<2048xf32> to vector<2048x1xf32>
    %eq3A = vector.broadcast %broadcast_in_dim3A_13 : vector<2048x1xf32> to vector<2048x8xf32>
    %eq3A_14 = arith.cmpf oeq, %div3A_10, %eq3A : vector<2048x8xf32>
    %jit3A = arith.constant 8 : i32
    %broadcast_in_dim3A_15 = vector.broadcast %jit3A : i32 to vector<2048x8xi32>
    %select_n3A = arith.select %eq3A_14, %iota3A, %broadcast_in_dim3A_15 : vector<2048x8xi1>, vector<2048x8xi32>
    %reduce_min3A = arith.constant dense<2147483647> : vector<2048xi32>
    %reduce_min3A_16 = vector.multi_reduction <minsi>, %select_n3A, %reduce_min3A [1] : vector<2048x8xi32> to vector<2048xi32>
    %broadcast_in_dim3A_17 = vector.shape_cast %reduce_min3A_16 : vector<2048xi32> to vector<2048x1xi32>
    %eq3A_18 = vector.broadcast %broadcast_in_dim3A_17 : vector<2048x1xi32> to vector<2048x8xi32>
    %eq3A_19 = arith.cmpi eq, %iota3A, %eq3A_18 : vector<2048x8xi32>
    %jit3A_20 = arith.constant 0xFF800000 : f32
    %broadcast_in_dim3A_21 = vector.broadcast %jit3A_20 : f32 to vector<2048x8xf32>
    %select_n3A_22 = arith.select %eq3A_19, %broadcast_in_dim3A_21, %div3A_10 : vector<2048x8xi1>, vector<2048x8xf32>
    %reduce_max3A_23 = arith.constant dense<0xFF800000> : vector<2048xf32>
    %reduce_max3A_24 = vector.multi_reduction <maximumf>, %select_n3A_22, %reduce_max3A_23 [1] : vector<2048x8xf32> to vector<2048xf32>
    %broadcast_in_dim3A_25 = vector.shape_cast %reduce_max3A_24 : vector<2048xf32> to vector<2048x1xf32>
    %eq3A_26 = vector.broadcast %broadcast_in_dim3A_25 : vector<2048x1xf32> to vector<2048x8xf32>
    %eq3A_27 = arith.cmpf oeq, %select_n3A_22, %eq3A_26 : vector<2048x8xf32>
    %jit3A_28 = arith.constant 8 : i32
    %broadcast_in_dim3A_29 = vector.broadcast %jit3A_28 : i32 to vector<2048x8xi32>
    %select_n3A_30 = arith.select %eq3A_27, %iota3A, %broadcast_in_dim3A_29 : vector<2048x8xi1>, vector<2048x8xi32>
    %reduce_min3A_31 = arith.constant dense<2147483647> : vector<2048xi32>
    %reduce_min3A_32 = vector.multi_reduction <minsi>, %select_n3A_30, %reduce_min3A_31 [1] : vector<2048x8xi32> to vector<2048xi32>
    %broadcast_in_dim3A_33 = vector.shape_cast %reduce_min3A_32 : vector<2048xi32> to vector<2048x1xi32>
    %add3A = arith.addf %broadcast_in_dim3A_13, %broadcast_in_dim3A_25 : vector<2048x1xf32>
    %add3A_34 = arith.constant 9.99999971E-10 : f32
    %add3A_35 = vector.broadcast %add3A_34 : f32 to vector<2048x1xf32>
    %add3A_36 = arith.addf %add3A, %add3A_35 : vector<2048x1xf32>
    %broadcast_in_dim3A_37 = arith.constant 1.000000e+00 : f32
    %broadcast_in_dim3A_38 = vector.broadcast %broadcast_in_dim3A_37 : f32 to vector<1x16xf32>
    %div3A_39 = arith.divf %broadcast_in_dim3A_13, %add3A_36 : vector<2048x1xf32>
    %mul3A = vector.broadcast %div3A_39 : vector<2048x1xf32> to vector<2048x16xf32>
    %mul3A_40 = vector.broadcast %broadcast_in_dim3A_38 : vector<1x16xf32> to vector<2048x16xf32>
    %mul3A_41 = arith.mulf %mul3A, %mul3A_40 : vector<2048x16xf32>
    %swap3A = arith.constant 0 : index
    %swap3A_42 = arith.constant 0 : index
    %swap3A_43 = vector.load %arg4[%swap3A, %swap3A_42] : memref<2048x16xf32, #tpu.memory_space<vmem>>, vector<2048x16xf32>
    tpu.vector_store %arg4[%swap3A, %swap3A_42], %mul3A_41 {strides = array<i32>} : memref<2048x16xf32, #tpu.memory_space<vmem>>, vector<2048x16xf32>,
    %div3A_44 = arith.divf %broadcast_in_dim3A_25, %add3A_36 : vector<2048x1xf32>
    %mul3A_45 = vector.broadcast %div3A_44 : vector<2048x1xf32> to vector<2048x16xf32>
    %mul3A_46 = vector.broadcast %broadcast_in_dim3A_38 : vector<1x16xf32> to vector<2048x16xf32>
    %mul3A_47 = arith.mulf %mul3A_45, %mul3A_46 : vector<2048x16xf32>
    %swap3A_48 = arith.constant 0 : index
    %swap3A_49 = arith.constant 0 : index
    %swap3A_50 = vector.load %arg5[%swap3A_48, %swap3A_49] : memref<2048x16xf32, #tpu.memory_space<vmem>>, vector<2048x16xf32>
    tpu.vector_store %arg5[%swap3A_48, %swap3A_49], %mul3A_47 {strides = array<i32>} : memref<2048x16xf32, #tpu.memory_space<vmem>>, vector<2048x16xf32>,
    %reduce_sum3A_51 = arith.constant dense<0.000000e+00> : vector<8xf32>
    %reduce_sum3A_52 = vector.multi_reduction <add>, %div3A_10, %reduce_sum3A_51 [0] : vector<2048x8xf32> to vector<8xf32>
    %div3A_53 = arith.constant 2.048000e+03 : f32
    %div3A_54 = vector.broadcast %div3A_53 : f32 to vector<8xf32>
    %div3A_55 = arith.divf %reduce_sum3A_52, %div3A_54 : vector<8xf32>
    %eq3A_56 = vector.broadcast %broadcast_in_dim3A_17 : vector<2048x1xi32> to vector<2048x8xi32>
    %eq3A_57 = arith.cmpi eq, %iota3A, %eq3A_56 : vector<2048x8xi32>
    %jit3A_58 = arith.constant 1.000000e+00 : f32
    %jit3A_59 = arith.constant 0.000000e+00 : f32
    %broadcast_in_dim3A_60 = vector.broadcast %jit3A_58 : f32 to vector<2048x8xf32>
    %broadcast_in_dim3A_61 = vector.broadcast %jit3A_59 : f32 to vector<2048x8xf32>
    %select_n3A_62 = arith.select %eq3A_57, %broadcast_in_dim3A_60, %broadcast_in_dim3A_61 : vector<2048x8xi1>, vector<2048x8xf32>
    %reduce_sum3A_63 = arith.constant dense<0.000000e+00> : vector<8xf32>
    %reduce_sum3A_64 = vector.multi_reduction <add>, %select_n3A_62, %reduce_sum3A_63 [0] : vector<2048x8xf32> to vector<8xf32>
    %div3A_65 = arith.constant 2.048000e+03 : f32
    %div3A_66 = vector.broadcast %div3A_65 : f32 to vector<8xf32>
    %div3A_67 = arith.divf %reduce_sum3A_64, %div3A_66 : vector<8xf32>
    %mul3A_68 = arith.mulf %div3A_55, %div3A_67 : vector<8xf32>
    %reduce_sum3A_69 = vector.shape_cast %mul3A_68 : vector<8xf32> to vector<1x8xf32>
    %reduce_sum3A_70 = arith.constant dense<0.000000e+00> : vector<1xf32>
    %reduce_sum3A_71 = vector.multi_reduction <add>, %reduce_sum3A_69, %reduce_sum3A_70 [1] : vector<1x8xf32> to vector<1xf32>
    %reduce_sum3A_72 = vector.shape_cast %reduce_sum3A_71 : vector<1xf32> to vector<1x1xf32>
    %reduce_sum3A_73 = vector.extract %reduce_sum3A_72[0, 0] : f32 from vector<1x1xf32>
    %mul3A_74 = arith.constant 8.000000e+00 : f32
    %mul3A_75 = arith.mulf %reduce_sum3A_73, %mul3A_74 : f32
    %reshape3A = vector.broadcast %mul3A_75 : f32 to vector<1x1xf32>
    %swap3A_76 = arith.constant 0 : index
    %swap3A_77 = arith.constant 0 : index
    %swap3A_78 = vector.load %arg8[%swap3A_76, %swap3A_77] : memref<1x1xf32, #tpu.memory_space<vmem>>, vector<1x1xf32>
    tpu.vector_store %arg8[%swap3A_76, %swap3A_77], %reshape3A {strides = array<i32>} : memref<1x1xf32, #tpu.memory_space<vmem>>, vector<1x1xf32>,
    %eq3A_79 = vector.broadcast %broadcast_in_dim3A_17 : vector<2048x1xi32> to vector<2048x8xi32>
    %eq3A_80 = arith.cmpi eq, %iota3A, %eq3A_79 : vector<2048x8xi32>
    %jit3A_81 = arith.constant 1.000000e+00 : f32
    %jit3A_82 = arith.constant 0.000000e+00 : f32
    %broadcast_in_dim3A_83 = vector.broadcast %jit3A_81 : f32 to vector<2048x8xf32>
    %broadcast_in_dim3A_84 = vector.broadcast %jit3A_82 : f32 to vector<2048x8xf32>
    %select_n3A_85 = arith.select %eq3A_80, %broadcast_in_dim3A_83, %broadcast_in_dim3A_84 : vector<2048x8xi1>, vector<2048x8xf32>
    %eq3A_86 = vector.broadcast %broadcast_in_dim3A_33 : vector<2048x1xi32> to vector<2048x8xi32>
    %eq3A_87 = arith.cmpi eq, %iota3A, %eq3A_86 : vector<2048x8xi32>
    %jit3A_88 = arith.constant 1.000000e+00 : f32
    %jit3A_89 = arith.constant 0.000000e+00 : f32
    %broadcast_in_dim3A_90 = vector.broadcast %jit3A_88 : f32 to vector<2048x8xf32>
    %broadcast_in_dim3A_91 = vector.broadcast %jit3A_89 : f32 to vector<2048x8xf32>
    %select_n3A_92 = arith.select %eq3A_87, %broadcast_in_dim3A_90, %broadcast_in_dim3A_91 : vector<2048x8xi1>, vector<2048x8xf32>
    %iota3A_93 = tpu.iota {dimensions = array<i32: 0>} : vector<256x256xi32>
    %iota3A_94 = tpu.iota {dimensions = array<i32: 1>} : vector<256x256xi32>
    %ge3A = arith.cmpi sge, %iota3A_93, %iota3A_94 : vector<256x256xi32>
    %jit3A_95 = arith.constant 1.000000e+00 : f32
    %jit3A_96 = arith.constant 0.000000e+00 : f32
    %broadcast_in_dim3A_97 = vector.broadcast %jit3A_95 : f32 to vector<256x256xf32>
    %broadcast_in_dim3A_98 = vector.broadcast %jit3A_96 : f32 to vector<256x256xf32>
    %select_n3A_99 = arith.select %ge3A, %broadcast_in_dim3A_97, %broadcast_in_dim3A_98 : vector<256x256xi1>, vector<256x256xf32>
    %concatenate3A = tpu.concatenate %select_n3A_85, %select_n3A_92 in 1 : vector<2048x8xf32>, vector<2048x8xf32> -> vector<2048x16xf32>
    %broadcast_in_dim3A_100 = arith.constant 0.000000e+00 : f32
    %broadcast_in_dim3A_101 = vector.broadcast %broadcast_in_dim3A_100 : f32 to vector<1x16xf32>
    %slice3A = vector.extract_strided_slice %concatenate3A {offsets = [0, 0], sizes = [256, 16], strides = [1, 1]} : vector<2048x16xf32> to vector<256x16xf32>
    %dot_general3A_102 = arith.constant dense<0.000000e+00> : vector<256x16xf32>
    %dot_general3A_103 = tpu.matmul %select_n3A_99, %slice3A, %dot_general3A_102 {dimension_numbers = #tpu.dot_dimension_numbers<[1], [0], [0], [1], [0, 0, 1, 1], [], []>, transpose_lhs_hint = false} : vector<256x256xf32>, vector<256x16xf32>, vector<256x16xf32> -> vector<256x16xf32>
    %add3A_104 = vector.broadcast %broadcast_in_dim3A_101 : vector<1x16xf32> to vector<256x16xf32>
    %add3A_105 = arith.addf %dot_general3A_103, %add3A_104 : vector<256x16xf32>
    %slice3A_106 = vector.extract_strided_slice %add3A_105 {offsets = [255, 0], sizes = [1, 16], strides = [1, 1]} : vector<256x16xf32> to vector<1x16xf32>
    %slice3A_107 = vector.extract_strided_slice %concatenate3A {offsets = [256, 0], sizes = [256, 16], strides = [1, 1]} : vector<2048x16xf32> to vector<256x16xf32>
    %dot_general3A_108 = arith.constant dense<0.000000e+00> : vector<256x16xf32>
    %dot_general3A_109 = tpu.matmul %select_n3A_99, %slice3A_107, %dot_general3A_108 {dimension_numbers = #tpu.dot_dimension_numbers<[1], [0], [0], [1], [0, 0, 1, 1], [], []>, transpose_lhs_hint = false} : vector<256x256xf32>, vector<256x16xf32>, vector<256x16xf32> -> vector<256x16xf32>
    %add3A_110 = vector.broadcast %slice3A_106 : vector<1x16xf32> to vector<256x16xf32>
    %add3A_111 = arith.addf %dot_general3A_109, %add3A_110 : vector<256x16xf32>
    %slice3A_112 = vector.extract_strided_slice %add3A_111 {offsets = [255, 0], sizes = [1, 16], strides = [1, 1]} : vector<256x16xf32> to vector<1x16xf32>
    %slice3A_113 = vector.extract_strided_slice %concatenate3A {offsets = [512, 0], sizes = [256, 16], strides = [1, 1]} : vector<2048x16xf32> to vector<256x16xf32>
    %dot_general3A_114 = arith.constant dense<0.000000e+00> : vector<256x16xf32>
    %dot_general3A_115 = tpu.matmul %select_n3A_99, %slice3A_113, %dot_general3A_114 {dimension_numbers = #tpu.dot_dimension_numbers<[1], [0], [0], [1], [0, 0, 1, 1], [], []>, transpose_lhs_hint = false} : vector<256x256xf32>, vector<256x16xf32>, vector<256x16xf32> -> vector<256x16xf32>
    %add3A_116 = vector.broadcast %slice3A_112 : vector<1x16xf32> to vector<256x16xf32>
    %add3A_117 = arith.addf %dot_general3A_115, %add3A_116 : vector<256x16xf32>
    %slice3A_118 = vector.extract_strided_slice %add3A_117 {offsets = [255, 0], sizes = [1, 16], strides = [1, 1]} : vector<256x16xf32> to vector<1x16xf32>
    %slice3A_119 = vector.extract_strided_slice %concatenate3A {offsets = [768, 0], sizes = [256, 16], strides = [1, 1]} : vector<2048x16xf32> to vector<256x16xf32>
    %dot_general3A_120 = arith.constant dense<0.000000e+00> : vector<256x16xf32>
    %dot_general3A_121 = tpu.matmul %select_n3A_99, %slice3A_119, %dot_general3A_120 {dimension_numbers = #tpu.dot_dimension_numbers<[1], [0], [0], [1], [0, 0, 1, 1], [], []>, transpose_lhs_hint = false} : vector<256x256xf32>, vector<256x16xf32>, vector<256x16xf32> -> vector<256x16xf32>
    %add3A_122 = vector.broadcast %slice3A_118 : vector<1x16xf32> to vector<256x16xf32>
    %add3A_123 = arith.addf %dot_general3A_121, %add3A_122 : vector<256x16xf32>
    %slice3A_124 = vector.extract_strided_slice %add3A_123 {offsets = [255, 0], sizes = [1, 16], strides = [1, 1]} : vector<256x16xf32> to vector<1x16xf32>
    %slice3A_125 = vector.extract_strided_slice %concatenate3A {offsets = [1024, 0], sizes = [256, 16], strides = [1, 1]} : vector<2048x16xf32> to vector<256x16xf32>
    %dot_general3A_126 = arith.constant dense<0.000000e+00> : vector<256x16xf32>
    %dot_general3A_127 = tpu.matmul %select_n3A_99, %slice3A_125, %dot_general3A_126 {dimension_numbers = #tpu.dot_dimension_numbers<[1], [0], [0], [1], [0, 0, 1, 1], [], []>, transpose_lhs_hint = false} : vector<256x256xf32>, vector<256x16xf32>, vector<256x16xf32> -> vector<256x16xf32>
    %add3A_128 = vector.broadcast %slice3A_124 : vector<1x16xf32> to vector<256x16xf32>
    %add3A_129 = arith.addf %dot_general3A_127, %add3A_128 : vector<256x16xf32>
    %slice3A_130 = vector.extract_strided_slice %add3A_129 {offsets = [255, 0], sizes = [1, 16], strides = [1, 1]} : vector<256x16xf32> to vector<1x16xf32>
    %slice3A_131 = vector.extract_strided_slice %concatenate3A {offsets = [1280, 0], sizes = [256, 16], strides = [1, 1]} : vector<2048x16xf32> to vector<256x16xf32>
    %dot_general3A_132 = arith.constant dense<0.000000e+00> : vector<256x16xf32>
    %dot_general3A_133 = tpu.matmul %select_n3A_99, %slice3A_131, %dot_general3A_132 {dimension_numbers = #tpu.dot_dimension_numbers<[1], [0], [0], [1], [0, 0, 1, 1], [], []>, transpose_lhs_hint = false} : vector<256x256xf32>, vector<256x16xf32>, vector<256x16xf32> -> vector<256x16xf32>
    %add3A_134 = vector.broadcast %slice3A_130 : vector<1x16xf32> to vector<256x16xf32>
    %add3A_135 = arith.addf %dot_general3A_133, %add3A_134 : vector<256x16xf32>
    %slice3A_136 = vector.extract_strided_slice %add3A_135 {offsets = [255, 0], sizes = [1, 16], strides = [1, 1]} : vector<256x16xf32> to vector<1x16xf32>
    %slice3A_137 = vector.extract_strided_slice %concatenate3A {offsets = [1536, 0], sizes = [256, 16], strides = [1, 1]} : vector<2048x16xf32> to vector<256x16xf32>
    %dot_general3A_138 = arith.constant dense<0.000000e+00> : vector<256x16xf32>
    %dot_general3A_139 = tpu.matmul %select_n3A_99, %slice3A_137, %dot_general3A_138 {dimension_numbers = #tpu.dot_dimension_numbers<[1], [0], [0], [1], [0, 0, 1, 1], [], []>, transpose_lhs_hint = false} : vector<256x256xf32>, vector<256x16xf32>, vector<256x16xf32> -> vector<256x16xf32>
    %add3A_140 = vector.broadcast %slice3A_136 : vector<1x16xf32> to vector<256x16xf32>
    %add3A_141 = arith.addf %dot_general3A_139, %add3A_140 : vector<256x16xf32>
    %slice3A_142 = vector.extract_strided_slice %add3A_141 {offsets = [255, 0], sizes = [1, 16], strides = [1, 1]} : vector<256x16xf32> to vector<1x16xf32>
    %slice3A_143 = vector.extract_strided_slice %concatenate3A {offsets = [1792, 0], sizes = [256, 16], strides = [1, 1]} : vector<2048x16xf32> to vector<256x16xf32>
    %dot_general3A_144 = arith.constant dense<0.000000e+00> : vector<256x16xf32>
    %dot_general3A_145 = tpu.matmul %select_n3A_99, %slice3A_143, %dot_general3A_144 {dimension_numbers = #tpu.dot_dimension_numbers<[1], [0], [0], [1], [0, 0, 1, 1], [], []>, transpose_lhs_hint = false} : vector<256x256xf32>, vector<256x16xf32>, vector<256x16xf32> -> vector<256x16xf32>
    %add3A_146 = vector.broadcast %slice3A_142 : vector<1x16xf32> to vector<256x16xf32>
    %add3A_147 = arith.addf %dot_general3A_145, %add3A_146 : vector<256x16xf32>
    %concatenate3A_148 = tpu.concatenate %add3A_105, %add3A_111, %add3A_117, %add3A_123, %add3A_129, %add3A_135, %add3A_141, %add3A_147 in 0 : vector<256x16xf32>, vector<256x16xf32>, vector<256x16xf32>, vector<256x16xf32>, vector<256x16xf32>, vector<256x16xf32>, vector<256x16xf32>, vector<256x16xf32> -> vector<2048x16xf32>
    %slice3A_149 = vector.extract_strided_slice %concatenate3A_148 {offsets = [0, 0], sizes = [2048, 8], strides = [1, 1]} : vector<2048x16xf32> to vector<2048x8xf32>
    %slice3A_150 = vector.extract_strided_slice %concatenate3A_148 {offsets = [0, 8], sizes = [2048, 8], strides = [1, 1]} : vector<2048x16xf32> to vector<2048x8xf32>
    %slice3A_151 = vector.extract_strided_slice %slice3A_149 {offsets = [2047, 0], sizes = [1, 8], strides = [1, 1]} : vector<2048x8xf32> to vector<1x8xf32>
    %slice3A_152 = vector.extract_strided_slice %slice3A_150 {offsets = [2047, 0], sizes = [1, 8], strides = [1, 1]} : vector<2048x8xf32> to vector<1x8xf32>
    %add3A_153 = arith.addf %slice3A_151, %slice3A_152 : vector<1x8xf32>
    %add3A_154 = arith.constant 5.110000e+02 : f32
    %add3A_155 = vector.broadcast %add3A_154 : f32 to vector<1x8xf32>
    %add3A_156 = arith.addf %add3A_153, %add3A_155 : vector<1x8xf32>
    %div3A_157 = arith.constant 5.120000e+02 : f32
    %div3A_158 = vector.broadcast %div3A_157 : f32 to vector<1x8xf32>
    %div3A_159 = arith.divf %add3A_156, %div3A_158 : vector<1x8xf32>
    %floor3A = math.floor %div3A_159 : vector<1x8xf32>
    %iota3A_160 = tpu.iota {dimensions = array<i32: 0>} : vector<8x8xi32>
    %iota3A_161 = tpu.iota {dimensions = array<i32: 1>} : vector<8x8xi32>
    %le3A = arith.cmpi sle, %iota3A_160, %iota3A_161 : vector<8x8xi32>
    %jit3A_162 = arith.constant 1.000000e+00 : f32
    %jit3A_163 = arith.constant 0.000000e+00 : f32
    %broadcast_in_dim3A_164 = vector.broadcast %jit3A_162 : f32 to vector<8x8xf32>
    %broadcast_in_dim3A_165 = vector.broadcast %jit3A_163 : f32 to vector<8x8xf32>
    %select_n3A_166 = arith.select %le3A, %broadcast_in_dim3A_164, %broadcast_in_dim3A_165 : vector<8x8xi1>, vector<8x8xf32>
    %dot_general3A_167 = arith.constant dense<0.000000e+00> : vector<1x8xf32>
    %dot_general3A_168 = tpu.matmul %floor3A, %select_n3A_166, %dot_general3A_167 {dimension_numbers = #tpu.dot_dimension_numbers<[1], [0], [0], [1], [0, 0, 1, 1], [], []>, transpose_lhs_hint = false} : vector<1x8xf32>, vector<8x8xf32>, vector<1x8xf32> -> vector<1x8xf32>
    %sub3A_169 = arith.subf %dot_general3A_168, %floor3A : vector<1x8xf32>
    %mul3A_170 = arith.constant 5.120000e+02 : f32
    %mul3A_171 = vector.broadcast %mul3A_170 : f32 to vector<1x8xf32>
    %mul3A_172 = arith.mulf %sub3A_169, %mul3A_171 : vector<1x8xf32>
    %add3A_173 = vector.broadcast %mul3A_172 : vector<1x8xf32> to vector<2048x8xf32>
    %add3A_174 = arith.addf %add3A_173, %slice3A_149 : vector<2048x8xf32>
    %sub3A_175 = arith.constant 1.000000e+00 : f32
    %sub3A_176 = vector.broadcast %sub3A_175 : f32 to vector<2048x8xf32>
    %sub3A_177 = arith.subf %add3A_174, %sub3A_176 : vector<2048x8xf32>
    %mul3A_178 = arith.mulf %select_n3A_85, %sub3A_177 : vector<2048x8xf32>
    %reduce_sum3A_179 = arith.constant dense<0.000000e+00> : vector<2048xf32>
    %reduce_sum3A_180 = vector.multi_reduction <add>, %mul3A_178, %reduce_sum3A_179 [1] : vector<2048x8xf32> to vector<2048xf32>
    %broadcast_in_dim3A_181 = vector.shape_cast %reduce_sum3A_180 : vector<2048xf32> to vector<2048x1xf32>
    %add3A_182 = arith.addf %mul3A_172, %slice3A_151 : vector<1x8xf32>
    %add3A_183 = vector.broadcast %add3A_182 : vector<1x8xf32> to vector<2048x8xf32>
    %add3A_184 = arith.addf %add3A_183, %slice3A_150 : vector<2048x8xf32>
    %sub3A_185 = arith.constant 1.000000e+00 : f32
    %sub3A_186 = vector.broadcast %sub3A_185 : f32 to vector<2048x8xf32>
    %sub3A_187 = arith.subf %add3A_184, %sub3A_186 : vector<2048x8xf32>
    %mul3A_188 = arith.mulf %select_n3A_92, %sub3A_187 : vector<2048x8xf32>
    %reduce_sum3A_189 = arith.constant dense<0.000000e+00> : vector<2048xf32>
    %reduce_sum3A_190 = vector.multi_reduction <add>, %mul3A_188, %reduce_sum3A_189 [1] : vector<2048x8xf32> to vector<2048xf32>
    %broadcast_in_dim3A_191 = vector.shape_cast %reduce_sum3A_190 : vector<2048xf32> to vector<2048x1xf32>
    %convert_element_type3A = arith.fptosi %broadcast_in_dim3A_181 : vector<2048x1xf32> to vector<2048x1xi32>
    %swap3A_192 = arith.constant 0 : index
    %swap3A_193 = arith.constant 0 : index
    %swap3A_194 = vector.load %arg2[%swap3A_192, %swap3A_193] : memref<2048x1xi32, #tpu.memory_space<vmem>>, vector<2048x1xi32>
    tpu.vector_store %arg2[%swap3A_192, %swap3A_193], %convert_element_type3A {strides = array<i32>} : memref<2048x1xi32, #tpu.memory_space<vmem>>, vector<2048x1xi32>,
    %convert_element_type3A_195 = arith.fptosi %broadcast_in_dim3A_191 : vector<2048x1xf32> to vector<2048x1xi32>
    %swap3A_196 = arith.constant 0 : index
    %swap3A_197 = arith.constant 0 : index
    %swap3A_198 = vector.load %arg3[%swap3A_196, %swap3A_197] : memref<2048x1xi32, #tpu.memory_space<vmem>>, vector<2048x1xi32>
    tpu.vector_store %arg3[%swap3A_196, %swap3A_197], %convert_element_type3A_195 {strides = array<i32>} : memref<2048x1xi32, #tpu.memory_space<vmem>>, vector<2048x1xi32>,
    %mul3A_199 = arith.constant 5.120000e+02 : f32
    %mul3A_200 = vector.broadcast %mul3A_199 : f32 to vector<1x8xf32>
    %mul3A_201 = arith.mulf %floor3A, %mul3A_200 : vector<1x8xf32>
    %add3A_202 = arith.addf %mul3A_172, %mul3A_201 : vector<1x8xf32>
    %iota3A_203 = tpu.iota {dimensions = array<i32: 0>} : vector<16x8xi32>
    %convert_element_type3A_204 = arith.sitofp %iota3A_203 : vector<16x8xi32> to vector<16x8xf32>
    %mul3A_205 = arith.constant 5.120000e+02 : f32
    %mul3A_206 = vector.broadcast %mul3A_205 : f32 to vector<16x8xf32>
    %mul3A_207 = arith.mulf %convert_element_type3A_204, %mul3A_206 : vector<16x8xf32>
    %ge3A_208 = vector.broadcast %add3A_202 : vector<1x8xf32> to vector<16x8xf32>
    %ge3A_209 = arith.cmpf oge, %mul3A_207, %ge3A_208 : vector<16x8xf32>
    %jit3A_210 = arith.constant 1.000000e+00 : f32
    %jit3A_211 = arith.constant 0.000000e+00 : f32
    %broadcast_in_dim3A_212 = vector.broadcast %jit3A_210 : f32 to vector<16x8xf32>
    %broadcast_in_dim3A_213 = vector.broadcast %jit3A_211 : f32 to vector<16x8xf32>
    %select_n3A_214 = arith.select %ge3A_209, %broadcast_in_dim3A_212, %broadcast_in_dim3A_213 : vector<16x8xi1>, vector<16x8xf32>
    %reduce_sum3A_215 = arith.constant dense<0.000000e+00> : vector<16xf32>
    %reduce_sum3A_216 = vector.multi_reduction <add>, %select_n3A_214, %reduce_sum3A_215 [1] : vector<16x8xf32> to vector<16xf32>
    %broadcast_in_dim3A_217 = vector.shape_cast %reduce_sum3A_216 : vector<16xf32> to vector<16x1xf32>
    %min3A = arith.constant 7.000000e+00 : f32
    %min3A_218 = vector.broadcast %min3A : f32 to vector<16x1xf32>
    %min3A_219 = arith.minimumf %broadcast_in_dim3A_217, %min3A_218 : vector<16x1xf32>
    %convert_element_type3A_220 = arith.fptosi %min3A_219 : vector<16x1xf32> to vector<16x1xi32>
    %swap3A_221 = arith.constant 0 : index
    %swap3A_222 = arith.constant 0 : index
    %swap3A_223 = vector.load %arg6[%swap3A_221, %swap3A_222] : memref<16x1xi32, #tpu.memory_space<vmem>>, vector<16x1xi32>
    tpu.vector_store %arg6[%swap3A_221, %swap3A_222], %convert_element_type3A_220 {strides = array<i32>} : memref<16x1xi32, #tpu.memory_space<vmem>>, vector<16x1xi32>,
    %reduce_sum3A_224 = vector.shape_cast %floor3A : vector<1x8xf32> to vector<1x1x8xf32>
    %reduce_sum3A_225 = arith.constant dense<0.000000e+00> : vector<1xf32>
    %reduce_sum3A_226 = vector.multi_reduction <add>, %reduce_sum3A_224, %reduce_sum3A_225 [1, 2] : vector<1x1x8xf32> to vector<1xf32>
    %reduce_sum3A_227 = vector.shape_cast %reduce_sum3A_226 : vector<1xf32> to vector<1x1x1xf32>
    %reduce_sum3A_228 = vector.extract %reduce_sum3A_227[0, 0, 0] : f32 from vector<1x1x1xf32>
    %iota3A_229 = tpu.iota {dimensions = array<i32: 0>} : vector<16x1xi32>
    %convert_element_type3A_230 = arith.sitofp %iota3A_229 : vector<16x1xi32> to vector<16x1xf32>
    %lt3A = vector.broadcast %reduce_sum3A_228 : f32 to vector<16x1xf32>
    %lt3A_231 = arith.cmpf olt, %convert_element_type3A_230, %lt3A : vector<16x1xf32>
    %jit3A_232 = arith.constant 1 : i32
    %jit3A_233 = arith.constant 0 : i32
    %broadcast_in_dim3A_234 = vector.broadcast %jit3A_232 : i32 to vector<16x1xi32>
    %broadcast_in_dim3A_235 = vector.broadcast %jit3A_233 : i32 to vector<16x1xi32>
    %select_n3A_236 = arith.select %lt3A_231, %broadcast_in_dim3A_234, %broadcast_in_dim3A_235 : vector<16x1xi1>, vector<16x1xi32>
    %swap3A_237 = arith.constant 0 : index
    %swap3A_238 = arith.constant 0 : index
    %swap3A_239 = vector.load %arg7[%swap3A_237, %swap3A_238] : memref<16x1xi32, #tpu.memory_space<vmem>>, vector<16x1xi32>
    tpu.vector_store %arg7[%swap3A_237, %swap3A_238], %select_n3A_236 {strides = array<i32>} : memref<16x1xi32, #tpu.memory_space<vmem>>, vector<16x1xi32>,
    return
  }
}

</mosaic_0001>

<sc_bundles>
// kernel: kernel.6.cloned.1.call-start
scs
__scs_entry_jumppad:
0x0: {  	(pc) =	sbr.rel $0x88, $3  }
0x1: {  	(tag) =	ssettag $0x0;
	lr =	simm.s32 $0x1  }
0x2: {  	[smem:$0x3F9B] =	sst lr;
	_ =	strace $0xD0000000  }
0x3: {  	_ = 	snop  }
0x4: {  	_ = 	snop  }
0x5: {  	_ = 	snop  }
0x6: {  	_ = 	snop  }
0x7: {  	_ = 	snop  }
__scs_overlays_trampoline_lowered:
0x8: {  	[smem:$0x3FAA] =	sst s0  }
0x9: {  	[smem:$0x3FAB] =	sst s1  }
0xa: {  	[smem:$0x3FAC] =	sst s2  }
0xb: {  	[smem:$0x3FAD] =	sst s3  }
0xc: {  	[smem:$0x3FAE] =	sst s4  }
0xd: {  	[smem:$0x3FAF] =	sst s5  }
0xe: {  	[smem:$0x3FB0] =	sst s6  }
0xf: {  	[smem:$0x3FB1] =	sst s7  }
0x10: {  	[smem:$0x3FB2] =	sst s8  }
0x11: {  	[smem:$0x3FB3] =	sst s9;
	s0 =	simm.s32 @!p0 $0x0  }
0x12: {  	s1 =	sld [smem:$0x3F99];
	s0 =	simm.s32 @p0 $0x1  }
0x13: {  	[smem:$0x3FB4] =	sst s0;
	s0 =	simm.s32 @!p1 $0x0  }
0x14: {  	s2 =	sld [smem:$0x3F98];
	s0 =	simm.s32 @p1 $0x1  }
0x15: {  	[smem:$0x3FB5] =	sst s0;
	s0 =	simm.s32 @!p2 $0x0  }
0x16: {  	s3 =	sld [smem:$0x3FDB];
	s0 =	simm.s32 @p2 $0x1  }
0x17: {  	s4 =	simm.s32 $0x1BF5;
	[smem:$0x3FB7] =	sst s0  }
0x18: {  	s0 =	sld [smem:$0x3F9A];
	_ =	swait.ge [sflag:s4], $0x0  }
0x19: {  	s7 =	sld [smem:$0x3F9B]  }
0x1a: {  	s8 =	sadd.s32 $0xFFFFE003, lr  }
0x1b: {  	s9 =	sadd.s32 $0xFFFFFEF7, lr;
	s5 =	simm.s32 $0xFFFFFFFF;
	p2 =	slt.u32 s8, $0xFFFFF086  }
0x1c: {  	p1 =	slt.u32 s9, $0xF7A;
	s5 =	simm.s32 @!p2 $0x0  }
0x1d: {  	s5 =	simm.s32 @p1 $0x1;
	p0 =	seq.s32 s7, s2  }
0x1e: {  	s7 =	smul.u32 @!p0 $0xF7A, s2;
	p2 =	seq.s32 @!p0 s5, $0x0  }
0x1f: {  	s9 =	smul.u32 $0xF7A, s1;
	s8 =	simm.s32 @!p0 $0x1BF5;
	p2 =	por !p2, p0  }
0x20: {  	[sflag:s8] =	ssyncset.s32 @!p0 $0xFFFFF086;
	s6 =	sadd.s32 @!p0 s3, s7;
	s7 =	simm.s32 @!p0 $0x108  }
0x21: {  	s3 =	sadd.s32 s3, s9;
	s6 =	sadd.s32 @!p0 $0x88, s6;
	s7 =	simm.s32 @p2 $0x1082  }
0x22: {  	[simem:s7], [sflag:s8] =	dma.local @!p0 [hbm:s6], $0xF7A  }
0x23: {  	s9 =	sor.u32 $0xD0000000, s2;
	s6 =	simm.s32 $0x108;
	_ =	swait.ge @!p0 [sflag:s8], $0x0  }
0x24: {  	s3 =	sadd.s32 $0x88, s3;
	s6 =	simm.s32 @!p1 $0x1082;
	[sflag:s4] =	ssyncset.s32 $0xFFFFF086  }
0x25: {  	[simem:s6], [sflag:s4] =	dma.local [hbm:s3], $0xF7A  }
0x26: {  	[smem:$0x3F9B] =	sst s1;
	(tag) =	ssettag s2;
	_ =	strace s9  }
0x27: {  	s1 =	sld [smem:$0x3FAB]  }
0x28: {  	s2 =	sld [smem:$0x3FAC]  }
0x29: {  	s4 =	sld [smem:$0x3FAE]  }
0x2a: {  	p0 =	seq.s32 s5, $0x0;
	s5 =	sld [smem:$0x3FAF]  }
0x2b: {  	s6 =	sld [smem:$0x3FB0]  }
0x2c: {  	s7 =	sld [smem:$0x3FB1]  }
0x2d: {  	s3 =	simm.s32 $0x108;
	s8 =	sld [smem:$0x3FB2]  }
0x2e: {  	s3 =	simm.s32 @!p0 $0x1082;
	s9 =	sld [smem:$0x3FB3]  }
0x2f: {  	lr =	sadd.s32 s0, s3;
	s0 =	sld [smem:$0x3FAA]  }
0x30: {  	s3 =	sld [smem:$0x3FAD]  }
0x31: {  	[smem:$0x3FB6] =	sst s10  }
0x32: {  	s10 =	sld [smem:$0x3FB4];
	_ =	sdelay $0x3  }
0x33: {  	p0 =	seq.s32 s10, $0x1;
	s10 =	sld [smem:$0x3FB6];
	_ =	sdelay $0x3  }
0x34: {  	[smem:$0x3FB6] =	sst s10  }
0x35: {  	s10 =	sld [smem:$0x3FB5];
	_ =	sdelay $0x3  }
0x36: {  	p1 =	seq.s32 s10, $0x1;
	s10 =	sld [smem:$0x3FB6];
	_ =	sdelay $0x3  }
0x37: {  	[smem:$0x3FB6] =	sst s10  }
0x38: {  	s10 =	sld [smem:$0x3FB7]  }
0x39: {  	_ = 	snop;
	(pc) =	sbr.ind lr, $3  }
0x3a: {  	_ = 	snop  }
0x3b: {  	_ = 	snop  }
0x3c: {  	p2 =	seq.s32 s10, $0x1;
	s10 =	sld [smem:$0x3FB6]  }
0x3d: {  	_ =	shalt  }
0x3e: {  	_ =	shalt  }
0x3f: {  	_ =	shalt  }
0x40: {  	_ =	shalt  }
0x41: {  	_ =	shalt  }
0x42: {  	_ =	shalt  }
0x43: {  	_ =	shalt  }
0x44: {  	_ =	shalt  }
0x45: {  	_ =	shalt  }
0x46: {  	_ =	shalt  }
0x47: {  	_ =	shalt  }
0x48: {  	_ =	shalt  }
0x49: {  	_ =	shalt  }
0x4a: {  	_ =	shalt  }
0x4b: {  	_ =	shalt  }
0x4c: {  	_ =	shalt  }
0x4d: {  	_ =	shalt  }
0x4e: {  	_ =	shalt  }
0x4f: {  	_ =	shalt  }
0x50: {  	_ =	shalt  }
0x51: {  	_ =	shalt  }
0x52: {  	_ =	shalt  }
0x53: {  	_ =	shalt  }
0x54: {  	_ =	shalt  }
0x55: {  	_ =	shalt  }
0x56: {  	_ =	shalt  }
0x57: {  	_ =	shalt  }
0x58: {  	_ =	shalt  }
0x59: {  	_ =	shalt  }
0x5a: {  	_ =	shalt  }
0x5b: {  	_ =	shalt  }
0x5c: {  	_ =	shalt  }
0x5d: {  	_ =	shalt  }
0x5e: {  	_ =	shalt  }
0x5f: {  	_ =	shalt  }
0x60: {  	_ =	shalt  }
0x61: {  	_ =	shalt  }
0x62: {  	_ =	shalt  }
0x63: {  	_ =	shalt  }
0x64: {  	_ =	shalt  }
0x65: {  	_ =	shalt  }
0x66: {  	_ =	shalt  }
0x67: {  	_ =	shalt  }
0x68: {  	_ =	shalt  }
0x69: {  	_ =	shalt  }
0x6a: {  	_ =	shalt  }
0x6b: {  	_ =	shalt  }
0x6c: {  	_ =	shalt  }
0x6d: {  	_ =	shalt  }
0x6e: {  	_ =	shalt  }
0x6f: {  	_ =	shalt  }
0x70: {  	_ =	shalt  }
0x71: {  	_ =	shalt  }
0x72: {  	_ =	shalt  }
0x73: {  	_ =	shalt  }
0x74: {  	_ =	shalt  }
0x75: {  	_ =	shalt  }
0x76: {  	_ =	shalt  }
0x77: {  	_ =	shalt  }
0x78: {  	_ =	shalt  }
0x79: {  	_ =	shalt  }
0x7a: {  	_ =	shalt  }
0x7b: {  	_ =	shalt  }
0x7c: {  	_ =	shalt  }
0x7d: {  	_ =	shalt  }
0x7e: {  	_ =	shalt  }
0x7f: {  	_ =	shalt  }
0x80: {  	_ =	shalt  }
0x81: {  	_ =	shalt  }
0x82: {  	_ =	shalt  }
0x83: {  	_ =	shalt  }
0x84: {  	_ =	shalt  }
0x85: {  	_ =	shalt  }
0x86: {  	_ =	shalt  }
0x87: {  	_ =	shalt  }
.Lfunc_end0:
.L_simem_size_0:
called_computation_lowered:
.L_overlay_start_0:
0x88: {  	s2 =	sld [smem:$0x3FD9]  }
0x89: {  	s3 =	sld [smem:$0x3FFE];
	_ =	sdelay $0x1  }
0x8a: {  	s1 =	srdreg.scid  }
0x8b: {  	s0 =	sand.u32 $0x1, s1  }
0x8c: {  	s17 =	sshll.u32 s0, $0xA;
	s2 =	sadd.s32 s3, s2  }
0x8d: {  	s2 =	sadd.s32 s2, s17  }
0x8e: {  	[smem:$0x3FC2] =	sst s2  }
0x8f: {  	_ = 	snop  }
0x90: {  	s2 =	sld [smem:$0x3FC9];
	(tm) =	ssettm $0x1  }
0x91: {  	s18 =	sld [smem:$0x3FFB];
	_ =	sdelay $0x3  }
0x92: {  	_ =	strace s18  }
0x93: {  	s3 =	sld [smem:$0x3FFC];
	_ =	sdelay $0x3  }
0x94: {  	_ =	strace s3  }
0x95: {  	s3 =	sld [smem:$0x3FFD];
	_ =	sdelay $0x3  }
0x96: {  	_ =	strace s3  }
0x97: {  	_ =	strace $0x8FFFFFFF  }
0x98: {  	s19 =	sld [smem:$0x3FDB];
	_ =	sdelay $0x1  }
0x99: {  	s4 =	simm.s32 $_scs_section_size  }
0x9a: {  	s5 =	simm.s32 $_size__tile_overlayer_lowered;
	s6 =	simm.s32 $_tile_overlayer_lowered  }
0x9b: {  	s22 =	simm.s32 $0x1BFF;
	s21 =	sshll.u32 s6, $0x1;
	s3 =	sadd.s32 s4, s19  }
0x9c: {  	s7 =	simm.s32 $0x0;
	s20 =	sshll.u32 s5, $0x1;
	s5 =	sadd.s32 s21, s3  }
0x9d: {  	[timem:s7], [sflag:s22] =	dma.local [hbm:s5], s20  }
0x9e: {  	_ =	swait.ge [sflag:s22], s20  }
0x9f: {  	s4 =	ssub.s32 $0x0, s20;
	[sflag:s22] =	ssyncset.done $0x0  }
0xa0: {  	[sflag:s22] =	ssyncadd.s32 s4;
	_ =	sdelay $0x1  }
0xa1: {  	s23 =	simm.s32 $0x1B8B  }
0xa2: {  	_ =	swait.ge [sflag:s23], $0x1  }
0xa3: {  	[sflag:s23] =	ssyncset.done $0x0  }
0xa4: {  	s25 =	simm.s32 $0x1B8E;
	s24 =	sld [smem:$0x3FFE];
	[sflag:s23] =	ssyncadd.s32 $0xFFFFFFFF  }
0xa5: {  	s26 =	simm.s32 $execute0_lowered;
	[smem:$0x3FD2] =	sst s25  }
0xa6: {  	s5 =	sshll.u32 s26, $0x1;
	_ =	strace $0x80000046;
	[dreg:$0x1] =	wrdreg $0xFFFFFFFF  }
0xa7: {  	s28 =	simm.s32 $_size_execute0_lowered;
	s3 =	sadd.s32 s3, s5;
	[dreg:$0x0] =	wrdreg $0x0  }
0xa8: {  	s5 =	sshll.u32 s28, $0x1;
	[dreg:$0x2] =	wrdreg s3  }
0xa9: {  	[dreg:$0x3] =	wrdreg s5  }
0xaa: {  	[dreg:$0x4] =	wrdreg $0xC0  }
0xab: {  	_ =	task [dreg:s7], $0x5FFFF  }
0xac: {  	[dreg:$0x1] =	wrdreg $0xFFFFFFFF  }
0xad: {  	[dreg:$0x0] =	wrdreg $0x60  }
0xae: {  	[dreg:$0x2] =	wrdreg s2  }
0xaf: {  	[dreg:$0x3] =	wrdreg s24  }
0xb0: {  	[dreg:$0x4] =	wrdreg $0x9  }
0xb1: {  	_ =	task.clear_ibuf [dreg:s7], $0x5FFFF;
	_ =	strace $0x90000046  }
0xb2: {  	s29 =	simm.s32 $0x9;
	_ =	strace $0x80000048  }
0xb3: {  	_ =	swait.ge [sflag:s29], $0x1  }
0xb4: {  	[sflag:s29] =	ssyncadd.s32 $0xFFFFFFFF  }
0xb5: {  	_ =	strace $0x90000048  }
0xb6: {  	_ =	sfence  }
0xb7: {  	s30 =	sld [smem:$0x0];
	_ =	sdelay $0x2  }
0xb8: {  	s31 =	sshll.u32 s1, $0xD;
	s1 =	sshrl.u32 s1, $0x2  }
0xb9: {  	s3 =	sand.u32 $0x4000, s31;
	s1 =	sadd.s32 s1, s30  }
0xba: {  	s0 =	sor.u32 s3, s0;
	s1 =	sshll.u32 s1, $0x11  }
0xbb: {  	s0 =	sor.u32 s1, s0  }
0xbc: {  	s0 =	sadd.s32 $0x8F2B, s0  }
0xbd: {  	[sflag:s0] =	ssyncadd.remote.s32 $0x1  }
0xbe: {  	_ =	sfence.sel $0xFFFF  }
0xbf: {  	[dreg:$0x0] =	wrdreg $0xFFFFFFFF;
	(pc) =	sbr.abs _section_cstart, $3  }
0xc0: {  	[dreg:$0x1] =	wrdreg $0xFFFFFFFF  }
0xc1: {  	_ =	task.clear_ibuf [dreg:s7], $0x2FFFF;
	_ =	strace $0x9FFFFFFF  }
0xc2: {  	(tm) =	ssettm $0x7FFFFFFF  }
0xc3: {  	_ =	shalt  }
tec
execute0_lowered:
.L_overlay_start_1:
0x0: {  	(tag) =	ssettag $0x1  }
0x1: {  	s0 =	rddreg [dreg:$0x0]  }
0x2: {  	s1 =	rddreg [dreg:$0x1]  }
0x3: {  	s2 =	srdreg.scid;
	s3 =	stileid.u32  }
0x4: {  	s26 =	simm.s32 $0x80;
	s8 =	simm.s32 $0x100;
	s11 =	simm.s32 $0x1900  }
0x5: {  	s12 =	simm.s32 $0x2100;
	s13 =	simm.s32 $0x2900;
	s14 =	simm.s32 $0x3100  }
0x6: {  	s15 =	simm.s32 $0x3900;
	s16 =	simm.s32 $0x4100;
	s17 =	simm.s32 $0x4900  }
0x7: {  	s18 =	simm.s32 $0x5100;
	s19 =	simm.s32 $0x5900;
	s20 =	simm.s32 $0x6100  }
0x8: {  	s21 =	simm.s32 $0x6900;
	s22 =	simm.s32 $0x7100;
	s23 =	simm.s32 $0x7900  }
0x9: {  	s28 =	simm.s32 $0x9900;
	s29 =	simm.s32 $0xA100;
	s30 =	simm.s32 $0xA900  }
0xa: {  	s31 =	simm.s32 $0xB100;
	s4 =	sand.u32 $0x1, s2;
	s2 =	simm.s32 $0x0  }
0xb: {  	s3 =	sshll.u32 s3, $0x4;
	s5 =	sshll.u32 s4, $0x3;
	[smem:$0x7FF] =	sst s2  }
0xc: {  	s4 =	ssub.s32 $0x2, s4;
	s5 =	sor.u32 s5, s3;
	_ =	strace $0x80000047  }
0xd: {  	s3 =	sadd.s32 $0x11600, s1;
	s24 =	sshrl.u32 s4, $0x1;
	[dreg:$0x6] =	wrdreg s26  }
0xe: {  	s26 =	simm.s32 $0x9100;
	s6 =	sadd.s32 s5, s1;
	s5 =	smul.u32 $0x300, s5  }
0xf: {  	s25 =	ssub.s32 s4, s24;
	s4 =	sadd.s32 $0x11700, s1;
	s7 =	sadd.s32 $0x11200, s6  }
0x10: {  	s24 =	simm.s32 $0x8100;
	s6 =	sadd.s32 $0x11400, s6;
	[dreg:$0x3] =	wrdreg s7  }
0x11: {  	v2 =	vlaneseq.u32;
	[dreg:$0x4] =	wrdreg s6;
	s0 =	sadd.s32 s0, s5;
	s5 =	sadd.s32 $0x11800, s1  }
0x12: {  	vm0 =	vmmov $0xffff;
	v1 =	vshrl.u32 v2, $0x3;
	s6 =	smax.u32 s25, $0x1;
	s7 =	simm.s32 $0x2;
	s25 =	simm.s32 $0x8900  }
0x13: {  	v0 =	vand.u32 $0x7, v2;
	v2 =	vor.u32 $0x8, v2;
	v1 =	vmul.u32 $0x8, v1;
	s1 =	simm.s32 $0x1;
	[dreg:$0x5] =	wrdreg s0;
	s0 =	simm.s32 $0xB900  }
.LBB2_1:
0x14: {  	s9 =	rddreg [dreg:$0x3]  }
0x15: {  	[tilespmem:s2], [sflag:$0x2] =	stream.linear.gather [hbm4b:s9+s2], $0x40, $0x38;
	[tilespmem:$0xC100] =	vst v63  }
0x16: {  	_ =	swait.ge [sflag:s7], $0x40  }
0x17: {  	s9 =	rddreg [dreg:$0x4];
	[sflag:s7] =	ssyncset.done $0x0  }
0x18: {  	s10 =	rddreg [dreg:$0x6];
	[sflag:s7] =	ssyncadd.s32 $0xFFFFFFC0  }
0x19: {  	[tilespmem:s10], [sflag:$0x2] =	stream.linear.gather [hbm4b:s9+s2], $0x40, $0x38;
	[tilespmem:$0xC100] =	vst v63  }
0x1a: {  	_ =	swait.ge [sflag:s7], $0x40  }
0x1b: {  	[sflag:s7] =	ssyncset.done $0x0  }
0x1c: {  	s10 =	rddreg [dreg:$0x5];
	[sflag:s7] =	ssyncadd.s32 $0xFFFFFFC0  }
0x1d: {  	[tilespmem:s8], [sflag:$0x2] =	stream.linear.gather [hbm4b:s10+s2], $0xC000, $0x38;
	[tilespmem:$0xC100] =	vst v63  }
0x1e: {  	_ =	swait.ge [sflag:s7], $0xC000  }
0x1f: {  	[sflag:s7] =	ssyncset.done $0x0  }
0x20: {  	[sflag:s7] =	ssyncadd.s32 $0xFFFF4000  }
0x21: {  	v3 =	vld [tilespmem:$0x0];
	_ =	sdelay $0x4  }
0x22: {  	v4 =	vshrl.u32 v3, $0x3  }
0x23: {  	v4 =	vmul.u32 $0x30, v4  }
0x24: {  	v3 =	vand.u32 $0x7, v3  }
0x25: {  	v3 =	vor.u32 v3, v4  }
0x26: {  	v4 =	vperm.xlane v3, v0;
	_ =	sdelay $0x1  }
0x27: {  	v4 =	vadd.s32 v1, v4;
	_ =	sdelay $0x3  }
0x28: {  	v3 =	vperm.xlane v3, v2  }
0x29: {  	[hbm4b:s3+s2] =	stream.indirect_vreg.scatter [tilespmem:s8], [sflag:$0x1], $0x80, v4, vm0, $0xb8;
	[tilespmem:$0xC100] =	vst v63  }
0x2a: {  	s9 =	simm.s32 $0x900;
	v3 =	vadd.s32 v1, v3  }
0x2b: {  	[hbm4b:s4+s2] =	stream.indirect_vreg.scatter [tilespmem:s9], [sflag:$0x1], $0x80, v4, vm0, $0xb8;
	[tilespmem:$0xC100] =	vst v63  }
0x2c: {  	s10 =	simm.s32 $0x1100  }
0x2d: {  	[hbm4b:s5+s2] =	stream.indirect_vreg.scatter [tilespmem:s10], [sflag:$0x1], $0x80, v4, vm0, $0xb8;
	[tilespmem:$0xC100] =	vst v63  }
0x2e: {  	_ = 	snop  }
0x2f: {  	[hbm4b:s3+s2] =	stream.indirect_vreg.scatter [tilespmem:s11], [sflag:$0x1], $0x80, v3, vm0, $0xb8;
	[tilespmem:$0xC100] =	vst v63  }
0x30: {  	_ = 	snop  }
0x31: {  	[hbm4b:s4+s2] =	stream.indirect_vreg.scatter [tilespmem:s12], [sflag:$0x1], $0x80, v3, vm0, $0xb8;
	[tilespmem:$0xC100] =	vst v63  }
0x32: {  	_ = 	snop  }
0x33: {  	[hbm4b:s5+s2] =	stream.indirect_vreg.scatter [tilespmem:s13], [sflag:$0x1], $0x80, v3, vm0, $0xb8;
	[tilespmem:$0xC100] =	vst v63  }
0x34: {  	v3 =	vld [tilespmem:$0x10];
	_ =	sdelay $0x4  }
0x35: {  	v57 =	vshrl.u32 v3, $0x3  }
0x36: {  	v4 =	vmul.u32 $0x30, v57  }
0x37: {  	v3 =	vand.u32 $0x7, v3  }
0x38: {  	v3 =	vor.u32 v3, v4  }
0x39: {  	v4 =	vperm.xlane v3, v0;
	_ =	sdelay $0x1  }
0x3a: {  	v4 =	vadd.s32 v1, v4;
	_ =	sdelay $0x3  }
0x3b: {  	v3 =	vperm.xlane v3, v2  }
0x3c: {  	[hbm4b:s3+s2] =	stream.indirect_vreg.scatter [tilespmem:s14], [sflag:$0x1], $0x80, v4, vm0, $0xb8;
	[tilespmem:$0xC100] =	vst v63  }
0x3d: {  	v3 =	vadd.s32 v1, v3  }
0x3e: {  	[hbm4b:s4+s2] =	stream.indirect_vreg.scatter [tilespmem:s15], [sflag:$0x1], $0x80, v4, vm0, $0xb8;
	[tilespmem:$0xC100] =	vst v63  }
0x3f: {  	_ = 	snop  }
0x40: {  	[hbm4b:s5+s2] =	stream.indirect_vreg.scatter [tilespmem:s16], [sflag:$0x1], $0x80, v4, vm0, $0xb8;
	[tilespmem:$0xC100] =	vst v63  }
0x41: {  	_ = 	snop  }
0x42: {  	[hbm4b:s3+s2] =	stream.indirect_vreg.scatter [tilespmem:s17], [sflag:$0x1], $0x80, v3, vm0, $0xb8;
	[tilespmem:$0xC100] =	vst v63  }
0x43: {  	_ = 	snop  }
0x44: {  	[hbm4b:s4+s2] =	stream.indirect_vreg.scatter [tilespmem:s18], [sflag:$0x1], $0x80, v3, vm0, $0xb8;
	[tilespmem:$0xC100] =	vst v63  }
0x45: {  	_ = 	snop  }
0x46: {  	[hbm4b:s5+s2] =	stream.indirect_vreg.scatter [tilespmem:s19], [sflag:$0x1], $0x80, v3, vm0, $0xb8;
	[tilespmem:$0xC100] =	vst v63  }
0x47: {  	v3 =	vld [tilespmem:$0x20];
	_ =	sdelay $0x4  }
0x48: {  	v58 =	vshrl.u32 v3, $0x3  }
0x49: {  	v4 =	vmul.u32 $0x30, v58  }
0x4a: {  	v3 =	vand.u32 $0x7, v3  }
0x4b: {  	v3 =	vor.u32 v3, v4  }
0x4c: {  	v4 =	vperm.xlane v3, v0;
	_ =	sdelay $0x1  }
0x4d: {  	v4 =	vadd.s32 v1, v4;
	_ =	sdelay $0x3  }
0x4e: {  	v3 =	vperm.xlane v3, v2  }
0x4f: {  	[hbm4b:s3+s2] =	stream.indirect_vreg.scatter [tilespmem:s20], [sflag:$0x1], $0x80, v4, vm0, $0xb8;
	[tilespmem:$0xC100] =	vst v63  }
0x50: {  	v3 =	vadd.s32 v1, v3  }
0x51: {  	[hbm4b:s4+s2] =	stream.indirect_vreg.scatter [tilespmem:s21], [sflag:$0x1], $0x80, v4, vm0, $0xb8;
	[tilespmem:$0xC100] =	vst v63  }
0x52: {  	_ = 	snop  }
0x53: {  	[hbm4b:s5+s2] =	stream.indirect_vreg.scatter [tilespmem:s22], [sflag:$0x1], $0x80, v4, vm0, $0xb8;
	[tilespmem:$0xC100] =	vst v63  }
0x54: {  	_ = 	snop  }
0x55: {  	[hbm4b:s3+s2] =	stream.indirect_vreg.scatter [tilespmem:s23], [sflag:$0x1], $0x80, v3, vm0, $0xb8;
	[tilespmem:$0xC100] =	vst v63  }
0x56: {  	_ = 	snop  }
0x57: {  	[hbm4b:s4+s2] =	stream.indirect_vreg.scatter [tilespmem:s24], [sflag:$0x1], $0x80, v3, vm0, $0xb8;
	[tilespmem:$0xC100] =	vst v63  }
0x58: {  	_ = 	snop  }
0x59: {  	[hbm4b:s5+s2] =	stream.indirect_vreg.scatter [tilespmem:s25], [sflag:$0x1], $0x80, v3, vm0, $0xb8;
	[tilespmem:$0xC100] =	vst v63  }
0x5a: {  	v3 =	vld [tilespmem:$0x30];
	_ =	sdelay $0x4  }
0x5b: {  	v59 =	vshrl.u32 v3, $0x3  }
0x5c: {  	v4 =	vmul.u32 $0x30, v59  }
0x5d: {  	v3 =	vand.u32 $0x7, v3  }
0x5e: {  	v3 =	vor.u32 v3, v4  }
0x5f: {  	v4 =	vperm.xlane v3, v0;
	_ =	sdelay $0x1  }
0x60: {  	v4 =	vadd.s32 v1, v4;
	_ =	sdelay $0x3  }
0x61: {  	v3 =	vperm.xlane v3, v2  }
0x62: {  	[hbm4b:s3+s2] =	stream.indirect_vreg.scatter [tilespmem:s26], [sflag:$0x1], $0x80, v4, vm0, $0xb8;
	[tilespmem:$0xC100] =	vst v63  }
0x63: {  	v3 =	vadd.s32 v1, v3  }
0x64: {  	[hbm4b:s4+s2] =	stream.indirect_vreg.scatter [tilespmem:s28], [sflag:$0x1], $0x80, v4, vm0, $0xb8;
	[tilespmem:$0xC100] =	vst v63  }
0x65: {  	_ = 	snop  }
0x66: {  	[hbm4b:s5+s2] =	stream.indirect_vreg.scatter [tilespmem:s29], [sflag:$0x1], $0x80, v4, vm0, $0xb8;
	[tilespmem:$0xC100] =	vst v63  }
0x67: {  	_ = 	snop  }
0x68: {  	[hbm4b:s3+s2] =	stream.indirect_vreg.scatter [tilespmem:s30], [sflag:$0x1], $0x80, v3, vm0, $0xb8;
	[tilespmem:$0xC100] =	vst v63  }
0x69: {  	_ = 	snop  }
0x6a: {  	[hbm4b:s4+s2] =	stream.indirect_vreg.scatter [tilespmem:s31], [sflag:$0x1], $0x80, v3, vm0, $0xb8;
	[tilespmem:$0xC100] =	vst v63  }
0x6b: {  	_ = 	snop  }
0x6c: {  	[hbm4b:s5+s2] =	stream.indirect_vreg.scatter [tilespmem:s0], [sflag:$0x1], $0x80, v3, vm0, $0xb8;
	[tilespmem:$0xC100] =	vst v63  }
0x6d: {  	v3 =	vld [tilespmem:$0x80];
	_ =	sdelay $0x4  }
0x6e: {  	v60 =	vshrl.u32 v3, $0x3  }
0x6f: {  	v4 =	vmul.u32 $0x30, v60  }
0x70: {  	v3 =	vand.u32 $0x7, v3  }
0x71: {  	v3 =	vor.u32 v3, v4  }
0x72: {  	v4 =	vperm.xlane v3, v0;
	_ =	sdelay $0x1  }
0x73: {  	v4 =	vadd.s32 v1, v4;
	_ =	sdelay $0x3  }
0x74: {  	v3 =	vperm.xlane v3, v2  }
0x75: {  	[hbm4b:s3+s2] =	stream.indirect_vreg.scatter [tilespmem:s8], [sflag:$0x1], $0x80, v4, vm0, $0xb8;
	[tilespmem:$0xC100] =	vst v63  }
0x76: {  	v3 =	vadd.s32 v1, v3  }
0x77: {  	[hbm4b:s4+s2] =	stream.indirect_vreg.scatter [tilespmem:s9], [sflag:$0x1], $0x80, v4, vm0, $0xb8;
	[tilespmem:$0xC100] =	vst v63  }
0x78: {  	_ = 	snop  }
0x79: {  	[hbm4b:s5+s2] =	stream.indirect_vreg.scatter [tilespmem:s10], [sflag:$0x1], $0x80, v4, vm0, $0xb8;
	[tilespmem:$0xC100] =	vst v63  }
0x7a: {  	_ = 	snop  }
0x7b: {  	[hbm4b:s3+s2] =	stream.indirect_vreg.scatter [tilespmem:s11], [sflag:$0x1], $0x80, v3, vm0, $0xb8;
	[tilespmem:$0xC100] =	vst v63  }
0x7c: {  	_ = 	snop  }
0x7d: {  	[hbm4b:s4+s2] =	stream.indirect_vreg.scatter [tilespmem:s12], [sflag:$0x1], $0x80, v3, vm0, $0xb8;
	[tilespmem:$0xC100] =	vst v63  }
0x7e: {  	_ = 	snop  }
0x7f: {  	[hbm4b:s5+s2] =	stream.indirect_vreg.scatter [tilespmem:s13], [sflag:$0x1], $0x80, v3, vm0, $0xb8;
	[tilespmem:$0xC100] =	vst v63  }
0x80: {  	v3 =	vld [tilespmem:$0x90];
	_ =	sdelay $0x4  }
0x81: {  	v61 =	vshrl.u32 v3, $0x3  }
0x82: {  	v4 =	vmul.u32 $0x30, v61  }
0x83: {  	v3 =	vand.u32 $0x7, v3  }
0x84: {  	v3 =	vor.u32 v3, v4  }
0x85: {  	v4 =	vperm.xlane v3, v0;
	_ =	sdelay $0x1  }
0x86: {  	v4 =	vadd.s32 v1, v4;
	_ =	sdelay $0x3  }
0x87: {  	v3 =	vperm.xlane v3, v2  }
0x88: {  	[hbm4b:s3+s2] =	stream.indirect_vreg.scatter [tilespmem:s14], [sflag:$0x1], $0x80, v4, vm0, $0xb8;
	[tilespmem:$0xC100] =	vst v63  }
0x89: {  	v3 =	vadd.s32 v1, v3  }
0x8a: {  	[hbm4b:s4+s2] =	stream.indirect_vreg.scatter [tilespmem:s15], [sflag:$0x1], $0x80, v4, vm0, $0xb8;
	[tilespmem:$0xC100] =	vst v63  }
0x8b: {  	_ = 	snop  }
0x8c: {  	[hbm4b:s5+s2] =	stream.indirect_vreg.scatter [tilespmem:s16], [sflag:$0x1], $0x80, v4, vm0, $0xb8;
	[tilespmem:$0xC100] =	vst v63  }
0x8d: {  	_ = 	snop  }
0x8e: {  	[hbm4b:s3+s2] =	stream.indirect_vreg.scatter [tilespmem:s17], [sflag:$0x1], $0x80, v3, vm0, $0xb8;
	[tilespmem:$0xC100] =	vst v63  }
0x8f: {  	_ = 	snop  }
0x90: {  	[hbm4b:s4+s2] =	stream.indirect_vreg.scatter [tilespmem:s18], [sflag:$0x1], $0x80, v3, vm0, $0xb8;
	[tilespmem:$0xC100] =	vst v63  }
0x91: {  	_ = 	snop  }
0x92: {  	[hbm4b:s5+s2] =	stream.indirect_vreg.scatter [tilespmem:s19], [sflag:$0x1], $0x80, v3, vm0, $0xb8;
	[tilespmem:$0xC100] =	vst v63  }
0x93: {  	v3 =	vld [tilespmem:$0xA0];
	_ =	sdelay $0x4  }
0x94: {  	v62 =	vshrl.u32 v3, $0x3  }
0x95: {  	v4 =	vmul.u32 $0x30, v62  }
0x96: {  	v3 =	vand.u32 $0x7, v3  }
0x97: {  	v3 =	vor.u32 v3, v4  }
0x98: {  	v4 =	vperm.xlane v3, v0;
	_ =	sdelay $0x1  }
0x99: {  	v4 =	vadd.s32 v1, v4;
	_ =	sdelay $0x3  }
0x9a: {  	v3 =	vperm.xlane v3, v2  }
0x9b: {  	[hbm4b:s3+s2] =	stream.indirect_vreg.scatter [tilespmem:s20], [sflag:$0x1], $0x80, v4, vm0, $0xb8;
	[tilespmem:$0xC100] =	vst v63  }
0x9c: {  	v3 =	vadd.s32 v1, v3  }
0x9d: {  	[hbm4b:s4+s2] =	stream.indirect_vreg.scatter [tilespmem:s21], [sflag:$0x1], $0x80, v4, vm0, $0xb8;
	[tilespmem:$0xC100] =	vst v63  }
0x9e: {  	_ = 	snop  }
0x9f: {  	[hbm4b:s5+s2] =	stream.indirect_vreg.scatter [tilespmem:s22], [sflag:$0x1], $0x80, v4, vm0, $0xb8;
	[tilespmem:$0xC100] =	vst v63  }
0xa0: {  	_ = 	snop  }
0xa1: {  	[hbm4b:s3+s2] =	stream.indirect_vreg.scatter [tilespmem:s23], [sflag:$0x1], $0x80, v3, vm0, $0xb8;
	[tilespmem:$0xC100] =	vst v63  }
0xa2: {  	_ = 	snop  }
0xa3: {  	[hbm4b:s4+s2] =	stream.indirect_vreg.scatter [tilespmem:s24], [sflag:$0x1], $0x80, v3, vm0, $0xb8;
	[tilespmem:$0xC100] =	vst v63  }
0xa4: {  	_ = 	snop  }
0xa5: {  	[hbm4b:s5+s2] =	stream.indirect_vreg.scatter [tilespmem:s25], [sflag:$0x1], $0x80, v3, vm0, $0xb8;
	[tilespmem:$0xC100] =	vst v63  }
0xa6: {  	v3 =	vld [tilespmem:$0xB0];
	_ =	sdelay $0x4  }
0xa7: {  	v63 =	vshrl.u32 v3, $0x3  }
0xa8: {  	v4 =	vmul.u32 $0x30, v63  }
0xa9: {  	v3 =	vand.u32 $0x7, v3  }
0xaa: {  	v3 =	vor.u32 v3, v4  }
0xab: {  	v4 =	vperm.xlane v3, v0;
	_ =	sdelay $0x1  }
0xac: {  	v4 =	vadd.s32 v1, v4;
	_ =	sdelay $0x3  }
0xad: {  	v3 =	vperm.xlane v3, v2  }
0xae: {  	[hbm4b:s3+s2] =	stream.indirect_vreg.scatter [tilespmem:s26], [sflag:$0x1], $0x80, v4, vm0, $0xb8;
	[tilespmem:$0xC100] =	vst v63  }
0xaf: {  	v3 =	vadd.s32 v1, v3  }
0xb0: {  	[hbm4b:s4+s2] =	stream.indirect_vreg.scatter [tilespmem:s28], [sflag:$0x1], $0x80, v4, vm0, $0xb8;
	[tilespmem:$0xC100] =	vst v63  }
0xb1: {  	_ = 	snop  }
0xb2: {  	[hbm4b:s5+s2] =	stream.indirect_vreg.scatter [tilespmem:s29], [sflag:$0x1], $0x80, v4, vm0, $0xb8;
	[tilespmem:$0xC100] =	vst v63  }
0xb3: {  	_ = 	snop  }
0xb4: {  	[hbm4b:s3+s2] =	stream.indirect_vreg.scatter [tilespmem:s30], [sflag:$0x1], $0x80, v3, vm0, $0xb8;
	[tilespmem:$0xC100] =	vst v63  }
0xb5: {  	_ = 	snop  }
0xb6: {  	[hbm4b:s4+s2] =	stream.indirect_vreg.scatter [tilespmem:s31], [sflag:$0x1], $0x80, v3, vm0, $0xb8;
	[tilespmem:$0xC100] =	vst v63  }
0xb7: {  	_ = 	snop  }
0xb8: {  	[hbm4b:s5+s2] =	stream.indirect_vreg.scatter [tilespmem:s0], [sflag:$0x1], $0x80, v3, vm0, $0xb8;
	[tilespmem:$0xC100] =	vst v63  }
0xb9: {  	p0 =	sne.s32 s6, $0x1;
	_ =	swait.ge [sflag:s1], $0xC000  }
.Ltmp0:
0xba: {  	[sflag:s1] =	ssyncset.done $0x0;
	(pc) =	sbr.rel @p0 .LBB2_1-.Ltmp0, $4  }
0xbb: {  	[sflag:s1] =	ssyncadd.s32 $0xFFFF4000  }
0xbc: {  	_ =	swait.ge [sflag:s1], $0xC000  }
0xbd: {  	[sflag:s1] =	ssyncset.done $0x0  }
0xbe: {  	s6 =	sadd.s32 $0xFFFFFFFF, s6;
	[sflag:s1] =	ssyncadd.s32 $0xFFFF4000  }
0xbf: {  	_ =	sfence.sel $0x180000  }
0xc0: {  	[bflag:$0x0] =	sbarrier.arrive $0xFFFF  }
0xc1: {  	_ =	strace $0x90000047  }
0xc2: {  	s0 =	stileid.u32;
	[bflag:$0x2] =	sbarrier.arrive $0xFFFF  }
0xc3: {  	p0 =	sne.s32 s0, $0x0;
	s0 =	rddreg [dreg:$0x2]  }
0xc4: {  	s0 =	sadd.s32 @!p0 $0x100000, s0  }
0xc5: {  	[sflag:s0] =	ssyncadd.tile.s32 @!p0 $0x1;
	_ =	shalt  }
.Lfunc_end2:
_tile_overlayer_lowered:
.L_overlay_start_2:
0xc6: {  	(tag) =	ssettag $0x2  }
0xc7: {  	s0 =	rddreg [dreg:$0x0];
	s2 =	stileid.u32  }
0xc8: {  	s1 =	rddreg [dreg:$0x1];
	p0 =	sne.s32 s2, $0x0  }
0xc9: {  	s3 =	rddreg [dreg:$0x2];
	[bflag:$0x3] =	sbarrier.arrive $0xFFFF;
	s2 =	simm.s32 @!p0 $0x1C02  }
0xca: {  	[timem:s3], [sflag:s2] =	dma.local @!p0 [hbm:s0], s1  }
0xcb: {  	s0 =	simm.s32 @!p0 $0x2  }
0xcc: {  	_ =	swait.ge @!p0 [sflag:s0], s1  }
0xcd: {  	s1 =	ssub.s32 @!p0 $0x0, s1;
	[sflag:s0] =	ssyncset.done @!p0 $0x0  }
0xce: {  	[sflag:s0] =	ssyncadd.s32 @!p0 s1  }
0xcf: {  	[bflag:$0x3] =	sbarrier.arrive $0xFFFF  }
0xd0: {  	_ =	shalt  }

// kernel: kernel.9.cloned.1.call-start
scs
__scs_entry_jumppad:
0x0: {  	(pc) =	sbr.rel $0x88, $3  }
0x1: {  	(tag) =	ssettag $0x0;
	lr =	simm.s32 $0x1  }
0x2: {  	[smem:$0x3F9B] =	sst lr;
	_ =	strace $0xD0000000  }
0x3: {  	_ = 	snop  }
0x4: {  	_ = 	snop  }
0x5: {  	_ = 	snop  }
0x6: {  	_ = 	snop  }
0x7: {  	_ = 	snop  }
__scs_overlays_trampoline_lowered:
0x8: {  	[smem:$0x3FAA] =	sst s0  }
0x9: {  	[smem:$0x3FAB] =	sst s1  }
0xa: {  	[smem:$0x3FAC] =	sst s2  }
0xb: {  	[smem:$0x3FAD] =	sst s3  }
0xc: {  	[smem:$0x3FAE] =	sst s4  }
0xd: {  	[smem:$0x3FAF] =	sst s5  }
0xe: {  	[smem:$0x3FB0] =	sst s6  }
0xf: {  	[smem:$0x3FB1] =	sst s7  }
0x10: {  	[smem:$0x3FB2] =	sst s8  }
0x11: {  	[smem:$0x3FB3] =	sst s9;
	s0 =	simm.s32 @!p0 $0x0  }
0x12: {  	s1 =	sld [smem:$0x3F99];
	s0 =	simm.s32 @p0 $0x1  }
0x13: {  	[smem:$0x3FB4] =	sst s0;
	s0 =	simm.s32 @!p1 $0x0  }
0x14: {  	s2 =	sld [smem:$0x3F98];
	s0 =	simm.s32 @p1 $0x1  }
0x15: {  	[smem:$0x3FB5] =	sst s0;
	s0 =	simm.s32 @!p2 $0x0  }
0x16: {  	s3 =	sld [smem:$0x3FDB];
	s0 =	simm.s32 @p2 $0x1  }
0x17: {  	s4 =	simm.s32 $0x1BF5;
	[smem:$0x3FB7] =	sst s0  }
0x18: {  	s0 =	sld [smem:$0x3F9A];
	_ =	swait.ge [sflag:s4], $0x0  }
0x19: {  	s7 =	sld [smem:$0x3F9B]  }
0x1a: {  	s8 =	sadd.s32 $0xFFFFE003, lr  }
0x1b: {  	s9 =	sadd.s32 $0xFFFFFEF7, lr;
	s5 =	simm.s32 $0xFFFFFFFF;
	p2 =	slt.u32 s8, $0xFFFFF086  }
0x1c: {  	p1 =	slt.u32 s9, $0xF7A;
	s5 =	simm.s32 @!p2 $0x0  }
0x1d: {  	s5 =	simm.s32 @p1 $0x1;
	p0 =	seq.s32 s7, s2  }
0x1e: {  	s7 =	smul.u32 @!p0 $0xF7A, s2;
	p2 =	seq.s32 @!p0 s5, $0x0  }
0x1f: {  	s9 =	smul.u32 $0xF7A, s1;
	s8 =	simm.s32 @!p0 $0x1BF5;
	p2 =	por !p2, p0  }
0x20: {  	[sflag:s8] =	ssyncset.s32 @!p0 $0xFFFFF086;
	s6 =	sadd.s32 @!p0 s3, s7;
	s7 =	simm.s32 @!p0 $0x108  }
0x21: {  	s3 =	sadd.s32 s3, s9;
	s6 =	sadd.s32 @!p0 $0x88, s6;
	s7 =	simm.s32 @p2 $0x1082  }
0x22: {  	[simem:s7], [sflag:s8] =	dma.local @!p0 [hbm:s6], $0xF7A  }
0x23: {  	s9 =	sor.u32 $0xD0000000, s2;
	s6 =	simm.s32 $0x108;
	_ =	swait.ge @!p0 [sflag:s8], $0x0  }
0x24: {  	s3 =	sadd.s32 $0x88, s3;
	s6 =	simm.s32 @!p1 $0x1082;
	[sflag:s4] =	ssyncset.s32 $0xFFFFF086  }
0x25: {  	[simem:s6], [sflag:s4] =	dma.local [hbm:s3], $0xF7A  }
0x26: {  	[smem:$0x3F9B] =	sst s1;
	(tag) =	ssettag s2;
	_ =	strace s9  }
0x27: {  	s1 =	sld [smem:$0x3FAB]  }
0x28: {  	s2 =	sld [smem:$0x3FAC]  }
0x29: {  	s4 =	sld [smem:$0x3FAE]  }
0x2a: {  	p0 =	seq.s32 s5, $0x0;
	s5 =	sld [smem:$0x3FAF]  }
0x2b: {  	s6 =	sld [smem:$0x3FB0]  }
0x2c: {  	s7 =	sld [smem:$0x3FB1]  }
0x2d: {  	s3 =	simm.s32 $0x108;
	s8 =	sld [smem:$0x3FB2]  }
0x2e: {  	s3 =	simm.s32 @!p0 $0x1082;
	s9 =	sld [smem:$0x3FB3]  }
0x2f: {  	lr =	sadd.s32 s0, s3;
	s0 =	sld [smem:$0x3FAA]  }
0x30: {  	s3 =	sld [smem:$0x3FAD]  }
0x31: {  	[smem:$0x3FB6] =	sst s10  }
0x32: {  	s10 =	sld [smem:$0x3FB4];
	_ =	sdelay $0x3  }
0x33: {  	p0 =	seq.s32 s10, $0x1;
	s10 =	sld [smem:$0x3FB6];
	_ =	sdelay $0x3  }
0x34: {  	[smem:$0x3FB6] =	sst s10  }
0x35: {  	s10 =	sld [smem:$0x3FB5];
	_ =	sdelay $0x3  }
0x36: {  	p1 =	seq.s32 s10, $0x1;
	s10 =	sld [smem:$0x3FB6];
	_ =	sdelay $0x3  }
0x37: {  	[smem:$0x3FB6] =	sst s10  }
0x38: {  	s10 =	sld [smem:$0x3FB7]  }
0x39: {  	_ = 	snop;
	(pc) =	sbr.ind lr, $3  }
0x3a: {  	_ = 	snop  }
0x3b: {  	_ = 	snop  }
0x3c: {  	p2 =	seq.s32 s10, $0x1;
	s10 =	sld [smem:$0x3FB6]  }
0x3d: {  	_ =	shalt  }
0x3e: {  	_ =	shalt  }
0x3f: {  	_ =	shalt  }
0x40: {  	_ =	shalt  }
0x41: {  	_ =	shalt  }
0x42: {  	_ =	shalt  }
0x43: {  	_ =	shalt  }
0x44: {  	_ =	shalt  }
0x45: {  	_ =	shalt  }
0x46: {  	_ =	shalt  }
0x47: {  	_ =	shalt  }
0x48: {  	_ =	shalt  }
0x49: {  	_ =	shalt  }
0x4a: {  	_ =	shalt  }
0x4b: {  	_ =	shalt  }
0x4c: {  	_ =	shalt  }
0x4d: {  	_ =	shalt  }
0x4e: {  	_ =	shalt  }
0x4f: {  	_ =	shalt  }
0x50: {  	_ =	shalt  }
0x51: {  	_ =	shalt  }
0x52: {  	_ =	shalt  }
0x53: {  	_ =	shalt  }
0x54: {  	_ =	shalt  }
0x55: {  	_ =	shalt  }
0x56: {  	_ =	shalt  }
0x57: {  	_ =	shalt  }
0x58: {  	_ =	shalt  }
0x59: {  	_ =	shalt  }
0x5a: {  	_ =	shalt  }
0x5b: {  	_ =	shalt  }
0x5c: {  	_ =	shalt  }
0x5d: {  	_ =	shalt  }
0x5e: {  	_ =	shalt  }
0x5f: {  	_ =	shalt  }
0x60: {  	_ =	shalt  }
0x61: {  	_ =	shalt  }
0x62: {  	_ =	shalt  }
0x63: {  	_ =	shalt  }
0x64: {  	_ =	shalt  }
0x65: {  	_ =	shalt  }
0x66: {  	_ =	shalt  }
0x67: {  	_ =	shalt  }
0x68: {  	_ =	shalt  }
0x69: {  	_ =	shalt  }
0x6a: {  	_ =	shalt  }
0x6b: {  	_ =	shalt  }
0x6c: {  	_ =	shalt  }
0x6d: {  	_ =	shalt  }
0x6e: {  	_ =	shalt  }
0x6f: {  	_ =	shalt  }
0x70: {  	_ =	shalt  }
0x71: {  	_ =	shalt  }
0x72: {  	_ =	shalt  }
0x73: {  	_ =	shalt  }
0x74: {  	_ =	shalt  }
0x75: {  	_ =	shalt  }
0x76: {  	_ =	shalt  }
0x77: {  	_ =	shalt  }
0x78: {  	_ =	shalt  }
0x79: {  	_ =	shalt  }
0x7a: {  	_ =	shalt  }
0x7b: {  	_ =	shalt  }
0x7c: {  	_ =	shalt  }
0x7d: {  	_ =	shalt  }
0x7e: {  	_ =	shalt  }
0x7f: {  	_ =	shalt  }
0x80: {  	_ =	shalt  }
0x81: {  	_ =	shalt  }
0x82: {  	_ =	shalt  }
0x83: {  	_ =	shalt  }
0x84: {  	_ =	shalt  }
0x85: {  	_ =	shalt  }
0x86: {  	_ =	shalt  }
0x87: {  	_ =	shalt  }
.Lfunc_end0:
.L_simem_size_0:
called_computation.1_lowered:
.L_overlay_start_0:
0x88: {  	s2 =	sld [smem:$0x3FD9]  }
0x89: {  	s3 =	sld [smem:$0x3FFE];
	_ =	sdelay $0x1  }
0x8a: {  	s1 =	srdreg.scid  }
0x8b: {  	s0 =	sand.u32 $0x1, s1  }
0x8c: {  	s14 =	sshll.u32 s0, $0xA;
	s2 =	sadd.s32 s3, s2  }
0x8d: {  	s2 =	sadd.s32 s2, s14  }
0x8e: {  	[smem:$0x3FC2] =	sst s2  }
0x8f: {  	_ = 	snop  }
0x90: {  	s2 =	sld [smem:$0x3FD0];
	_ =	sdelay $0x2  }
0x91: {  	s15 =	simm.s32 $0xA;
	s4 =	simm.s32 $0x10  }
0x92: {  	[smem:s4], [sflag:s15] =	dma.local [hbm:s2], $0x1  }
0x93: {  	_ =	swait.eq [sflag:s15], $0x1  }
0x94: {  	[sflag:s15] =	ssyncset.done $0x0  }
0x95: {  	[sflag:s15] =	ssyncadd.s32 $0xFFFFFFFF  }
0x96: {  	s16 =	sld [smem:$0x10];
	(tm) =	ssettm $0x1  }
0x97: {  	s17 =	sld [smem:$0x3FFB];
	_ =	sdelay $0x3  }
0x98: {  	_ =	strace s17  }
0x99: {  	s3 =	sld [smem:$0x3FFC];
	_ =	sdelay $0x3  }
0x9a: {  	_ =	strace s3  }
0x9b: {  	s3 =	sld [smem:$0x3FFD];
	_ =	sdelay $0x3  }
0x9c: {  	_ =	strace s3  }
0x9d: {  	_ =	strace $0x8FFFFFFF  }
0x9e: {  	s18 =	sld [smem:$0x3FDB];
	_ =	sdelay $0x1  }
0x9f: {  	s19 =	simm.s32 $_scs_section_size  }
0xa0: {  	s5 =	simm.s32 $_size__tile_overlayer_lowered;
	s6 =	simm.s32 $_tile_overlayer_lowered  }
0xa1: {  	s22 =	simm.s32 $0x1BFF;
	s21 =	sshll.u32 s6, $0x1;
	s3 =	sadd.s32 s19, s18  }
0xa2: {  	s7 =	simm.s32 $0x0;
	s20 =	sshll.u32 s5, $0x1;
	s5 =	sadd.s32 s21, s3  }
0xa3: {  	[timem:s7], [sflag:s22] =	dma.local [hbm:s5], s20  }
0xa4: {  	_ =	swait.ge [sflag:s22], s20  }
0xa5: {  	s4 =	ssub.s32 $0x0, s20;
	[sflag:s22] =	ssyncset.done $0x0  }
0xa6: {  	[sflag:s22] =	ssyncadd.s32 s4;
	_ =	sdelay $0x1  }
0xa7: {  	s23 =	simm.s32 $0x1B8B  }
0xa8: {  	_ =	swait.ge [sflag:s23], $0x1  }
0xa9: {  	[sflag:s23] =	ssyncset.done $0x0  }
0xaa: {  	s25 =	simm.s32 $0x1B8E;
	s24 =	sld [smem:$0x3FFE];
	[sflag:s23] =	ssyncadd.s32 $0xFFFFFFFF  }
0xab: {  	s26 =	simm.s32 $execute0_lowered;
	[smem:$0x3FD2] =	sst s25  }
0xac: {  	s5 =	sshll.u32 s26, $0x1;
	_ =	strace $0x80000049;
	[dreg:$0x1] =	wrdreg $0xFFFFFFFF  }
0xad: {  	s28 =	simm.s32 $_size_execute0_lowered;
	s3 =	sadd.s32 s3, s5;
	[dreg:$0x0] =	wrdreg $0x0  }
0xae: {  	s5 =	sshll.u32 s28, $0x1;
	[dreg:$0x2] =	wrdreg s3  }
0xaf: {  	[dreg:$0x3] =	wrdreg s5  }
0xb0: {  	[dreg:$0x4] =	wrdreg $0xC0  }
0xb1: {  	_ =	task [dreg:s7], $0x5FFFF  }
0xb2: {  	[dreg:$0x1] =	wrdreg $0xFFFFFFFF  }
0xb3: {  	[dreg:$0x0] =	wrdreg $0x60  }
0xb4: {  	[dreg:$0x2] =	wrdreg s24  }
0xb5: {  	[dreg:$0x3] =	wrdreg s16  }
0xb6: {  	[dreg:$0x4] =	wrdreg $0x9  }
0xb7: {  	_ =	task.clear_ibuf [dreg:s7], $0x5FFFF;
	_ =	strace $0x90000049  }
0xb8: {  	s29 =	simm.s32 $0x9;
	_ =	strace $0x8000004B  }
0xb9: {  	_ =	swait.ge [sflag:s29], $0x1  }
0xba: {  	[sflag:s29] =	ssyncadd.s32 $0xFFFFFFFF  }
0xbb: {  	_ =	strace $0x9000004B  }
0xbc: {  	_ =	sfence  }
0xbd: {  	s30 =	sld [smem:$0x0];
	_ =	sdelay $0x2  }
0xbe: {  	s31 =	sshll.u32 s1, $0xD;
	s1 =	sshrl.u32 s1, $0x2  }
0xbf: {  	s3 =	sand.u32 $0x4000, s31;
	s1 =	sadd.s32 s1, s30  }
0xc0: {  	s0 =	sor.u32 s3, s0;
	s1 =	sshll.u32 s1, $0x11  }
0xc1: {  	s0 =	sor.u32 s1, s0  }
0xc2: {  	s0 =	sadd.s32 $0x8F2B, s0  }
0xc3: {  	[sflag:s0] =	ssyncadd.remote.s32 $0x1  }
0xc4: {  	_ =	sfence.sel $0xFFFF  }
0xc5: {  	[dreg:$0x0] =	wrdreg $0xFFFFFFFF;
	(pc) =	sbr.abs _section_cstart, $3  }
0xc6: {  	[dreg:$0x1] =	wrdreg $0xFFFFFFFF  }
0xc7: {  	_ =	task.clear_ibuf [dreg:s7], $0x2FFFF;
	_ =	strace $0x9FFFFFFF  }
0xc8: {  	(tm) =	ssettm $0x7FFFFFFF  }
0xc9: {  	_ =	shalt  }
tec
execute0_lowered:
.L_overlay_start_1:
0x0: {  	(tag) =	ssettag $0x1  }
0x1: {  	s0 =	rddreg [dreg:$0x0]  }
0x2: {  	s1 =	rddreg [dreg:$0x1];
	s3 =	srdreg.scid  }
0x3: {  	s2 =	simm.s32 $0x0;
	s5 =	stileid.u32;
	s12 =	simm.s32 $0x3  }
0x4: {  	s14 =	simm.s32 $0x4100;
	s15 =	simm.s32 $0x17900;
	s16 =	simm.s32 $0x18100  }
0x5: {  	s17 =	simm.s32 $0x18900;
	s18 =	simm.s32 $0x19100;
	s19 =	simm.s32 $0x19900  }
0x6: {  	s20 =	simm.s32 $0x1A100;
	s21 =	simm.s32 $0x1A900;
	s22 =	simm.s32 $0x1B100  }
0x7: {  	s23 =	simm.s32 $0x1B900;
	s24 =	simm.s32 $0x1;
	s25 =	simm.s32 $0x2  }
0x8: {  	s26 =	simm.s32 $0x0;
	s4 =	sand.u32 $0x1, s3;
	[smem:$0x7FF] =	sst s2  }
0x9: {  	s5 =	sshll.u32 s5, $0x7;
	s3 =	sadd.s32 $0xD1A00, s0;
	s6 =	sshll.u32 s4, $0x6  }
0xa: {  	s9 =	sadd.s32 $0xD1C00, s0;
	s4 =	ssub.s32 $0x2, s4;
	s5 =	sor.u32 s6, s5  }
0xb: {  	_ =	strace $0x8000004A;
	s31 =	sshrl.u32 s4, $0x1;
	s6 =	sshrl.u32 s5, $0x3  }
0xc: {  	s5 =	sshll.u32 s5, $0x4;
	s11 =	ssub.s32 s4, s31;
	s7 =	sadd.s32 s6, s0  }
0xd: {  	v2 =	vlaneseq.u32;
	s8 =	sadd.s32 s5, s0;
	s10 =	smul.u32 $0x300, s6;
	s11 =	smax.u32 s11, $0x1  }
0xe: {  	vm0 =	vmmov $0xffff;
	v1 =	vshrl.u32 v2, $0x3;
	s4 =	sadd.s32 $0x11200, s7;
	s5 =	sadd.s32 $0x11400, s7;
	s6 =	sadd.s32 $0xE00, s8  }
0xf: {  	v0 =	vand.u32 $0x7, v2;
	v2 =	vor.u32 $0x8, v2;
	v1 =	vmul.u32 $0x8, v1;
	s7 =	sadd.s32 $0x8E00, s8;
	s8 =	sadd.s32 $0xD1B00, s0;
	s10 =	sadd.s32 s1, s10  }
.LBB2_1:
0x10: {  	[tilespmem:s2], [sflag:$0x3] =	stream.linear.gather [hbm4b:s4+s2], $0x40, $0x38;
	[tilespmem:$0x1C100] =	vst v63  }
0x11: {  	_ =	swait.ge [sflag:s12], $0x40  }
0x12: {  	[sflag:s12] =	ssyncset.done $0x0  }
0x13: {  	s0 =	simm.s32 $0x80;
	[sflag:s12] =	ssyncadd.s32 $0xFFFFFFC0  }
0x14: {  	[tilespmem:s0], [sflag:$0x3] =	stream.linear.gather [hbm4b:s5+s2], $0x40, $0x38;
	[tilespmem:$0x1C100] =	vst v63  }
0x15: {  	_ =	swait.ge [sflag:s12], $0x40  }
0x16: {  	[sflag:s12] =	ssyncset.done $0x0  }
0x17: {  	s28 =	simm.s32 $0x100;
	[sflag:s12] =	ssyncadd.s32 $0xFFFFFFC0  }
0x18: {  	[tilespmem:s28], [sflag:$0x3] =	stream.linear.gather [hbm4b:s6+s2], $0x2000, $0x38;
	[tilespmem:$0x1C100] =	vst v63  }
0x19: {  	_ =	swait.ge [sflag:s12], $0x2000  }
0x1a: {  	[sflag:s12] =	ssyncset.done $0x0  }
0x1b: {  	s29 =	simm.s32 $0x2100;
	[sflag:s12] =	ssyncadd.s32 $0xFFFFE000  }
0x1c: {  	[tilespmem:s29], [sflag:$0x3] =	stream.linear.gather [hbm4b:s7+s2], $0x2000, $0x38;
	[tilespmem:$0x1C100] =	vst v63  }
0x1d: {  	_ =	swait.ge [sflag:s12], $0x2000  }
0x1e: {  	[sflag:s12] =	ssyncset.done $0x0  }
0x1f: {  	[sflag:s12] =	ssyncadd.s32 $0xFFFFE000  }
0x20: {  	v3 =	vld [tilespmem:$0x0];
	_ =	sdelay $0x4  }
0x21: {  	v4 =	vshrl.u32 v3, $0x3  }
0x22: {  	v4 =	vmul.u32 $0x30, v4  }
0x23: {  	v3 =	vand.u32 $0x7, v3  }
0x24: {  	v3 =	vor.u32 v3, v4  }
0x25: {  	v4 =	vperm.xlane v3, v0;
	_ =	sdelay $0x1  }
0x26: {  	v4 =	vadd.s32 v1, v4;
	_ =	sdelay $0x3  }
0x27: {  	v3 =	vperm.xlane v3, v2  }
0x28: {  	[tilespmem:s14], [sflag:$0x1] =	stream.indirect_vreg.gather [hbm4b:s3+s2], $0x80, v4, vm0, $0xb8;
	[tilespmem:$0x1C100] =	vst v63  }
0x29: {  	s13 =	simm.s32 $0x4900;
	v3 =	vadd.s32 v1, v3  }
0x2a: {  	[tilespmem:s13], [sflag:$0x1] =	stream.indirect_vreg.gather [hbm4b:s8+s2], $0x80, v4, vm0, $0xb8;
	[tilespmem:$0x1C100] =	vst v63  }
0x2b: {  	s1 =	simm.s32 $0x5100  }
0x2c: {  	[tilespmem:s1], [sflag:$0x1] =	stream.indirect_vreg.gather [hbm4b:s9+s2], $0x80, v4, vm0, $0xb8;
	[tilespmem:$0x1C100] =	vst v63  }
0x2d: {  	s13 =	simm.s32 $0x5900  }
0x2e: {  	[tilespmem:s13], [sflag:$0x1] =	stream.indirect_vreg.gather [hbm4b:s3+s2], $0x80, v3, vm0, $0xb8;
	[tilespmem:$0x1C100] =	vst v63  }
0x2f: {  	s1 =	simm.s32 $0x6100  }
0x30: {  	[tilespmem:s1], [sflag:$0x1] =	stream.indirect_vreg.gather [hbm4b:s8+s2], $0x80, v3, vm0, $0xb8;
	[tilespmem:$0x1C100] =	vst v63  }
0x31: {  	s13 =	simm.s32 $0x6900  }
0x32: {  	[tilespmem:s13], [sflag:$0x1] =	stream.indirect_vreg.gather [hbm4b:s9+s2], $0x80, v3, vm0, $0xb8;
	[tilespmem:$0x1C100] =	vst v63  }
0x33: {  	v3 =	vld [tilespmem:$0x10];
	_ =	sdelay $0x4  }
0x34: {  	v4 =	vshrl.u32 v3, $0x3  }
0x35: {  	v4 =	vmul.u32 $0x30, v4  }
0x36: {  	v3 =	vand.u32 $0x7, v3  }
0x37: {  	v3 =	vor.u32 v3, v4  }
0x38: {  	v4 =	vperm.xlane v3, v0;
	_ =	sdelay $0x1  }
0x39: {  	v4 =	vadd.s32 v1, v4;
	_ =	sdelay $0x3  }
0x3a: {  	s1 =	simm.s32 $0x7100;
	v3 =	vperm.xlane v3, v2  }
0x3b: {  	[tilespmem:s1], [sflag:$0x1] =	stream.indirect_vreg.gather [hbm4b:s3+s2], $0x80, v4, vm0, $0xb8;
	[tilespmem:$0x1C100] =	vst v63  }
0x3c: {  	s13 =	simm.s32 $0x7900;
	v3 =	vadd.s32 v1, v3  }
0x3d: {  	[tilespmem:s13], [sflag:$0x1] =	stream.indirect_vreg.gather [hbm4b:s8+s2], $0x80, v4, vm0, $0xb8;
	[tilespmem:$0x1C100] =	vst v63  }
0x3e: {  	s1 =	simm.s32 $0x8100  }
0x3f: {  	[tilespmem:s1], [sflag:$0x1] =	stream.indirect_vreg.gather [hbm4b:s9+s2], $0x80, v4, vm0, $0xb8;
	[tilespmem:$0x1C100] =	vst v63  }
0x40: {  	s13 =	simm.s32 $0x8900  }
0x41: {  	[tilespmem:s13], [sflag:$0x1] =	stream.indirect_vreg.gather [hbm4b:s3+s2], $0x80, v3, vm0, $0xb8;
	[tilespmem:$0x1C100] =	vst v63  }
0x42: {  	s1 =	simm.s32 $0x9100  }
0x43: {  	[tilespmem:s1], [sflag:$0x1] =	stream.indirect_vreg.gather [hbm4b:s8+s2], $0x80, v3, vm0, $0xb8;
	[tilespmem:$0x1C100] =	vst v63  }
0x44: {  	s13 =	simm.s32 $0x9900  }
0x45: {  	[tilespmem:s13], [sflag:$0x1] =	stream.indirect_vreg.gather [hbm4b:s9+s2], $0x80, v3, vm0, $0xb8;
	[tilespmem:$0x1C100] =	vst v63  }
0x46: {  	v3 =	vld [tilespmem:$0x80];
	_ =	sdelay $0x4  }
0x47: {  	v4 =	vshrl.u32 v3, $0x3  }
0x48: {  	v4 =	vmul.u32 $0x30, v4  }
0x49: {  	v3 =	vand.u32 $0x7, v3  }
0x4a: {  	v3 =	vor.u32 v3, v4  }
0x4b: {  	v4 =	vperm.xlane v3, v0;
	_ =	sdelay $0x1  }
0x4c: {  	v4 =	vadd.s32 v1, v4;
	_ =	sdelay $0x3  }
0x4d: {  	s1 =	simm.s32 $0x10100;
	v3 =	vperm.xlane v3, v2  }
0x4e: {  	[tilespmem:s1], [sflag:$0x1] =	stream.indirect_vreg.gather [hbm4b:s3+s2], $0x80, v4, vm0, $0xb8;
	[tilespmem:$0x1C100] =	vst v63  }
0x4f: {  	s13 =	simm.s32 $0x10900;
	v3 =	vadd.s32 v1, v3  }
0x50: {  	[tilespmem:s13], [sflag:$0x1] =	stream.indirect_vreg.gather [hbm4b:s8+s2], $0x80, v4, vm0, $0xb8;
	[tilespmem:$0x1C100] =	vst v63  }
0x51: {  	s1 =	simm.s32 $0x11100  }
0x52: {  	[tilespmem:s1], [sflag:$0x1] =	stream.indirect_vreg.gather [hbm4b:s9+s2], $0x80, v4, vm0, $0xb8;
	[tilespmem:$0x1C100] =	vst v63  }
0x53: {  	s13 =	simm.s32 $0x11900  }
0x54: {  	[tilespmem:s13], [sflag:$0x1] =	stream.indirect_vreg.gather [hbm4b:s3+s2], $0x80, v3, vm0, $0xb8;
	[tilespmem:$0x1C100] =	vst v63  }
0x55: {  	s1 =	simm.s32 $0x12100  }
0x56: {  	[tilespmem:s1], [sflag:$0x1] =	stream.indirect_vreg.gather [hbm4b:s8+s2], $0x80, v3, vm0, $0xb8;
	[tilespmem:$0x1C100] =	vst v63  }
0x57: {  	s13 =	simm.s32 $0x12900  }
0x58: {  	[tilespmem:s13], [sflag:$0x1] =	stream.indirect_vreg.gather [hbm4b:s9+s2], $0x80, v3, vm0, $0xb8;
	[tilespmem:$0x1C100] =	vst v63  }
0x59: {  	v3 =	vld [tilespmem:$0x90];
	_ =	sdelay $0x4  }
0x5a: {  	v4 =	vshrl.u32 v3, $0x3  }
0x5b: {  	v4 =	vmul.u32 $0x30, v4  }
0x5c: {  	v3 =	vand.u32 $0x7, v3  }
0x5d: {  	v3 =	vor.u32 v3, v4  }
0x5e: {  	v4 =	vperm.xlane v3, v0;
	_ =	sdelay $0x1  }
0x5f: {  	v4 =	vadd.s32 v1, v4;
	_ =	sdelay $0x3  }
0x60: {  	s1 =	simm.s32 $0x13100;
	v3 =	vperm.xlane v3, v2  }
0x61: {  	[tilespmem:s1], [sflag:$0x1] =	stream.indirect_vreg.gather [hbm4b:s3+s2], $0x80, v4, vm0, $0xb8;
	[tilespmem:$0x1C100] =	vst v63  }
0x62: {  	s13 =	simm.s32 $0x13900;
	v3 =	vadd.s32 v1, v3  }
0x63: {  	[tilespmem:s13], [sflag:$0x1] =	stream.indirect_vreg.gather [hbm4b:s8+s2], $0x80, v4, vm0, $0xb8;
	[tilespmem:$0x1C100] =	vst v63  }
0x64: {  	s1 =	simm.s32 $0x14100  }
0x65: {  	[tilespmem:s1], [sflag:$0x1] =	stream.indirect_vreg.gather [hbm4b:s9+s2], $0x80, v4, vm0, $0xb8;
	[tilespmem:$0x1C100] =	vst v63  }
0x66: {  	s13 =	simm.s32 $0x14900  }
0x67: {  	[tilespmem:s13], [sflag:$0x1] =	stream.indirect_vreg.gather [hbm4b:s3+s2], $0x80, v3, vm0, $0xb8;
	[tilespmem:$0x1C100] =	vst v63  }
0x68: {  	s1 =	simm.s32 $0x15100  }
0x69: {  	[tilespmem:s1], [sflag:$0x1] =	stream.indirect_vreg.gather [hbm4b:s8+s2], $0x80, v3, vm0, $0xb8;
	[tilespmem:$0x1C100] =	vst v63  }
0x6a: {  	s13 =	simm.s32 $0x15900  }
0x6b: {  	[tilespmem:s13], [sflag:$0x1] =	stream.indirect_vreg.gather [hbm4b:s9+s2], $0x80, v3, vm0, $0xb8;
	[tilespmem:$0x1C100] =	vst v63  }
0x6c: {  	v3 =	vld [tilespmem:$0x20];
	_ =	sdelay $0x4  }
0x6d: {  	v4 =	vshrl.u32 v3, $0x3  }
0x6e: {  	v4 =	vmul.u32 $0x30, v4  }
0x6f: {  	v3 =	vand.u32 $0x7, v3  }
0x70: {  	v3 =	vor.u32 v3, v4  }
0x71: {  	v4 =	vperm.xlane v3, v0;
	_ =	sdelay $0x1  }
0x72: {  	v4 =	vadd.s32 v1, v4;
	_ =	sdelay $0x3  }
0x73: {  	s1 =	simm.s32 $0xA100;
	v3 =	vperm.xlane v3, v2  }
0x74: {  	[tilespmem:s1], [sflag:$0x2] =	stream.indirect_vreg.gather [hbm4b:s3+s2], $0x80, v4, vm0, $0xb8;
	[tilespmem:$0x1C100] =	vst v63  }
0x75: {  	s13 =	simm.s32 $0xA900;
	v3 =	vadd.s32 v1, v3  }
0x76: {  	[tilespmem:s13], [sflag:$0x2] =	stream.indirect_vreg.gather [hbm4b:s8+s2], $0x80, v4, vm0, $0xb8;
	[tilespmem:$0x1C100] =	vst v63  }
0x77: {  	s1 =	simm.s32 $0xB100  }
0x78: {  	[tilespmem:s1], [sflag:$0x2] =	stream.indirect_vreg.gather [hbm4b:s9+s2], $0x80, v4, vm0, $0xb8;
	[tilespmem:$0x1C100] =	vst v63  }
0x79: {  	s13 =	simm.s32 $0xB900  }
0x7a: {  	[tilespmem:s13], [sflag:$0x2] =	stream.indirect_vreg.gather [hbm4b:s3+s2], $0x80, v3, vm0, $0xb8;
	[tilespmem:$0x1C100] =	vst v63  }
0x7b: {  	s1 =	simm.s32 $0xC100  }
0x7c: {  	[tilespmem:s1], [sflag:$0x2] =	stream.indirect_vreg.gather [hbm4b:s8+s2], $0x80, v3, vm0, $0xb8;
	[tilespmem:$0x1C100] =	vst v63  }
0x7d: {  	s13 =	simm.s32 $0xC900  }
0x7e: {  	[tilespmem:s13], [sflag:$0x2] =	stream.indirect_vreg.gather [hbm4b:s9+s2], $0x80, v3, vm0, $0xb8;
	[tilespmem:$0x1C100] =	vst v63  }
0x7f: {  	v3 =	vld [tilespmem:$0x30];
	_ =	sdelay $0x4  }
0x80: {  	v4 =	vshrl.u32 v3, $0x3  }
0x81: {  	v4 =	vmul.u32 $0x30, v4  }
0x82: {  	v3 =	vand.u32 $0x7, v3  }
0x83: {  	v3 =	vor.u32 v3, v4  }
0x84: {  	v4 =	vperm.xlane v3, v0;
	_ =	sdelay $0x1  }
0x85: {  	v4 =	vadd.s32 v1, v4;
	_ =	sdelay $0x3  }
0x86: {  	s1 =	simm.s32 $0xD100;
	v3 =	vperm.xlane v3, v2  }
0x87: {  	[tilespmem:s1], [sflag:$0x2] =	stream.indirect_vreg.gather [hbm4b:s3+s2], $0x80, v4, vm0, $0xb8;
	[tilespmem:$0x1C100] =	vst v63  }
0x88: {  	s13 =	simm.s32 $0xD900;
	v3 =	vadd.s32 v1, v3  }
0x89: {  	[tilespmem:s13], [sflag:$0x2] =	stream.indirect_vreg.gather [hbm4b:s8+s2], $0x80, v4, vm0, $0xb8;
	[tilespmem:$0x1C100] =	vst v63  }
0x8a: {  	s1 =	simm.s32 $0xE100  }
0x8b: {  	[tilespmem:s1], [sflag:$0x2] =	stream.indirect_vreg.gather [hbm4b:s9+s2], $0x80, v4, vm0, $0xb8;
	[tilespmem:$0x1C100] =	vst v63  }
0x8c: {  	s13 =	simm.s32 $0xE900  }
0x8d: {  	[tilespmem:s13], [sflag:$0x2] =	stream.indirect_vreg.gather [hbm4b:s3+s2], $0x80, v3, vm0, $0xb8;
	[tilespmem:$0x1C100] =	vst v63  }
0x8e: {  	s1 =	simm.s32 $0xF100  }
0x8f: {  	[tilespmem:s1], [sflag:$0x2] =	stream.indirect_vreg.gather [hbm4b:s8+s2], $0x80, v3, vm0, $0xb8;
	[tilespmem:$0x1C100] =	vst v63  }
0x90: {  	s13 =	simm.s32 $0xF900  }
0x91: {  	[tilespmem:s13], [sflag:$0x2] =	stream.indirect_vreg.gather [hbm4b:s9+s2], $0x80, v3, vm0, $0xb8;
	[tilespmem:$0x1C100] =	vst v63  }
0x92: {  	v3 =	vld [tilespmem:$0xA0];
	_ =	sdelay $0x4  }
0x93: {  	v4 =	vshrl.u32 v3, $0x3  }
0x94: {  	v4 =	vmul.u32 $0x30, v4  }
0x95: {  	v3 =	vand.u32 $0x7, v3  }
0x96: {  	v3 =	vor.u32 v3, v4  }
0x97: {  	v4 =	vperm.xlane v3, v0;
	_ =	sdelay $0x1  }
0x98: {  	v4 =	vadd.s32 v1, v4;
	_ =	sdelay $0x3  }
0x99: {  	s1 =	simm.s32 $0x16100;
	v3 =	vperm.xlane v3, v2  }
0x9a: {  	[tilespmem:s1], [sflag:$0x2] =	stream.indirect_vreg.gather [hbm4b:s3+s2], $0x80, v4, vm0, $0xb8;
	[tilespmem:$0x1C100] =	vst v63  }
0x9b: {  	s13 =	simm.s32 $0x16900;
	v3 =	vadd.s32 v1, v3  }
0x9c: {  	[tilespmem:s13], [sflag:$0x2] =	stream.indirect_vreg.gather [hbm4b:s8+s2], $0x80, v4, vm0, $0xb8;
	[tilespmem:$0x1C100] =	vst v63  }
0x9d: {  	s1 =	simm.s32 $0x17100  }
0x9e: {  	[tilespmem:s1], [sflag:$0x2] =	stream.indirect_vreg.gather [hbm4b:s9+s2], $0x80, v4, vm0, $0xb8;
	[tilespmem:$0x1C100] =	vst v63  }
0x9f: {  	_ = 	snop  }
0xa0: {  	[tilespmem:s15], [sflag:$0x2] =	stream.indirect_vreg.gather [hbm4b:s3+s2], $0x80, v3, vm0, $0xb8;
	[tilespmem:$0x1C100] =	vst v63  }
0xa1: {  	_ = 	snop  }
0xa2: {  	[tilespmem:s16], [sflag:$0x2] =	stream.indirect_vreg.gather [hbm4b:s8+s2], $0x80, v3, vm0, $0xb8;
	[tilespmem:$0x1C100] =	vst v63  }
0xa3: {  	_ = 	snop  }
0xa4: {  	[tilespmem:s17], [sflag:$0x2] =	stream.indirect_vreg.gather [hbm4b:s9+s2], $0x80, v3, vm0, $0xb8;
	[tilespmem:$0x1C100] =	vst v63  }
0xa5: {  	v3 =	vld [tilespmem:$0xB0];
	_ =	sdelay $0x4  }
0xa6: {  	v4 =	vshrl.u32 v3, $0x3  }
0xa7: {  	v4 =	vmul.u32 $0x30, v4  }
0xa8: {  	v3 =	vand.u32 $0x7, v3  }
0xa9: {  	v3 =	vor.u32 v3, v4  }
0xaa: {  	v4 =	vperm.xlane v3, v0;
	_ =	sdelay $0x1  }
0xab: {  	v4 =	vadd.s32 v1, v4;
	_ =	sdelay $0x3  }
0xac: {  	v3 =	vperm.xlane v3, v2  }
0xad: {  	[tilespmem:s18], [sflag:$0x2] =	stream.indirect_vreg.gather [hbm4b:s3+s2], $0x80, v4, vm0, $0xb8;
	[tilespmem:$0x1C100] =	vst v63  }
0xae: {  	v3 =	vadd.s32 v1, v3  }
0xaf: {  	[tilespmem:s19], [sflag:$0x2] =	stream.indirect_vreg.gather [hbm4b:s8+s2], $0x80, v4, vm0, $0xb8;
	[tilespmem:$0x1C100] =	vst v63  }
0xb0: {  	_ = 	snop  }
0xb1: {  	[tilespmem:s20], [sflag:$0x2] =	stream.indirect_vreg.gather [hbm4b:s9+s2], $0x80, v4, vm0, $0xb8;
	[tilespmem:$0x1C100] =	vst v63  }
0xb2: {  	_ = 	snop  }
0xb3: {  	[tilespmem:s21], [sflag:$0x2] =	stream.indirect_vreg.gather [hbm4b:s3+s2], $0x80, v3, vm0, $0xb8;
	[tilespmem:$0x1C100] =	vst v63  }
0xb4: {  	_ = 	snop  }
0xb5: {  	[tilespmem:s22], [sflag:$0x2] =	stream.indirect_vreg.gather [hbm4b:s8+s2], $0x80, v3, vm0, $0xb8;
	[tilespmem:$0x1C100] =	vst v63  }
0xb6: {  	_ = 	snop  }
0xb7: {  	[tilespmem:s23], [sflag:$0x2] =	stream.indirect_vreg.gather [hbm4b:s9+s2], $0x80, v3, vm0, $0xb8;
	[tilespmem:$0x1C100] =	vst v63  }
0xb8: {  	_ =	swait.ge [sflag:s24], $0x6000  }
0xb9: {  	[sflag:s24] =	ssyncset.done $0x0  }
0xba: {  	s13 =	simm.s32 $0x0;
	[sflag:s24] =	ssyncadd.s32 $0xFFFFA000  }
0xbb: {  	s0 =	smul.u32 $0x1800, s13;
	_ =	swait.ge [sflag:s24], $0x6000  }
0xbc: {  	s30 =	sand.u32 $0x380, s2;
	[sflag:s24] =	ssyncset.done $0x0  }
0xbd: {  	s0 =	sor.u32 s30, s0;
	[sflag:s24] =	ssyncadd.s32 $0xFFFFA000  }
0xbe: {  	v4 =	vld [tilespmem:s0+$0x4110]  }
0xbf: {  	v3 =	vld [tilespmem:s0+$0x10110]  }
0xc0: {  	v6 =	vld [tilespmem:s0+$0x4120]  }
0xc1: {  	v5 =	vld [tilespmem:s0+$0x10120]  }
0xc2: {  	v10 =	vld [tilespmem:s0+$0x4130]  }
0xc3: {  	v9 =	vld [tilespmem:s0+$0x10130]  }
0xc4: {  	v12 =	vld [tilespmem:s0+$0x4140]  }
0xc5: {  	v11 =	vld [tilespmem:s0+$0x10140]  }
0xc6: {  	v13 =	vld [tilespmem:s0+$0x4160]  }
0xc7: {  	v14 =	vld [tilespmem:s0+$0x4170]  }
0xc8: {  	v15 =	vld [tilespmem:s0+$0x4500]  }
0xc9: {  	v16 =	vld [tilespmem:s0+$0x4510]  }
0xca: {  	v17 =	vld [tilespmem:s0+$0x4520]  }
0xcb: {  	v18 =	vld [tilespmem:s0+$0x4530]  }
0xcc: {  	v19 =	vld [tilespmem:s0+$0x4540]  }
0xcd: {  	v20 =	vld [tilespmem:s0+$0x4550]  }
0xce: {  	v21 =	vld [tilespmem:s0+$0x4560]  }
0xcf: {  	v22 =	vld [tilespmem:s0+$0x4570]  }
0xd0: {  	v23 =	vld [tilespmem:s0+$0x4900]  }
0xd1: {  	v24 =	vld [tilespmem:s0+$0x4910]  }
0xd2: {  	v25 =	vld [tilespmem:s0+$0x4920]  }
0xd3: {  	v26 =	vld [tilespmem:s0+$0x4930]  }
0xd4: {  	v27 =	vld [tilespmem:s0+$0x4940]  }
0xd5: {  	v28 =	vld [tilespmem:s0+$0x4950]  }
0xd6: {  	v29 =	vld [tilespmem:s0+$0x4960]  }
0xd7: {  	v30 =	vld [tilespmem:s0+$0x4970]  }
0xd8: {  	v31 =	vld [tilespmem:s0+$0x4D00]  }
0xd9: {  	v32 =	vld [tilespmem:s0+$0x4D10]  }
0xda: {  	v33 =	vld [tilespmem:s0+$0x4D20]  }
0xdb: {  	v34 =	vld [tilespmem:s0+$0x4D30]  }
0xdc: {  	v35 =	vld [tilespmem:s0+$0x4D40]  }
0xdd: {  	v36 =	vld [tilespmem:s0+$0x4D50]  }
0xde: {  	v37 =	vld [tilespmem:s0+$0x4D60]  }
0xdf: {  	v38 =	vld [tilespmem:s0+$0x4D70]  }
0xe0: {  	v39 =	vld [tilespmem:s0+$0x5100]  }
0xe1: {  	v40 =	vld [tilespmem:s0+$0x5110]  }
0xe2: {  	v41 =	vld [tilespmem:s0+$0x5120]  }
0xe3: {  	v42 =	vld [tilespmem:s0+$0x5130]  }
0xe4: {  	v43 =	vld [tilespmem:s0+$0x5140]  }
0xe5: {  	v44 =	vld [tilespmem:s0+$0x5150]  }
0xe6: {  	v45 =	vld [tilespmem:s0+$0x5160]  }
0xe7: {  	v46 =	vld [tilespmem:s0+$0x5500]  }
0xe8: {  	v47 =	vld [tilespmem:s0+$0x5510]  }
0xe9: {  	v48 =	vld [tilespmem:s0+$0x11510]  }
0xea: {  	v49 =	vld [tilespmem:s0+$0x11530]  }
0xeb: {  	v50 =	vld [tilespmem:s0+$0x5530]  }
0xec: {  	v51 =	vld [tilespmem:s0+$0x5520]  }
0xed: {  	v7 =	vld [tilespmem:s28+$0x0]  }
0xee: {  	v8 =	vld [tilespmem:s29+$0x0]  }
0xef: {  	v52 =	vld [tilespmem:s0+$0x11520]  }
0xf0: {  	v53 =	vld [tilespmem:s0+$0x11500]  }
0xf1: {  	v54 =	vld [tilespmem:s0+$0x5170]  }
0xf2: {  	v55 =	vld [tilespmem:s0+$0x11170];
	v50 =	vmul.f32 v50, v7  }
0xf3: {  	v56 =	vld [tilespmem:s0+$0x11160];
	v49 =	vmul.f32 v49, v8;
	v51 =	vmul.f32 v51, v7  }
0xf4: {  	v57 =	vld [tilespmem:s0+$0x11150];
	v52 =	vmul.f32 v52, v8;
	v47 =	vmul.f32 v47, v7  }
0xf5: {  	v61 =	vld [tilespmem:s0+$0x11100];
	v48 =	vmul.f32 v48, v8;
	v46 =	vmul.f32 v46, v7  }
0xf6: {  	v58 =	vld [tilespmem:s0+$0x11140];
	v62 =	vmul.f32 v53, v8;
	v63 =	vmul.f32 v54, v7;
	v49 =	vadd.f32 v49, v50  }
0xf7: {  	v53 =	vld [tilespmem:s0+$0x11130];
	v59 =	vmul.f32 v55, v8;
	v45 =	vmul.f32 v45, v7;
	v51 =	vadd.f32 v52, v51  }
0xf8: {  	v60 =	vmul.f32 v56, v8;
	v44 =	vmul.f32 v44, v7;
	v56 =	vld [tilespmem:s0+$0x10D60];
	v47 =	vadd.f32 v48, v47;
	[tilespmem:s0+$0x5530] =	vst v49  }
0xf9: {  	v43 =	vmul.f32 v43, v7;
	v39 =	vmul.f32 v39, v7;
	v55 =	vld [tilespmem:s0+$0x10970];
	v46 =	vadd.f32 v62, v46;
	[tilespmem:s0+$0x5520] =	vst v51  }
0xfa: {  	v61 =	vmul.f32 v61, v8;
	v12 =	vmul.f32 v12, v7;
	v48 =	vld [tilespmem:s0+$0x11120];
	v52 =	vadd.f32 v59, v63;
	[tilespmem:s0+$0x5510] =	vst v47  }
0xfb: {  	v11 =	vmul.f32 v11, v8;
	v63 =	vmul.f32 v58, v8;
	v45 =	vadd.f32 v60, v45;
	v58 =	vld [tilespmem:s0+$0x10D50];
	[tilespmem:s0+$0x5500] =	vst v46  }
0xfc: {  	v42 =	vmul.f32 v42, v7;
	v62 =	vmul.f32 v57, v8;
	v59 =	vld [tilespmem:s0+$0x10D40];
	v39 =	vadd.f32 v61, v39;
	[tilespmem:s0+$0x5170] =	vst v52  }
0xfd: {  	v41 =	vmul.f32 v41, v7;
	v40 =	vmul.f32 v40, v7;
	v60 =	vld [tilespmem:s0+$0x10D30];
	v11 =	vadd.f32 v11, v12;
	[tilespmem:s0+$0x5160] =	vst v45  }
0xfe: {  	v38 =	vmul.f32 v38, v7;
	v61 =	vld [tilespmem:s0+$0x10910];
	v44 =	vadd.f32 v62, v44;
	[tilespmem:s0+$0x5100] =	vst v39;
	v57 =	vmul.f32 v53, v8  }
0xff: {  	v37 =	vmul.f32 v37, v7;
	v49 =	vld [tilespmem:s0+$0x11110];
	v43 =	vadd.f32 v63, v43;
	[tilespmem:s0+$0x4140] =	vst v11;
	v46 =	vmul.f32 v56, v8  }
0x100: {  	v36 =	vmul.f32 v36, v7;
	v47 =	vld [tilespmem:s0+$0x10D70];
	[tilespmem:s0+$0x5150] =	vst v44;
	v48 =	vmul.f32 v48, v8;
	v42 =	vadd.f32 v57, v42  }
0x101: {  	v35 =	vmul.f32 v35, v7;
	v62 =	vld [tilespmem:s0+$0x10D20];
	[tilespmem:s0+$0x5140] =	vst v43;
	v54 =	vmul.f32 v58, v8;
	v37 =	vadd.f32 v46, v37  }
0x102: {  	v34 =	vmul.f32 v34, v7;
	v63 =	vld [tilespmem:s0+$0x10D10];
	v45 =	vmul.f32 v59, v8;
	v41 =	vadd.f32 v48, v41;
	[tilespmem:s0+$0x5130] =	vst v42  }
0x103: {  	v33 =	vmul.f32 v33, v7;
	v56 =	vld [tilespmem:s0+$0x10960];
	v44 =	vmul.f32 v60, v8;
	v36 =	vadd.f32 v54, v36;
	[tilespmem:s0+$0x4D60] =	vst v37  }
0x104: {  	v32 =	vmul.f32 v32, v7;
	v53 =	vld [tilespmem:s0+$0x10D00];
	v49 =	vmul.f32 v49, v8;
	v35 =	vadd.f32 v45, v35;
	[tilespmem:s0+$0x5120] =	vst v41  }
0x105: {  	v6 =	vmul.f32 v6, v7;
	v12 =	vld [tilespmem:s0+$0x5560];
	v47 =	vmul.f32 v47, v8;
	v34 =	vadd.f32 v44, v34;
	[tilespmem:s0+$0x4D50] =	vst v36  }
0x106: {  	v5 =	vmul.f32 v5, v8;
	v58 =	vld [tilespmem:s0+$0x10940];
	v43 =	vmul.f32 v62, v8;
	v40 =	vadd.f32 v49, v40;
	[tilespmem:s0+$0x4D40] =	vst v35  }
0x107: {  	v29 =	vmul.f32 v29, v7;
	v59 =	vld [tilespmem:s0+$0x10930];
	v42 =	vmul.f32 v63, v8;
	v38 =	vadd.f32 v47, v38;
	[tilespmem:s0+$0x4D30] =	vst v34  }
0x108: {  	v5 =	vadd.f32 v5, v6;
	v6 =	vld [tilespmem:s0+$0x4100];
	v39 =	vmul.f32 v56, v8;
	v33 =	vadd.f32 v43, v33;
	[tilespmem:s0+$0x5110] =	vst v40  }
0x109: {  	v31 =	vmul.f32 v31, v7;
	v60 =	vld [tilespmem:s0+$0x10920];
	v41 =	vmul.f32 v53, v8;
	v32 =	vadd.f32 v42, v32;
	[tilespmem:s0+$0x4D70] =	vst v38  }
0x10a: {  	v24 =	vmul.f32 v24, v7;
	v57 =	vld [tilespmem:s0+$0x10950];
	v34 =	vmul.f32 v61, v8;
	v29 =	vadd.f32 v39, v29;
	[tilespmem:s0+$0x4D20] =	vst v33  }
0x10b: {  	v27 =	vmul.f32 v27, v7;
	v62 =	vld [tilespmem:s0+$0x10900];
	v37 =	vmul.f32 v58, v8;
	v31 =	vadd.f32 v41, v31;
	[tilespmem:s0+$0x4D10] =	vst v32  }
0x10c: {  	v26 =	vmul.f32 v26, v7;
	v63 =	vld [tilespmem:s0+$0x10570];
	v36 =	vmul.f32 v59, v8;
	v24 =	vadd.f32 v34, v24;
	[tilespmem:s0+$0x4960] =	vst v29  }
0x10d: {  	v30 =	vmul.f32 v30, v7;
	v40 =	vmul.f32 v55, v8;
	v27 =	vadd.f32 v37, v27;
	v29 =	vld [tilespmem:s0+$0x10540];
	[tilespmem:s0+$0x4D00] =	vst v31  }
0x10e: {  	v25 =	vmul.f32 v25, v7;
	v35 =	vmul.f32 v60, v8;
	v26 =	vadd.f32 v36, v26;
	v31 =	vld [tilespmem:s0+$0x10560];
	[tilespmem:s0+$0x4910] =	vst v24  }
0x10f: {  	v28 =	vmul.f32 v28, v7;
	v38 =	vmul.f32 v57, v8;
	v30 =	vadd.f32 v40, v30;
	v24 =	vld [tilespmem:s0+$0x10170];
	[tilespmem:s0+$0x4940] =	vst v27  }
0x110: {  	v23 =	vmul.f32 v23, v7;
	v33 =	vmul.f32 v62, v8;
	v25 =	vadd.f32 v35, v25;
	v27 =	vld [tilespmem:s0+$0x10520];
	[tilespmem:s0+$0x4930] =	vst v26  }
0x111: {  	v22 =	vmul.f32 v22, v7;
	v32 =	vmul.f32 v63, v8;
	v28 =	vadd.f32 v38, v28;
	[tilespmem:s0+$0x4970] =	vst v30;
	v30 =	vld [tilespmem:s0+$0x10550]  }
0x112: {  	v19 =	vmul.f32 v19, v7;
	v23 =	vadd.f32 v33, v23;
	[tilespmem:s0+$0x4920] =	vst v25;
	v25 =	vld [tilespmem:s0+$0x10500];
	v29 =	vmul.f32 v29, v8  }
0x113: {  	v21 =	vmul.f32 v21, v7;
	v22 =	vadd.f32 v32, v22;
	[tilespmem:s0+$0x4950] =	vst v28;
	v28 =	vld [tilespmem:s0+$0x10530];
	v31 =	vmul.f32 v31, v8  }
0x114: {  	v14 =	vmul.f32 v14, v7;
	[tilespmem:s0+$0x4900] =	vst v23;
	v23 =	vld [tilespmem:s0+$0x10160];
	v24 =	vmul.f32 v24, v8;
	v19 =	vadd.f32 v29, v19  }
0x115: {  	v17 =	vmul.f32 v17, v7;
	v26 =	vld [tilespmem:s0+$0x10510];
	[tilespmem:s0+$0x4570] =	vst v22;
	v27 =	vmul.f32 v27, v8;
	v21 =	vadd.f32 v31, v21  }
0x116: {  	v20 =	vmul.f32 v20, v7;
	v22 =	vld [tilespmem:s0+$0x4150];
	v30 =	vmul.f32 v30, v8;
	v14 =	vadd.f32 v24, v14;
	[tilespmem:s0+$0x4540] =	vst v19  }
0x117: {  	v15 =	vmul.f32 v15, v7;
	v25 =	vmul.f32 v25, v8;
	v17 =	vadd.f32 v27, v17;
	v19 =	vld [tilespmem:s0+$0x11550];
	[tilespmem:s0+$0x4560] =	vst v21  }
0x118: {  	v18 =	vmul.f32 v18, v7;
	v28 =	vmul.f32 v28, v8;
	v20 =	vadd.f32 v30, v20;
	v21 =	vld [tilespmem:s0+$0x10150];
	[tilespmem:s0+$0x4170] =	vst v14  }
0x119: {  	v13 =	vmul.f32 v13, v7;
	v23 =	vmul.f32 v23, v8;
	v15 =	vadd.f32 v25, v15;
	[tilespmem:s0+$0x4520] =	vst v17;
	v17 =	vld [tilespmem:s0+$0x5540]  }
0x11a: {  	v16 =	vmul.f32 v16, v7;
	v26 =	vmul.f32 v26, v8;
	v18 =	vadd.f32 v28, v18;
	[tilespmem:s0+$0x4550] =	vst v20;
	v20 =	vld [tilespmem:s0+$0x11540]  }
0x11b: {  	v10 =	vmul.f32 v10, v7;
	v9 =	vmul.f32 v9, v8;
	v13 =	vadd.f32 v23, v13;
	[tilespmem:s0+$0x4500] =	vst v15;
	v15 =	vld [tilespmem:s0+$0x5550]  }
0x11c: {  	v4 =	vmul.f32 v4, v7;
	v3 =	vmul.f32 v3, v8;
	v16 =	vadd.f32 v26, v16;
	[tilespmem:s0+$0x4530] =	vst v18;
	v18 =	vld [tilespmem:s0+$0x11560]  }
0x11d: {  	v9 =	vadd.f32 v9, v10;
	v10 =	vmul.f32 v22, v7;
	v14 =	vld [tilespmem:s0+$0x5570];
	[tilespmem:s0+$0x4160] =	vst v13;
	v13 =	vmul.f32 v21, v8  }
0x11e: {  	v3 =	vadd.f32 v3, v4;
	[tilespmem:s0+$0x4510] =	vst v16;
	v16 =	vld [tilespmem:s0+$0x11570]  }
0x11f: {  	s30 =	simm.s32 $0x0;
	[tilespmem:s0+$0x4130] =	vst v9;
	v9 =	vld [tilespmem:s0+$0x10100];
	v11 =	vmul.f32 v17, v7;
	v17 =	vmul.f32 v20, v8;
	v4 =	vadd.f32 v13, v10  }
0x120: {  	s31 =	simm.s32 $0x80;
	s30 =	smul.u32 $0x1800, s30;
	[tilespmem:s0+$0x4120] =	vst v5;
	v5 =	vmul.f32 v15, v7;
	v10 =	vmul.f32 v19, v8  }
0x121: {  	s1 =	sand.u32 $0x380, s31;
	v11 =	vadd.f32 v17, v11;
	[tilespmem:s0+$0x4150] =	vst v4;
	v4 =	vmul.f32 v12, v7;
	v12 =	vmul.f32 v18, v8  }
0x122: {  	s30 =	sor.u32 s1, s30;
	[tilespmem:s0+$0x4110] =	vst v3;
	v5 =	vadd.f32 v10, v5  }
0x123: {  	v3 =	vld [tilespmem:s30+$0x4110];
	v10 =	vmul.f32 v14, v7;
	[tilespmem:s0+$0x5540] =	vst v11;
	v11 =	vmul.f32 v16, v8;
	v12 =	vadd.f32 v12, v4  }
0x124: {  	v7 =	vmul.f32 v6, v7;
	v8 =	vmul.f32 v9, v8;
	v4 =	vld [tilespmem:s30+$0x10110];
	[tilespmem:s0+$0x5550] =	vst v5  }
0x125: {  	v9 =	vadd.f32 v11, v10;
	v6 =	vld [tilespmem:s30+$0x4120];
	[tilespmem:s0+$0x5560] =	vst v12  }
0x126: {  	v7 =	vadd.f32 v8, v7;
	v5 =	vld [tilespmem:s30+$0x10120]  }
0x127: {  	v8 =	vld [tilespmem:s30+$0x4130];
	[tilespmem:s0+$0x5570] =	vst v9  }
0x128: {  	v18 =	vld [tilespmem:s30+$0x4530];
	[tilespmem:s0+$0x4100] =	vst v7  }
0x129: {  	v7 =	vld [tilespmem:s30+$0x10130]  }
0x12a: {  	v10 =	vld [tilespmem:s30+$0x4140]  }
0x12b: {  	v9 =	vld [tilespmem:s30+$0x10140]  }
0x12c: {  	v12 =	vld [tilespmem:s30+$0x4150]  }
0x12d: {  	v11 =	vld [tilespmem:s30+$0x10150]  }
0x12e: {  	v13 =	vld [tilespmem:s30+$0x4160]  }
0x12f: {  	v14 =	vld [tilespmem:s30+$0x4170]  }
0x130: {  	v15 =	vld [tilespmem:s30+$0x4500]  }
0x131: {  	v16 =	vld [tilespmem:s30+$0x4510]  }
0x132: {  	v17 =	vld [tilespmem:s30+$0x4520]  }
0x133: {  	v19 =	vld [tilespmem:s30+$0x4540]  }
0x134: {  	v20 =	vld [tilespmem:s30+$0x4550]  }
0x135: {  	v21 =	vld [tilespmem:s30+$0x4560]  }
0x136: {  	v22 =	vld [tilespmem:s30+$0x4570]  }
0x137: {  	v23 =	vld [tilespmem:s30+$0x4900]  }
0x138: {  	v24 =	vld [tilespmem:s30+$0x4910]  }
0x139: {  	v25 =	vld [tilespmem:s30+$0x4920]  }
0x13a: {  	v26 =	vld [tilespmem:s30+$0x4930]  }
0x13b: {  	v27 =	vld [tilespmem:s30+$0x4940]  }
0x13c: {  	v28 =	vld [tilespmem:s30+$0x4950]  }
0x13d: {  	v29 =	vld [tilespmem:s30+$0x4960]  }
0x13e: {  	v30 =	vld [tilespmem:s30+$0x4970]  }
0x13f: {  	v31 =	vld [tilespmem:s30+$0x4D00]  }
0x140: {  	v34 =	vld [tilespmem:s30+$0x4D10]  }
0x141: {  	v35 =	vld [tilespmem:s30+$0x4D20]  }
0x142: {  	v36 =	vld [tilespmem:s30+$0x4D30]  }
0x143: {  	v37 =	vld [tilespmem:s30+$0x4D40]  }
0x144: {  	v38 =	vld [tilespmem:s30+$0x4D50]  }
0x145: {  	v39 =	vld [tilespmem:s30+$0x4D60]  }
0x146: {  	v40 =	vld [tilespmem:s30+$0x4D70]  }
0x147: {  	v41 =	vld [tilespmem:s30+$0x5100]  }
0x148: {  	v42 =	vld [tilespmem:s30+$0x5110]  }
0x149: {  	v43 =	vld [tilespmem:s30+$0x5120]  }
0x14a: {  	v44 =	vld [tilespmem:s30+$0x5130]  }
0x14b: {  	v45 =	vld [tilespmem:s30+$0x5140]  }
0x14c: {  	v46 =	vld [tilespmem:s30+$0x5150]  }
0x14d: {  	v47 =	vld [tilespmem:s30+$0x5160]  }
0x14e: {  	v48 =	vld [tilespmem:s30+$0x5500]  }
0x14f: {  	v50 =	vld [tilespmem:s30+$0x5510]  }
0x150: {  	v49 =	vld [tilespmem:s30+$0x11510]  }
0x151: {  	s0 =	simm.s32 $0x2;
	v51 =	vld [tilespmem:s30+$0x11530]  }
.LBB2_2:
0x152: {  	p0 =	sne.s32 s0, $0x1F;
	v52 =	vld [tilespmem:s30+$0x5530]  }
0x153: {  	s28 =	sadd.s32 $0x80, s28;
	v53 =	vld [tilespmem:s30+$0x5520]  }
0x154: {  	s29 =	sadd.s32 $0x80, s29;
	v33 =	vld [tilespmem:s28+$0x0]  }
0x155: {  	v32 =	vld [tilespmem:s29+$0x0]  }
0x156: {  	v54 =	vld [tilespmem:s30+$0x11520]  }
0x157: {  	v55 =	vld [tilespmem:s30+$0x11500]  }
0x158: {  	v56 =	vld [tilespmem:s30+$0x5170]  }
0x159: {  	v57 =	vld [tilespmem:s30+$0x11170];
	v50 =	vmul.f32 v50, v33;
	v53 =	vmul.f32 v53, v33  }
0x15a: {  	v52 =	vmul.f32 v52, v33;
	v58 =	vld [tilespmem:s30+$0x11160];
	v51 =	vmul.f32 v51, v32  }
0x15b: {  	v49 =	vmul.f32 v49, v32;
	v59 =	vld [tilespmem:s30+$0x11150];
	v54 =	vmul.f32 v54, v32  }
0x15c: {  	v48 =	vmul.f32 v48, v33;
	v60 =	vld [tilespmem:s30+$0x11140];
	v55 =	vmul.f32 v55, v32;
	v51 =	vadd.f32 v51, v52  }
0x15d: {  	v49 =	vadd.f32 v49, v50;
	v52 =	vld [tilespmem:s30+$0x11130];
	v56 =	vmul.f32 v56, v33;
	v50 =	vadd.f32 v54, v53  }
0x15e: {  	v47 =	vmul.f32 v47, v33;
	v53 =	vld [tilespmem:s30+$0x11120];
	v54 =	vmul.f32 v57, v32;
	v48 =	vadd.f32 v55, v48;
	[tilespmem:s30+$0x5530] =	vst v51  }
0x15f: {  	v46 =	vmul.f32 v46, v33;
	v51 =	vld [tilespmem:s30+$0x11110];
	v55 =	vmul.f32 v58, v32;
	[tilespmem:s30+$0x5520] =	vst v50  }
0x160: {  	v45 =	vmul.f32 v45, v33;
	v50 =	vld [tilespmem:s30+$0x11100];
	v57 =	vmul.f32 v59, v32;
	v54 =	vadd.f32 v54, v56;
	[tilespmem:s30+$0x5510] =	vst v49  }
0x161: {  	v44 =	vmul.f32 v44, v33;
	v49 =	vld [tilespmem:s30+$0x10D70];
	v56 =	vmul.f32 v60, v32;
	v47 =	vadd.f32 v55, v47;
	[tilespmem:s30+$0x5500] =	vst v48  }
0x162: {  	v43 =	vmul.f32 v43, v33;
	v48 =	vld [tilespmem:s30+$0x10D60];
	v52 =	vmul.f32 v52, v32;
	v46 =	vadd.f32 v57, v46;
	[tilespmem:s30+$0x5170] =	vst v54  }
0x163: {  	v42 =	vmul.f32 v42, v33;
	v54 =	vld [tilespmem:s30+$0x10D50];
	v53 =	vmul.f32 v53, v32;
	v45 =	vadd.f32 v56, v45;
	[tilespmem:s30+$0x5160] =	vst v47  }
0x164: {  	v41 =	vmul.f32 v41, v33;
	v47 =	vld [tilespmem:s30+$0x10D40];
	v51 =	vmul.f32 v51, v32;
	v44 =	vadd.f32 v52, v44;
	[tilespmem:s30+$0x5150] =	vst v46  }
0x165: {  	v40 =	vmul.f32 v40, v33;
	v46 =	vld [tilespmem:s30+$0x10D30];
	v50 =	vmul.f32 v50, v32;
	v43 =	vadd.f32 v53, v43;
	[tilespmem:s30+$0x5140] =	vst v45  }
0x166: {  	v39 =	vmul.f32 v39, v33;
	v45 =	vld [tilespmem:s30+$0x10D20];
	v49 =	vmul.f32 v49, v32;
	v42 =	vadd.f32 v51, v42;
	[tilespmem:s30+$0x5130] =	vst v44  }
0x167: {  	v38 =	vmul.f32 v38, v33;
	v44 =	vld [tilespmem:s30+$0x10D10];
	v48 =	vmul.f32 v48, v32;
	v41 =	vadd.f32 v50, v41;
	[tilespmem:s30+$0x5120] =	vst v43  }
0x168: {  	v37 =	vmul.f32 v37, v33;
	v43 =	vld [tilespmem:s30+$0x10D00];
	v50 =	vmul.f32 v54, v32;
	v40 =	vadd.f32 v49, v40;
	[tilespmem:s30+$0x5110] =	vst v42  }
0x169: {  	v36 =	vmul.f32 v36, v33;
	v42 =	vld [tilespmem:s30+$0x10970];
	v47 =	vmul.f32 v47, v32;
	v39 =	vadd.f32 v48, v39;
	[tilespmem:s30+$0x5100] =	vst v41  }
0x16a: {  	v35 =	vmul.f32 v35, v33;
	v41 =	vld [tilespmem:s30+$0x10960];
	v46 =	vmul.f32 v46, v32;
	v38 =	vadd.f32 v50, v38;
	[tilespmem:s30+$0x4D70] =	vst v40  }
0x16b: {  	v34 =	vmul.f32 v34, v33;
	v40 =	vld [tilespmem:s30+$0x10950];
	v45 =	vmul.f32 v45, v32;
	v37 =	vadd.f32 v47, v37;
	[tilespmem:s30+$0x4D60] =	vst v39  }
0x16c: {  	v31 =	vmul.f32 v31, v33;
	v39 =	vld [tilespmem:s30+$0x10940];
	v44 =	vmul.f32 v44, v32;
	v36 =	vadd.f32 v46, v36;
	[tilespmem:s30+$0x4D50] =	vst v38  }
0x16d: {  	v30 =	vmul.f32 v30, v33;
	v38 =	vld [tilespmem:s30+$0x10930];
	v43 =	vmul.f32 v43, v32;
	v35 =	vadd.f32 v45, v35;
	[tilespmem:s30+$0x4D40] =	vst v37  }
0x16e: {  	v29 =	vmul.f32 v29, v33;
	v37 =	vld [tilespmem:s30+$0x10920];
	v42 =	vmul.f32 v42, v32;
	v34 =	vadd.f32 v44, v34;
	[tilespmem:s30+$0x4D30] =	vst v36  }
0x16f: {  	v28 =	vmul.f32 v28, v33;
	v36 =	vld [tilespmem:s30+$0x10910];
	v41 =	vmul.f32 v41, v32;
	v31 =	vadd.f32 v43, v31;
	[tilespmem:s30+$0x4D20] =	vst v35  }
0x170: {  	v27 =	vmul.f32 v27, v33;
	v35 =	vld [tilespmem:s30+$0x10900];
	v40 =	vmul.f32 v40, v32;
	v30 =	vadd.f32 v42, v30;
	[tilespmem:s30+$0x4D10] =	vst v34  }
0x171: {  	v26 =	vmul.f32 v26, v33;
	v34 =	vld [tilespmem:s30+$0x10570];
	v39 =	vmul.f32 v39, v32;
	v29 =	vadd.f32 v41, v29;
	[tilespmem:s30+$0x4D00] =	vst v31  }
0x172: {  	v25 =	vmul.f32 v25, v33;
	v31 =	vld [tilespmem:s30+$0x10560];
	v38 =	vmul.f32 v38, v32;
	v28 =	vadd.f32 v40, v28;
	[tilespmem:s30+$0x4970] =	vst v30  }
0x173: {  	v24 =	vmul.f32 v24, v33;
	v30 =	vld [tilespmem:s30+$0x10550];
	v37 =	vmul.f32 v37, v32;
	v27 =	vadd.f32 v39, v27;
	[tilespmem:s30+$0x4960] =	vst v29  }
0x174: {  	v23 =	vmul.f32 v23, v33;
	v29 =	vld [tilespmem:s30+$0x10540];
	v36 =	vmul.f32 v36, v32;
	v26 =	vadd.f32 v38, v26;
	[tilespmem:s30+$0x4950] =	vst v28  }
0x175: {  	v22 =	vmul.f32 v22, v33;
	v28 =	vld [tilespmem:s30+$0x10530];
	v35 =	vmul.f32 v35, v32;
	v25 =	vadd.f32 v37, v25;
	[tilespmem:s30+$0x4940] =	vst v27  }
0x176: {  	v21 =	vmul.f32 v21, v33;
	v27 =	vld [tilespmem:s30+$0x10520];
	v34 =	vmul.f32 v34, v32;
	v24 =	vadd.f32 v36, v24;
	[tilespmem:s30+$0x4930] =	vst v26  }
0x177: {  	v20 =	vmul.f32 v20, v33;
	v26 =	vld [tilespmem:s30+$0x10510];
	v31 =	vmul.f32 v31, v32;
	v23 =	vadd.f32 v35, v23;
	[tilespmem:s30+$0x4920] =	vst v25  }
0x178: {  	v19 =	vmul.f32 v19, v33;
	v25 =	vld [tilespmem:s30+$0x10500];
	v30 =	vmul.f32 v30, v32;
	v22 =	vadd.f32 v34, v22;
	[tilespmem:s30+$0x4910] =	vst v24  }
0x179: {  	v18 =	vmul.f32 v18, v33;
	v24 =	vld [tilespmem:s30+$0x10170];
	v29 =	vmul.f32 v29, v32;
	v21 =	vadd.f32 v31, v21;
	[tilespmem:s30+$0x4900] =	vst v23  }
0x17a: {  	v17 =	vmul.f32 v17, v33;
	v23 =	vld [tilespmem:s30+$0x10160];
	v28 =	vmul.f32 v28, v32;
	v20 =	vadd.f32 v30, v20;
	[tilespmem:s30+$0x4570] =	vst v22  }
0x17b: {  	v16 =	vmul.f32 v16, v33;
	v22 =	vmul.f32 v27, v32;
	v19 =	vadd.f32 v29, v19;
	[tilespmem:s30+$0x4560] =	vst v21;
	v21 =	vld [tilespmem:s30+$0x11540]  }
0x17c: {  	v15 =	vmul.f32 v15, v33;
	v26 =	vmul.f32 v26, v32;
	v18 =	vadd.f32 v28, v18;
	[tilespmem:s30+$0x4550] =	vst v20;
	v20 =	vld [tilespmem:s30+$0x11550]  }
0x17d: {  	v14 =	vmul.f32 v14, v33;
	v25 =	vmul.f32 v25, v32;
	v17 =	vadd.f32 v22, v17;
	[tilespmem:s30+$0x4540] =	vst v19;
	v19 =	vld [tilespmem:s30+$0x11560]  }
0x17e: {  	v13 =	vmul.f32 v13, v33;
	v22 =	vmul.f32 v24, v32;
	v16 =	vadd.f32 v26, v16;
	[tilespmem:s30+$0x4530] =	vst v18;
	v18 =	vld [tilespmem:s30+$0x11570]  }
0x17f: {  	v12 =	vmul.f32 v12, v33;
	v23 =	vmul.f32 v23, v32;
	v15 =	vadd.f32 v25, v15;
	[tilespmem:s30+$0x4520] =	vst v17;
	v17 =	vld [tilespmem:s30+$0x5540]  }
0x180: {  	v10 =	vmul.f32 v10, v33;
	v11 =	vmul.f32 v11, v32;
	v14 =	vadd.f32 v22, v14;
	[tilespmem:s30+$0x4510] =	vst v16;
	v16 =	vld [tilespmem:s30+$0x5550]  }
0x181: {  	v8 =	vmul.f32 v8, v33;
	v9 =	vmul.f32 v9, v32;
	v13 =	vadd.f32 v23, v13;
	[tilespmem:s30+$0x4500] =	vst v15;
	v15 =	vld [tilespmem:s30+$0x5560]  }
0x182: {  	v6 =	vmul.f32 v6, v33;
	v7 =	vmul.f32 v7, v32;
	v11 =	vadd.f32 v11, v12;
	[tilespmem:s30+$0x4170] =	vst v14;
	v12 =	vld [tilespmem:s30+$0x5570]  }
0x183: {  	v3 =	vmul.f32 v3, v33;
	v5 =	vmul.f32 v5, v32;
	v9 =	vadd.f32 v9, v10;
	v14 =	vld [tilespmem:s30+$0x4100];
	[tilespmem:s30+$0x4160] =	vst v13  }
0x184: {  	v4 =	vmul.f32 v4, v32;
	v7 =	vadd.f32 v7, v8;
	v10 =	vld [tilespmem:s30+$0x10100];
	[tilespmem:s30+$0x4150] =	vst v11;
	v8 =	vmul.f32 v17, v33  }
0x185: {  	s1 =	sshrl.u32 s0, $0x3;
	v5 =	vadd.f32 v5, v6;
	v6 =	vmul.f32 v21, v32;
	[tilespmem:s30+$0x4140] =	vst v9;
	v9 =	vmul.f32 v16, v33  }
0x186: {  	s31 =	sadd.s32 $0x80, s31;
	s1 =	smul.u32 $0x1800, s1;
	v3 =	vadd.f32 v4, v3;
	v4 =	vmul.f32 v20, v32;
	[tilespmem:s30+$0x4130] =	vst v7;
	v7 =	vmul.f32 v15, v33  }
0x187: {  	s13 =	sand.u32 $0x380, s31;
	[tilespmem:s30+$0x4120] =	vst v5;
	v5 =	vadd.f32 v6, v8;
	v6 =	vmul.f32 v19, v32;
	v8 =	vmul.f32 v12, v33  }
0x188: {  	s1 =	sor.u32 s13, s1;
	v9 =	vadd.f32 v4, v9;
	v12 =	vmul.f32 v18, v32;
	v11 =	vmul.f32 v14, v33;
	[tilespmem:s30+$0x4110] =	vst v3  }
0x189: {  	v3 =	vld [tilespmem:s1+$0x4110];
	v10 =	vmul.f32 v10, v32;
	[tilespmem:s30+$0x5540] =	vst v5;
	v5 =	vadd.f32 v6, v7  }
0x18a: {  	v7 =	vadd.f32 v12, v8;
	v4 =	vld [tilespmem:s1+$0x10110];
	[tilespmem:s30+$0x5550] =	vst v9  }
0x18b: {  	v6 =	vld [tilespmem:s1+$0x4120];
	v9 =	vadd.f32 v10, v11;
	[tilespmem:s30+$0x5560] =	vst v5  }
0x18c: {  	v5 =	vld [tilespmem:s1+$0x10120];
	[tilespmem:s30+$0x5570] =	vst v7  }
0x18d: {  	v8 =	vld [tilespmem:s1+$0x4130];
	[tilespmem:s30+$0x4100] =	vst v9;
	s30 =	smov.u32 s1  }
0x18e: {  	v7 =	vld [tilespmem:s30+$0x10130]  }
0x18f: {  	v10 =	vld [tilespmem:s30+$0x4140]  }
0x190: {  	v9 =	vld [tilespmem:s30+$0x10140]  }
0x191: {  	v12 =	vld [tilespmem:s30+$0x4150]  }
0x192: {  	v11 =	vld [tilespmem:s30+$0x10150]  }
0x193: {  	v13 =	vld [tilespmem:s30+$0x4160]  }
0x194: {  	v14 =	vld [tilespmem:s30+$0x4170]  }
0x195: {  	v15 =	vld [tilespmem:s30+$0x4500]  }
0x196: {  	v16 =	vld [tilespmem:s30+$0x4510]  }
0x197: {  	v17 =	vld [tilespmem:s30+$0x4520]  }
0x198: {  	v18 =	vld [tilespmem:s30+$0x4530]  }
0x199: {  	v19 =	vld [tilespmem:s30+$0x4540]  }
0x19a: {  	v20 =	vld [tilespmem:s30+$0x4550]  }
0x19b: {  	v21 =	vld [tilespmem:s30+$0x4560]  }
0x19c: {  	v22 =	vld [tilespmem:s30+$0x4570]  }
0x19d: {  	v23 =	vld [tilespmem:s30+$0x4900]  }
0x19e: {  	v24 =	vld [tilespmem:s30+$0x4910]  }
0x19f: {  	v25 =	vld [tilespmem:s30+$0x4920]  }
0x1a0: {  	v26 =	vld [tilespmem:s30+$0x4930]  }
0x1a1: {  	v27 =	vld [tilespmem:s30+$0x4940]  }
0x1a2: {  	v28 =	vld [tilespmem:s30+$0x4950]  }
0x1a3: {  	v29 =	vld [tilespmem:s30+$0x4960]  }
0x1a4: {  	v30 =	vld [tilespmem:s30+$0x4970]  }
0x1a5: {  	v31 =	vld [tilespmem:s30+$0x4D00]  }
0x1a6: {  	v34 =	vld [tilespmem:s30+$0x4D10]  }
0x1a7: {  	v35 =	vld [tilespmem:s30+$0x4D20]  }
0x1a8: {  	v36 =	vld [tilespmem:s30+$0x4D30]  }
0x1a9: {  	v37 =	vld [tilespmem:s30+$0x4D40]  }
0x1aa: {  	v38 =	vld [tilespmem:s30+$0x4D50]  }
0x1ab: {  	v39 =	vld [tilespmem:s30+$0x4D60]  }
0x1ac: {  	v40 =	vld [tilespmem:s30+$0x4D70]  }
0x1ad: {  	v41 =	vld [tilespmem:s30+$0x5100]  }
0x1ae: {  	v42 =	vld [tilespmem:s30+$0x5110]  }
0x1af: {  	v43 =	vld [tilespmem:s30+$0x5120]  }
0x1b0: {  	v44 =	vld [tilespmem:s30+$0x5130]  }
0x1b1: {  	v45 =	vld [tilespmem:s30+$0x5140]  }
0x1b2: {  	v46 =	vld [tilespmem:s30+$0x5150]  }
.Ltmp0:
0x1b3: {  	v47 =	vld [tilespmem:s30+$0x5160];
	(pc) =	sbr.rel @p0 .LBB2_2-.Ltmp0, $4  }
0x1b4: {  	v48 =	vld [tilespmem:s30+$0x5500]  }
0x1b5: {  	v50 =	vld [tilespmem:s30+$0x5510]  }
0x1b6: {  	v49 =	vld [tilespmem:s30+$0x11510]  }
0x1b7: {  	s0 =	sadd.s32 $0x1, s0;
	v51 =	vld [tilespmem:s30+$0x11530]  }
0x1b8: {  	v52 =	vld [tilespmem:s30+$0x5530]  }
0x1b9: {  	v53 =	vld [tilespmem:s30+$0x5520];
	s0 =	sadd.s32 $0x80, s28  }
0x1ba: {  	s1 =	sadd.s32 $0x80, s29;
	v32 =	vld [tilespmem:s0+$0x0]  }
0x1bb: {  	v33 =	vld [tilespmem:s1+$0x0]  }
0x1bc: {  	v54 =	vld [tilespmem:s30+$0x11520]  }
0x1bd: {  	v55 =	vld [tilespmem:s30+$0x11500]  }
0x1be: {  	v56 =	vld [tilespmem:s30+$0x5170]  }
0x1bf: {  	v57 =	vld [tilespmem:s30+$0x11170]  }
0x1c0: {  	v58 =	vld [tilespmem:s30+$0x11160];
	v52 =	vmul.f32 v52, v32;
	v51 =	vmul.f32 v51, v33  }
0x1c1: {  	v53 =	vmul.f32 v53, v32;
	v54 =	vmul.f32 v54, v33  }
0x1c2: {  	v59 =	vld [tilespmem:s30+$0x11150];
	v50 =	vmul.f32 v50, v32;
	v49 =	vmul.f32 v49, v33  }
0x1c3: {  	v61 =	vld [tilespmem:s30+$0x11120];
	v48 =	vmul.f32 v48, v32;
	v62 =	vmul.f32 v55, v33;
	v51 =	vadd.f32 v51, v52  }
0x1c4: {  	v60 =	vld [tilespmem:s30+$0x11140];
	v63 =	vmul.f32 v56, v32;
	v57 =	vmul.f32 v57, v33;
	v53 =	vadd.f32 v54, v53  }
0x1c5: {  	v47 =	vmul.f32 v47, v32;
	v58 =	vmul.f32 v58, v33;
	v52 =	vld [tilespmem:s30+$0x11130];
	v49 =	vadd.f32 v49, v50;
	[tilespmem:s30+$0x5530] =	vst v51  }
0x1c6: {  	v46 =	vmul.f32 v46, v32;
	v45 =	vmul.f32 v45, v32;
	v50 =	vld [tilespmem:s30+$0x11100];
	v48 =	vadd.f32 v62, v48;
	[tilespmem:s30+$0x5520] =	vst v53  }
0x1c7: {  	v44 =	vmul.f32 v44, v32;
	v62 =	vmul.f32 v59, v33;
	v47 =	vadd.f32 v58, v47;
	v58 =	vld [tilespmem:s30+$0x10D30];
	[tilespmem:s30+$0x5510] =	vst v49  }
0x1c8: {  	v43 =	vmul.f32 v43, v32;
	v59 =	vmul.f32 v61, v33;
	v51 =	vld [tilespmem:s30+$0x11110];
	v53 =	vadd.f32 v57, v63;
	[tilespmem:s30+$0x5500] =	vst v48  }
0x1c9: {  	v42 =	vmul.f32 v42, v32;
	v49 =	vld [tilespmem:s30+$0x10D70];
	v63 =	vmul.f32 v60, v33;
	v46 =	vadd.f32 v62, v46;
	[tilespmem:s30+$0x5160] =	vst v47  }
0x1ca: {  	v41 =	vmul.f32 v41, v32;
	v48 =	vld [tilespmem:s30+$0x10D60];
	v43 =	vadd.f32 v59, v43;
	[tilespmem:s30+$0x5170] =	vst v53;
	v52 =	vmul.f32 v52, v33  }
0x1cb: {  	v40 =	vmul.f32 v40, v32;
	v57 =	vld [tilespmem:s30+$0x10D40];
	v45 =	vadd.f32 v63, v45;
	[tilespmem:s30+$0x5150] =	vst v46;
	v50 =	vmul.f32 v50, v33  }
0x1cc: {  	v36 =	vmul.f32 v36, v32;
	v60 =	vld [tilespmem:s30+$0x10D20];
	[tilespmem:s30+$0x5120] =	vst v43;
	v46 =	vmul.f32 v58, v33;
	v44 =	vadd.f32 v52, v44  }
0x1cd: {  	v39 =	vmul.f32 v39, v32;
	v62 =	vld [tilespmem:s30+$0x10D00];
	[tilespmem:s30+$0x5140] =	vst v45;
	v51 =	vmul.f32 v51, v33;
	v41 =	vadd.f32 v50, v41  }
0x1ce: {  	v38 =	vmul.f32 v38, v32;
	v53 =	vld [tilespmem:s30+$0x10D50];
	v49 =	vmul.f32 v49, v33;
	v36 =	vadd.f32 v46, v36;
	[tilespmem:s30+$0x5130] =	vst v44  }
0x1cf: {  	v37 =	vmul.f32 v37, v32;
	v61 =	vld [tilespmem:s30+$0x10D10];
	v48 =	vmul.f32 v48, v33;
	v42 =	vadd.f32 v51, v42;
	[tilespmem:s30+$0x5100] =	vst v41  }
0x1d0: {  	v35 =	vmul.f32 v35, v32;
	v59 =	vld [tilespmem:s30+$0x10910];
	v47 =	vmul.f32 v57, v33;
	v40 =	vadd.f32 v49, v40;
	[tilespmem:s30+$0x4D30] =	vst v36  }
0x1d1: {  	v34 =	vmul.f32 v34, v32;
	v63 =	vld [tilespmem:s30+$0x10970];
	v45 =	vmul.f32 v60, v33;
	v39 =	vadd.f32 v48, v39;
	[tilespmem:s30+$0x5110] =	vst v42  }
0x1d2: {  	v55 =	vld [tilespmem:s30+$0x10950];
	v31 =	vmul.f32 v31, v32;
	v43 =	vmul.f32 v62, v33;
	v37 =	vadd.f32 v47, v37;
	[tilespmem:s30+$0x4D70] =	vst v40  }
0x1d3: {  	v30 =	vmul.f32 v30, v32;
	v52 =	vld [tilespmem:s30+$0x10960];
	v54 =	vmul.f32 v53, v33;
	v35 =	vadd.f32 v45, v35;
	[tilespmem:s30+$0x4D60] =	vst v39  }
0x1d4: {  	v56 =	vld [tilespmem:s30+$0x10940];
	v29 =	vmul.f32 v29, v32;
	v44 =	vmul.f32 v61, v33;
	v31 =	vadd.f32 v43, v31;
	[tilespmem:s30+$0x4D40] =	vst v37  }
0x1d5: {  	v24 =	vmul.f32 v24, v32;
	v58 =	vld [tilespmem:s30+$0x10920];
	v36 =	vmul.f32 v59, v33;
	v38 =	vadd.f32 v54, v38;
	[tilespmem:s30+$0x4D20] =	vst v35  }
0x1d6: {  	v28 =	vmul.f32 v28, v32;
	v60 =	vld [tilespmem:s30+$0x10900];
	v34 =	vadd.f32 v44, v34;
	v42 =	vmul.f32 v63, v33;
	[tilespmem:s30+$0x4D00] =	vst v31  }
0x1d7: {  	v27 =	vmul.f32 v27, v32;
	v57 =	vld [tilespmem:s30+$0x10930];
	v40 =	vmul.f32 v55, v33;
	v24 =	vadd.f32 v36, v24;
	[tilespmem:s30+$0x4D50] =	vst v38  }
0x1d8: {  	v26 =	vmul.f32 v26, v32;
	v61 =	vld [tilespmem:s30+$0x10570];
	v41 =	vmul.f32 v52, v33;
	[tilespmem:s30+$0x4D10] =	vst v34;
	v30 =	vadd.f32 v42, v30  }
0x1d9: {  	v25 =	vmul.f32 v25, v32;
	v39 =	vmul.f32 v56, v33;
	v28 =	vadd.f32 v40, v28;
	[tilespmem:s30+$0x4910] =	vst v24  }
0x1da: {  	v23 =	vmul.f32 v23, v32;
	v31 =	vld [tilespmem:s30+$0x10560];
	v37 =	vmul.f32 v58, v33;
	v29 =	vadd.f32 v41, v29;
	[tilespmem:s30+$0x4970] =	vst v30  }
0x1db: {  	v22 =	vmul.f32 v22, v32;
	v35 =	vmul.f32 v60, v33;
	v27 =	vadd.f32 v39, v27;
	v30 =	vld [tilespmem:s30+$0x10550];
	[tilespmem:s30+$0x4950] =	vst v28  }
0x1dc: {  	v10 =	vmul.f32 v10, v32;
	v38 =	vmul.f32 v57, v33;
	v25 =	vadd.f32 v37, v25;
	[tilespmem:s30+$0x4960] =	vst v29;
	v29 =	vld [tilespmem:s30+$0x10540]  }
0x1dd: {  	v9 =	vmul.f32 v9, v33;
	v34 =	vmul.f32 v61, v33;
	v23 =	vadd.f32 v35, v23;
	v28 =	vld [tilespmem:s30+$0x10530];
	[tilespmem:s30+$0x4940] =	vst v27  }
0x1de: {  	v21 =	vmul.f32 v21, v32;
	v26 =	vadd.f32 v38, v26;
	v27 =	vld [tilespmem:s30+$0x10520];
	[tilespmem:s30+$0x4920] =	vst v25  }
0x1df: {  	v9 =	vadd.f32 v9, v10;
	v10 =	vld [tilespmem:s30+$0x10100];
	v24 =	vmul.f32 v31, v33;
	v22 =	vadd.f32 v34, v22;
	[tilespmem:s30+$0x4900] =	vst v23  }
0x1e0: {  	v20 =	vmul.f32 v20, v32;
	[tilespmem:s30+$0x4930] =	vst v26;
	v26 =	vld [tilespmem:s30+$0x10510];
	v23 =	vmul.f32 v30, v33  }
0x1e1: {  	v19 =	vmul.f32 v19, v32;
	v25 =	vld [tilespmem:s30+$0x10500];
	v21 =	vadd.f32 v24, v21;
	[tilespmem:s30+$0x4570] =	vst v22;
	v22 =	vmul.f32 v29, v33  }
0x1e2: {  	v18 =	vmul.f32 v18, v32;
	v31 =	vld [tilespmem:s30+$0x10170];
	v20 =	vadd.f32 v23, v20;
	v23 =	vmul.f32 v28, v33  }
0x1e3: {  	v17 =	vmul.f32 v17, v32;
	v24 =	vld [tilespmem:s30+$0x10160];
	[tilespmem:s30+$0x4560] =	vst v21;
	v19 =	vadd.f32 v22, v19;
	v22 =	vmul.f32 v27, v33  }
0x1e4: {  	v12 =	vmul.f32 v12, v32;
	v11 =	vmul.f32 v11, v33;
	v21 =	vld [tilespmem:s30+$0x11540];
	[tilespmem:s30+$0x4550] =	vst v20;
	v18 =	vadd.f32 v23, v18  }
0x1e5: {  	v16 =	vmul.f32 v16, v32;
	v20 =	vld [tilespmem:s30+$0x11550];
	v23 =	vmul.f32 v26, v33;
	[tilespmem:s30+$0x4540] =	vst v19;
	v17 =	vadd.f32 v22, v17  }
0x1e6: {  	v15 =	vmul.f32 v15, v32;
	v11 =	vadd.f32 v11, v12;
	v19 =	vld [tilespmem:s30+$0x11560];
	[tilespmem:s30+$0x4530] =	vst v18;
	v18 =	vmul.f32 v25, v33  }
0x1e7: {  	v14 =	vmul.f32 v14, v32;
	v22 =	vld [tilespmem:s30+$0x11570];
	v16 =	vadd.f32 v23, v16;
	[tilespmem:s30+$0x4520] =	vst v17;
	v17 =	vmul.f32 v31, v33  }
0x1e8: {  	[tilespmem:s30+$0x4150] =	vst v11;
	v15 =	vadd.f32 v18, v15;
	v18 =	vld [tilespmem:s30+$0x5540]  }
0x1e9: {  	v8 =	vmul.f32 v8, v32;
	v7 =	vmul.f32 v7, v33;
	[tilespmem:s30+$0x4510] =	vst v16;
	v16 =	vld [tilespmem:s30+$0x5550];
	v14 =	vadd.f32 v17, v14  }
0x1ea: {  	v6 =	vmul.f32 v6, v32;
	v5 =	vmul.f32 v5, v33;
	[tilespmem:s30+$0x4500] =	vst v15;
	v15 =	vld [tilespmem:s30+$0x5560]  }
0x1eb: {  	v3 =	vmul.f32 v3, v32;
	v4 =	vmul.f32 v4, v33;
	v7 =	vadd.f32 v7, v8;
	[tilespmem:s30+$0x4170] =	vst v14;
	v14 =	vld [tilespmem:s30+$0x5570]  }
0x1ec: {  	v13 =	vmul.f32 v13, v32;
	v12 =	vld [tilespmem:s30+$0x4100];
	v5 =	vadd.f32 v5, v6;
	[tilespmem:s30+$0x4140] =	vst v9;
	v23 =	vmul.f32 v24, v33  }
0x1ed: {  	v3 =	vadd.f32 v4, v3;
	[tilespmem:s30+$0x4130] =	vst v7;
	v6 =	vmul.f32 v21, v33;
	v8 =	vmul.f32 v18, v32  }
0x1ee: {  	[tilespmem:s30+$0x4120] =	vst v5;
	v13 =	vadd.f32 v23, v13;
	v4 =	vmul.f32 v20, v33;
	v9 =	vmul.f32 v16, v32  }
0x1ef: {  	[tilespmem:s30+$0x4110] =	vst v3;
	v7 =	vmul.f32 v15, v32;
	v5 =	vadd.f32 v6, v8;
	v6 =	vmul.f32 v19, v33  }
0x1f0: {  	[tilespmem:s30+$0x4160] =	vst v13;
	v3 =	vadd.f32 v4, v9;
	v4 =	vmul.f32 v22, v33;
	v8 =	vmul.f32 v14, v32  }
0x1f1: {  	v10 =	vmul.f32 v10, v33;
	v9 =	vmul.f32 v12, v32;
	[tilespmem:s30+$0x5540] =	vst v5;
	v5 =	vadd.f32 v6, v7  }
0x1f2: {  	[tilespmem:s30+$0x5550] =	vst v3;
	v3 =	vadd.f32 v4, v8  }
0x1f3: {  	v4 =	vadd.f32 v10, v9;
	[tilespmem:s30+$0x5560] =	vst v5  }
0x1f4: {  	[tilespmem:s30+$0x5570] =	vst v3  }
0x1f5: {  	[tilespmem:s30+$0x4100] =	vst v4  }
0x1f6: {  	_ =	swait.ge [sflag:s25], $0x6000  }
0x1f7: {  	[sflag:s25] =	ssyncset.done $0x0  }
0x1f8: {  	s13 =	simm.s32 $0x4;
	[sflag:s25] =	ssyncadd.s32 $0xFFFFA000  }
0x1f9: {  	s1 =	simm.s32 $0x1000;
	s0 =	smul.u32 $0x1800, s13;
	_ =	swait.ge [sflag:s25], $0x6000  }
0x1fa: {  	s1 =	sand.u32 $0x380, s1;
	[sflag:s25] =	ssyncset.done $0x0  }
0x1fb: {  	s0 =	sor.u32 s1, s0;
	[sflag:s25] =	ssyncadd.s32 $0xFFFFA000  }
0x1fc: {  	v4 =	vld [tilespmem:s0+$0x4110]  }
0x1fd: {  	v3 =	vld [tilespmem:s0+$0x10110]  }
0x1fe: {  	v6 =	vld [tilespmem:s0+$0x4120]  }
0x1ff: {  	v5 =	vld [tilespmem:s0+$0x10120]  }
0x200: {  	v10 =	vld [tilespmem:s0+$0x4130]  }
0x201: {  	v7 =	vld [tilespmem:s0+$0x10130]  }
0x202: {  	v12 =	vld [tilespmem:s0+$0x4140]  }
0x203: {  	v11 =	vld [tilespmem:s0+$0x10140]  }
0x204: {  	v13 =	vld [tilespmem:s0+$0x4160]  }
0x205: {  	v14 =	vld [tilespmem:s0+$0x4170]  }
0x206: {  	v15 =	vld [tilespmem:s0+$0x4500]  }
0x207: {  	v16 =	vld [tilespmem:s0+$0x4510]  }
0x208: {  	v17 =	vld [tilespmem:s0+$0x4520]  }
0x209: {  	v18 =	vld [tilespmem:s0+$0x4530]  }
0x20a: {  	v19 =	vld [tilespmem:s0+$0x4540]  }
0x20b: {  	v20 =	vld [tilespmem:s0+$0x4550]  }
0x20c: {  	v21 =	vld [tilespmem:s0+$0x4560]  }
0x20d: {  	v22 =	vld [tilespmem:s0+$0x4570]  }
0x20e: {  	v23 =	vld [tilespmem:s0+$0x4900]  }
0x20f: {  	v24 =	vld [tilespmem:s0+$0x4910]  }
0x210: {  	v25 =	vld [tilespmem:s0+$0x4920]  }
0x211: {  	v26 =	vld [tilespmem:s0+$0x4930]  }
0x212: {  	v27 =	vld [tilespmem:s0+$0x4940]  }
0x213: {  	v28 =	vld [tilespmem:s0+$0x4950]  }
0x214: {  	v29 =	vld [tilespmem:s0+$0x4960]  }
0x215: {  	v30 =	vld [tilespmem:s0+$0x4970]  }
0x216: {  	v31 =	vld [tilespmem:s0+$0x4D00]  }
0x217: {  	v32 =	vld [tilespmem:s0+$0x4D10]  }
0x218: {  	v33 =	vld [tilespmem:s0+$0x4D20]  }
0x219: {  	v34 =	vld [tilespmem:s0+$0x4D30]  }
0x21a: {  	v35 =	vld [tilespmem:s0+$0x4D40]  }
0x21b: {  	v36 =	vld [tilespmem:s0+$0x4D50]  }
0x21c: {  	v37 =	vld [tilespmem:s0+$0x4D60]  }
0x21d: {  	v38 =	vld [tilespmem:s0+$0x4D70]  }
0x21e: {  	v39 =	vld [tilespmem:s0+$0x5100]  }
0x21f: {  	v40 =	vld [tilespmem:s0+$0x5110]  }
0x220: {  	v41 =	vld [tilespmem:s0+$0x5120]  }
0x221: {  	v42 =	vld [tilespmem:s0+$0x5130]  }
0x222: {  	v43 =	vld [tilespmem:s0+$0x5140]  }
0x223: {  	v44 =	vld [tilespmem:s0+$0x5150]  }
0x224: {  	v45 =	vld [tilespmem:s0+$0x5160]  }
0x225: {  	v46 =	vld [tilespmem:s0+$0x5500]  }
0x226: {  	v47 =	vld [tilespmem:s0+$0x5510]  }
0x227: {  	v48 =	vld [tilespmem:s0+$0x11510]  }
0x228: {  	v49 =	vld [tilespmem:s0+$0x11530]  }
0x229: {  	v50 =	vld [tilespmem:s0+$0x5530]  }
0x22a: {  	s29 =	simm.s32 $0x1100;
	v51 =	vld [tilespmem:s0+$0x5520]  }
0x22b: {  	s30 =	simm.s32 $0x3100;
	v8 =	vld [tilespmem:s29+$0x0]  }
0x22c: {  	v9 =	vld [tilespmem:s30+$0x0]  }
0x22d: {  	v52 =	vld [tilespmem:s0+$0x11520]  }
0x22e: {  	v62 =	vld [tilespmem:s0+$0x11500]  }
0x22f: {  	v63 =	vld [tilespmem:s0+$0x5170]  }
0x230: {  	v60 =	vld [tilespmem:s0+$0x11170];
	v50 =	vmul.f32 v50, v8  }
0x231: {  	v61 =	vld [tilespmem:s0+$0x11160];
	v49 =	vmul.f32 v49, v9;
	v51 =	vmul.f32 v51, v8  }
0x232: {  	v57 =	vld [tilespmem:s0+$0x11150];
	v52 =	vmul.f32 v52, v9;
	v47 =	vmul.f32 v47, v8  }
0x233: {  	v58 =	vld [tilespmem:s0+$0x11140];
	v48 =	vmul.f32 v48, v9;
	v46 =	vmul.f32 v46, v8;
	v49 =	vadd.f32 v49, v50  }
0x234: {  	v53 =	vld [tilespmem:s0+$0x11130];
	v62 =	vmul.f32 v62, v9;
	v63 =	vmul.f32 v63, v8;
	v51 =	vadd.f32 v52, v51  }
0x235: {  	v56 =	vld [tilespmem:s0+$0x10D60];
	v59 =	vmul.f32 v60, v9;
	v45 =	vmul.f32 v45, v8;
	v47 =	vadd.f32 v48, v47;
	[tilespmem:s0+$0x5530] =	vst v49  }
0x236: {  	v55 =	vld [tilespmem:s0+$0x10970];
	v60 =	vmul.f32 v61, v9;
	v44 =	vmul.f32 v44, v8;
	v46 =	vadd.f32 v62, v46;
	[tilespmem:s0+$0x5520] =	vst v51  }
0x237: {  	v61 =	vld [tilespmem:s0+$0x11100];
	v12 =	vmul.f32 v12, v8;
	v11 =	vmul.f32 v11, v9;
	v52 =	vadd.f32 v59, v63;
	[tilespmem:s0+$0x5510] =	vst v47  }
0x238: {  	v10 =	vmul.f32 v10, v8;
	v7 =	vmul.f32 v7, v9;
	v48 =	vld [tilespmem:s0+$0x11120];
	v45 =	vadd.f32 v60, v45;
	[tilespmem:s0+$0x5500] =	vst v46  }
0x239: {  	v62 =	vmul.f32 v57, v9;
	v63 =	vmul.f32 v58, v9;
	v58 =	vld [tilespmem:s0+$0x10D50];
	v11 =	vadd.f32 v11, v12;
	[tilespmem:s0+$0x5170] =	vst v52  }
0x23a: {  	v43 =	vmul.f32 v43, v8;
	v59 =	vld [tilespmem:s0+$0x10D40];
	v7 =	vadd.f32 v7, v10;
	[tilespmem:s0+$0x5160] =	vst v45  }
0x23b: {  	v42 =	vmul.f32 v42, v8;
	v57 =	vmul.f32 v53, v9;
	v60 =	vld [tilespmem:s0+$0x10D30];
	v44 =	vadd.f32 v62, v44;
	[tilespmem:s0+$0x4140] =	vst v11  }
0x23c: {  	v37 =	vmul.f32 v37, v8;
	v53 =	vld [tilespmem:s0+$0x10D00];
	v43 =	vadd.f32 v63, v43;
	v46 =	vmul.f32 v56, v9;
	[tilespmem:s0+$0x4130] =	vst v7  }
0x23d: {  	v39 =	vmul.f32 v39, v8;
	v49 =	vld [tilespmem:s0+$0x11110];
	v42 =	vadd.f32 v57, v42;
	v61 =	vmul.f32 v61, v9;
	[tilespmem:s0+$0x5150] =	vst v44  }
0x23e: {  	v41 =	vmul.f32 v41, v8;
	v47 =	vld [tilespmem:s0+$0x10D70];
	[tilespmem:s0+$0x5140] =	vst v43;
	v37 =	vadd.f32 v46, v37;
	v48 =	vmul.f32 v48, v9  }
0x23f: {  	v36 =	vmul.f32 v36, v8;
	v62 =	vld [tilespmem:s0+$0x10D20];
	[tilespmem:s0+$0x5130] =	vst v42;
	v39 =	vadd.f32 v61, v39;
	v54 =	vmul.f32 v58, v9  }
0x240: {  	v35 =	vmul.f32 v35, v8;
	v63 =	vld [tilespmem:s0+$0x10D10];
	v45 =	vmul.f32 v59, v9;
	[tilespmem:s0+$0x4D60] =	vst v37;
	v41 =	vadd.f32 v48, v41  }
0x241: {  	v34 =	vmul.f32 v34, v8;
	v56 =	vld [tilespmem:s0+$0x10960];
	v44 =	vmul.f32 v60, v9;
	[tilespmem:s0+$0x5100] =	vst v39;
	v36 =	vadd.f32 v54, v36  }
0x242: {  	v40 =	vmul.f32 v40, v8;
	v12 =	vld [tilespmem:s0+$0x5560];
	v49 =	vmul.f32 v49, v9;
	v35 =	vadd.f32 v45, v35;
	[tilespmem:s0+$0x5120] =	vst v41  }
0x243: {  	v38 =	vmul.f32 v38, v8;
	v58 =	vld [tilespmem:s0+$0x10940];
	v47 =	vmul.f32 v47, v9;
	v34 =	vadd.f32 v44, v34;
	[tilespmem:s0+$0x4D50] =	vst v36  }
0x244: {  	v33 =	vmul.f32 v33, v8;
	v59 =	vld [tilespmem:s0+$0x10930];
	v43 =	vmul.f32 v62, v9;
	v40 =	vadd.f32 v49, v40;
	[tilespmem:s0+$0x4D40] =	vst v35  }
0x245: {  	v32 =	vmul.f32 v32, v8;
	v57 =	vld [tilespmem:s0+$0x10950];
	v42 =	vmul.f32 v63, v9;
	v38 =	vadd.f32 v47, v38;
	[tilespmem:s0+$0x4D30] =	vst v34  }
0x246: {  	v29 =	vmul.f32 v29, v8;
	v60 =	vld [tilespmem:s0+$0x10920];
	v39 =	vmul.f32 v56, v9;
	v33 =	vadd.f32 v43, v33;
	[tilespmem:s0+$0x5110] =	vst v40  }
0x247: {  	v31 =	vmul.f32 v31, v8;
	v61 =	vld [tilespmem:s0+$0x10910];
	v41 =	vmul.f32 v53, v9;
	v32 =	vadd.f32 v42, v32;
	[tilespmem:s0+$0x4D70] =	vst v38  }
0x248: {  	v27 =	vmul.f32 v27, v8;
	v62 =	vld [tilespmem:s0+$0x10900];
	v29 =	vadd.f32 v39, v29;
	v37 =	vmul.f32 v58, v9;
	[tilespmem:s0+$0x4D20] =	vst v33  }
0x249: {  	v26 =	vmul.f32 v26, v8;
	v63 =	vld [tilespmem:s0+$0x10570];
	v36 =	vmul.f32 v59, v9;
	v31 =	vadd.f32 v41, v31;
	[tilespmem:s0+$0x4D10] =	vst v32  }
0x24a: {  	v30 =	vmul.f32 v30, v8;
	v40 =	vmul.f32 v55, v9;
	[tilespmem:s0+$0x4960] =	vst v29;
	v29 =	vld [tilespmem:s0+$0x10540];
	v27 =	vadd.f32 v37, v27  }
0x24b: {  	v25 =	vmul.f32 v25, v8;
	v35 =	vmul.f32 v60, v9;
	v26 =	vadd.f32 v36, v26;
	[tilespmem:s0+$0x4D00] =	vst v31;
	v31 =	vld [tilespmem:s0+$0x10560]  }
0x24c: {  	v28 =	vmul.f32 v28, v8;
	v38 =	vmul.f32 v57, v9;
	v30 =	vadd.f32 v40, v30;
	[tilespmem:s0+$0x4940] =	vst v27;
	v27 =	vld [tilespmem:s0+$0x10520]  }
0x24d: {  	v23 =	vmul.f32 v23, v8;
	v33 =	vmul.f32 v62, v9;
	v25 =	vadd.f32 v35, v25;
	[tilespmem:s0+$0x4930] =	vst v26;
	v26 =	vld [tilespmem:s0+$0x10510]  }
0x24e: {  	v24 =	vmul.f32 v24, v8;
	v34 =	vmul.f32 v61, v9;
	v28 =	vadd.f32 v38, v28;
	[tilespmem:s0+$0x4970] =	vst v30;
	v30 =	vld [tilespmem:s0+$0x10550]  }
0x24f: {  	v22 =	vmul.f32 v22, v8;
	v32 =	vmul.f32 v63, v9;
	v23 =	vadd.f32 v33, v23;
	[tilespmem:s0+$0x4920] =	vst v25;
	v25 =	vld [tilespmem:s0+$0x10500]  }
0x250: {  	v19 =	vmul.f32 v19, v8;
	v24 =	vadd.f32 v34, v24;
	[tilespmem:s0+$0x4950] =	vst v28;
	v28 =	vld [tilespmem:s0+$0x10530];
	v29 =	vmul.f32 v29, v9  }
0x251: {  	v21 =	vmul.f32 v21, v8;
	v22 =	vadd.f32 v32, v22;
	[tilespmem:s0+$0x4900] =	vst v23;
	v23 =	vld [tilespmem:s0+$0x10160];
	v31 =	vmul.f32 v31, v9  }
0x252: {  	v17 =	vmul.f32 v17, v8;
	[tilespmem:s0+$0x4910] =	vst v24;
	v24 =	vld [tilespmem:s0+$0x10170];
	v19 =	vadd.f32 v29, v19;
	v27 =	vmul.f32 v27, v9  }
0x253: {  	v20 =	vmul.f32 v20, v8;
	[tilespmem:s0+$0x4570] =	vst v22;
	v22 =	vld [tilespmem:s0+$0x4150];
	v30 =	vmul.f32 v30, v9;
	v21 =	vadd.f32 v31, v21  }
0x254: {  	v15 =	vmul.f32 v15, v8;
	v25 =	vmul.f32 v25, v9;
	[tilespmem:s0+$0x4540] =	vst v19;
	v19 =	vld [tilespmem:s0+$0x11550];
	v17 =	vadd.f32 v27, v17  }
0x255: {  	v18 =	vmul.f32 v18, v8;
	v28 =	vmul.f32 v28, v9;
	v20 =	vadd.f32 v30, v20;
	[tilespmem:s0+$0x4560] =	vst v21;
	v21 =	vld [tilespmem:s0+$0x10150]  }
0x256: {  	v13 =	vmul.f32 v13, v8;
	v23 =	vmul.f32 v23, v9;
	v15 =	vadd.f32 v25, v15;
	[tilespmem:s0+$0x4520] =	vst v17;
	v17 =	vld [tilespmem:s0+$0x5540]  }
0x257: {  	v6 =	vmul.f32 v6, v8;
	v5 =	vmul.f32 v5, v9;
	v18 =	vadd.f32 v28, v18;
	[tilespmem:s0+$0x4550] =	vst v20;
	v20 =	vld [tilespmem:s0+$0x11540]  }
0x258: {  	v14 =	vmul.f32 v14, v8;
	v24 =	vmul.f32 v24, v9;
	v13 =	vadd.f32 v23, v13;
	[tilespmem:s0+$0x4500] =	vst v15;
	v15 =	vld [tilespmem:s0+$0x5550]  }
0x259: {  	v4 =	vmul.f32 v4, v8;
	v3 =	vmul.f32 v3, v9;
	v5 =	vadd.f32 v5, v6;
	[tilespmem:s0+$0x4530] =	vst v18;
	v18 =	vld [tilespmem:s0+$0x11560]  }
0x25a: {  	v6 =	vld [tilespmem:s0+$0x4100];
	v14 =	vadd.f32 v24, v14;
	v10 =	vmul.f32 v22, v8;
	[tilespmem:s0+$0x4160] =	vst v13;
	v13 =	vmul.f32 v21, v9  }
0x25b: {  	s1 =	simm.s32 $0x4;
	v16 =	vmul.f32 v16, v8;
	v3 =	vadd.f32 v3, v4;
	v7 =	vld [tilespmem:s0+$0x10100];
	[tilespmem:s0+$0x4120] =	vst v5;
	v26 =	vmul.f32 v26, v9  }
0x25c: {  	s13 =	simm.s32 $0x1080;
	s1 =	smul.u32 $0x1800, s1;
	[tilespmem:s0+$0x4170] =	vst v14;
	v14 =	vld [tilespmem:s0+$0x5570];
	v11 =	vmul.f32 v17, v8;
	v17 =	vmul.f32 v20, v9;
	v4 =	vadd.f32 v13, v10  }
0x25d: {  	s13 =	sand.u32 $0x380, s13;
	[tilespmem:s0+$0x4110] =	vst v3;
	v16 =	vadd.f32 v26, v16;
	v5 =	vmul.f32 v15, v8;
	v10 =	vmul.f32 v19, v9  }
0x25e: {  	s28 =	sor.u32 s13, s1;
	v11 =	vadd.f32 v17, v11;
	[tilespmem:s0+$0x4150] =	vst v4;
	v4 =	vmul.f32 v12, v8;
	v12 =	vmul.f32 v18, v9  }
0x25f: {  	v3 =	vld [tilespmem:s28+$0x4110];
	[tilespmem:s0+$0x4510] =	vst v16;
	v5 =	vadd.f32 v10, v5  }
0x260: {  	v7 =	vmul.f32 v7, v9;
	v16 =	vld [tilespmem:s0+$0x11570];
	[tilespmem:s0+$0x5540] =	vst v11;
	v12 =	vadd.f32 v12, v4  }
0x261: {  	v10 =	vmul.f32 v14, v8;
	v8 =	vmul.f32 v6, v8;
	v4 =	vld [tilespmem:s28+$0x10110];
	[tilespmem:s0+$0x5550] =	vst v5  }
0x262: {  	v6 =	vld [tilespmem:s28+$0x4120];
	[tilespmem:s0+$0x5560] =	vst v12  }
0x263: {  	v7 =	vadd.f32 v7, v8;
	v5 =	vld [tilespmem:s28+$0x10120]  }
0x264: {  	v8 =	vld [tilespmem:s28+$0x4130]  }
0x265: {  	[tilespmem:s0+$0x4100] =	vst v7;
	v18 =	vld [tilespmem:s28+$0x4530]  }
0x266: {  	v11 =	vmul.f32 v16, v9;
	v26 =	vld [tilespmem:s28+$0x4930]  }
0x267: {  	v36 =	vld [tilespmem:s28+$0x4D30]  }
0x268: {  	v9 =	vadd.f32 v11, v10;
	v44 =	vld [tilespmem:s28+$0x5130]  }
0x269: {  	v48 =	vld [tilespmem:s28+$0x5500]  }
0x26a: {  	[tilespmem:s0+$0x5570] =	vst v9;
	v50 =	vld [tilespmem:s28+$0x5510]  }
0x26b: {  	v7 =	vld [tilespmem:s28+$0x10130]  }
0x26c: {  	v10 =	vld [tilespmem:s28+$0x4140]  }
0x26d: {  	v9 =	vld [tilespmem:s28+$0x10140]  }
0x26e: {  	v12 =	vld [tilespmem:s28+$0x4150]  }
0x26f: {  	v11 =	vld [tilespmem:s28+$0x10150]  }
0x270: {  	v13 =	vld [tilespmem:s28+$0x4160]  }
0x271: {  	v14 =	vld [tilespmem:s28+$0x4170]  }
0x272: {  	v15 =	vld [tilespmem:s28+$0x4500]  }
0x273: {  	v16 =	vld [tilespmem:s28+$0x4510]  }
0x274: {  	v17 =	vld [tilespmem:s28+$0x4520]  }
0x275: {  	v19 =	vld [tilespmem:s28+$0x4540]  }
0x276: {  	v20 =	vld [tilespmem:s28+$0x4550]  }
0x277: {  	v21 =	vld [tilespmem:s28+$0x4560]  }
0x278: {  	v22 =	vld [tilespmem:s28+$0x4570]  }
0x279: {  	v23 =	vld [tilespmem:s28+$0x4900]  }
0x27a: {  	v24 =	vld [tilespmem:s28+$0x4910]  }
0x27b: {  	v25 =	vld [tilespmem:s28+$0x4920]  }
0x27c: {  	v27 =	vld [tilespmem:s28+$0x4940]  }
0x27d: {  	v28 =	vld [tilespmem:s28+$0x4950]  }
0x27e: {  	v29 =	vld [tilespmem:s28+$0x4960]  }
0x27f: {  	v30 =	vld [tilespmem:s28+$0x4970]  }
0x280: {  	v31 =	vld [tilespmem:s28+$0x4D00]  }
0x281: {  	v34 =	vld [tilespmem:s28+$0x4D10]  }
0x282: {  	v35 =	vld [tilespmem:s28+$0x4D20]  }
0x283: {  	v37 =	vld [tilespmem:s28+$0x4D40]  }
0x284: {  	v38 =	vld [tilespmem:s28+$0x4D50]  }
0x285: {  	v39 =	vld [tilespmem:s28+$0x4D60]  }
0x286: {  	v40 =	vld [tilespmem:s28+$0x4D70]  }
0x287: {  	v41 =	vld [tilespmem:s28+$0x5100]  }
0x288: {  	v42 =	vld [tilespmem:s28+$0x5110]  }
0x289: {  	v43 =	vld [tilespmem:s28+$0x5120]  }
0x28a: {  	v45 =	vld [tilespmem:s28+$0x5140]  }
0x28b: {  	v46 =	vld [tilespmem:s28+$0x5150]  }
0x28c: {  	v47 =	vld [tilespmem:s28+$0x5160]  }
0x28d: {  	v49 =	vld [tilespmem:s28+$0x11510]  }
0x28e: {  	s31 =	simm.s32 $0x21;
	s0 =	simm.s32 $0x1100;
	v51 =	vld [tilespmem:s28+$0x11530]  }
.LBB2_4:
0x28f: {  	p0 =	sne.s32 s0, $0x1F80;
	v52 =	vld [tilespmem:s28+$0x5530]  }
0x290: {  	s29 =	sadd.s32 $0x80, s29;
	v53 =	vld [tilespmem:s28+$0x5520]  }
0x291: {  	s30 =	sadd.s32 $0x80, s30;
	v33 =	vld [tilespmem:s29+$0x0]  }
0x292: {  	v32 =	vld [tilespmem:s30+$0x0]  }
0x293: {  	v54 =	vld [tilespmem:s28+$0x11520]  }
0x294: {  	v55 =	vld [tilespmem:s28+$0x11500]  }
0x295: {  	v56 =	vld [tilespmem:s28+$0x5170]  }
0x296: {  	v57 =	vld [tilespmem:s28+$0x11170];
	v50 =	vmul.f32 v50, v33;
	v53 =	vmul.f32 v53, v33  }
0x297: {  	v52 =	vmul.f32 v52, v33;
	v58 =	vld [tilespmem:s28+$0x11160];
	v51 =	vmul.f32 v51, v32  }
0x298: {  	v49 =	vmul.f32 v49, v32;
	v59 =	vld [tilespmem:s28+$0x11150];
	v54 =	vmul.f32 v54, v32  }
0x299: {  	v48 =	vmul.f32 v48, v33;
	v60 =	vld [tilespmem:s28+$0x11140];
	v55 =	vmul.f32 v55, v32;
	v51 =	vadd.f32 v51, v52  }
0x29a: {  	v49 =	vadd.f32 v49, v50;
	v52 =	vld [tilespmem:s28+$0x11130];
	v56 =	vmul.f32 v56, v33;
	v50 =	vadd.f32 v54, v53  }
0x29b: {  	v47 =	vmul.f32 v47, v33;
	v53 =	vld [tilespmem:s28+$0x11120];
	v54 =	vmul.f32 v57, v32;
	v48 =	vadd.f32 v55, v48;
	[tilespmem:s28+$0x5530] =	vst v51  }
0x29c: {  	v46 =	vmul.f32 v46, v33;
	v51 =	vld [tilespmem:s28+$0x11110];
	v55 =	vmul.f32 v58, v32;
	[tilespmem:s28+$0x5520] =	vst v50  }
0x29d: {  	v45 =	vmul.f32 v45, v33;
	v50 =	vld [tilespmem:s28+$0x11100];
	v57 =	vmul.f32 v59, v32;
	v54 =	vadd.f32 v54, v56;
	[tilespmem:s28+$0x5510] =	vst v49  }
0x29e: {  	v44 =	vmul.f32 v44, v33;
	v49 =	vld [tilespmem:s28+$0x10D70];
	v56 =	vmul.f32 v60, v32;
	v47 =	vadd.f32 v55, v47;
	[tilespmem:s28+$0x5500] =	vst v48  }
0x29f: {  	v43 =	vmul.f32 v43, v33;
	v48 =	vld [tilespmem:s28+$0x10D60];
	v52 =	vmul.f32 v52, v32;
	v46 =	vadd.f32 v57, v46;
	[tilespmem:s28+$0x5170] =	vst v54  }
0x2a0: {  	v42 =	vmul.f32 v42, v33;
	v54 =	vld [tilespmem:s28+$0x10D50];
	v53 =	vmul.f32 v53, v32;
	v45 =	vadd.f32 v56, v45;
	[tilespmem:s28+$0x5160] =	vst v47  }
0x2a1: {  	v41 =	vmul.f32 v41, v33;
	v47 =	vld [tilespmem:s28+$0x10D40];
	v51 =	vmul.f32 v51, v32;
	v44 =	vadd.f32 v52, v44;
	[tilespmem:s28+$0x5150] =	vst v46  }
0x2a2: {  	v40 =	vmul.f32 v40, v33;
	v46 =	vld [tilespmem:s28+$0x10D30];
	v50 =	vmul.f32 v50, v32;
	v43 =	vadd.f32 v53, v43;
	[tilespmem:s28+$0x5140] =	vst v45  }
0x2a3: {  	v39 =	vmul.f32 v39, v33;
	v45 =	vld [tilespmem:s28+$0x10D20];
	v49 =	vmul.f32 v49, v32;
	v42 =	vadd.f32 v51, v42;
	[tilespmem:s28+$0x5130] =	vst v44  }
0x2a4: {  	v38 =	vmul.f32 v38, v33;
	v44 =	vld [tilespmem:s28+$0x10D10];
	v48 =	vmul.f32 v48, v32;
	v41 =	vadd.f32 v50, v41;
	[tilespmem:s28+$0x5120] =	vst v43  }
0x2a5: {  	v37 =	vmul.f32 v37, v33;
	v43 =	vld [tilespmem:s28+$0x10D00];
	v50 =	vmul.f32 v54, v32;
	v40 =	vadd.f32 v49, v40;
	[tilespmem:s28+$0x5110] =	vst v42  }
0x2a6: {  	v36 =	vmul.f32 v36, v33;
	v42 =	vld [tilespmem:s28+$0x10970];
	v47 =	vmul.f32 v47, v32;
	v39 =	vadd.f32 v48, v39;
	[tilespmem:s28+$0x5100] =	vst v41  }
0x2a7: {  	v35 =	vmul.f32 v35, v33;
	v41 =	vld [tilespmem:s28+$0x10960];
	v46 =	vmul.f32 v46, v32;
	v38 =	vadd.f32 v50, v38;
	[tilespmem:s28+$0x4D70] =	vst v40  }
0x2a8: {  	v34 =	vmul.f32 v34, v33;
	v40 =	vld [tilespmem:s28+$0x10950];
	v45 =	vmul.f32 v45, v32;
	v37 =	vadd.f32 v47, v37;
	[tilespmem:s28+$0x4D60] =	vst v39  }
0x2a9: {  	v31 =	vmul.f32 v31, v33;
	v39 =	vld [tilespmem:s28+$0x10940];
	v44 =	vmul.f32 v44, v32;
	v36 =	vadd.f32 v46, v36;
	[tilespmem:s28+$0x4D50] =	vst v38  }
0x2aa: {  	v30 =	vmul.f32 v30, v33;
	v38 =	vld [tilespmem:s28+$0x10930];
	v43 =	vmul.f32 v43, v32;
	v35 =	vadd.f32 v45, v35;
	[tilespmem:s28+$0x4D40] =	vst v37  }
0x2ab: {  	v29 =	vmul.f32 v29, v33;
	v37 =	vld [tilespmem:s28+$0x10920];
	v42 =	vmul.f32 v42, v32;
	v34 =	vadd.f32 v44, v34;
	[tilespmem:s28+$0x4D30] =	vst v36  }
0x2ac: {  	v28 =	vmul.f32 v28, v33;
	v36 =	vld [tilespmem:s28+$0x10910];
	v41 =	vmul.f32 v41, v32;
	v31 =	vadd.f32 v43, v31;
	[tilespmem:s28+$0x4D20] =	vst v35  }
0x2ad: {  	v27 =	vmul.f32 v27, v33;
	v35 =	vld [tilespmem:s28+$0x10900];
	v40 =	vmul.f32 v40, v32;
	v30 =	vadd.f32 v42, v30;
	[tilespmem:s28+$0x4D10] =	vst v34  }
0x2ae: {  	v26 =	vmul.f32 v26, v33;
	v34 =	vld [tilespmem:s28+$0x10570];
	v39 =	vmul.f32 v39, v32;
	v29 =	vadd.f32 v41, v29;
	[tilespmem:s28+$0x4D00] =	vst v31  }
0x2af: {  	v25 =	vmul.f32 v25, v33;
	v31 =	vld [tilespmem:s28+$0x10560];
	v38 =	vmul.f32 v38, v32;
	v28 =	vadd.f32 v40, v28;
	[tilespmem:s28+$0x4970] =	vst v30  }
0x2b0: {  	v24 =	vmul.f32 v24, v33;
	v30 =	vld [tilespmem:s28+$0x10550];
	v37 =	vmul.f32 v37, v32;
	v27 =	vadd.f32 v39, v27;
	[tilespmem:s28+$0x4960] =	vst v29  }
0x2b1: {  	v23 =	vmul.f32 v23, v33;
	v29 =	vld [tilespmem:s28+$0x10540];
	v36 =	vmul.f32 v36, v32;
	v26 =	vadd.f32 v38, v26;
	[tilespmem:s28+$0x4950] =	vst v28  }
0x2b2: {  	v22 =	vmul.f32 v22, v33;
	v28 =	vld [tilespmem:s28+$0x10530];
	v35 =	vmul.f32 v35, v32;
	v25 =	vadd.f32 v37, v25;
	[tilespmem:s28+$0x4940] =	vst v27  }
0x2b3: {  	v21 =	vmul.f32 v21, v33;
	v27 =	vld [tilespmem:s28+$0x10520];
	v34 =	vmul.f32 v34, v32;
	v24 =	vadd.f32 v36, v24;
	[tilespmem:s28+$0x4930] =	vst v26  }
0x2b4: {  	v20 =	vmul.f32 v20, v33;
	v26 =	vld [tilespmem:s28+$0x10510];
	v31 =	vmul.f32 v31, v32;
	v23 =	vadd.f32 v35, v23;
	[tilespmem:s28+$0x4920] =	vst v25  }
0x2b5: {  	v19 =	vmul.f32 v19, v33;
	v25 =	vld [tilespmem:s28+$0x10500];
	v30 =	vmul.f32 v30, v32;
	v22 =	vadd.f32 v34, v22;
	[tilespmem:s28+$0x4910] =	vst v24  }
0x2b6: {  	v18 =	vmul.f32 v18, v33;
	v24 =	vld [tilespmem:s28+$0x10170];
	v29 =	vmul.f32 v29, v32;
	v21 =	vadd.f32 v31, v21;
	[tilespmem:s28+$0x4900] =	vst v23  }
0x2b7: {  	v17 =	vmul.f32 v17, v33;
	v23 =	vld [tilespmem:s28+$0x10160];
	v28 =	vmul.f32 v28, v32;
	v20 =	vadd.f32 v30, v20;
	[tilespmem:s28+$0x4570] =	vst v22  }
0x2b8: {  	v16 =	vmul.f32 v16, v33;
	v22 =	vmul.f32 v27, v32;
	v19 =	vadd.f32 v29, v19;
	[tilespmem:s28+$0x4560] =	vst v21;
	v21 =	vld [tilespmem:s28+$0x11540]  }
0x2b9: {  	v15 =	vmul.f32 v15, v33;
	v26 =	vmul.f32 v26, v32;
	v18 =	vadd.f32 v28, v18;
	[tilespmem:s28+$0x4550] =	vst v20;
	v20 =	vld [tilespmem:s28+$0x11550]  }
0x2ba: {  	v14 =	vmul.f32 v14, v33;
	v25 =	vmul.f32 v25, v32;
	v17 =	vadd.f32 v22, v17;
	[tilespmem:s28+$0x4540] =	vst v19;
	v19 =	vld [tilespmem:s28+$0x11560]  }
0x2bb: {  	v13 =	vmul.f32 v13, v33;
	v22 =	vmul.f32 v24, v32;
	v16 =	vadd.f32 v26, v16;
	[tilespmem:s28+$0x4530] =	vst v18;
	v18 =	vld [tilespmem:s28+$0x11570]  }
0x2bc: {  	v12 =	vmul.f32 v12, v33;
	v23 =	vmul.f32 v23, v32;
	v15 =	vadd.f32 v25, v15;
	[tilespmem:s28+$0x4520] =	vst v17;
	v17 =	vld [tilespmem:s28+$0x5540]  }
0x2bd: {  	v10 =	vmul.f32 v10, v33;
	v11 =	vmul.f32 v11, v32;
	v14 =	vadd.f32 v22, v14;
	[tilespmem:s28+$0x4510] =	vst v16;
	v16 =	vld [tilespmem:s28+$0x5550]  }
0x2be: {  	v8 =	vmul.f32 v8, v33;
	v9 =	vmul.f32 v9, v32;
	v13 =	vadd.f32 v23, v13;
	[tilespmem:s28+$0x4500] =	vst v15;
	v15 =	vld [tilespmem:s28+$0x5560]  }
0x2bf: {  	v6 =	vmul.f32 v6, v33;
	v7 =	vmul.f32 v7, v32;
	v11 =	vadd.f32 v11, v12;
	[tilespmem:s28+$0x4170] =	vst v14;
	v12 =	vld [tilespmem:s28+$0x5570]  }
0x2c0: {  	v3 =	vmul.f32 v3, v33;
	v5 =	vmul.f32 v5, v32;
	v9 =	vadd.f32 v9, v10;
	v14 =	vld [tilespmem:s28+$0x4100];
	[tilespmem:s28+$0x4160] =	vst v13  }
0x2c1: {  	s31 =	sadd.s32 $0x1, s31;
	v4 =	vmul.f32 v4, v32;
	v7 =	vadd.f32 v7, v8;
	v10 =	vld [tilespmem:s28+$0x10100];
	[tilespmem:s28+$0x4150] =	vst v11;
	v8 =	vmul.f32 v17, v33  }
0x2c2: {  	s1 =	sshrl.u32 s31, $0x3;
	v5 =	vadd.f32 v5, v6;
	v6 =	vmul.f32 v21, v32;
	[tilespmem:s28+$0x4140] =	vst v9;
	v9 =	vmul.f32 v16, v33  }
0x2c3: {  	s1 =	smul.u32 $0x1800, s1;
	v3 =	vadd.f32 v4, v3;
	v4 =	vmul.f32 v20, v32;
	[tilespmem:s28+$0x4130] =	vst v7;
	v7 =	vmul.f32 v15, v33  }
0x2c4: {  	s13 =	sand.u32 $0x380, s0;
	[tilespmem:s28+$0x4120] =	vst v5;
	v5 =	vadd.f32 v6, v8;
	v6 =	vmul.f32 v19, v32;
	v8 =	vmul.f32 v12, v33  }
0x2c5: {  	s1 =	sor.u32 s13, s1;
	v9 =	vadd.f32 v4, v9;
	v12 =	vmul.f32 v18, v32;
	v11 =	vmul.f32 v14, v33;
	[tilespmem:s28+$0x4110] =	vst v3  }
0x2c6: {  	v3 =	vld [tilespmem:s1+$0x4110];
	v10 =	vmul.f32 v10, v32;
	[tilespmem:s28+$0x5540] =	vst v5;
	v5 =	vadd.f32 v6, v7  }
0x2c7: {  	v7 =	vadd.f32 v12, v8;
	v4 =	vld [tilespmem:s1+$0x10110];
	[tilespmem:s28+$0x5550] =	vst v9  }
0x2c8: {  	v6 =	vld [tilespmem:s1+$0x4120];
	v9 =	vadd.f32 v10, v11;
	[tilespmem:s28+$0x5560] =	vst v5  }
0x2c9: {  	v5 =	vld [tilespmem:s1+$0x10120];
	[tilespmem:s28+$0x5570] =	vst v7  }
0x2ca: {  	v8 =	vld [tilespmem:s1+$0x4130];
	[tilespmem:s28+$0x4100] =	vst v9;
	s28 =	smov.u32 s1  }
0x2cb: {  	v7 =	vld [tilespmem:s28+$0x10130]  }
0x2cc: {  	v10 =	vld [tilespmem:s28+$0x4140]  }
0x2cd: {  	v9 =	vld [tilespmem:s28+$0x10140]  }
0x2ce: {  	v12 =	vld [tilespmem:s28+$0x4150]  }
0x2cf: {  	v11 =	vld [tilespmem:s28+$0x10150]  }
0x2d0: {  	v13 =	vld [tilespmem:s28+$0x4160]  }
0x2d1: {  	v14 =	vld [tilespmem:s28+$0x4170]  }
0x2d2: {  	v15 =	vld [tilespmem:s28+$0x4500]  }
0x2d3: {  	v16 =	vld [tilespmem:s28+$0x4510]  }
0x2d4: {  	v17 =	vld [tilespmem:s28+$0x4520]  }
0x2d5: {  	v18 =	vld [tilespmem:s28+$0x4530]  }
0x2d6: {  	v19 =	vld [tilespmem:s28+$0x4540]  }
0x2d7: {  	v20 =	vld [tilespmem:s28+$0x4550]  }
0x2d8: {  	v21 =	vld [tilespmem:s28+$0x4560]  }
0x2d9: {  	v22 =	vld [tilespmem:s28+$0x4570]  }
0x2da: {  	v23 =	vld [tilespmem:s28+$0x4900]  }
0x2db: {  	v24 =	vld [tilespmem:s28+$0x4910]  }
0x2dc: {  	v25 =	vld [tilespmem:s28+$0x4920]  }
0x2dd: {  	v26 =	vld [tilespmem:s28+$0x4930]  }
0x2de: {  	v27 =	vld [tilespmem:s28+$0x4940]  }
0x2df: {  	v28 =	vld [tilespmem:s28+$0x4950]  }
0x2e0: {  	v29 =	vld [tilespmem:s28+$0x4960]  }
0x2e1: {  	v30 =	vld [tilespmem:s28+$0x4970]  }
0x2e2: {  	v31 =	vld [tilespmem:s28+$0x4D00]  }
0x2e3: {  	v34 =	vld [tilespmem:s28+$0x4D10]  }
0x2e4: {  	v35 =	vld [tilespmem:s28+$0x4D20]  }
0x2e5: {  	v36 =	vld [tilespmem:s28+$0x4D30]  }
0x2e6: {  	v37 =	vld [tilespmem:s28+$0x4D40]  }
0x2e7: {  	v38 =	vld [tilespmem:s28+$0x4D50]  }
0x2e8: {  	v39 =	vld [tilespmem:s28+$0x4D60]  }
0x2e9: {  	v40 =	vld [tilespmem:s28+$0x4D70]  }
0x2ea: {  	v41 =	vld [tilespmem:s28+$0x5100]  }
0x2eb: {  	v42 =	vld [tilespmem:s28+$0x5110]  }
0x2ec: {  	v43 =	vld [tilespmem:s28+$0x5120]  }
0x2ed: {  	v44 =	vld [tilespmem:s28+$0x5130]  }
0x2ee: {  	v45 =	vld [tilespmem:s28+$0x5140]  }
0x2ef: {  	v46 =	vld [tilespmem:s28+$0x5150]  }
.Ltmp1:
0x2f0: {  	v47 =	vld [tilespmem:s28+$0x5160];
	(pc) =	sbr.rel @p0 .LBB2_4-.Ltmp1, $4  }
0x2f1: {  	v48 =	vld [tilespmem:s28+$0x5500]  }
0x2f2: {  	v50 =	vld [tilespmem:s28+$0x5510]  }
0x2f3: {  	v49 =	vld [tilespmem:s28+$0x11510]  }
0x2f4: {  	s0 =	sadd.s32 $0x80, s0;
	v51 =	vld [tilespmem:s28+$0x11530]  }
0x2f5: {  	v52 =	vld [tilespmem:s28+$0x5530]  }
0x2f6: {  	v53 =	vld [tilespmem:s28+$0x5520];
	s0 =	sadd.s32 $0x80, s29  }
0x2f7: {  	s31 =	sadd.s32 $0x80, s30;
	v32 =	vld [tilespmem:s0+$0x0]  }
0x2f8: {  	v33 =	vld [tilespmem:s31+$0x0]  }
0x2f9: {  	v54 =	vld [tilespmem:s28+$0x11520];
	_ =	sdelay $0x1  }
0x2fa: {  	v55 =	vld [tilespmem:s28+$0x11500]  }
0x2fb: {  	v56 =	vld [tilespmem:s28+$0x5170]  }
0x2fc: {  	v58 =	vld [tilespmem:s28+$0x11160];
	v52 =	vmul.f32 v52, v32;
	v51 =	vmul.f32 v51, v33  }
0x2fd: {  	v57 =	vld [tilespmem:s28+$0x11170];
	v53 =	vmul.f32 v53, v32;
	v54 =	vmul.f32 v54, v33  }
0x2fe: {  	v59 =	vld [tilespmem:s28+$0x11150];
	v50 =	vmul.f32 v50, v32;
	v49 =	vmul.f32 v49, v33  }
0x2ff: {  	v60 =	vld [tilespmem:s28+$0x11140];
	v48 =	vmul.f32 v48, v32;
	v62 =	vmul.f32 v55, v33;
	v51 =	vadd.f32 v51, v52  }
0x300: {  	v61 =	vld [tilespmem:s28+$0x11120];
	v63 =	vmul.f32 v56, v32;
	v47 =	vmul.f32 v47, v32;
	v53 =	vadd.f32 v54, v53  }
0x301: {  	v58 =	vmul.f32 v58, v33;
	v55 =	vld [tilespmem:s28+$0x10560];
	v12 =	vmul.f32 v12, v32;
	v49 =	vadd.f32 v49, v50;
	[tilespmem:s28+$0x5530] =	vst v51  }
0x302: {  	v56 =	vld [tilespmem:s28+$0x10550];
	v11 =	vmul.f32 v11, v33;
	v10 =	vmul.f32 v10, v32;
	v48 =	vadd.f32 v62, v48;
	[tilespmem:s28+$0x5520] =	vst v53  }
0x303: {  	v9 =	vmul.f32 v9, v33;
	v8 =	vmul.f32 v8, v32;
	v52 =	vld [tilespmem:s28+$0x11130];
	v47 =	vadd.f32 v58, v47;
	[tilespmem:s28+$0x5510] =	vst v49  }
0x304: {  	v7 =	vmul.f32 v7, v33;
	v6 =	vmul.f32 v6, v32;
	v50 =	vld [tilespmem:s28+$0x11100];
	v11 =	vadd.f32 v11, v12;
	[tilespmem:s28+$0x5500] =	vst v48  }
0x305: {  	v5 =	vmul.f32 v5, v33;
	v3 =	vmul.f32 v3, v32;
	v58 =	vld [tilespmem:s28+$0x10D20];
	v9 =	vadd.f32 v9, v10;
	[tilespmem:s28+$0x5160] =	vst v47  }
0x306: {  	v4 =	vmul.f32 v4, v33;
	v62 =	vmul.f32 v59, v33;
	v59 =	vld [tilespmem:s28+$0x10D10];
	v7 =	vadd.f32 v7, v8;
	[tilespmem:s28+$0x4150] =	vst v11  }
0x307: {  	v57 =	vmul.f32 v57, v33;
	v54 =	vld [tilespmem:s28+$0x10570];
	v5 =	vadd.f32 v5, v6;
	[tilespmem:s28+$0x4140] =	vst v9  }
0x308: {  	v46 =	vmul.f32 v46, v32;
	v3 =	vadd.f32 v4, v3;
	v51 =	vld [tilespmem:s28+$0x11110];
	[tilespmem:s28+$0x4130] =	vst v7  }
0x309: {  	v45 =	vmul.f32 v45, v32;
	v49 =	vld [tilespmem:s28+$0x10D70];
	v53 =	vadd.f32 v57, v63;
	v63 =	vmul.f32 v60, v33;
	[tilespmem:s28+$0x4120] =	vst v5  }
0x30a: {  	v43 =	vmul.f32 v43, v32;
	v48 =	vld [tilespmem:s28+$0x10D60];
	v46 =	vadd.f32 v62, v46;
	v57 =	vmul.f32 v61, v33;
	[tilespmem:s28+$0x4110] =	vst v3  }
0x30b: {  	v44 =	vmul.f32 v44, v32;
	v47 =	vld [tilespmem:s28+$0x10D40];
	[tilespmem:s28+$0x5170] =	vst v53;
	v45 =	vadd.f32 v63, v45;
	v52 =	vmul.f32 v52, v33  }
0x30c: {  	v41 =	vmul.f32 v41, v32;
	v60 =	vld [tilespmem:s28+$0x10D00];
	[tilespmem:s28+$0x5150] =	vst v46;
	v43 =	vadd.f32 v57, v43;
	v50 =	vmul.f32 v50, v33  }
0x30d: {  	v35 =	vmul.f32 v35, v32;
	v61 =	vld [tilespmem:s28+$0x10970];
	[tilespmem:s28+$0x5140] =	vst v45;
	v45 =	vmul.f32 v58, v33;
	v44 =	vadd.f32 v52, v44  }
0x30e: {  	v42 =	vmul.f32 v42, v32;
	v53 =	vld [tilespmem:s28+$0x10D50];
	[tilespmem:s28+$0x5120] =	vst v43;
	v51 =	vmul.f32 v51, v33;
	v41 =	vadd.f32 v50, v41  }
0x30f: {  	v40 =	vmul.f32 v40, v32;
	v46 =	vld [tilespmem:s28+$0x10D30];
	v49 =	vmul.f32 v49, v33;
	v35 =	vadd.f32 v45, v35;
	[tilespmem:s28+$0x5130] =	vst v44  }
0x310: {  	v39 =	vmul.f32 v39, v32;
	v62 =	vld [tilespmem:s28+$0x10960];
	v48 =	vmul.f32 v48, v33;
	v42 =	vadd.f32 v51, v42;
	[tilespmem:s28+$0x5100] =	vst v41  }
0x311: {  	v37 =	vmul.f32 v37, v32;
	v57 =	vld [tilespmem:s28+$0x10540];
	v47 =	vmul.f32 v47, v33;
	v40 =	vadd.f32 v49, v40;
	[tilespmem:s28+$0x4D20] =	vst v35  }
0x312: {  	v31 =	vmul.f32 v31, v32;
	v58 =	vld [tilespmem:s28+$0x10530];
	v43 =	vmul.f32 v60, v33;
	v39 =	vadd.f32 v48, v39;
	[tilespmem:s28+$0x5110] =	vst v42  }
0x313: {  	v38 =	vmul.f32 v38, v32;
	v50 =	vld [tilespmem:s28+$0x10930];
	v63 =	vmul.f32 v53, v33;
	v37 =	vadd.f32 v47, v37;
	[tilespmem:s28+$0x4D70] =	vst v40  }
0x314: {  	v36 =	vmul.f32 v36, v32;
	v60 =	vld [tilespmem:s28+$0x10510];
	v46 =	vmul.f32 v46, v33;
	v31 =	vadd.f32 v43, v31;
	[tilespmem:s28+$0x4D60] =	vst v39  }
0x315: {  	v34 =	vmul.f32 v34, v32;
	v52 =	vld [tilespmem:s28+$0x10910];
	v44 =	vmul.f32 v59, v33;
	v38 =	vadd.f32 v63, v38;
	[tilespmem:s28+$0x4D40] =	vst v37  }
0x316: {  	v29 =	vmul.f32 v29, v32;
	v45 =	vld [tilespmem:s28+$0x5540];
	v41 =	vmul.f32 v62, v33;
	v36 =	vadd.f32 v46, v36;
	[tilespmem:s28+$0x4D00] =	vst v31  }
0x317: {  	v21 =	vmul.f32 v21, v32;
	v48 =	vld [tilespmem:s28+$0x10950];
	v62 =	vmul.f32 v55, v33;
	v34 =	vadd.f32 v44, v34;
	[tilespmem:s28+$0x4D50] =	vst v38  }
0x318: {  	v30 =	vmul.f32 v30, v32;
	v49 =	vld [tilespmem:s28+$0x10940];
	v42 =	vmul.f32 v61, v33;
	v29 =	vadd.f32 v41, v29;
	[tilespmem:s28+$0x4D30] =	vst v36  }
0x319: {  	v16 =	vmul.f32 v16, v32;
	v51 =	vld [tilespmem:s28+$0x10920];
	v21 =	vadd.f32 v62, v21;
	v41 =	vmul.f32 v60, v33;
	[tilespmem:s28+$0x4D10] =	vst v34  }
0x31a: {  	v26 =	vmul.f32 v26, v32;
	v53 =	vld [tilespmem:s28+$0x10900];
	v30 =	vadd.f32 v42, v30;
	[tilespmem:s28+$0x4960] =	vst v29;
	v38 =	vmul.f32 v50, v33  }
0x31b: {  	v24 =	vmul.f32 v24, v32;
	v59 =	vld [tilespmem:s28+$0x10520];
	v36 =	vmul.f32 v52, v33;
	[tilespmem:s28+$0x4560] =	vst v21;
	v16 =	vadd.f32 v41, v16  }
0x31c: {  	v22 =	vmul.f32 v22, v32;
	v43 =	vld [tilespmem:s28+$0x11570];
	v34 =	vmul.f32 v54, v33;
	[tilespmem:s28+$0x4970] =	vst v30;
	v26 =	vadd.f32 v38, v26  }
0x31d: {  	v28 =	vmul.f32 v28, v32;
	v61 =	vld [tilespmem:s28+$0x10500];
	v40 =	vmul.f32 v48, v33;
	v24 =	vadd.f32 v36, v24;
	[tilespmem:s28+$0x4510] =	vst v16  }
0x31e: {  	v27 =	vmul.f32 v27, v32;
	v63 =	vld [tilespmem:s28+$0x10170];
	v39 =	vmul.f32 v49, v33;
	v22 =	vadd.f32 v34, v22;
	[tilespmem:s28+$0x4930] =	vst v26  }
0x31f: {  	v25 =	vmul.f32 v25, v32;
	v46 =	vld [tilespmem:s28+$0x5550];
	v37 =	vmul.f32 v51, v33;
	v28 =	vadd.f32 v40, v28;
	[tilespmem:s28+$0x4910] =	vst v24  }
0x320: {  	v23 =	vmul.f32 v23, v32;
	v50 =	vld [tilespmem:s28+$0x10100];
	v35 =	vmul.f32 v53, v33;
	v27 =	vadd.f32 v39, v27;
	[tilespmem:s28+$0x4570] =	vst v22  }
0x321: {  	v20 =	vmul.f32 v20, v32;
	v48 =	vld [tilespmem:s28+$0x5560];
	v30 =	vmul.f32 v56, v33;
	v25 =	vadd.f32 v37, v25;
	[tilespmem:s28+$0x4950] =	vst v28  }
0x322: {  	v19 =	vmul.f32 v19, v32;
	v51 =	vld [tilespmem:s28+$0x4100];
	v23 =	vadd.f32 v35, v23;
	v35 =	vmul.f32 v57, v33;
	[tilespmem:s28+$0x4940] =	vst v27  }
0x323: {  	v18 =	vmul.f32 v18, v32;
	v34 =	vld [tilespmem:s28+$0x10160];
	v37 =	vmul.f32 v58, v33;
	v20 =	vadd.f32 v30, v20;
	[tilespmem:s28+$0x4920] =	vst v25  }
0x324: {  	v17 =	vmul.f32 v17, v32;
	v36 =	vld [tilespmem:s28+$0x11540];
	v39 =	vmul.f32 v59, v33;
	[tilespmem:s28+$0x4900] =	vst v23;
	v19 =	vadd.f32 v35, v19  }
0x325: {  	v15 =	vmul.f32 v15, v32;
	v38 =	vld [tilespmem:s28+$0x11550];
	v42 =	vmul.f32 v61, v33;
	v18 =	vadd.f32 v37, v18;
	[tilespmem:s28+$0x4550] =	vst v20  }
0x326: {  	v14 =	vmul.f32 v14, v32;
	v40 =	vld [tilespmem:s28+$0x11560];
	v44 =	vmul.f32 v63, v33;
	v17 =	vadd.f32 v39, v17;
	[tilespmem:s28+$0x4540] =	vst v19  }
0x327: {  	v49 =	vld [tilespmem:s28+$0x5570];
	v15 =	vadd.f32 v42, v15;
	v10 =	vmul.f32 v50, v33;
	v61 =	vmul.f32 v51, v32;
	[tilespmem:s28+$0x4530] =	vst v18  }
0x328: {  	v13 =	vmul.f32 v13, v32;
	v14 =	vadd.f32 v44, v14;
	[tilespmem:s28+$0x4520] =	vst v17;
	v47 =	vmul.f32 v34, v33  }
0x329: {  	v52 =	vmul.f32 v45, v32;
	[tilespmem:s28+$0x4500] =	vst v15;
	v53 =	vmul.f32 v36, v33;
	v63 =	vadd.f32 v10, v61  }
0x32a: {  	v54 =	vmul.f32 v46, v32;
	[tilespmem:s28+$0x4170] =	vst v14;
	v55 =	vmul.f32 v38, v33;
	v13 =	vadd.f32 v47, v13  }
0x32b: {  	v56 =	vmul.f32 v48, v32;
	v58 =	vmul.f32 v40, v33;
	v57 =	vadd.f32 v53, v52;
	[tilespmem:s28+$0x4100] =	vst v63  }
0x32c: {  	v60 =	vmul.f32 v43, v33;
	v59 =	vmul.f32 v49, v32;
	v3 =	vadd.f32 v55, v54;
	[tilespmem:s28+$0x4160] =	vst v13  }
0x32d: {  	v62 =	vadd.f32 v58, v56;
	[tilespmem:s28+$0x5540] =	vst v57  }
0x32e: {  	s26 =	sadd.s32 $0x1, s26;
	[tilespmem:s28+$0x5550] =	vst v3;
	v3 =	vadd.f32 v60, v59  }
0x32f: {  	p0 =	sne.s32 s26, s11;
	[tilespmem:s28+$0x5560] =	vst v62  }
.Ltmp2:
0x330: {  	[tilespmem:s28+$0x5570] =	vst v3;
	(pc) =	sbr.rel @p0 .LBB2_1-.Ltmp2, $4  }
0x331: {  	[hbm4b:s10+s2] =	stream.linear.scatter [tilespmem:s14], [sflag:$0x3], $0xC000, $0x38;
	[tilespmem:$0x1C100] =	vst v63  }
0x332: {  	_ =	swait.ge [sflag:s12], $0xC000  }
0x333: {  	[sflag:s12] =	ssyncset.done $0x0  }
0x334: {  	[sflag:s12] =	ssyncadd.s32 $0xFFFF4000  }
0x335: {  	_ =	sfence.sel $0x180000  }
0x336: {  	[bflag:$0x0] =	sbarrier.arrive $0xFFFF  }
0x337: {  	_ =	strace $0x9000004A  }
0x338: {  	s0 =	stileid.u32;
	[bflag:$0x2] =	sbarrier.arrive $0xFFFF  }
0x339: {  	p0 =	sne.s32 s0, $0x0;
	s0 =	rddreg [dreg:$0x2]  }
0x33a: {  	s0 =	sadd.s32 @!p0 $0x100000, s0  }
0x33b: {  	[sflag:s0] =	ssyncadd.tile.s32 @!p0 $0x1;
	_ =	shalt  }
.Lfunc_end2:
_tile_overlayer_lowered:
.L_overlay_start_2:
0x33c: {  	(tag) =	ssettag $0x2  }
0x33d: {  	s0 =	rddreg [dreg:$0x0];
	s2 =	stileid.u32  }
0x33e: {  	s1 =	rddreg [dreg:$0x1];
	p0 =	sne.s32 s2, $0x0  }
0x33f: {  	s3 =	rddreg [dreg:$0x2];
	[bflag:$0x3] =	sbarrier.arrive $0xFFFF;
	s2 =	simm.s32 @!p0 $0x1C03  }
0x340: {  	[timem:s3], [sflag:s2] =	dma.local @!p0 [hbm:s0], s1  }
0x341: {  	s0 =	simm.s32 @!p0 $0x3  }
0x342: {  	_ =	swait.ge @!p0 [sflag:s0], s1  }
0x343: {  	s1 =	ssub.s32 @!p0 $0x0, s1;
	[sflag:s0] =	ssyncset.done @!p0 $0x0  }
0x344: {  	[sflag:s0] =	ssyncadd.s32 @!p0 s1  }
0x345: {  	[bflag:$0x3] =	sbarrier.arrive $0xFFFF  }
0x346: {  	_ =	shalt  }

</sc_bundles>
